<compile_context>
chip_gen: v7x
topology: tpu7x:2x2x1
jax: 0.10.2.dev20260603
libtpu: 0.0.44.dev20260713+nightly
codegen_flags: <defaults>
</compile_context>

<pallas_src>
import functools
import jax
import jax.numpy as jnp
from jax import lax
from jax.experimental import pallas as pl
from jax.experimental.pallas import tpu as pltpu
from jax.experimental.pallas import tpu_sc as plsc

VOCAB = 1000000
DIM = 64
BATCH = 16384

NC = 2
NS = 16
L = 16
NW = NC * NS
BPW = BATCH // NW
CR = 128
NPASS = BPW // CR

_mesh = plsc.VectorSubcoreMesh(
    core_axis_name="c", subcore_axis_name="s", num_cores=NC, num_subcores=NS
)


@functools.partial(
    pl.kernel,
    mesh=_mesh,
    out_type=jax.ShapeDtypeStruct((BATCH, DIM), jnp.float32),
    scratch_types=[
        pltpu.VMEM((BPW,), jnp.int32),
        pltpu.VMEM((BPW,), jnp.int32),
        [pltpu.VMEM((CR, DIM), jnp.float32)] * 2,
        [pltpu.VMEM((CR, DIM), jnp.float32)] * 2,
        [pltpu.SemaphoreType.DMA] * 2,
        [pltpu.SemaphoreType.DMA] * 2,
        pltpu.SemaphoreType.DMA,
    ],
)
def _sc_sign_dot(mw_hbm, cw_hbm, mt_hbm, ct_hbm, out_hbm,
                 mw_v, cw_v, mrows, crows, msems, csems, osem):
    wid = lax.axis_index("s") * NC + lax.axis_index("c")
    base = wid * BPW

    pltpu.sync_copy(mw_hbm.at[pl.ds(base, BPW)], mw_v)
    pltpu.sync_copy(cw_hbm.at[pl.ds(base, BPW)], cw_v)

    def issue_pass(p, slot):
        def issue(g, carry):
            r0 = g * L
            mv = mw_v[pl.ds(p * CR + r0, L)]
            cv = cw_v[pl.ds(p * CR + r0, L)]
            for lane in range(L):
                pltpu.async_copy(
                    mt_hbm.at[pl.ds(mv[lane], 1)],
                    mrows[slot].at[pl.ds(r0 + lane, 1)], msems[slot])
                pltpu.async_copy(
                    ct_hbm.at[pl.ds(cv[lane], 1)],
                    crows[slot].at[pl.ds(r0 + lane, 1)], csems[slot])
            return carry
        lax.fori_loop(0, CR // L, issue, 0)

    issue_pass(0, 0)
    for p in range(NPASS):
        slot = p % 2
        pltpu.make_async_copy(
            mt_hbm.at[pl.ds(0, CR)], mrows[slot], msems[slot]).wait()
        pltpu.make_async_copy(
            ct_hbm.at[pl.ds(0, CR)], crows[slot], csems[slot]).wait()

        if p + 1 < NPASS:
            issue_pass(p + 1, 1 - slot)

        def body(r, carry):
            for c in range(DIM // L):
                a = mrows[slot][r, pl.ds(c * L, L)]
                b = crows[slot][r, pl.ds(c * L, L)]
                prod = a * b
                mrows[slot][r, pl.ds(c * L, L)] = prod / jnp.abs(prod)
            return carry
        lax.fori_loop(0, CR, body, 0)

        pltpu.async_copy(
            mrows[slot], out_hbm.at[pl.ds(base + p * CR, CR)], osem).wait()


def kernel(main_words, ctx_words, main_table, ctx_table):
    return _sc_sign_dot(main_words.astype(jnp.int32), ctx_words.astype(jnp.int32),
                        main_table, ctx_table)

# --- scband reference (transcript-rebuilt; emitter-appended) ---
"""Pipeline reference for scband-skip-gram-model-39762807226485 (READ-ONLY COPY).

The authoritative reference and input builder live on the scoring server;
editing this copy changes nothing except your own understanding.
"""

import jax, jax.numpy as jnp
import numpy as np

VOCAB = 1000000
DIM = 64
BATCH = 16384

def setup_inputs(seed: int = 0) -> dict:
    key = jax.random.key(seed)
    k1, k2, k3, k4 = jax.random.split(key, 4)
    main_words = jax.random.randint(k1, (BATCH,), 0, VOCAB, dtype=jnp.int64 if jax.config.read('jax_enable_x64') else jnp.int32)
    ctx_words = jax.random.randint(k2, (BATCH,), 0, VOCAB, dtype=jnp.int64 if jax.config.read('jax_enable_x64') else jnp.int32)
    main_table = jax.random.normal(k3, (VOCAB, DIM), dtype=jnp.float32)
    ctx_table = jax.random.normal(k4, (VOCAB, DIM), dtype=jnp.float32)
    return {"main_words": main_words, "ctx_words": ctx_words, "main_table": main_table, "ctx_table": ctx_table}

def _unsqueeze_word_idx(words):
    if words.ndim == 1:
        return words[:, None]
    elif words.ndim == 2:
        return words
    else:
        raise Exception()

def reference(main_words, ctx_words, main_table, ctx_table):
    mw = _unsqueeze_word_idx(main_words)
    cw = _unsqueeze_word_idx(ctx_words)
    # embedding lookup -> [B, 1, D]
    main_vectors = jnp.take(main_table, mw, axis=0)
    ctx_vectors = jnp.take(ctx_table, cw, axis=0)
    # norm over dim=1 (the size-1 dim) -> [B, D]
    main_norm = jnp.linalg.norm(main_vectors, axis=1)
    ctx_norm = jnp.linalg.norm(ctx_vectors, axis=1)
    return (main_vectors * ctx_vectors).sum(axis=1) / (main_norm * ctx_norm)

if __name__ == "__main__":
    import jax
    _d = setup_inputs()
    print(jax.jit(kernel)(*tuple(_d.values())))

</pallas_src>

<mosaic_0001>
#map = affine_map<(d0, d1) -> (0)>
#map1 = affine_map<(d0, d1) -> (0, 0)>
module attributes {stable_mosaic.version = 14 : i64} {
  func.func @_sc_sign_dot(%arg0: i32, %arg1: i32, %arg2: memref<16384xi32, #tpu.memory_space<hbm>>, %arg3: memref<16384xi32, #tpu.memory_space<hbm>>, %arg4: memref<1000000x64xf32, #tpu.memory_space<hbm>>, %arg5: memref<1000000x64xf32, #tpu.memory_space<hbm>>, %arg6: memref<16384x64xf32, #tpu.memory_space<hbm>>, %arg7: memref<512xi32, #tpu.memory_space<vmem>>, %arg8: memref<512xi32, #tpu.memory_space<vmem>>, %arg9: memref<128x64xf32, #tpu.memory_space<vmem>>, %arg10: memref<128x64xf32, #tpu.memory_space<vmem>>, %arg11: memref<128x64xf32, #tpu.memory_space<vmem>>, %arg12: memref<128x64xf32, #tpu.memory_space<vmem>>, %arg13: memref<!tpu.dma_semaphore, #tpu.memory_space<semaphore_mem>>, %arg14: memref<!tpu.dma_semaphore, #tpu.memory_space<semaphore_mem>>, %arg15: memref<!tpu.dma_semaphore, #tpu.memory_space<semaphore_mem>>, %arg16: memref<!tpu.dma_semaphore, #tpu.memory_space<semaphore_mem>>, %arg17: memref<!tpu.dma_semaphore, #tpu.memory_space<semaphore_mem>>) attributes {dimension_semantics = [#tpu.dimension_semantics<core_parallel>, #tpu.dimension_semantics<subcore_parallel>], iteration_bounds = array<i64: 2, 16>, scalar_prefetch = 0 : i64, scratch_operands = 11 : i64, tpu.core_type = #tpu.core_type<sc_vector_subcore>, window_params = [{transform_indices = #map}, {transform_indices = #map}, {transform_indices = #map1}, {transform_indices = #map1}, {transform_indices = #map1}]} {
    %mul3A = arith.constant 2 : i32
    %mul3A_0 = arith.muli %arg1, %mul3A : i32
    %add3A = arith.addi %mul3A_0, %arg0 : i32
    %mul3A_1 = arith.constant 512 : i32
    %mul3A_2 = arith.muli %add3A, %mul3A_1 : i32
    "tpu.region"() ({
      %run_scoped3A = tpu.sem_alloc : memref<!tpu.dma_semaphore, #tpu.memory_space<semaphore_mem>>
      %dma_start3A_136 = tpu.memref_slice %arg2[%mul3A_2] : memref<16384xi32, #tpu.memory_space<hbm>> -> memref<512xi32, #tpu.memory_space<hbm>>
      %dma_start3A_137 = tpu.memref_slice %arg2[%mul3A_2] : memref<16384xi32, #tpu.memory_space<hbm>> -> memref<512xi32, #tpu.memory_space<hbm>>
      tpu.enqueue_dma source(%dma_start3A_137 : memref<512xi32, #tpu.memory_space<hbm>>) target(%arg7 : memref<512xi32, #tpu.memory_space<vmem>>) target_semaphore(%run_scoped3A : memref<!tpu.dma_semaphore, #tpu.memory_space<semaphore_mem>>)
      %dma_wait3A_138 = tpu.memref_slice %arg2[%mul3A_2] : memref<16384xi32, #tpu.memory_space<hbm>> -> memref<512xi32, #tpu.memory_space<hbm>>
      %dma_wait3A_139 = tpu.memref_slice %arg2[%mul3A_2] : memref<16384xi32, #tpu.memory_space<hbm>> -> memref<512xi32, #tpu.memory_space<hbm>>
      tpu.wait_dma2 semaphore(%run_scoped3A : memref<!tpu.dma_semaphore, #tpu.memory_space<semaphore_mem>>) src(%dma_wait3A_139 : memref<512xi32, #tpu.memory_space<hbm>>) dst(%arg7 : memref<512xi32, #tpu.memory_space<vmem>>)
      tpu.yield
    }) : () -> ()
    "tpu.region"() ({
      %run_scoped3A = tpu.sem_alloc : memref<!tpu.dma_semaphore, #tpu.memory_space<semaphore_mem>>
      %dma_start3A_136 = tpu.memref_slice %arg3[%mul3A_2] : memref<16384xi32, #tpu.memory_space<hbm>> -> memref<512xi32, #tpu.memory_space<hbm>>
      %dma_start3A_137 = tpu.memref_slice %arg3[%mul3A_2] : memref<16384xi32, #tpu.memory_space<hbm>> -> memref<512xi32, #tpu.memory_space<hbm>>
      tpu.enqueue_dma source(%dma_start3A_137 : memref<512xi32, #tpu.memory_space<hbm>>) target(%arg8 : memref<512xi32, #tpu.memory_space<vmem>>) target_semaphore(%run_scoped3A : memref<!tpu.dma_semaphore, #tpu.memory_space<semaphore_mem>>)
      %dma_wait3A_138 = tpu.memref_slice %arg3[%mul3A_2] : memref<16384xi32, #tpu.memory_space<hbm>> -> memref<512xi32, #tpu.memory_space<hbm>>
      %dma_wait3A_139 = tpu.memref_slice %arg3[%mul3A_2] : memref<16384xi32, #tpu.memory_space<hbm>> -> memref<512xi32, #tpu.memory_space<hbm>>
      tpu.wait_dma2 semaphore(%run_scoped3A : memref<!tpu.dma_semaphore, #tpu.memory_space<semaphore_mem>>) src(%dma_wait3A_139 : memref<512xi32, #tpu.memory_space<hbm>>) dst(%arg8 : memref<512xi32, #tpu.memory_space<vmem>>)
      tpu.yield
    }) : () -> ()
    %scan3A = arith.constant 0 : i32
    %scan3A_3 = arith.constant 0 : i32
    %scan3A_4 = arith.constant 8 : i32
    %scan3A_5 = arith.addi %scan3A_3, %scan3A_4 : i32
    %scan3A_6 = arith.constant 1 : i32
    scf.for %scan3A_136 = %scan3A_3 to %scan3A_5 step %scan3A_6  : i32 {
      %mul3A_137 = arith.constant 16 : i32
      %mul3A_138 = arith.muli %scan3A_136, %mul3A_137 : i32
      %add3A_139 = arith.constant 0 : i32
      %add3A_140 = arith.addi %add3A_139, %mul3A_138 : i32
      %get3A = arith.index_cast %add3A_140 : i32 to index
      %get3A_141 = tpu.vector_load %arg7[%get3A] {strides = array<i32>} : memref<512xi32, #tpu.memory_space<vmem>>, vector<16xi32>,
      %get3A_142 = vector.shape_cast %get3A_141 : vector<16xi32> to vector<16xi32>
      %add3A_143 = arith.constant 0 : i32
      %add3A_144 = arith.addi %add3A_143, %mul3A_138 : i32
      %get3A_145 = arith.index_cast %add3A_144 : i32 to index
      %get3A_146 = tpu.vector_load %arg8[%get3A_145] {strides = array<i32>} : memref<512xi32, #tpu.memory_space<vmem>>, vector<16xi32>,
      %get3A_147 = vector.shape_cast %get3A_146 : vector<16xi32> to vector<16xi32>
      %slice3A = vector.extract_strided_slice %get3A_142 {offsets = [0], sizes = [1], strides = [1]} : vector<16xi32> to vector<1xi32>
      %squeeze3A = vector.extract %slice3A[0] : i32 from vector<1xi32>
      %add3A_148 = arith.constant 0 : i32
      %add3A_149 = arith.addi %mul3A_138, %add3A_148 : i32
      %dma_start3A_150 = arith.constant 0 : i32
      %dma_start3A_151 = tpu.memref_slice %arg9[%add3A_149, %dma_start3A_150] : memref<128x64xf32, #tpu.memory_space<vmem>> -> memref<1x64xf32, #tpu.memory_space<vmem>>
      %dma_start3A_152 = arith.constant 0 : i32
      %dma_start3A_153 = tpu.memref_slice %arg4[%squeeze3A, %dma_start3A_152] : memref<1000000x64xf32, #tpu.memory_space<hbm>> -> memref<1x64xf32, #tpu.memory_space<hbm>>
      %dma_start3A_154 = arith.constant 0 : i32
      %dma_start3A_155 = tpu.memref_slice %arg9[%add3A_149, %dma_start3A_154] : memref<128x64xf32, #tpu.memory_space<vmem>> -> memref<1x64xf32, #tpu.memory_space<vmem>>
      %dma_start3A_156 = arith.constant 0 : i32
      %dma_start3A_157 = tpu.memref_slice %arg4[%squeeze3A, %dma_start3A_156] : memref<1000000x64xf32, #tpu.memory_space<hbm>> -> memref<1x64xf32, #tpu.memory_space<hbm>>
      tpu.enqueue_dma source(%dma_start3A_157 : memref<1x64xf32, #tpu.memory_space<hbm>>) target(%dma_start3A_155 : memref<1x64xf32, #tpu.memory_space<vmem>>) target_semaphore(%arg13 : memref<!tpu.dma_semaphore, #tpu.memory_space<semaphore_mem>>)
      %slice3A_158 = vector.extract_strided_slice %get3A_147 {offsets = [0], sizes = [1], strides = [1]} : vector<16xi32> to vector<1xi32>
      %squeeze3A_159 = vector.extract %slice3A_158[0] : i32 from vector<1xi32>
      %add3A_160 = arith.constant 0 : i32
      %add3A_161 = arith.addi %mul3A_138, %add3A_160 : i32
      %dma_start3A_162 = arith.constant 0 : i32
      %dma_start3A_163 = tpu.memref_slice %arg11[%add3A_161, %dma_start3A_162] : memref<128x64xf32, #tpu.memory_space<vmem>> -> memref<1x64xf32, #tpu.memory_space<vmem>>
      %dma_start3A_164 = arith.constant 0 : i32
      %dma_start3A_165 = tpu.memref_slice %arg5[%squeeze3A_159, %dma_start3A_164] : memref<1000000x64xf32, #tpu.memory_space<hbm>> -> memref<1x64xf32, #tpu.memory_space<hbm>>
      %dma_start3A_166 = arith.constant 0 : i32
      %dma_start3A_167 = tpu.memref_slice %arg11[%add3A_161, %dma_start3A_166] : memref<128x64xf32, #tpu.memory_space<vmem>> -> memref<1x64xf32, #tpu.memory_space<vmem>>
      %dma_start3A_168 = arith.constant 0 : i32
      %dma_start3A_169 = tpu.memref_slice %arg5[%squeeze3A_159, %dma_start3A_168] : memref<1000000x64xf32, #tpu.memory_space<hbm>> -> memref<1x64xf32, #tpu.memory_space<hbm>>
      tpu.enqueue_dma source(%dma_start3A_169 : memref<1x64xf32, #tpu.memory_space<hbm>>) target(%dma_start3A_167 : memref<1x64xf32, #tpu.memory_space<vmem>>) target_semaphore(%arg15 : memref<!tpu.dma_semaphore, #tpu.memory_space<semaphore_mem>>)
      %slice3A_170 = vector.extract_strided_slice %get3A_142 {offsets = [1], sizes = [1], strides = [1]} : vector<16xi32> to vector<1xi32>
      %squeeze3A_171 = vector.extract %slice3A_170[0] : i32 from vector<1xi32>
      %add3A_172 = arith.constant 1 : i32
      %add3A_173 = arith.addi %mul3A_138, %add3A_172 : i32
      %dma_start3A_174 = arith.constant 0 : i32
      %dma_start3A_175 = tpu.memref_slice %arg9[%add3A_173, %dma_start3A_174] : memref<128x64xf32, #tpu.memory_space<vmem>> -> memref<1x64xf32, #tpu.memory_space<vmem>>
      %dma_start3A_176 = arith.constant 0 : i32
      %dma_start3A_177 = tpu.memref_slice %arg4[%squeeze3A_171, %dma_start3A_176] : memref<1000000x64xf32, #tpu.memory_space<hbm>> -> memref<1x64xf32, #tpu.memory_space<hbm>>
      %dma_start3A_178 = arith.constant 0 : i32
      %dma_start3A_179 = tpu.memref_slice %arg9[%add3A_173, %dma_start3A_178] : memref<128x64xf32, #tpu.memory_space<vmem>> -> memref<1x64xf32, #tpu.memory_space<vmem>>
      %dma_start3A_180 = arith.constant 0 : i32
      %dma_start3A_181 = tpu.memref_slice %arg4[%squeeze3A_171, %dma_start3A_180] : memref<1000000x64xf32, #tpu.memory_space<hbm>> -> memref<1x64xf32, #tpu.memory_space<hbm>>
      tpu.enqueue_dma source(%dma_start3A_181 : memref<1x64xf32, #tpu.memory_space<hbm>>) target(%dma_start3A_179 : memref<1x64xf32, #tpu.memory_space<vmem>>) target_semaphore(%arg13 : memref<!tpu.dma_semaphore, #tpu.memory_space<semaphore_mem>>)
      %slice3A_182 = vector.extract_strided_slice %get3A_147 {offsets = [1], sizes = [1], strides = [1]} : vector<16xi32> to vector<1xi32>
      %squeeze3A_183 = vector.extract %slice3A_182[0] : i32 from vector<1xi32>
      %add3A_184 = arith.constant 1 : i32
      %add3A_185 = arith.addi %mul3A_138, %add3A_184 : i32
      %dma_start3A_186 = arith.constant 0 : i32
      %dma_start3A_187 = tpu.memref_slice %arg11[%add3A_185, %dma_start3A_186] : memref<128x64xf32, #tpu.memory_space<vmem>> -> memref<1x64xf32, #tpu.memory_space<vmem>>
      %dma_start3A_188 = arith.constant 0 : i32
      %dma_start3A_189 = tpu.memref_slice %arg5[%squeeze3A_183, %dma_start3A_188] : memref<1000000x64xf32, #tpu.memory_space<hbm>> -> memref<1x64xf32, #tpu.memory_space<hbm>>
      %dma_start3A_190 = arith.constant 0 : i32
      %dma_start3A_191 = tpu.memref_slice %arg11[%add3A_185, %dma_start3A_190] : memref<128x64xf32, #tpu.memory_space<vmem>> -> memref<1x64xf32, #tpu.memory_space<vmem>>
      %dma_start3A_192 = arith.constant 0 : i32
      %dma_start3A_193 = tpu.memref_slice %arg5[%squeeze3A_183, %dma_start3A_192] : memref<1000000x64xf32, #tpu.memory_space<hbm>> -> memref<1x64xf32, #tpu.memory_space<hbm>>
      tpu.enqueue_dma source(%dma_start3A_193 : memref<1x64xf32, #tpu.memory_space<hbm>>) target(%dma_start3A_191 : memref<1x64xf32, #tpu.memory_space<vmem>>) target_semaphore(%arg15 : memref<!tpu.dma_semaphore, #tpu.memory_space<semaphore_mem>>)
      %slice3A_194 = vector.extract_strided_slice %get3A_142 {offsets = [2], sizes = [1], strides = [1]} : vector<16xi32> to vector<1xi32>
      %squeeze3A_195 = vector.extract %slice3A_194[0] : i32 from vector<1xi32>
      %add3A_196 = arith.constant 2 : i32
      %add3A_197 = arith.addi %mul3A_138, %add3A_196 : i32
      %dma_start3A_198 = arith.constant 0 : i32
      %dma_start3A_199 = tpu.memref_slice %arg9[%add3A_197, %dma_start3A_198] : memref<128x64xf32, #tpu.memory_space<vmem>> -> memref<1x64xf32, #tpu.memory_space<vmem>>
      %dma_start3A_200 = arith.constant 0 : i32
      %dma_start3A_201 = tpu.memref_slice %arg4[%squeeze3A_195, %dma_start3A_200] : memref<1000000x64xf32, #tpu.memory_space<hbm>> -> memref<1x64xf32, #tpu.memory_space<hbm>>
      %dma_start3A_202 = arith.constant 0 : i32
      %dma_start3A_203 = tpu.memref_slice %arg9[%add3A_197, %dma_start3A_202] : memref<128x64xf32, #tpu.memory_space<vmem>> -> memref<1x64xf32, #tpu.memory_space<vmem>>
      %dma_start3A_204 = arith.constant 0 : i32
      %dma_start3A_205 = tpu.memref_slice %arg4[%squeeze3A_195, %dma_start3A_204] : memref<1000000x64xf32, #tpu.memory_space<hbm>> -> memref<1x64xf32, #tpu.memory_space<hbm>>
      tpu.enqueue_dma source(%dma_start3A_205 : memref<1x64xf32, #tpu.memory_space<hbm>>) target(%dma_start3A_203 : memref<1x64xf32, #tpu.memory_space<vmem>>) target_semaphore(%arg13 : memref<!tpu.dma_semaphore, #tpu.memory_space<semaphore_mem>>)
      %slice3A_206 = vector.extract_strided_slice %get3A_147 {offsets = [2], sizes = [1], strides = [1]} : vector<16xi32> to vector<1xi32>
      %squeeze3A_207 = vector.extract %slice3A_206[0] : i32 from vector<1xi32>
      %add3A_208 = arith.constant 2 : i32
      %add3A_209 = arith.addi %mul3A_138, %add3A_208 : i32
      %dma_start3A_210 = arith.constant 0 : i32
      %dma_start3A_211 = tpu.memref_slice %arg11[%add3A_209, %dma_start3A_210] : memref<128x64xf32, #tpu.memory_space<vmem>> -> memref<1x64xf32, #tpu.memory_space<vmem>>
      %dma_start3A_212 = arith.constant 0 : i32
      %dma_start3A_213 = tpu.memref_slice %arg5[%squeeze3A_207, %dma_start3A_212] : memref<1000000x64xf32, #tpu.memory_space<hbm>> -> memref<1x64xf32, #tpu.memory_space<hbm>>
      %dma_start3A_214 = arith.constant 0 : i32
      %dma_start3A_215 = tpu.memref_slice %arg11[%add3A_209, %dma_start3A_214] : memref<128x64xf32, #tpu.memory_space<vmem>> -> memref<1x64xf32, #tpu.memory_space<vmem>>
      %dma_start3A_216 = arith.constant 0 : i32
      %dma_start3A_217 = tpu.memref_slice %arg5[%squeeze3A_207, %dma_start3A_216] : memref<1000000x64xf32, #tpu.memory_space<hbm>> -> memref<1x64xf32, #tpu.memory_space<hbm>>
      tpu.enqueue_dma source(%dma_start3A_217 : memref<1x64xf32, #tpu.memory_space<hbm>>) target(%dma_start3A_215 : memref<1x64xf32, #tpu.memory_space<vmem>>) target_semaphore(%arg15 : memref<!tpu.dma_semaphore, #tpu.memory_space<semaphore_mem>>)
      %slice3A_218 = vector.extract_strided_slice %get3A_142 {offsets = [3], sizes = [1], strides = [1]} : vector<16xi32> to vector<1xi32>
      %squeeze3A_219 = vector.extract %slice3A_218[0] : i32 from vector<1xi32>
      %add3A_220 = arith.constant 3 : i32
      %add3A_221 = arith.addi %mul3A_138, %add3A_220 : i32
      %dma_start3A_222 = arith.constant 0 : i32
      %dma_start3A_223 = tpu.memref_slice %arg9[%add3A_221, %dma_start3A_222] : memref<128x64xf32, #tpu.memory_space<vmem>> -> memref<1x64xf32, #tpu.memory_space<vmem>>
      %dma_start3A_224 = arith.constant 0 : i32
      %dma_start3A_225 = tpu.memref_slice %arg4[%squeeze3A_219, %dma_start3A_224] : memref<1000000x64xf32, #tpu.memory_space<hbm>> -> memref<1x64xf32, #tpu.memory_space<hbm>>
      %dma_start3A_226 = arith.constant 0 : i32
      %dma_start3A_227 = tpu.memref_slice %arg9[%add3A_221, %dma_start3A_226] : memref<128x64xf32, #tpu.memory_space<vmem>> -> memref<1x64xf32, #tpu.memory_space<vmem>>
      %dma_start3A_228 = arith.constant 0 : i32
      %dma_start3A_229 = tpu.memref_slice %arg4[%squeeze3A_219, %dma_start3A_228] : memref<1000000x64xf32, #tpu.memory_space<hbm>> -> memref<1x64xf32, #tpu.memory_space<hbm>>
      tpu.enqueue_dma source(%dma_start3A_229 : memref<1x64xf32, #tpu.memory_space<hbm>>) target(%dma_start3A_227 : memref<1x64xf32, #tpu.memory_space<vmem>>) target_semaphore(%arg13 : memref<!tpu.dma_semaphore, #tpu.memory_space<semaphore_mem>>)
      %slice3A_230 = vector.extract_strided_slice %get3A_147 {offsets = [3], sizes = [1], strides = [1]} : vector<16xi32> to vector<1xi32>
      %squeeze3A_231 = vector.extract %slice3A_230[0] : i32 from vector<1xi32>
      %add3A_232 = arith.constant 3 : i32
      %add3A_233 = arith.addi %mul3A_138, %add3A_232 : i32
      %dma_start3A_234 = arith.constant 0 : i32
      %dma_start3A_235 = tpu.memref_slice %arg11[%add3A_233, %dma_start3A_234] : memref<128x64xf32, #tpu.memory_space<vmem>> -> memref<1x64xf32, #tpu.memory_space<vmem>>
      %dma_start3A_236 = arith.constant 0 : i32
      %dma_start3A_237 = tpu.memref_slice %arg5[%squeeze3A_231, %dma_start3A_236] : memref<1000000x64xf32, #tpu.memory_space<hbm>> -> memref<1x64xf32, #tpu.memory_space<hbm>>
      %dma_start3A_238 = arith.constant 0 : i32
      %dma_start3A_239 = tpu.memref_slice %arg11[%add3A_233, %dma_start3A_238] : memref<128x64xf32, #tpu.memory_space<vmem>> -> memref<1x64xf32, #tpu.memory_space<vmem>>
      %dma_start3A_240 = arith.constant 0 : i32
      %dma_start3A_241 = tpu.memref_slice %arg5[%squeeze3A_231, %dma_start3A_240] : memref<1000000x64xf32, #tpu.memory_space<hbm>> -> memref<1x64xf32, #tpu.memory_space<hbm>>
      tpu.enqueue_dma source(%dma_start3A_241 : memref<1x64xf32, #tpu.memory_space<hbm>>) target(%dma_start3A_239 : memref<1x64xf32, #tpu.memory_space<vmem>>) target_semaphore(%arg15 : memref<!tpu.dma_semaphore, #tpu.memory_space<semaphore_mem>>)
      %slice3A_242 = vector.extract_strided_slice %get3A_142 {offsets = [4], sizes = [1], strides = [1]} : vector<16xi32> to vector<1xi32>
      %squeeze3A_243 = vector.extract %slice3A_242[0] : i32 from vector<1xi32>
      %add3A_244 = arith.constant 4 : i32
      %add3A_245 = arith.addi %mul3A_138, %add3A_244 : i32
      %dma_start3A_246 = arith.constant 0 : i32
      %dma_start3A_247 = tpu.memref_slice %arg9[%add3A_245, %dma_start3A_246] : memref<128x64xf32, #tpu.memory_space<vmem>> -> memref<1x64xf32, #tpu.memory_space<vmem>>
      %dma_start3A_248 = arith.constant 0 : i32
      %dma_start3A_249 = tpu.memref_slice %arg4[%squeeze3A_243, %dma_start3A_248] : memref<1000000x64xf32, #tpu.memory_space<hbm>> -> memref<1x64xf32, #tpu.memory_space<hbm>>
      %dma_start3A_250 = arith.constant 0 : i32
      %dma_start3A_251 = tpu.memref_slice %arg9[%add3A_245, %dma_start3A_250] : memref<128x64xf32, #tpu.memory_space<vmem>> -> memref<1x64xf32, #tpu.memory_space<vmem>>
      %dma_start3A_252 = arith.constant 0 : i32
      %dma_start3A_253 = tpu.memref_slice %arg4[%squeeze3A_243, %dma_start3A_252] : memref<1000000x64xf32, #tpu.memory_space<hbm>> -> memref<1x64xf32, #tpu.memory_space<hbm>>
      tpu.enqueue_dma source(%dma_start3A_253 : memref<1x64xf32, #tpu.memory_space<hbm>>) target(%dma_start3A_251 : memref<1x64xf32, #tpu.memory_space<vmem>>) target_semaphore(%arg13 : memref<!tpu.dma_semaphore, #tpu.memory_space<semaphore_mem>>)
      %slice3A_254 = vector.extract_strided_slice %get3A_147 {offsets = [4], sizes = [1], strides = [1]} : vector<16xi32> to vector<1xi32>
      %squeeze3A_255 = vector.extract %slice3A_254[0] : i32 from vector<1xi32>
      %add3A_256 = arith.constant 4 : i32
      %add3A_257 = arith.addi %mul3A_138, %add3A_256 : i32
      %dma_start3A_258 = arith.constant 0 : i32
      %dma_start3A_259 = tpu.memref_slice %arg11[%add3A_257, %dma_start3A_258] : memref<128x64xf32, #tpu.memory_space<vmem>> -> memref<1x64xf32, #tpu.memory_space<vmem>>
      %dma_start3A_260 = arith.constant 0 : i32
      %dma_start3A_261 = tpu.memref_slice %arg5[%squeeze3A_255, %dma_start3A_260] : memref<1000000x64xf32, #tpu.memory_space<hbm>> -> memref<1x64xf32, #tpu.memory_space<hbm>>
      %dma_start3A_262 = arith.constant 0 : i32
      %dma_start3A_263 = tpu.memref_slice %arg11[%add3A_257, %dma_start3A_262] : memref<128x64xf32, #tpu.memory_space<vmem>> -> memref<1x64xf32, #tpu.memory_space<vmem>>
      %dma_start3A_264 = arith.constant 0 : i32
      %dma_start3A_265 = tpu.memref_slice %arg5[%squeeze3A_255, %dma_start3A_264] : memref<1000000x64xf32, #tpu.memory_space<hbm>> -> memref<1x64xf32, #tpu.memory_space<hbm>>
      tpu.enqueue_dma source(%dma_start3A_265 : memref<1x64xf32, #tpu.memory_space<hbm>>) target(%dma_start3A_263 : memref<1x64xf32, #tpu.memory_space<vmem>>) target_semaphore(%arg15 : memref<!tpu.dma_semaphore, #tpu.memory_space<semaphore_mem>>)
      %slice3A_266 = vector.extract_strided_slice %get3A_142 {offsets = [5], sizes = [1], strides = [1]} : vector<16xi32> to vector<1xi32>
      %squeeze3A_267 = vector.extract %slice3A_266[0] : i32 from vector<1xi32>
      %add3A_268 = arith.constant 5 : i32
      %add3A_269 = arith.addi %mul3A_138, %add3A_268 : i32
      %dma_start3A_270 = arith.constant 0 : i32
      %dma_start3A_271 = tpu.memref_slice %arg9[%add3A_269, %dma_start3A_270] : memref<128x64xf32, #tpu.memory_space<vmem>> -> memref<1x64xf32, #tpu.memory_space<vmem>>
      %dma_start3A_272 = arith.constant 0 : i32
      %dma_start3A_273 = tpu.memref_slice %arg4[%squeeze3A_267, %dma_start3A_272] : memref<1000000x64xf32, #tpu.memory_space<hbm>> -> memref<1x64xf32, #tpu.memory_space<hbm>>
      %dma_start3A_274 = arith.constant 0 : i32
      %dma_start3A_275 = tpu.memref_slice %arg9[%add3A_269, %dma_start3A_274] : memref<128x64xf32, #tpu.memory_space<vmem>> -> memref<1x64xf32, #tpu.memory_space<vmem>>
      %dma_start3A_276 = arith.constant 0 : i32
      %dma_start3A_277 = tpu.memref_slice %arg4[%squeeze3A_267, %dma_start3A_276] : memref<1000000x64xf32, #tpu.memory_space<hbm>> -> memref<1x64xf32, #tpu.memory_space<hbm>>
      tpu.enqueue_dma source(%dma_start3A_277 : memref<1x64xf32, #tpu.memory_space<hbm>>) target(%dma_start3A_275 : memref<1x64xf32, #tpu.memory_space<vmem>>) target_semaphore(%arg13 : memref<!tpu.dma_semaphore, #tpu.memory_space<semaphore_mem>>)
      %slice3A_278 = vector.extract_strided_slice %get3A_147 {offsets = [5], sizes = [1], strides = [1]} : vector<16xi32> to vector<1xi32>
      %squeeze3A_279 = vector.extract %slice3A_278[0] : i32 from vector<1xi32>
      %add3A_280 = arith.constant 5 : i32
      %add3A_281 = arith.addi %mul3A_138, %add3A_280 : i32
      %dma_start3A_282 = arith.constant 0 : i32
      %dma_start3A_283 = tpu.memref_slice %arg11[%add3A_281, %dma_start3A_282] : memref<128x64xf32, #tpu.memory_space<vmem>> -> memref<1x64xf32, #tpu.memory_space<vmem>>
      %dma_start3A_284 = arith.constant 0 : i32
      %dma_start3A_285 = tpu.memref_slice %arg5[%squeeze3A_279, %dma_start3A_284] : memref<1000000x64xf32, #tpu.memory_space<hbm>> -> memref<1x64xf32, #tpu.memory_space<hbm>>
      %dma_start3A_286 = arith.constant 0 : i32
      %dma_start3A_287 = tpu.memref_slice %arg11[%add3A_281, %dma_start3A_286] : memref<128x64xf32, #tpu.memory_space<vmem>> -> memref<1x64xf32, #tpu.memory_space<vmem>>
      %dma_start3A_288 = arith.constant 0 : i32
      %dma_start3A_289 = tpu.memref_slice %arg5[%squeeze3A_279, %dma_start3A_288] : memref<1000000x64xf32, #tpu.memory_space<hbm>> -> memref<1x64xf32, #tpu.memory_space<hbm>>
      tpu.enqueue_dma source(%dma_start3A_289 : memref<1x64xf32, #tpu.memory_space<hbm>>) target(%dma_start3A_287 : memref<1x64xf32, #tpu.memory_space<vmem>>) target_semaphore(%arg15 : memref<!tpu.dma_semaphore, #tpu.memory_space<semaphore_mem>>)
      %slice3A_290 = vector.extract_strided_slice %get3A_142 {offsets = [6], sizes = [1], strides = [1]} : vector<16xi32> to vector<1xi32>
      %squeeze3A_291 = vector.extract %slice3A_290[0] : i32 from vector<1xi32>
      %add3A_292 = arith.constant 6 : i32
      %add3A_293 = arith.addi %mul3A_138, %add3A_292 : i32
      %dma_start3A_294 = arith.constant 0 : i32
      %dma_start3A_295 = tpu.memref_slice %arg9[%add3A_293, %dma_start3A_294] : memref<128x64xf32, #tpu.memory_space<vmem>> -> memref<1x64xf32, #tpu.memory_space<vmem>>
      %dma_start3A_296 = arith.constant 0 : i32
      %dma_start3A_297 = tpu.memref_slice %arg4[%squeeze3A_291, %dma_start3A_296] : memref<1000000x64xf32, #tpu.memory_space<hbm>> -> memref<1x64xf32, #tpu.memory_space<hbm>>
      %dma_start3A_298 = arith.constant 0 : i32
      %dma_start3A_299 = tpu.memref_slice %arg9[%add3A_293, %dma_start3A_298] : memref<128x64xf32, #tpu.memory_space<vmem>> -> memref<1x64xf32, #tpu.memory_space<vmem>>
      %dma_start3A_300 = arith.constant 0 : i32
      %dma_start3A_301 = tpu.memref_slice %arg4[%squeeze3A_291, %dma_start3A_300] : memref<1000000x64xf32, #tpu.memory_space<hbm>> -> memref<1x64xf32, #tpu.memory_space<hbm>>
      tpu.enqueue_dma source(%dma_start3A_301 : memref<1x64xf32, #tpu.memory_space<hbm>>) target(%dma_start3A_299 : memref<1x64xf32, #tpu.memory_space<vmem>>) target_semaphore(%arg13 : memref<!tpu.dma_semaphore, #tpu.memory_space<semaphore_mem>>)
      %slice3A_302 = vector.extract_strided_slice %get3A_147 {offsets = [6], sizes = [1], strides = [1]} : vector<16xi32> to vector<1xi32>
      %squeeze3A_303 = vector.extract %slice3A_302[0] : i32 from vector<1xi32>
      %add3A_304 = arith.constant 6 : i32
      %add3A_305 = arith.addi %mul3A_138, %add3A_304 : i32
      %dma_start3A_306 = arith.constant 0 : i32
      %dma_start3A_307 = tpu.memref_slice %arg11[%add3A_305, %dma_start3A_306] : memref<128x64xf32, #tpu.memory_space<vmem>> -> memref<1x64xf32, #tpu.memory_space<vmem>>
      %dma_start3A_308 = arith.constant 0 : i32
      %dma_start3A_309 = tpu.memref_slice %arg5[%squeeze3A_303, %dma_start3A_308] : memref<1000000x64xf32, #tpu.memory_space<hbm>> -> memref<1x64xf32, #tpu.memory_space<hbm>>
      %dma_start3A_310 = arith.constant 0 : i32
      %dma_start3A_311 = tpu.memref_slice %arg11[%add3A_305, %dma_start3A_310] : memref<128x64xf32, #tpu.memory_space<vmem>> -> memref<1x64xf32, #tpu.memory_space<vmem>>
      %dma_start3A_312 = arith.constant 0 : i32
      %dma_start3A_313 = tpu.memref_slice %arg5[%squeeze3A_303, %dma_start3A_312] : memref<1000000x64xf32, #tpu.memory_space<hbm>> -> memref<1x64xf32, #tpu.memory_space<hbm>>
      tpu.enqueue_dma source(%dma_start3A_313 : memref<1x64xf32, #tpu.memory_space<hbm>>) target(%dma_start3A_311 : memref<1x64xf32, #tpu.memory_space<vmem>>) target_semaphore(%arg15 : memref<!tpu.dma_semaphore, #tpu.memory_space<semaphore_mem>>)
      %slice3A_314 = vector.extract_strided_slice %get3A_142 {offsets = [7], sizes = [1], strides = [1]} : vector<16xi32> to vector<1xi32>
      %squeeze3A_315 = vector.extract %slice3A_314[0] : i32 from vector<1xi32>
      %add3A_316 = arith.constant 7 : i32
      %add3A_317 = arith.addi %mul3A_138, %add3A_316 : i32
      %dma_start3A_318 = arith.constant 0 : i32
      %dma_start3A_319 = tpu.memref_slice %arg9[%add3A_317, %dma_start3A_318] : memref<128x64xf32, #tpu.memory_space<vmem>> -> memref<1x64xf32, #tpu.memory_space<vmem>>
      %dma_start3A_320 = arith.constant 0 : i32
      %dma_start3A_321 = tpu.memref_slice %arg4[%squeeze3A_315, %dma_start3A_320] : memref<1000000x64xf32, #tpu.memory_space<hbm>> -> memref<1x64xf32, #tpu.memory_space<hbm>>
      %dma_start3A_322 = arith.constant 0 : i32
      %dma_start3A_323 = tpu.memref_slice %arg9[%add3A_317, %dma_start3A_322] : memref<128x64xf32, #tpu.memory_space<vmem>> -> memref<1x64xf32, #tpu.memory_space<vmem>>
      %dma_start3A_324 = arith.constant 0 : i32
      %dma_start3A_325 = tpu.memref_slice %arg4[%squeeze3A_315, %dma_start3A_324] : memref<1000000x64xf32, #tpu.memory_space<hbm>> -> memref<1x64xf32, #tpu.memory_space<hbm>>
      tpu.enqueue_dma source(%dma_start3A_325 : memref<1x64xf32, #tpu.memory_space<hbm>>) target(%dma_start3A_323 : memref<1x64xf32, #tpu.memory_space<vmem>>) target_semaphore(%arg13 : memref<!tpu.dma_semaphore, #tpu.memory_space<semaphore_mem>>)
      %slice3A_326 = vector.extract_strided_slice %get3A_147 {offsets = [7], sizes = [1], strides = [1]} : vector<16xi32> to vector<1xi32>
      %squeeze3A_327 = vector.extract %slice3A_326[0] : i32 from vector<1xi32>
      %add3A_328 = arith.constant 7 : i32
      %add3A_329 = arith.addi %mul3A_138, %add3A_328 : i32
      %dma_start3A_330 = arith.constant 0 : i32
      %dma_start3A_331 = tpu.memref_slice %arg11[%add3A_329, %dma_start3A_330] : memref<128x64xf32, #tpu.memory_space<vmem>> -> memref<1x64xf32, #tpu.memory_space<vmem>>
      %dma_start3A_332 = arith.constant 0 : i32
      %dma_start3A_333 = tpu.memref_slice %arg5[%squeeze3A_327, %dma_start3A_332] : memref<1000000x64xf32, #tpu.memory_space<hbm>> -> memref<1x64xf32, #tpu.memory_space<hbm>>
      %dma_start3A_334 = arith.constant 0 : i32
      %dma_start3A_335 = tpu.memref_slice %arg11[%add3A_329, %dma_start3A_334] : memref<128x64xf32, #tpu.memory_space<vmem>> -> memref<1x64xf32, #tpu.memory_space<vmem>>
      %dma_start3A_336 = arith.constant 0 : i32
      %dma_start3A_337 = tpu.memref_slice %arg5[%squeeze3A_327, %dma_start3A_336] : memref<1000000x64xf32, #tpu.memory_space<hbm>> -> memref<1x64xf32, #tpu.memory_space<hbm>>
      tpu.enqueue_dma source(%dma_start3A_337 : memref<1x64xf32, #tpu.memory_space<hbm>>) target(%dma_start3A_335 : memref<1x64xf32, #tpu.memory_space<vmem>>) target_semaphore(%arg15 : memref<!tpu.dma_semaphore, #tpu.memory_space<semaphore_mem>>)
      %slice3A_338 = vector.extract_strided_slice %get3A_142 {offsets = [8], sizes = [1], strides = [1]} : vector<16xi32> to vector<1xi32>
      %squeeze3A_339 = vector.extract %slice3A_338[0] : i32 from vector<1xi32>
      %add3A_340 = arith.constant 8 : i32
      %add3A_341 = arith.addi %mul3A_138, %add3A_340 : i32
      %dma_start3A_342 = arith.constant 0 : i32
      %dma_start3A_343 = tpu.memref_slice %arg9[%add3A_341, %dma_start3A_342] : memref<128x64xf32, #tpu.memory_space<vmem>> -> memref<1x64xf32, #tpu.memory_space<vmem>>
      %dma_start3A_344 = arith.constant 0 : i32
      %dma_start3A_345 = tpu.memref_slice %arg4[%squeeze3A_339, %dma_start3A_344] : memref<1000000x64xf32, #tpu.memory_space<hbm>> -> memref<1x64xf32, #tpu.memory_space<hbm>>
      %dma_start3A_346 = arith.constant 0 : i32
      %dma_start3A_347 = tpu.memref_slice %arg9[%add3A_341, %dma_start3A_346] : memref<128x64xf32, #tpu.memory_space<vmem>> -> memref<1x64xf32, #tpu.memory_space<vmem>>
      %dma_start3A_348 = arith.constant 0 : i32
      %dma_start3A_349 = tpu.memref_slice %arg4[%squeeze3A_339, %dma_start3A_348] : memref<1000000x64xf32, #tpu.memory_space<hbm>> -> memref<1x64xf32, #tpu.memory_space<hbm>>
      tpu.enqueue_dma source(%dma_start3A_349 : memref<1x64xf32, #tpu.memory_space<hbm>>) target(%dma_start3A_347 : memref<1x64xf32, #tpu.memory_space<vmem>>) target_semaphore(%arg13 : memref<!tpu.dma_semaphore, #tpu.memory_space<semaphore_mem>>)
      %slice3A_350 = vector.extract_strided_slice %get3A_147 {offsets = [8], sizes = [1], strides = [1]} : vector<16xi32> to vector<1xi32>
      %squeeze3A_351 = vector.extract %slice3A_350[0] : i32 from vector<1xi32>
      %add3A_352 = arith.constant 8 : i32
      %add3A_353 = arith.addi %mul3A_138, %add3A_352 : i32
      %dma_start3A_354 = arith.constant 0 : i32
      %dma_start3A_355 = tpu.memref_slice %arg11[%add3A_353, %dma_start3A_354] : memref<128x64xf32, #tpu.memory_space<vmem>> -> memref<1x64xf32, #tpu.memory_space<vmem>>
      %dma_start3A_356 = arith.constant 0 : i32
      %dma_start3A_357 = tpu.memref_slice %arg5[%squeeze3A_351, %dma_start3A_356] : memref<1000000x64xf32, #tpu.memory_space<hbm>> -> memref<1x64xf32, #tpu.memory_space<hbm>>
      %dma_start3A_358 = arith.constant 0 : i32
      %dma_start3A_359 = tpu.memref_slice %arg11[%add3A_353, %dma_start3A_358] : memref<128x64xf32, #tpu.memory_space<vmem>> -> memref<1x64xf32, #tpu.memory_space<vmem>>
      %dma_start3A_360 = arith.constant 0 : i32
      %dma_start3A_361 = tpu.memref_slice %arg5[%squeeze3A_351, %dma_start3A_360] : memref<1000000x64xf32, #tpu.memory_space<hbm>> -> memref<1x64xf32, #tpu.memory_space<hbm>>
      tpu.enqueue_dma source(%dma_start3A_361 : memref<1x64xf32, #tpu.memory_space<hbm>>) target(%dma_start3A_359 : memref<1x64xf32, #tpu.memory_space<vmem>>) target_semaphore(%arg15 : memref<!tpu.dma_semaphore, #tpu.memory_space<semaphore_mem>>)
      %slice3A_362 = vector.extract_strided_slice %get3A_142 {offsets = [9], sizes = [1], strides = [1]} : vector<16xi32> to vector<1xi32>
      %squeeze3A_363 = vector.extract %slice3A_362[0] : i32 from vector<1xi32>
      %add3A_364 = arith.constant 9 : i32
      %add3A_365 = arith.addi %mul3A_138, %add3A_364 : i32
      %dma_start3A_366 = arith.constant 0 : i32
      %dma_start3A_367 = tpu.memref_slice %arg9[%add3A_365, %dma_start3A_366] : memref<128x64xf32, #tpu.memory_space<vmem>> -> memref<1x64xf32, #tpu.memory_space<vmem>>
      %dma_start3A_368 = arith.constant 0 : i32
      %dma_start3A_369 = tpu.memref_slice %arg4[%squeeze3A_363, %dma_start3A_368] : memref<1000000x64xf32, #tpu.memory_space<hbm>> -> memref<1x64xf32, #tpu.memory_space<hbm>>
      %dma_start3A_370 = arith.constant 0 : i32
      %dma_start3A_371 = tpu.memref_slice %arg9[%add3A_365, %dma_start3A_370] : memref<128x64xf32, #tpu.memory_space<vmem>> -> memref<1x64xf32, #tpu.memory_space<vmem>>
      %dma_start3A_372 = arith.constant 0 : i32
      %dma_start3A_373 = tpu.memref_slice %arg4[%squeeze3A_363, %dma_start3A_372] : memref<1000000x64xf32, #tpu.memory_space<hbm>> -> memref<1x64xf32, #tpu.memory_space<hbm>>
      tpu.enqueue_dma source(%dma_start3A_373 : memref<1x64xf32, #tpu.memory_space<hbm>>) target(%dma_start3A_371 : memref<1x64xf32, #tpu.memory_space<vmem>>) target_semaphore(%arg13 : memref<!tpu.dma_semaphore, #tpu.memory_space<semaphore_mem>>)
      %slice3A_374 = vector.extract_strided_slice %get3A_147 {offsets = [9], sizes = [1], strides = [1]} : vector<16xi32> to vector<1xi32>
      %squeeze3A_375 = vector.extract %slice3A_374[0] : i32 from vector<1xi32>
      %add3A_376 = arith.constant 9 : i32
      %add3A_377 = arith.addi %mul3A_138, %add3A_376 : i32
      %dma_start3A_378 = arith.constant 0 : i32
      %dma_start3A_379 = tpu.memref_slice %arg11[%add3A_377, %dma_start3A_378] : memref<128x64xf32, #tpu.memory_space<vmem>> -> memref<1x64xf32, #tpu.memory_space<vmem>>
      %dma_start3A_380 = arith.constant 0 : i32
      %dma_start3A_381 = tpu.memref_slice %arg5[%squeeze3A_375, %dma_start3A_380] : memref<1000000x64xf32, #tpu.memory_space<hbm>> -> memref<1x64xf32, #tpu.memory_space<hbm>>
      %dma_start3A_382 = arith.constant 0 : i32
      %dma_start3A_383 = tpu.memref_slice %arg11[%add3A_377, %dma_start3A_382] : memref<128x64xf32, #tpu.memory_space<vmem>> -> memref<1x64xf32, #tpu.memory_space<vmem>>
      %dma_start3A_384 = arith.constant 0 : i32
      %dma_start3A_385 = tpu.memref_slice %arg5[%squeeze3A_375, %dma_start3A_384] : memref<1000000x64xf32, #tpu.memory_space<hbm>> -> memref<1x64xf32, #tpu.memory_space<hbm>>
      tpu.enqueue_dma source(%dma_start3A_385 : memref<1x64xf32, #tpu.memory_space<hbm>>) target(%dma_start3A_383 : memref<1x64xf32, #tpu.memory_space<vmem>>) target_semaphore(%arg15 : memref<!tpu.dma_semaphore, #tpu.memory_space<semaphore_mem>>)
      %slice3A_386 = vector.extract_strided_slice %get3A_142 {offsets = [10], sizes = [1], strides = [1]} : vector<16xi32> to vector<1xi32>
      %squeeze3A_387 = vector.extract %slice3A_386[0] : i32 from vector<1xi32>
      %add3A_388 = arith.constant 10 : i32
      %add3A_389 = arith.addi %mul3A_138, %add3A_388 : i32
      %dma_start3A_390 = arith.constant 0 : i32
      %dma_start3A_391 = tpu.memref_slice %arg9[%add3A_389, %dma_start3A_390] : memref<128x64xf32, #tpu.memory_space<vmem>> -> memref<1x64xf32, #tpu.memory_space<vmem>>
      %dma_start3A_392 = arith.constant 0 : i32
      %dma_start3A_393 = tpu.memref_slice %arg4[%squeeze3A_387, %dma_start3A_392] : memref<1000000x64xf32, #tpu.memory_space<hbm>> -> memref<1x64xf32, #tpu.memory_space<hbm>>
      %dma_start3A_394 = arith.constant 0 : i32
      %dma_start3A_395 = tpu.memref_slice %arg9[%add3A_389, %dma_start3A_394] : memref<128x64xf32, #tpu.memory_space<vmem>> -> memref<1x64xf32, #tpu.memory_space<vmem>>
      %dma_start3A_396 = arith.constant 0 : i32
      %dma_start3A_397 = tpu.memref_slice %arg4[%squeeze3A_387, %dma_start3A_396] : memref<1000000x64xf32, #tpu.memory_space<hbm>> -> memref<1x64xf32, #tpu.memory_space<hbm>>
      tpu.enqueue_dma source(%dma_start3A_397 : memref<1x64xf32, #tpu.memory_space<hbm>>) target(%dma_start3A_395 : memref<1x64xf32, #tpu.memory_space<vmem>>) target_semaphore(%arg13 : memref<!tpu.dma_semaphore, #tpu.memory_space<semaphore_mem>>)
      %slice3A_398 = vector.extract_strided_slice %get3A_147 {offsets = [10], sizes = [1], strides = [1]} : vector<16xi32> to vector<1xi32>
      %squeeze3A_399 = vector.extract %slice3A_398[0] : i32 from vector<1xi32>
      %add3A_400 = arith.constant 10 : i32
      %add3A_401 = arith.addi %mul3A_138, %add3A_400 : i32
      %dma_start3A_402 = arith.constant 0 : i32
      %dma_start3A_403 = tpu.memref_slice %arg11[%add3A_401, %dma_start3A_402] : memref<128x64xf32, #tpu.memory_space<vmem>> -> memref<1x64xf32, #tpu.memory_space<vmem>>
      %dma_start3A_404 = arith.constant 0 : i32
      %dma_start3A_405 = tpu.memref_slice %arg5[%squeeze3A_399, %dma_start3A_404] : memref<1000000x64xf32, #tpu.memory_space<hbm>> -> memref<1x64xf32, #tpu.memory_space<hbm>>
      %dma_start3A_406 = arith.constant 0 : i32
      %dma_start3A_407 = tpu.memref_slice %arg11[%add3A_401, %dma_start3A_406] : memref<128x64xf32, #tpu.memory_space<vmem>> -> memref<1x64xf32, #tpu.memory_space<vmem>>
      %dma_start3A_408 = arith.constant 0 : i32
      %dma_start3A_409 = tpu.memref_slice %arg5[%squeeze3A_399, %dma_start3A_408] : memref<1000000x64xf32, #tpu.memory_space<hbm>> -> memref<1x64xf32, #tpu.memory_space<hbm>>
      tpu.enqueue_dma source(%dma_start3A_409 : memref<1x64xf32, #tpu.memory_space<hbm>>) target(%dma_start3A_407 : memref<1x64xf32, #tpu.memory_space<vmem>>) target_semaphore(%arg15 : memref<!tpu.dma_semaphore, #tpu.memory_space<semaphore_mem>>)
      %slice3A_410 = vector.extract_strided_slice %get3A_142 {offsets = [11], sizes = [1], strides = [1]} : vector<16xi32> to vector<1xi32>
      %squeeze3A_411 = vector.extract %slice3A_410[0] : i32 from vector<1xi32>
      %add3A_412 = arith.constant 11 : i32
      %add3A_413 = arith.addi %mul3A_138, %add3A_412 : i32
      %dma_start3A_414 = arith.constant 0 : i32
      %dma_start3A_415 = tpu.memref_slice %arg9[%add3A_413, %dma_start3A_414] : memref<128x64xf32, #tpu.memory_space<vmem>> -> memref<1x64xf32, #tpu.memory_space<vmem>>
      %dma_start3A_416 = arith.constant 0 : i32
      %dma_start3A_417 = tpu.memref_slice %arg4[%squeeze3A_411, %dma_start3A_416] : memref<1000000x64xf32, #tpu.memory_space<hbm>> -> memref<1x64xf32, #tpu.memory_space<hbm>>
      %dma_start3A_418 = arith.constant 0 : i32
      %dma_start3A_419 = tpu.memref_slice %arg9[%add3A_413, %dma_start3A_418] : memref<128x64xf32, #tpu.memory_space<vmem>> -> memref<1x64xf32, #tpu.memory_space<vmem>>
      %dma_start3A_420 = arith.constant 0 : i32
      %dma_start3A_421 = tpu.memref_slice %arg4[%squeeze3A_411, %dma_start3A_420] : memref<1000000x64xf32, #tpu.memory_space<hbm>> -> memref<1x64xf32, #tpu.memory_space<hbm>>
      tpu.enqueue_dma source(%dma_start3A_421 : memref<1x64xf32, #tpu.memory_space<hbm>>) target(%dma_start3A_419 : memref<1x64xf32, #tpu.memory_space<vmem>>) target_semaphore(%arg13 : memref<!tpu.dma_semaphore, #tpu.memory_space<semaphore_mem>>)
      %slice3A_422 = vector.extract_strided_slice %get3A_147 {offsets = [11], sizes = [1], strides = [1]} : vector<16xi32> to vector<1xi32>
      %squeeze3A_423 = vector.extract %slice3A_422[0] : i32 from vector<1xi32>
      %add3A_424 = arith.constant 11 : i32
      %add3A_425 = arith.addi %mul3A_138, %add3A_424 : i32
      %dma_start3A_426 = arith.constant 0 : i32
      %dma_start3A_427 = tpu.memref_slice %arg11[%add3A_425, %dma_start3A_426] : memref<128x64xf32, #tpu.memory_space<vmem>> -> memref<1x64xf32, #tpu.memory_space<vmem>>
      %dma_start3A_428 = arith.constant 0 : i32
      %dma_start3A_429 = tpu.memref_slice %arg5[%squeeze3A_423, %dma_start3A_428] : memref<1000000x64xf32, #tpu.memory_space<hbm>> -> memref<1x64xf32, #tpu.memory_space<hbm>>
      %dma_start3A_430 = arith.constant 0 : i32
      %dma_start3A_431 = tpu.memref_slice %arg11[%add3A_425, %dma_start3A_430] : memref<128x64xf32, #tpu.memory_space<vmem>> -> memref<1x64xf32, #tpu.memory_space<vmem>>
      %dma_start3A_432 = arith.constant 0 : i32
      %dma_start3A_433 = tpu.memref_slice %arg5[%squeeze3A_423, %dma_start3A_432] : memref<1000000x64xf32, #tpu.memory_space<hbm>> -> memref<1x64xf32, #tpu.memory_space<hbm>>
      tpu.enqueue_dma source(%dma_start3A_433 : memref<1x64xf32, #tpu.memory_space<hbm>>) target(%dma_start3A_431 : memref<1x64xf32, #tpu.memory_space<vmem>>) target_semaphore(%arg15 : memref<!tpu.dma_semaphore, #tpu.memory_space<semaphore_mem>>)
      %slice3A_434 = vector.extract_strided_slice %get3A_142 {offsets = [12], sizes = [1], strides = [1]} : vector<16xi32> to vector<1xi32>
      %squeeze3A_435 = vector.extract %slice3A_434[0] : i32 from vector<1xi32>
      %add3A_436 = arith.constant 12 : i32
      %add3A_437 = arith.addi %mul3A_138, %add3A_436 : i32
      %dma_start3A_438 = arith.constant 0 : i32
      %dma_start3A_439 = tpu.memref_slice %arg9[%add3A_437, %dma_start3A_438] : memref<128x64xf32, #tpu.memory_space<vmem>> -> memref<1x64xf32, #tpu.memory_space<vmem>>
      %dma_start3A_440 = arith.constant 0 : i32
      %dma_start3A_441 = tpu.memref_slice %arg4[%squeeze3A_435, %dma_start3A_440] : memref<1000000x64xf32, #tpu.memory_space<hbm>> -> memref<1x64xf32, #tpu.memory_space<hbm>>
      %dma_start3A_442 = arith.constant 0 : i32
      %dma_start3A_443 = tpu.memref_slice %arg9[%add3A_437, %dma_start3A_442] : memref<128x64xf32, #tpu.memory_space<vmem>> -> memref<1x64xf32, #tpu.memory_space<vmem>>
      %dma_start3A_444 = arith.constant 0 : i32
      %dma_start3A_445 = tpu.memref_slice %arg4[%squeeze3A_435, %dma_start3A_444] : memref<1000000x64xf32, #tpu.memory_space<hbm>> -> memref<1x64xf32, #tpu.memory_space<hbm>>
      tpu.enqueue_dma source(%dma_start3A_445 : memref<1x64xf32, #tpu.memory_space<hbm>>) target(%dma_start3A_443 : memref<1x64xf32, #tpu.memory_space<vmem>>) target_semaphore(%arg13 : memref<!tpu.dma_semaphore, #tpu.memory_space<semaphore_mem>>)
      %slice3A_446 = vector.extract_strided_slice %get3A_147 {offsets = [12], sizes = [1], strides = [1]} : vector<16xi32> to vector<1xi32>
      %squeeze3A_447 = vector.extract %slice3A_446[0] : i32 from vector<1xi32>
      %add3A_448 = arith.constant 12 : i32
      %add3A_449 = arith.addi %mul3A_138, %add3A_448 : i32
      %dma_start3A_450 = arith.constant 0 : i32
      %dma_start3A_451 = tpu.memref_slice %arg11[%add3A_449, %dma_start3A_450] : memref<128x64xf32, #tpu.memory_space<vmem>> -> memref<1x64xf32, #tpu.memory_space<vmem>>
      %dma_start3A_452 = arith.constant 0 : i32
      %dma_start3A_453 = tpu.memref_slice %arg5[%squeeze3A_447, %dma_start3A_452] : memref<1000000x64xf32, #tpu.memory_space<hbm>> -> memref<1x64xf32, #tpu.memory_space<hbm>>
      %dma_start3A_454 = arith.constant 0 : i32
      %dma_start3A_455 = tpu.memref_slice %arg11[%add3A_449, %dma_start3A_454] : memref<128x64xf32, #tpu.memory_space<vmem>> -> memref<1x64xf32, #tpu.memory_space<vmem>>
      %dma_start3A_456 = arith.constant 0 : i32
      %dma_start3A_457 = tpu.memref_slice %arg5[%squeeze3A_447, %dma_start3A_456] : memref<1000000x64xf32, #tpu.memory_space<hbm>> -> memref<1x64xf32, #tpu.memory_space<hbm>>
      tpu.enqueue_dma source(%dma_start3A_457 : memref<1x64xf32, #tpu.memory_space<hbm>>) target(%dma_start3A_455 : memref<1x64xf32, #tpu.memory_space<vmem>>) target_semaphore(%arg15 : memref<!tpu.dma_semaphore, #tpu.memory_space<semaphore_mem>>)
      %slice3A_458 = vector.extract_strided_slice %get3A_142 {offsets = [13], sizes = [1], strides = [1]} : vector<16xi32> to vector<1xi32>
      %squeeze3A_459 = vector.extract %slice3A_458[0] : i32 from vector<1xi32>
      %add3A_460 = arith.constant 13 : i32
      %add3A_461 = arith.addi %mul3A_138, %add3A_460 : i32
      %dma_start3A_462 = arith.constant 0 : i32
      %dma_start3A_463 = tpu.memref_slice %arg9[%add3A_461, %dma_start3A_462] : memref<128x64xf32, #tpu.memory_space<vmem>> -> memref<1x64xf32, #tpu.memory_space<vmem>>
      %dma_start3A_464 = arith.constant 0 : i32
      %dma_start3A_465 = tpu.memref_slice %arg4[%squeeze3A_459, %dma_start3A_464] : memref<1000000x64xf32, #tpu.memory_space<hbm>> -> memref<1x64xf32, #tpu.memory_space<hbm>>
      %dma_start3A_466 = arith.constant 0 : i32
      %dma_start3A_467 = tpu.memref_slice %arg9[%add3A_461, %dma_start3A_466] : memref<128x64xf32, #tpu.memory_space<vmem>> -> memref<1x64xf32, #tpu.memory_space<vmem>>
      %dma_start3A_468 = arith.constant 0 : i32
      %dma_start3A_469 = tpu.memref_slice %arg4[%squeeze3A_459, %dma_start3A_468] : memref<1000000x64xf32, #tpu.memory_space<hbm>> -> memref<1x64xf32, #tpu.memory_space<hbm>>
      tpu.enqueue_dma source(%dma_start3A_469 : memref<1x64xf32, #tpu.memory_space<hbm>>) target(%dma_start3A_467 : memref<1x64xf32, #tpu.memory_space<vmem>>) target_semaphore(%arg13 : memref<!tpu.dma_semaphore, #tpu.memory_space<semaphore_mem>>)
      %slice3A_470 = vector.extract_strided_slice %get3A_147 {offsets = [13], sizes = [1], strides = [1]} : vector<16xi32> to vector<1xi32>
      %squeeze3A_471 = vector.extract %slice3A_470[0] : i32 from vector<1xi32>
      %add3A_472 = arith.constant 13 : i32
      %add3A_473 = arith.addi %mul3A_138, %add3A_472 : i32
      %dma_start3A_474 = arith.constant 0 : i32
      %dma_start3A_475 = tpu.memref_slice %arg11[%add3A_473, %dma_start3A_474] : memref<128x64xf32, #tpu.memory_space<vmem>> -> memref<1x64xf32, #tpu.memory_space<vmem>>
      %dma_start3A_476 = arith.constant 0 : i32
      %dma_start3A_477 = tpu.memref_slice %arg5[%squeeze3A_471, %dma_start3A_476] : memref<1000000x64xf32, #tpu.memory_space<hbm>> -> memref<1x64xf32, #tpu.memory_space<hbm>>
      %dma_start3A_478 = arith.constant 0 : i32
      %dma_start3A_479 = tpu.memref_slice %arg11[%add3A_473, %dma_start3A_478] : memref<128x64xf32, #tpu.memory_space<vmem>> -> memref<1x64xf32, #tpu.memory_space<vmem>>
      %dma_start3A_480 = arith.constant 0 : i32
      %dma_start3A_481 = tpu.memref_slice %arg5[%squeeze3A_471, %dma_start3A_480] : memref<1000000x64xf32, #tpu.memory_space<hbm>> -> memref<1x64xf32, #tpu.memory_space<hbm>>
      tpu.enqueue_dma source(%dma_start3A_481 : memref<1x64xf32, #tpu.memory_space<hbm>>) target(%dma_start3A_479 : memref<1x64xf32, #tpu.memory_space<vmem>>) target_semaphore(%arg15 : memref<!tpu.dma_semaphore, #tpu.memory_space<semaphore_mem>>)
      %slice3A_482 = vector.extract_strided_slice %get3A_142 {offsets = [14], sizes = [1], strides = [1]} : vector<16xi32> to vector<1xi32>
      %squeeze3A_483 = vector.extract %slice3A_482[0] : i32 from vector<1xi32>
      %add3A_484 = arith.constant 14 : i32
      %add3A_485 = arith.addi %mul3A_138, %add3A_484 : i32
      %dma_start3A_486 = arith.constant 0 : i32
      %dma_start3A_487 = tpu.memref_slice %arg9[%add3A_485, %dma_start3A_486] : memref<128x64xf32, #tpu.memory_space<vmem>> -> memref<1x64xf32, #tpu.memory_space<vmem>>
      %dma_start3A_488 = arith.constant 0 : i32
      %dma_start3A_489 = tpu.memref_slice %arg4[%squeeze3A_483, %dma_start3A_488] : memref<1000000x64xf32, #tpu.memory_space<hbm>> -> memref<1x64xf32, #tpu.memory_space<hbm>>
      %dma_start3A_490 = arith.constant 0 : i32
      %dma_start3A_491 = tpu.memref_slice %arg9[%add3A_485, %dma_start3A_490] : memref<128x64xf32, #tpu.memory_space<vmem>> -> memref<1x64xf32, #tpu.memory_space<vmem>>
      %dma_start3A_492 = arith.constant 0 : i32
      %dma_start3A_493 = tpu.memref_slice %arg4[%squeeze3A_483, %dma_start3A_492] : memref<1000000x64xf32, #tpu.memory_space<hbm>> -> memref<1x64xf32, #tpu.memory_space<hbm>>
      tpu.enqueue_dma source(%dma_start3A_493 : memref<1x64xf32, #tpu.memory_space<hbm>>) target(%dma_start3A_491 : memref<1x64xf32, #tpu.memory_space<vmem>>) target_semaphore(%arg13 : memref<!tpu.dma_semaphore, #tpu.memory_space<semaphore_mem>>)
      %slice3A_494 = vector.extract_strided_slice %get3A_147 {offsets = [14], sizes = [1], strides = [1]} : vector<16xi32> to vector<1xi32>
      %squeeze3A_495 = vector.extract %slice3A_494[0] : i32 from vector<1xi32>
      %add3A_496 = arith.constant 14 : i32
      %add3A_497 = arith.addi %mul3A_138, %add3A_496 : i32
      %dma_start3A_498 = arith.constant 0 : i32
      %dma_start3A_499 = tpu.memref_slice %arg11[%add3A_497, %dma_start3A_498] : memref<128x64xf32, #tpu.memory_space<vmem>> -> memref<1x64xf32, #tpu.memory_space<vmem>>
      %dma_start3A_500 = arith.constant 0 : i32
      %dma_start3A_501 = tpu.memref_slice %arg5[%squeeze3A_495, %dma_start3A_500] : memref<1000000x64xf32, #tpu.memory_space<hbm>> -> memref<1x64xf32, #tpu.memory_space<hbm>>
      %dma_start3A_502 = arith.constant 0 : i32
      %dma_start3A_503 = tpu.memref_slice %arg11[%add3A_497, %dma_start3A_502] : memref<128x64xf32, #tpu.memory_space<vmem>> -> memref<1x64xf32, #tpu.memory_space<vmem>>
      %dma_start3A_504 = arith.constant 0 : i32
      %dma_start3A_505 = tpu.memref_slice %arg5[%squeeze3A_495, %dma_start3A_504] : memref<1000000x64xf32, #tpu.memory_space<hbm>> -> memref<1x64xf32, #tpu.memory_space<hbm>>
      tpu.enqueue_dma source(%dma_start3A_505 : memref<1x64xf32, #tpu.memory_space<hbm>>) target(%dma_start3A_503 : memref<1x64xf32, #tpu.memory_space<vmem>>) target_semaphore(%arg15 : memref<!tpu.dma_semaphore, #tpu.memory_space<semaphore_mem>>)
      %slice3A_506 = vector.extract_strided_slice %get3A_142 {offsets = [15], sizes = [1], strides = [1]} : vector<16xi32> to vector<1xi32>
      %squeeze3A_507 = vector.extract %slice3A_506[0] : i32 from vector<1xi32>
      %add3A_508 = arith.constant 15 : i32
      %add3A_509 = arith.addi %mul3A_138, %add3A_508 : i32
      %dma_start3A_510 = arith.constant 0 : i32
      %dma_start3A_511 = tpu.memref_slice %arg9[%add3A_509, %dma_start3A_510] : memref<128x64xf32, #tpu.memory_space<vmem>> -> memref<1x64xf32, #tpu.memory_space<vmem>>
      %dma_start3A_512 = arith.constant 0 : i32
      %dma_start3A_513 = tpu.memref_slice %arg4[%squeeze3A_507, %dma_start3A_512] : memref<1000000x64xf32, #tpu.memory_space<hbm>> -> memref<1x64xf32, #tpu.memory_space<hbm>>
      %dma_start3A_514 = arith.constant 0 : i32
      %dma_start3A_515 = tpu.memref_slice %arg9[%add3A_509, %dma_start3A_514] : memref<128x64xf32, #tpu.memory_space<vmem>> -> memref<1x64xf32, #tpu.memory_space<vmem>>
      %dma_start3A_516 = arith.constant 0 : i32
      %dma_start3A_517 = tpu.memref_slice %arg4[%squeeze3A_507, %dma_start3A_516] : memref<1000000x64xf32, #tpu.memory_space<hbm>> -> memref<1x64xf32, #tpu.memory_space<hbm>>
      tpu.enqueue_dma source(%dma_start3A_517 : memref<1x64xf32, #tpu.memory_space<hbm>>) target(%dma_start3A_515 : memref<1x64xf32, #tpu.memory_space<vmem>>) target_semaphore(%arg13 : memref<!tpu.dma_semaphore, #tpu.memory_space<semaphore_mem>>)
      %slice3A_518 = vector.extract_strided_slice %get3A_147 {offsets = [15], sizes = [1], strides = [1]} : vector<16xi32> to vector<1xi32>
      %squeeze3A_519 = vector.extract %slice3A_518[0] : i32 from vector<1xi32>
      %add3A_520 = arith.constant 15 : i32
      %add3A_521 = arith.addi %mul3A_138, %add3A_520 : i32
      %dma_start3A_522 = arith.constant 0 : i32
      %dma_start3A_523 = tpu.memref_slice %arg11[%add3A_521, %dma_start3A_522] : memref<128x64xf32, #tpu.memory_space<vmem>> -> memref<1x64xf32, #tpu.memory_space<vmem>>
      %dma_start3A_524 = arith.constant 0 : i32
      %dma_start3A_525 = tpu.memref_slice %arg5[%squeeze3A_519, %dma_start3A_524] : memref<1000000x64xf32, #tpu.memory_space<hbm>> -> memref<1x64xf32, #tpu.memory_space<hbm>>
      %dma_start3A_526 = arith.constant 0 : i32
      %dma_start3A_527 = tpu.memref_slice %arg11[%add3A_521, %dma_start3A_526] : memref<128x64xf32, #tpu.memory_space<vmem>> -> memref<1x64xf32, #tpu.memory_space<vmem>>
      %dma_start3A_528 = arith.constant 0 : i32
      %dma_start3A_529 = tpu.memref_slice %arg5[%squeeze3A_519, %dma_start3A_528] : memref<1000000x64xf32, #tpu.memory_space<hbm>> -> memref<1x64xf32, #tpu.memory_space<hbm>>
      tpu.enqueue_dma source(%dma_start3A_529 : memref<1x64xf32, #tpu.memory_space<hbm>>) target(%dma_start3A_527 : memref<1x64xf32, #tpu.memory_space<vmem>>) target_semaphore(%arg15 : memref<!tpu.dma_semaphore, #tpu.memory_space<semaphore_mem>>)
    }
    %scan3A_7 = arith.constant 8 : i32
    %dma_wait3A = arith.constant 0 : i32
    %dma_wait3A_8 = arith.constant 0 : i32
    %dma_wait3A_9 = tpu.memref_slice %arg4[%dma_wait3A, %dma_wait3A_8] : memref<1000000x64xf32, #tpu.memory_space<hbm>> -> memref<128x64xf32, #tpu.memory_space<hbm>>
    %dma_wait3A_10 = arith.constant 0 : i32
    %dma_wait3A_11 = arith.constant 0 : i32
    %dma_wait3A_12 = tpu.memref_slice %arg4[%dma_wait3A_10, %dma_wait3A_11] : memref<1000000x64xf32, #tpu.memory_space<hbm>> -> memref<128x64xf32, #tpu.memory_space<hbm>>
    tpu.wait_dma2 semaphore(%arg13 : memref<!tpu.dma_semaphore, #tpu.memory_space<semaphore_mem>>) src(%dma_wait3A_12 : memref<128x64xf32, #tpu.memory_space<hbm>>) dst(%arg9 : memref<128x64xf32, #tpu.memory_space<vmem>>)
    %dma_wait3A_13 = arith.constant 0 : i32
    %dma_wait3A_14 = arith.constant 0 : i32
    %dma_wait3A_15 = tpu.memref_slice %arg5[%dma_wait3A_13, %dma_wait3A_14] : memref<1000000x64xf32, #tpu.memory_space<hbm>> -> memref<128x64xf32, #tpu.memory_space<hbm>>
    %dma_wait3A_16 = arith.constant 0 : i32
    %dma_wait3A_17 = arith.constant 0 : i32
    %dma_wait3A_18 = tpu.memref_slice %arg5[%dma_wait3A_16, %dma_wait3A_17] : memref<1000000x64xf32, #tpu.memory_space<hbm>> -> memref<128x64xf32, #tpu.memory_space<hbm>>
    tpu.wait_dma2 semaphore(%arg15 : memref<!tpu.dma_semaphore, #tpu.memory_space<semaphore_mem>>) src(%dma_wait3A_18 : memref<128x64xf32, #tpu.memory_space<hbm>>) dst(%arg11 : memref<128x64xf32, #tpu.memory_space<vmem>>)
    %scan3A_19 = arith.constant 0 : i32
    %scan3A_20 = arith.constant 0 : i32
    %scan3A_21 = arith.constant 8 : i32
    %scan3A_22 = arith.addi %scan3A_20, %scan3A_21 : i32
    %scan3A_23 = arith.constant 1 : i32
    scf.for %scan3A_136 = %scan3A_20 to %scan3A_22 step %scan3A_23  : i32 {
      %mul3A_137 = arith.constant 16 : i32
      %mul3A_138 = arith.muli %scan3A_136, %mul3A_137 : i32
      %add3A_139 = arith.constant 128 : i32
      %add3A_140 = arith.addi %add3A_139, %mul3A_138 : i32
      %get3A = arith.index_cast %add3A_140 : i32 to index
      %get3A_141 = tpu.vector_load %arg7[%get3A] {strides = array<i32>} : memref<512xi32, #tpu.memory_space<vmem>>, vector<16xi32>,
      %get3A_142 = vector.shape_cast %get3A_141 : vector<16xi32> to vector<16xi32>
      %add3A_143 = arith.constant 128 : i32
      %add3A_144 = arith.addi %add3A_143, %mul3A_138 : i32
      %get3A_145 = arith.index_cast %add3A_144 : i32 to index
      %get3A_146 = tpu.vector_load %arg8[%get3A_145] {strides = array<i32>} : memref<512xi32, #tpu.memory_space<vmem>>, vector<16xi32>,
      %get3A_147 = vector.shape_cast %get3A_146 : vector<16xi32> to vector<16xi32>
      %slice3A = vector.extract_strided_slice %get3A_142 {offsets = [0], sizes = [1], strides = [1]} : vector<16xi32> to vector<1xi32>
      %squeeze3A = vector.extract %slice3A[0] : i32 from vector<1xi32>
      %add3A_148 = arith.constant 0 : i32
      %add3A_149 = arith.addi %mul3A_138, %add3A_148 : i32
      %dma_start3A_150 = arith.constant 0 : i32
      %dma_start3A_151 = tpu.memref_slice %arg10[%add3A_149, %dma_start3A_150] : memref<128x64xf32, #tpu.memory_space<vmem>> -> memref<1x64xf32, #tpu.memory_space<vmem>>
      %dma_start3A_152 = arith.constant 0 : i32
      %dma_start3A_153 = tpu.memref_slice %arg4[%squeeze3A, %dma_start3A_152] : memref<1000000x64xf32, #tpu.memory_space<hbm>> -> memref<1x64xf32, #tpu.memory_space<hbm>>
      %dma_start3A_154 = arith.constant 0 : i32
      %dma_start3A_155 = tpu.memref_slice %arg10[%add3A_149, %dma_start3A_154] : memref<128x64xf32, #tpu.memory_space<vmem>> -> memref<1x64xf32, #tpu.memory_space<vmem>>
      %dma_start3A_156 = arith.constant 0 : i32
      %dma_start3A_157 = tpu.memref_slice %arg4[%squeeze3A, %dma_start3A_156] : memref<1000000x64xf32, #tpu.memory_space<hbm>> -> memref<1x64xf32, #tpu.memory_space<hbm>>
      tpu.enqueue_dma source(%dma_start3A_157 : memref<1x64xf32, #tpu.memory_space<hbm>>) target(%dma_start3A_155 : memref<1x64xf32, #tpu.memory_space<vmem>>) target_semaphore(%arg14 : memref<!tpu.dma_semaphore, #tpu.memory_space<semaphore_mem>>)
      %slice3A_158 = vector.extract_strided_slice %get3A_147 {offsets = [0], sizes = [1], strides = [1]} : vector<16xi32> to vector<1xi32>
      %squeeze3A_159 = vector.extract %slice3A_158[0] : i32 from vector<1xi32>
      %add3A_160 = arith.constant 0 : i32
      %add3A_161 = arith.addi %mul3A_138, %add3A_160 : i32
      %dma_start3A_162 = arith.constant 0 : i32
      %dma_start3A_163 = tpu.memref_slice %arg12[%add3A_161, %dma_start3A_162] : memref<128x64xf32, #tpu.memory_space<vmem>> -> memref<1x64xf32, #tpu.memory_space<vmem>>
      %dma_start3A_164 = arith.constant 0 : i32
      %dma_start3A_165 = tpu.memref_slice %arg5[%squeeze3A_159, %dma_start3A_164] : memref<1000000x64xf32, #tpu.memory_space<hbm>> -> memref<1x64xf32, #tpu.memory_space<hbm>>
      %dma_start3A_166 = arith.constant 0 : i32
      %dma_start3A_167 = tpu.memref_slice %arg12[%add3A_161, %dma_start3A_166] : memref<128x64xf32, #tpu.memory_space<vmem>> -> memref<1x64xf32, #tpu.memory_space<vmem>>
      %dma_start3A_168 = arith.constant 0 : i32
      %dma_start3A_169 = tpu.memref_slice %arg5[%squeeze3A_159, %dma_start3A_168] : memref<1000000x64xf32, #tpu.memory_space<hbm>> -> memref<1x64xf32, #tpu.memory_space<hbm>>
      tpu.enqueue_dma source(%dma_start3A_169 : memref<1x64xf32, #tpu.memory_space<hbm>>) target(%dma_start3A_167 : memref<1x64xf32, #tpu.memory_space<vmem>>) target_semaphore(%arg16 : memref<!tpu.dma_semaphore, #tpu.memory_space<semaphore_mem>>)
      %slice3A_170 = vector.extract_strided_slice %get3A_142 {offsets = [1], sizes = [1], strides = [1]} : vector<16xi32> to vector<1xi32>
      %squeeze3A_171 = vector.extract %slice3A_170[0] : i32 from vector<1xi32>
      %add3A_172 = arith.constant 1 : i32
      %add3A_173 = arith.addi %mul3A_138, %add3A_172 : i32
      %dma_start3A_174 = arith.constant 0 : i32
      %dma_start3A_175 = tpu.memref_slice %arg10[%add3A_173, %dma_start3A_174] : memref<128x64xf32, #tpu.memory_space<vmem>> -> memref<1x64xf32, #tpu.memory_space<vmem>>
      %dma_start3A_176 = arith.constant 0 : i32
      %dma_start3A_177 = tpu.memref_slice %arg4[%squeeze3A_171, %dma_start3A_176] : memref<1000000x64xf32, #tpu.memory_space<hbm>> -> memref<1x64xf32, #tpu.memory_space<hbm>>
      %dma_start3A_178 = arith.constant 0 : i32
      %dma_start3A_179 = tpu.memref_slice %arg10[%add3A_173, %dma_start3A_178] : memref<128x64xf32, #tpu.memory_space<vmem>> -> memref<1x64xf32, #tpu.memory_space<vmem>>
      %dma_start3A_180 = arith.constant 0 : i32
      %dma_start3A_181 = tpu.memref_slice %arg4[%squeeze3A_171, %dma_start3A_180] : memref<1000000x64xf32, #tpu.memory_space<hbm>> -> memref<1x64xf32, #tpu.memory_space<hbm>>
      tpu.enqueue_dma source(%dma_start3A_181 : memref<1x64xf32, #tpu.memory_space<hbm>>) target(%dma_start3A_179 : memref<1x64xf32, #tpu.memory_space<vmem>>) target_semaphore(%arg14 : memref<!tpu.dma_semaphore, #tpu.memory_space<semaphore_mem>>)
      %slice3A_182 = vector.extract_strided_slice %get3A_147 {offsets = [1], sizes = [1], strides = [1]} : vector<16xi32> to vector<1xi32>
      %squeeze3A_183 = vector.extract %slice3A_182[0] : i32 from vector<1xi32>
      %add3A_184 = arith.constant 1 : i32
      %add3A_185 = arith.addi %mul3A_138, %add3A_184 : i32
      %dma_start3A_186 = arith.constant 0 : i32
      %dma_start3A_187 = tpu.memref_slice %arg12[%add3A_185, %dma_start3A_186] : memref<128x64xf32, #tpu.memory_space<vmem>> -> memref<1x64xf32, #tpu.memory_space<vmem>>
      %dma_start3A_188 = arith.constant 0 : i32
      %dma_start3A_189 = tpu.memref_slice %arg5[%squeeze3A_183, %dma_start3A_188] : memref<1000000x64xf32, #tpu.memory_space<hbm>> -> memref<1x64xf32, #tpu.memory_space<hbm>>
      %dma_start3A_190 = arith.constant 0 : i32
      %dma_start3A_191 = tpu.memref_slice %arg12[%add3A_185, %dma_start3A_190] : memref<128x64xf32, #tpu.memory_space<vmem>> -> memref<1x64xf32, #tpu.memory_space<vmem>>
      %dma_start3A_192 = arith.constant 0 : i32
      %dma_start3A_193 = tpu.memref_slice %arg5[%squeeze3A_183, %dma_start3A_192] : memref<1000000x64xf32, #tpu.memory_space<hbm>> -> memref<1x64xf32, #tpu.memory_space<hbm>>
      tpu.enqueue_dma source(%dma_start3A_193 : memref<1x64xf32, #tpu.memory_space<hbm>>) target(%dma_start3A_191 : memref<1x64xf32, #tpu.memory_space<vmem>>) target_semaphore(%arg16 : memref<!tpu.dma_semaphore, #tpu.memory_space<semaphore_mem>>)
      %slice3A_194 = vector.extract_strided_slice %get3A_142 {offsets = [2], sizes = [1], strides = [1]} : vector<16xi32> to vector<1xi32>
      %squeeze3A_195 = vector.extract %slice3A_194[0] : i32 from vector<1xi32>
      %add3A_196 = arith.constant 2 : i32
      %add3A_197 = arith.addi %mul3A_138, %add3A_196 : i32
      %dma_start3A_198 = arith.constant 0 : i32
      %dma_start3A_199 = tpu.memref_slice %arg10[%add3A_197, %dma_start3A_198] : memref<128x64xf32, #tpu.memory_space<vmem>> -> memref<1x64xf32, #tpu.memory_space<vmem>>
      %dma_start3A_200 = arith.constant 0 : i32
      %dma_start3A_201 = tpu.memref_slice %arg4[%squeeze3A_195, %dma_start3A_200] : memref<1000000x64xf32, #tpu.memory_space<hbm>> -> memref<1x64xf32, #tpu.memory_space<hbm>>
      %dma_start3A_202 = arith.constant 0 : i32
      %dma_start3A_203 = tpu.memref_slice %arg10[%add3A_197, %dma_start3A_202] : memref<128x64xf32, #tpu.memory_space<vmem>> -> memref<1x64xf32, #tpu.memory_space<vmem>>
      %dma_start3A_204 = arith.constant 0 : i32
      %dma_start3A_205 = tpu.memref_slice %arg4[%squeeze3A_195, %dma_start3A_204] : memref<1000000x64xf32, #tpu.memory_space<hbm>> -> memref<1x64xf32, #tpu.memory_space<hbm>>
      tpu.enqueue_dma source(%dma_start3A_205 : memref<1x64xf32, #tpu.memory_space<hbm>>) target(%dma_start3A_203 : memref<1x64xf32, #tpu.memory_space<vmem>>) target_semaphore(%arg14 : memref<!tpu.dma_semaphore, #tpu.memory_space<semaphore_mem>>)
      %slice3A_206 = vector.extract_strided_slice %get3A_147 {offsets = [2], sizes = [1], strides = [1]} : vector<16xi32> to vector<1xi32>
      %squeeze3A_207 = vector.extract %slice3A_206[0] : i32 from vector<1xi32>
      %add3A_208 = arith.constant 2 : i32
      %add3A_209 = arith.addi %mul3A_138, %add3A_208 : i32
      %dma_start3A_210 = arith.constant 0 : i32
      %dma_start3A_211 = tpu.memref_slice %arg12[%add3A_209, %dma_start3A_210] : memref<128x64xf32, #tpu.memory_space<vmem>> -> memref<1x64xf32, #tpu.memory_space<vmem>>
      %dma_start3A_212 = arith.constant 0 : i32
      %dma_start3A_213 = tpu.memref_slice %arg5[%squeeze3A_207, %dma_start3A_212] : memref<1000000x64xf32, #tpu.memory_space<hbm>> -> memref<1x64xf32, #tpu.memory_space<hbm>>
      %dma_start3A_214 = arith.constant 0 : i32
      %dma_start3A_215 = tpu.memref_slice %arg12[%add3A_209, %dma_start3A_214] : memref<128x64xf32, #tpu.memory_space<vmem>> -> memref<1x64xf32, #tpu.memory_space<vmem>>
      %dma_start3A_216 = arith.constant 0 : i32
      %dma_start3A_217 = tpu.memref_slice %arg5[%squeeze3A_207, %dma_start3A_216] : memref<1000000x64xf32, #tpu.memory_space<hbm>> -> memref<1x64xf32, #tpu.memory_space<hbm>>
      tpu.enqueue_dma source(%dma_start3A_217 : memref<1x64xf32, #tpu.memory_space<hbm>>) target(%dma_start3A_215 : memref<1x64xf32, #tpu.memory_space<vmem>>) target_semaphore(%arg16 : memref<!tpu.dma_semaphore, #tpu.memory_space<semaphore_mem>>)
      %slice3A_218 = vector.extract_strided_slice %get3A_142 {offsets = [3], sizes = [1], strides = [1]} : vector<16xi32> to vector<1xi32>
      %squeeze3A_219 = vector.extract %slice3A_218[0] : i32 from vector<1xi32>
      %add3A_220 = arith.constant 3 : i32
      %add3A_221 = arith.addi %mul3A_138, %add3A_220 : i32
      %dma_start3A_222 = arith.constant 0 : i32
      %dma_start3A_223 = tpu.memref_slice %arg10[%add3A_221, %dma_start3A_222] : memref<128x64xf32, #tpu.memory_space<vmem>> -> memref<1x64xf32, #tpu.memory_space<vmem>>
      %dma_start3A_224 = arith.constant 0 : i32
      %dma_start3A_225 = tpu.memref_slice %arg4[%squeeze3A_219, %dma_start3A_224] : memref<1000000x64xf32, #tpu.memory_space<hbm>> -> memref<1x64xf32, #tpu.memory_space<hbm>>
      %dma_start3A_226 = arith.constant 0 : i32
      %dma_start3A_227 = tpu.memref_slice %arg10[%add3A_221, %dma_start3A_226] : memref<128x64xf32, #tpu.memory_space<vmem>> -> memref<1x64xf32, #tpu.memory_space<vmem>>
      %dma_start3A_228 = arith.constant 0 : i32
      %dma_start3A_229 = tpu.memref_slice %arg4[%squeeze3A_219, %dma_start3A_228] : memref<1000000x64xf32, #tpu.memory_space<hbm>> -> memref<1x64xf32, #tpu.memory_space<hbm>>
      tpu.enqueue_dma source(%dma_start3A_229 : memref<1x64xf32, #tpu.memory_space<hbm>>) target(%dma_start3A_227 : memref<1x64xf32, #tpu.memory_space<vmem>>) target_semaphore(%arg14 : memref<!tpu.dma_semaphore, #tpu.memory_space<semaphore_mem>>)
      %slice3A_230 = vector.extract_strided_slice %get3A_147 {offsets = [3], sizes = [1], strides = [1]} : vector<16xi32> to vector<1xi32>
      %squeeze3A_231 = vector.extract %slice3A_230[0] : i32 from vector<1xi32>
      %add3A_232 = arith.constant 3 : i32
      %add3A_233 = arith.addi %mul3A_138, %add3A_232 : i32
      %dma_start3A_234 = arith.constant 0 : i32
      %dma_start3A_235 = tpu.memref_slice %arg12[%add3A_233, %dma_start3A_234] : memref<128x64xf32, #tpu.memory_space<vmem>> -> memref<1x64xf32, #tpu.memory_space<vmem>>
      %dma_start3A_236 = arith.constant 0 : i32
      %dma_start3A_237 = tpu.memref_slice %arg5[%squeeze3A_231, %dma_start3A_236] : memref<1000000x64xf32, #tpu.memory_space<hbm>> -> memref<1x64xf32, #tpu.memory_space<hbm>>
      %dma_start3A_238 = arith.constant 0 : i32
      %dma_start3A_239 = tpu.memref_slice %arg12[%add3A_233, %dma_start3A_238] : memref<128x64xf32, #tpu.memory_space<vmem>> -> memref<1x64xf32, #tpu.memory_space<vmem>>
      %dma_start3A_240 = arith.constant 0 : i32
      %dma_start3A_241 = tpu.memref_slice %arg5[%squeeze3A_231, %dma_start3A_240] : memref<1000000x64xf32, #tpu.memory_space<hbm>> -> memref<1x64xf32, #tpu.memory_space<hbm>>
      tpu.enqueue_dma source(%dma_start3A_241 : memref<1x64xf32, #tpu.memory_space<hbm>>) target(%dma_start3A_239 : memref<1x64xf32, #tpu.memory_space<vmem>>) target_semaphore(%arg16 : memref<!tpu.dma_semaphore, #tpu.memory_space<semaphore_mem>>)
      %slice3A_242 = vector.extract_strided_slice %get3A_142 {offsets = [4], sizes = [1], strides = [1]} : vector<16xi32> to vector<1xi32>
      %squeeze3A_243 = vector.extract %slice3A_242[0] : i32 from vector<1xi32>
      %add3A_244 = arith.constant 4 : i32
      %add3A_245 = arith.addi %mul3A_138, %add3A_244 : i32
      %dma_start3A_246 = arith.constant 0 : i32
      %dma_start3A_247 = tpu.memref_slice %arg10[%add3A_245, %dma_start3A_246] : memref<128x64xf32, #tpu.memory_space<vmem>> -> memref<1x64xf32, #tpu.memory_space<vmem>>
      %dma_start3A_248 = arith.constant 0 : i32
      %dma_start3A_249 = tpu.memref_slice %arg4[%squeeze3A_243, %dma_start3A_248] : memref<1000000x64xf32, #tpu.memory_space<hbm>> -> memref<1x64xf32, #tpu.memory_space<hbm>>
      %dma_start3A_250 = arith.constant 0 : i32
      %dma_start3A_251 = tpu.memref_slice %arg10[%add3A_245, %dma_start3A_250] : memref<128x64xf32, #tpu.memory_space<vmem>> -> memref<1x64xf32, #tpu.memory_space<vmem>>
      %dma_start3A_252 = arith.constant 0 : i32
      %dma_start3A_253 = tpu.memref_slice %arg4[%squeeze3A_243, %dma_start3A_252] : memref<1000000x64xf32, #tpu.memory_space<hbm>> -> memref<1x64xf32, #tpu.memory_space<hbm>>
      tpu.enqueue_dma source(%dma_start3A_253 : memref<1x64xf32, #tpu.memory_space<hbm>>) target(%dma_start3A_251 : memref<1x64xf32, #tpu.memory_space<vmem>>) target_semaphore(%arg14 : memref<!tpu.dma_semaphore, #tpu.memory_space<semaphore_mem>>)
      %slice3A_254 = vector.extract_strided_slice %get3A_147 {offsets = [4], sizes = [1], strides = [1]} : vector<16xi32> to vector<1xi32>
      %squeeze3A_255 = vector.extract %slice3A_254[0] : i32 from vector<1xi32>
      %add3A_256 = arith.constant 4 : i32
      %add3A_257 = arith.addi %mul3A_138, %add3A_256 : i32
      %dma_start3A_258 = arith.constant 0 : i32
      %dma_start3A_259 = tpu.memref_slice %arg12[%add3A_257, %dma_start3A_258] : memref<128x64xf32, #tpu.memory_space<vmem>> -> memref<1x64xf32, #tpu.memory_space<vmem>>
      %dma_start3A_260 = arith.constant 0 : i32
      %dma_start3A_261 = tpu.memref_slice %arg5[%squeeze3A_255, %dma_start3A_260] : memref<1000000x64xf32, #tpu.memory_space<hbm>> -> memref<1x64xf32, #tpu.memory_space<hbm>>
      %dma_start3A_262 = arith.constant 0 : i32
      %dma_start3A_263 = tpu.memref_slice %arg12[%add3A_257, %dma_start3A_262] : memref<128x64xf32, #tpu.memory_space<vmem>> -> memref<1x64xf32, #tpu.memory_space<vmem>>
      %dma_start3A_264 = arith.constant 0 : i32
      %dma_start3A_265 = tpu.memref_slice %arg5[%squeeze3A_255, %dma_start3A_264] : memref<1000000x64xf32, #tpu.memory_space<hbm>> -> memref<1x64xf32, #tpu.memory_space<hbm>>
      tpu.enqueue_dma source(%dma_start3A_265 : memref<1x64xf32, #tpu.memory_space<hbm>>) target(%dma_start3A_263 : memref<1x64xf32, #tpu.memory_space<vmem>>) target_semaphore(%arg16 : memref<!tpu.dma_semaphore, #tpu.memory_space<semaphore_mem>>)
      %slice3A_266 = vector.extract_strided_slice %get3A_142 {offsets = [5], sizes = [1], strides = [1]} : vector<16xi32> to vector<1xi32>
      %squeeze3A_267 = vector.extract %slice3A_266[0] : i32 from vector<1xi32>
      %add3A_268 = arith.constant 5 : i32
      %add3A_269 = arith.addi %mul3A_138, %add3A_268 : i32
      %dma_start3A_270 = arith.constant 0 : i32
      %dma_start3A_271 = tpu.memref_slice %arg10[%add3A_269, %dma_start3A_270] : memref<128x64xf32, #tpu.memory_space<vmem>> -> memref<1x64xf32, #tpu.memory_space<vmem>>
      %dma_start3A_272 = arith.constant 0 : i32
      %dma_start3A_273 = tpu.memref_slice %arg4[%squeeze3A_267, %dma_start3A_272] : memref<1000000x64xf32, #tpu.memory_space<hbm>> -> memref<1x64xf32, #tpu.memory_space<hbm>>
      %dma_start3A_274 = arith.constant 0 : i32
      %dma_start3A_275 = tpu.memref_slice %arg10[%add3A_269, %dma_start3A_274] : memref<128x64xf32, #tpu.memory_space<vmem>> -> memref<1x64xf32, #tpu.memory_space<vmem>>
      %dma_start3A_276 = arith.constant 0 : i32
      %dma_start3A_277 = tpu.memref_slice %arg4[%squeeze3A_267, %dma_start3A_276] : memref<1000000x64xf32, #tpu.memory_space<hbm>> -> memref<1x64xf32, #tpu.memory_space<hbm>>
      tpu.enqueue_dma source(%dma_start3A_277 : memref<1x64xf32, #tpu.memory_space<hbm>>) target(%dma_start3A_275 : memref<1x64xf32, #tpu.memory_space<vmem>>) target_semaphore(%arg14 : memref<!tpu.dma_semaphore, #tpu.memory_space<semaphore_mem>>)
      %slice3A_278 = vector.extract_strided_slice %get3A_147 {offsets = [5], sizes = [1], strides = [1]} : vector<16xi32> to vector<1xi32>
      %squeeze3A_279 = vector.extract %slice3A_278[0] : i32 from vector<1xi32>
      %add3A_280 = arith.constant 5 : i32
      %add3A_281 = arith.addi %mul3A_138, %add3A_280 : i32
      %dma_start3A_282 = arith.constant 0 : i32
      %dma_start3A_283 = tpu.memref_slice %arg12[%add3A_281, %dma_start3A_282] : memref<128x64xf32, #tpu.memory_space<vmem>> -> memref<1x64xf32, #tpu.memory_space<vmem>>
      %dma_start3A_284 = arith.constant 0 : i32
      %dma_start3A_285 = tpu.memref_slice %arg5[%squeeze3A_279, %dma_start3A_284] : memref<1000000x64xf32, #tpu.memory_space<hbm>> -> memref<1x64xf32, #tpu.memory_space<hbm>>
      %dma_start3A_286 = arith.constant 0 : i32
      %dma_start3A_287 = tpu.memref_slice %arg12[%add3A_281, %dma_start3A_286] : memref<128x64xf32, #tpu.memory_space<vmem>> -> memref<1x64xf32, #tpu.memory_space<vmem>>
      %dma_start3A_288 = arith.constant 0 : i32
      %dma_start3A_289 = tpu.memref_slice %arg5[%squeeze3A_279, %dma_start3A_288] : memref<1000000x64xf32, #tpu.memory_space<hbm>> -> memref<1x64xf32, #tpu.memory_space<hbm>>
      tpu.enqueue_dma source(%dma_start3A_289 : memref<1x64xf32, #tpu.memory_space<hbm>>) target(%dma_start3A_287 : memref<1x64xf32, #tpu.memory_space<vmem>>) target_semaphore(%arg16 : memref<!tpu.dma_semaphore, #tpu.memory_space<semaphore_mem>>)
      %slice3A_290 = vector.extract_strided_slice %get3A_142 {offsets = [6], sizes = [1], strides = [1]} : vector<16xi32> to vector<1xi32>
      %squeeze3A_291 = vector.extract %slice3A_290[0] : i32 from vector<1xi32>
      %add3A_292 = arith.constant 6 : i32
      %add3A_293 = arith.addi %mul3A_138, %add3A_292 : i32
      %dma_start3A_294 = arith.constant 0 : i32
      %dma_start3A_295 = tpu.memref_slice %arg10[%add3A_293, %dma_start3A_294] : memref<128x64xf32, #tpu.memory_space<vmem>> -> memref<1x64xf32, #tpu.memory_space<vmem>>
      %dma_start3A_296 = arith.constant 0 : i32
      %dma_start3A_297 = tpu.memref_slice %arg4[%squeeze3A_291, %dma_start3A_296] : memref<1000000x64xf32, #tpu.memory_space<hbm>> -> memref<1x64xf32, #tpu.memory_space<hbm>>
      %dma_start3A_298 = arith.constant 0 : i32
      %dma_start3A_299 = tpu.memref_slice %arg10[%add3A_293, %dma_start3A_298] : memref<128x64xf32, #tpu.memory_space<vmem>> -> memref<1x64xf32, #tpu.memory_space<vmem>>
      %dma_start3A_300 = arith.constant 0 : i32
      %dma_start3A_301 = tpu.memref_slice %arg4[%squeeze3A_291, %dma_start3A_300] : memref<1000000x64xf32, #tpu.memory_space<hbm>> -> memref<1x64xf32, #tpu.memory_space<hbm>>
      tpu.enqueue_dma source(%dma_start3A_301 : memref<1x64xf32, #tpu.memory_space<hbm>>) target(%dma_start3A_299 : memref<1x64xf32, #tpu.memory_space<vmem>>) target_semaphore(%arg14 : memref<!tpu.dma_semaphore, #tpu.memory_space<semaphore_mem>>)
      %slice3A_302 = vector.extract_strided_slice %get3A_147 {offsets = [6], sizes = [1], strides = [1]} : vector<16xi32> to vector<1xi32>
      %squeeze3A_303 = vector.extract %slice3A_302[0] : i32 from vector<1xi32>
      %add3A_304 = arith.constant 6 : i32
      %add3A_305 = arith.addi %mul3A_138, %add3A_304 : i32
      %dma_start3A_306 = arith.constant 0 : i32
      %dma_start3A_307 = tpu.memref_slice %arg12[%add3A_305, %dma_start3A_306] : memref<128x64xf32, #tpu.memory_space<vmem>> -> memref<1x64xf32, #tpu.memory_space<vmem>>
      %dma_start3A_308 = arith.constant 0 : i32
      %dma_start3A_309 = tpu.memref_slice %arg5[%squeeze3A_303, %dma_start3A_308] : memref<1000000x64xf32, #tpu.memory_space<hbm>> -> memref<1x64xf32, #tpu.memory_space<hbm>>
      %dma_start3A_310 = arith.constant 0 : i32
      %dma_start3A_311 = tpu.memref_slice %arg12[%add3A_305, %dma_start3A_310] : memref<128x64xf32, #tpu.memory_space<vmem>> -> memref<1x64xf32, #tpu.memory_space<vmem>>
      %dma_start3A_312 = arith.constant 0 : i32
      %dma_start3A_313 = tpu.memref_slice %arg5[%squeeze3A_303, %dma_start3A_312] : memref<1000000x64xf32, #tpu.memory_space<hbm>> -> memref<1x64xf32, #tpu.memory_space<hbm>>
      tpu.enqueue_dma source(%dma_start3A_313 : memref<1x64xf32, #tpu.memory_space<hbm>>) target(%dma_start3A_311 : memref<1x64xf32, #tpu.memory_space<vmem>>) target_semaphore(%arg16 : memref<!tpu.dma_semaphore, #tpu.memory_space<semaphore_mem>>)
      %slice3A_314 = vector.extract_strided_slice %get3A_142 {offsets = [7], sizes = [1], strides = [1]} : vector<16xi32> to vector<1xi32>
      %squeeze3A_315 = vector.extract %slice3A_314[0] : i32 from vector<1xi32>
      %add3A_316 = arith.constant 7 : i32
      %add3A_317 = arith.addi %mul3A_138, %add3A_316 : i32
      %dma_start3A_318 = arith.constant 0 : i32
      %dma_start3A_319 = tpu.memref_slice %arg10[%add3A_317, %dma_start3A_318] : memref<128x64xf32, #tpu.memory_space<vmem>> -> memref<1x64xf32, #tpu.memory_space<vmem>>
      %dma_start3A_320 = arith.constant 0 : i32
      %dma_start3A_321 = tpu.memref_slice %arg4[%squeeze3A_315, %dma_start3A_320] : memref<1000000x64xf32, #tpu.memory_space<hbm>> -> memref<1x64xf32, #tpu.memory_space<hbm>>
      %dma_start3A_322 = arith.constant 0 : i32
      %dma_start3A_323 = tpu.memref_slice %arg10[%add3A_317, %dma_start3A_322] : memref<128x64xf32, #tpu.memory_space<vmem>> -> memref<1x64xf32, #tpu.memory_space<vmem>>
      %dma_start3A_324 = arith.constant 0 : i32
      %dma_start3A_325 = tpu.memref_slice %arg4[%squeeze3A_315, %dma_start3A_324] : memref<1000000x64xf32, #tpu.memory_space<hbm>> -> memref<1x64xf32, #tpu.memory_space<hbm>>
      tpu.enqueue_dma source(%dma_start3A_325 : memref<1x64xf32, #tpu.memory_space<hbm>>) target(%dma_start3A_323 : memref<1x64xf32, #tpu.memory_space<vmem>>) target_semaphore(%arg14 : memref<!tpu.dma_semaphore, #tpu.memory_space<semaphore_mem>>)
      %slice3A_326 = vector.extract_strided_slice %get3A_147 {offsets = [7], sizes = [1], strides = [1]} : vector<16xi32> to vector<1xi32>
      %squeeze3A_327 = vector.extract %slice3A_326[0] : i32 from vector<1xi32>
      %add3A_328 = arith.constant 7 : i32
      %add3A_329 = arith.addi %mul3A_138, %add3A_328 : i32
      %dma_start3A_330 = arith.constant 0 : i32
      %dma_start3A_331 = tpu.memref_slice %arg12[%add3A_329, %dma_start3A_330] : memref<128x64xf32, #tpu.memory_space<vmem>> -> memref<1x64xf32, #tpu.memory_space<vmem>>
      %dma_start3A_332 = arith.constant 0 : i32
      %dma_start3A_333 = tpu.memref_slice %arg5[%squeeze3A_327, %dma_start3A_332] : memref<1000000x64xf32, #tpu.memory_space<hbm>> -> memref<1x64xf32, #tpu.memory_space<hbm>>
      %dma_start3A_334 = arith.constant 0 : i32
      %dma_start3A_335 = tpu.memref_slice %arg12[%add3A_329, %dma_start3A_334] : memref<128x64xf32, #tpu.memory_space<vmem>> -> memref<1x64xf32, #tpu.memory_space<vmem>>
      %dma_start3A_336 = arith.constant 0 : i32
      %dma_start3A_337 = tpu.memref_slice %arg5[%squeeze3A_327, %dma_start3A_336] : memref<1000000x64xf32, #tpu.memory_space<hbm>> -> memref<1x64xf32, #tpu.memory_space<hbm>>
      tpu.enqueue_dma source(%dma_start3A_337 : memref<1x64xf32, #tpu.memory_space<hbm>>) target(%dma_start3A_335 : memref<1x64xf32, #tpu.memory_space<vmem>>) target_semaphore(%arg16 : memref<!tpu.dma_semaphore, #tpu.memory_space<semaphore_mem>>)
      %slice3A_338 = vector.extract_strided_slice %get3A_142 {offsets = [8], sizes = [1], strides = [1]} : vector<16xi32> to vector<1xi32>
      %squeeze3A_339 = vector.extract %slice3A_338[0] : i32 from vector<1xi32>
      %add3A_340 = arith.constant 8 : i32
      %add3A_341 = arith.addi %mul3A_138, %add3A_340 : i32
      %dma_start3A_342 = arith.constant 0 : i32
      %dma_start3A_343 = tpu.memref_slice %arg10[%add3A_341, %dma_start3A_342] : memref<128x64xf32, #tpu.memory_space<vmem>> -> memref<1x64xf32, #tpu.memory_space<vmem>>
      %dma_start3A_344 = arith.constant 0 : i32
      %dma_start3A_345 = tpu.memref_slice %arg4[%squeeze3A_339, %dma_start3A_344] : memref<1000000x64xf32, #tpu.memory_space<hbm>> -> memref<1x64xf32, #tpu.memory_space<hbm>>
      %dma_start3A_346 = arith.constant 0 : i32
      %dma_start3A_347 = tpu.memref_slice %arg10[%add3A_341, %dma_start3A_346] : memref<128x64xf32, #tpu.memory_space<vmem>> -> memref<1x64xf32, #tpu.memory_space<vmem>>
      %dma_start3A_348 = arith.constant 0 : i32
      %dma_start3A_349 = tpu.memref_slice %arg4[%squeeze3A_339, %dma_start3A_348] : memref<1000000x64xf32, #tpu.memory_space<hbm>> -> memref<1x64xf32, #tpu.memory_space<hbm>>
      tpu.enqueue_dma source(%dma_start3A_349 : memref<1x64xf32, #tpu.memory_space<hbm>>) target(%dma_start3A_347 : memref<1x64xf32, #tpu.memory_space<vmem>>) target_semaphore(%arg14 : memref<!tpu.dma_semaphore, #tpu.memory_space<semaphore_mem>>)
      %slice3A_350 = vector.extract_strided_slice %get3A_147 {offsets = [8], sizes = [1], strides = [1]} : vector<16xi32> to vector<1xi32>
      %squeeze3A_351 = vector.extract %slice3A_350[0] : i32 from vector<1xi32>
      %add3A_352 = arith.constant 8 : i32
      %add3A_353 = arith.addi %mul3A_138, %add3A_352 : i32
      %dma_start3A_354 = arith.constant 0 : i32
      %dma_start3A_355 = tpu.memref_slice %arg12[%add3A_353, %dma_start3A_354] : memref<128x64xf32, #tpu.memory_space<vmem>> -> memref<1x64xf32, #tpu.memory_space<vmem>>
      %dma_start3A_356 = arith.constant 0 : i32
      %dma_start3A_357 = tpu.memref_slice %arg5[%squeeze3A_351, %dma_start3A_356] : memref<1000000x64xf32, #tpu.memory_space<hbm>> -> memref<1x64xf32, #tpu.memory_space<hbm>>
      %dma_start3A_358 = arith.constant 0 : i32
      %dma_start3A_359 = tpu.memref_slice %arg12[%add3A_353, %dma_start3A_358] : memref<128x64xf32, #tpu.memory_space<vmem>> -> memref<1x64xf32, #tpu.memory_space<vmem>>
      %dma_start3A_360 = arith.constant 0 : i32
      %dma_start3A_361 = tpu.memref_slice %arg5[%squeeze3A_351, %dma_start3A_360] : memref<1000000x64xf32, #tpu.memory_space<hbm>> -> memref<1x64xf32, #tpu.memory_space<hbm>>
      tpu.enqueue_dma source(%dma_start3A_361 : memref<1x64xf32, #tpu.memory_space<hbm>>) target(%dma_start3A_359 : memref<1x64xf32, #tpu.memory_space<vmem>>) target_semaphore(%arg16 : memref<!tpu.dma_semaphore, #tpu.memory_space<semaphore_mem>>)
      %slice3A_362 = vector.extract_strided_slice %get3A_142 {offsets = [9], sizes = [1], strides = [1]} : vector<16xi32> to vector<1xi32>
      %squeeze3A_363 = vector.extract %slice3A_362[0] : i32 from vector<1xi32>
      %add3A_364 = arith.constant 9 : i32
      %add3A_365 = arith.addi %mul3A_138, %add3A_364 : i32
      %dma_start3A_366 = arith.constant 0 : i32
      %dma_start3A_367 = tpu.memref_slice %arg10[%add3A_365, %dma_start3A_366] : memref<128x64xf32, #tpu.memory_space<vmem>> -> memref<1x64xf32, #tpu.memory_space<vmem>>
      %dma_start3A_368 = arith.constant 0 : i32
      %dma_start3A_369 = tpu.memref_slice %arg4[%squeeze3A_363, %dma_start3A_368] : memref<1000000x64xf32, #tpu.memory_space<hbm>> -> memref<1x64xf32, #tpu.memory_space<hbm>>
      %dma_start3A_370 = arith.constant 0 : i32
      %dma_start3A_371 = tpu.memref_slice %arg10[%add3A_365, %dma_start3A_370] : memref<128x64xf32, #tpu.memory_space<vmem>> -> memref<1x64xf32, #tpu.memory_space<vmem>>
      %dma_start3A_372 = arith.constant 0 : i32
      %dma_start3A_373 = tpu.memref_slice %arg4[%squeeze3A_363, %dma_start3A_372] : memref<1000000x64xf32, #tpu.memory_space<hbm>> -> memref<1x64xf32, #tpu.memory_space<hbm>>
      tpu.enqueue_dma source(%dma_start3A_373 : memref<1x64xf32, #tpu.memory_space<hbm>>) target(%dma_start3A_371 : memref<1x64xf32, #tpu.memory_space<vmem>>) target_semaphore(%arg14 : memref<!tpu.dma_semaphore, #tpu.memory_space<semaphore_mem>>)
      %slice3A_374 = vector.extract_strided_slice %get3A_147 {offsets = [9], sizes = [1], strides = [1]} : vector<16xi32> to vector<1xi32>
      %squeeze3A_375 = vector.extract %slice3A_374[0] : i32 from vector<1xi32>
      %add3A_376 = arith.constant 9 : i32
      %add3A_377 = arith.addi %mul3A_138, %add3A_376 : i32
      %dma_start3A_378 = arith.constant 0 : i32
      %dma_start3A_379 = tpu.memref_slice %arg12[%add3A_377, %dma_start3A_378] : memref<128x64xf32, #tpu.memory_space<vmem>> -> memref<1x64xf32, #tpu.memory_space<vmem>>
      %dma_start3A_380 = arith.constant 0 : i32
      %dma_start3A_381 = tpu.memref_slice %arg5[%squeeze3A_375, %dma_start3A_380] : memref<1000000x64xf32, #tpu.memory_space<hbm>> -> memref<1x64xf32, #tpu.memory_space<hbm>>
      %dma_start3A_382 = arith.constant 0 : i32
      %dma_start3A_383 = tpu.memref_slice %arg12[%add3A_377, %dma_start3A_382] : memref<128x64xf32, #tpu.memory_space<vmem>> -> memref<1x64xf32, #tpu.memory_space<vmem>>
      %dma_start3A_384 = arith.constant 0 : i32
      %dma_start3A_385 = tpu.memref_slice %arg5[%squeeze3A_375, %dma_start3A_384] : memref<1000000x64xf32, #tpu.memory_space<hbm>> -> memref<1x64xf32, #tpu.memory_space<hbm>>
      tpu.enqueue_dma source(%dma_start3A_385 : memref<1x64xf32, #tpu.memory_space<hbm>>) target(%dma_start3A_383 : memref<1x64xf32, #tpu.memory_space<vmem>>) target_semaphore(%arg16 : memref<!tpu.dma_semaphore, #tpu.memory_space<semaphore_mem>>)
      %slice3A_386 = vector.extract_strided_slice %get3A_142 {offsets = [10], sizes = [1], strides = [1]} : vector<16xi32> to vector<1xi32>
      %squeeze3A_387 = vector.extract %slice3A_386[0] : i32 from vector<1xi32>
      %add3A_388 = arith.constant 10 : i32
      %add3A_389 = arith.addi %mul3A_138, %add3A_388 : i32
      %dma_start3A_390 = arith.constant 0 : i32
      %dma_start3A_391 = tpu.memref_slice %arg10[%add3A_389, %dma_start3A_390] : memref<128x64xf32, #tpu.memory_space<vmem>> -> memref<1x64xf32, #tpu.memory_space<vmem>>
      %dma_start3A_392 = arith.constant 0 : i32
      %dma_start3A_393 = tpu.memref_slice %arg4[%squeeze3A_387, %dma_start3A_392] : memref<1000000x64xf32, #tpu.memory_space<hbm>> -> memref<1x64xf32, #tpu.memory_space<hbm>>
      %dma_start3A_394 = arith.constant 0 : i32
      %dma_start3A_395 = tpu.memref_slice %arg10[%add3A_389, %dma_start3A_394] : memref<128x64xf32, #tpu.memory_space<vmem>> -> memref<1x64xf32, #tpu.memory_space<vmem>>
      %dma_start3A_396 = arith.constant 0 : i32
      %dma_start3A_397 = tpu.memref_slice %arg4[%squeeze3A_387, %dma_start3A_396] : memref<1000000x64xf32, #tpu.memory_space<hbm>> -> memref<1x64xf32, #tpu.memory_space<hbm>>
      tpu.enqueue_dma source(%dma_start3A_397 : memref<1x64xf32, #tpu.memory_space<hbm>>) target(%dma_start3A_395 : memref<1x64xf32, #tpu.memory_space<vmem>>) target_semaphore(%arg14 : memref<!tpu.dma_semaphore, #tpu.memory_space<semaphore_mem>>)
      %slice3A_398 = vector.extract_strided_slice %get3A_147 {offsets = [10], sizes = [1], strides = [1]} : vector<16xi32> to vector<1xi32>
      %squeeze3A_399 = vector.extract %slice3A_398[0] : i32 from vector<1xi32>
      %add3A_400 = arith.constant 10 : i32
      %add3A_401 = arith.addi %mul3A_138, %add3A_400 : i32
      %dma_start3A_402 = arith.constant 0 : i32
      %dma_start3A_403 = tpu.memref_slice %arg12[%add3A_401, %dma_start3A_402] : memref<128x64xf32, #tpu.memory_space<vmem>> -> memref<1x64xf32, #tpu.memory_space<vmem>>
      %dma_start3A_404 = arith.constant 0 : i32
      %dma_start3A_405 = tpu.memref_slice %arg5[%squeeze3A_399, %dma_start3A_404] : memref<1000000x64xf32, #tpu.memory_space<hbm>> -> memref<1x64xf32, #tpu.memory_space<hbm>>
      %dma_start3A_406 = arith.constant 0 : i32
      %dma_start3A_407 = tpu.memref_slice %arg12[%add3A_401, %dma_start3A_406] : memref<128x64xf32, #tpu.memory_space<vmem>> -> memref<1x64xf32, #tpu.memory_space<vmem>>
      %dma_start3A_408 = arith.constant 0 : i32
      %dma_start3A_409 = tpu.memref_slice %arg5[%squeeze3A_399, %dma_start3A_408] : memref<1000000x64xf32, #tpu.memory_space<hbm>> -> memref<1x64xf32, #tpu.memory_space<hbm>>
      tpu.enqueue_dma source(%dma_start3A_409 : memref<1x64xf32, #tpu.memory_space<hbm>>) target(%dma_start3A_407 : memref<1x64xf32, #tpu.memory_space<vmem>>) target_semaphore(%arg16 : memref<!tpu.dma_semaphore, #tpu.memory_space<semaphore_mem>>)
      %slice3A_410 = vector.extract_strided_slice %get3A_142 {offsets = [11], sizes = [1], strides = [1]} : vector<16xi32> to vector<1xi32>
      %squeeze3A_411 = vector.extract %slice3A_410[0] : i32 from vector<1xi32>
      %add3A_412 = arith.constant 11 : i32
      %add3A_413 = arith.addi %mul3A_138, %add3A_412 : i32
      %dma_start3A_414 = arith.constant 0 : i32
      %dma_start3A_415 = tpu.memref_slice %arg10[%add3A_413, %dma_start3A_414] : memref<128x64xf32, #tpu.memory_space<vmem>> -> memref<1x64xf32, #tpu.memory_space<vmem>>
      %dma_start3A_416 = arith.constant 0 : i32
      %dma_start3A_417 = tpu.memref_slice %arg4[%squeeze3A_411, %dma_start3A_416] : memref<1000000x64xf32, #tpu.memory_space<hbm>> -> memref<1x64xf32, #tpu.memory_space<hbm>>
      %dma_start3A_418 = arith.constant 0 : i32
      %dma_start3A_419 = tpu.memref_slice %arg10[%add3A_413, %dma_start3A_418] : memref<128x64xf32, #tpu.memory_space<vmem>> -> memref<1x64xf32, #tpu.memory_space<vmem>>
      %dma_start3A_420 = arith.constant 0 : i32
      %dma_start3A_421 = tpu.memref_slice %arg4[%squeeze3A_411, %dma_start3A_420] : memref<1000000x64xf32, #tpu.memory_space<hbm>> -> memref<1x64xf32, #tpu.memory_space<hbm>>
      tpu.enqueue_dma source(%dma_start3A_421 : memref<1x64xf32, #tpu.memory_space<hbm>>) target(%dma_start3A_419 : memref<1x64xf32, #tpu.memory_space<vmem>>) target_semaphore(%arg14 : memref<!tpu.dma_semaphore, #tpu.memory_space<semaphore_mem>>)
      %slice3A_422 = vector.extract_strided_slice %get3A_147 {offsets = [11], sizes = [1], strides = [1]} : vector<16xi32> to vector<1xi32>
      %squeeze3A_423 = vector.extract %slice3A_422[0] : i32 from vector<1xi32>
      %add3A_424 = arith.constant 11 : i32
      %add3A_425 = arith.addi %mul3A_138, %add3A_424 : i32
      %dma_start3A_426 = arith.constant 0 : i32
      %dma_start3A_427 = tpu.memref_slice %arg12[%add3A_425, %dma_start3A_426] : memref<128x64xf32, #tpu.memory_space<vmem>> -> memref<1x64xf32, #tpu.memory_space<vmem>>
      %dma_start3A_428 = arith.constant 0 : i32
      %dma_start3A_429 = tpu.memref_slice %arg5[%squeeze3A_423, %dma_start3A_428] : memref<1000000x64xf32, #tpu.memory_space<hbm>> -> memref<1x64xf32, #tpu.memory_space<hbm>>
      %dma_start3A_430 = arith.constant 0 : i32
      %dma_start3A_431 = tpu.memref_slice %arg12[%add3A_425, %dma_start3A_430] : memref<128x64xf32, #tpu.memory_space<vmem>> -> memref<1x64xf32, #tpu.memory_space<vmem>>
      %dma_start3A_432 = arith.constant 0 : i32
      %dma_start3A_433 = tpu.memref_slice %arg5[%squeeze3A_423, %dma_start3A_432] : memref<1000000x64xf32, #tpu.memory_space<hbm>> -> memref<1x64xf32, #tpu.memory_space<hbm>>
      tpu.enqueue_dma source(%dma_start3A_433 : memref<1x64xf32, #tpu.memory_space<hbm>>) target(%dma_start3A_431 : memref<1x64xf32, #tpu.memory_space<vmem>>) target_semaphore(%arg16 : memref<!tpu.dma_semaphore, #tpu.memory_space<semaphore_mem>>)
      %slice3A_434 = vector.extract_strided_slice %get3A_142 {offsets = [12], sizes = [1], strides = [1]} : vector<16xi32> to vector<1xi32>
      %squeeze3A_435 = vector.extract %slice3A_434[0] : i32 from vector<1xi32>
      %add3A_436 = arith.constant 12 : i32
      %add3A_437 = arith.addi %mul3A_138, %add3A_436 : i32
      %dma_start3A_438 = arith.constant 0 : i32
      %dma_start3A_439 = tpu.memref_slice %arg10[%add3A_437, %dma_start3A_438] : memref<128x64xf32, #tpu.memory_space<vmem>> -> memref<1x64xf32, #tpu.memory_space<vmem>>
      %dma_start3A_440 = arith.constant 0 : i32
      %dma_start3A_441 = tpu.memref_slice %arg4[%squeeze3A_435, %dma_start3A_440] : memref<1000000x64xf32, #tpu.memory_space<hbm>> -> memref<1x64xf32, #tpu.memory_space<hbm>>
      %dma_start3A_442 = arith.constant 0 : i32
      %dma_start3A_443 = tpu.memref_slice %arg10[%add3A_437, %dma_start3A_442] : memref<128x64xf32, #tpu.memory_space<vmem>> -> memref<1x64xf32, #tpu.memory_space<vmem>>
      %dma_start3A_444 = arith.constant 0 : i32
      %dma_start3A_445 = tpu.memref_slice %arg4[%squeeze3A_435, %dma_start3A_444] : memref<1000000x64xf32, #tpu.memory_space<hbm>> -> memref<1x64xf32, #tpu.memory_space<hbm>>
      tpu.enqueue_dma source(%dma_start3A_445 : memref<1x64xf32, #tpu.memory_space<hbm>>) target(%dma_start3A_443 : memref<1x64xf32, #tpu.memory_space<vmem>>) target_semaphore(%arg14 : memref<!tpu.dma_semaphore, #tpu.memory_space<semaphore_mem>>)
      %slice3A_446 = vector.extract_strided_slice %get3A_147 {offsets = [12], sizes = [1], strides = [1]} : vector<16xi32> to vector<1xi32>
      %squeeze3A_447 = vector.extract %slice3A_446[0] : i32 from vector<1xi32>
      %add3A_448 = arith.constant 12 : i32
      %add3A_449 = arith.addi %mul3A_138, %add3A_448 : i32
      %dma_start3A_450 = arith.constant 0 : i32
      %dma_start3A_451 = tpu.memref_slice %arg12[%add3A_449, %dma_start3A_450] : memref<128x64xf32, #tpu.memory_space<vmem>> -> memref<1x64xf32, #tpu.memory_space<vmem>>
      %dma_start3A_452 = arith.constant 0 : i32
      %dma_start3A_453 = tpu.memref_slice %arg5[%squeeze3A_447, %dma_start3A_452] : memref<1000000x64xf32, #tpu.memory_space<hbm>> -> memref<1x64xf32, #tpu.memory_space<hbm>>
      %dma_start3A_454 = arith.constant 0 : i32
      %dma_start3A_455 = tpu.memref_slice %arg12[%add3A_449, %dma_start3A_454] : memref<128x64xf32, #tpu.memory_space<vmem>> -> memref<1x64xf32, #tpu.memory_space<vmem>>
      %dma_start3A_456 = arith.constant 0 : i32
      %dma_start3A_457 = tpu.memref_slice %arg5[%squeeze3A_447, %dma_start3A_456] : memref<1000000x64xf32, #tpu.memory_space<hbm>> -> memref<1x64xf32, #tpu.memory_space<hbm>>
      tpu.enqueue_dma source(%dma_start3A_457 : memref<1x64xf32, #tpu.memory_space<hbm>>) target(%dma_start3A_455 : memref<1x64xf32, #tpu.memory_space<vmem>>) target_semaphore(%arg16 : memref<!tpu.dma_semaphore, #tpu.memory_space<semaphore_mem>>)
      %slice3A_458 = vector.extract_strided_slice %get3A_142 {offsets = [13], sizes = [1], strides = [1]} : vector<16xi32> to vector<1xi32>
      %squeeze3A_459 = vector.extract %slice3A_458[0] : i32 from vector<1xi32>
      %add3A_460 = arith.constant 13 : i32
      %add3A_461 = arith.addi %mul3A_138, %add3A_460 : i32
      %dma_start3A_462 = arith.constant 0 : i32
      %dma_start3A_463 = tpu.memref_slice %arg10[%add3A_461, %dma_start3A_462] : memref<128x64xf32, #tpu.memory_space<vmem>> -> memref<1x64xf32, #tpu.memory_space<vmem>>
      %dma_start3A_464 = arith.constant 0 : i32
      %dma_start3A_465 = tpu.memref_slice %arg4[%squeeze3A_459, %dma_start3A_464] : memref<1000000x64xf32, #tpu.memory_space<hbm>> -> memref<1x64xf32, #tpu.memory_space<hbm>>
      %dma_start3A_466 = arith.constant 0 : i32
      %dma_start3A_467 = tpu.memref_slice %arg10[%add3A_461, %dma_start3A_466] : memref<128x64xf32, #tpu.memory_space<vmem>> -> memref<1x64xf32, #tpu.memory_space<vmem>>
      %dma_start3A_468 = arith.constant 0 : i32
      %dma_start3A_469 = tpu.memref_slice %arg4[%squeeze3A_459, %dma_start3A_468] : memref<1000000x64xf32, #tpu.memory_space<hbm>> -> memref<1x64xf32, #tpu.memory_space<hbm>>
      tpu.enqueue_dma source(%dma_start3A_469 : memref<1x64xf32, #tpu.memory_space<hbm>>) target(%dma_start3A_467 : memref<1x64xf32, #tpu.memory_space<vmem>>) target_semaphore(%arg14 : memref<!tpu.dma_semaphore, #tpu.memory_space<semaphore_mem>>)
      %slice3A_470 = vector.extract_strided_slice %get3A_147 {offsets = [13], sizes = [1], strides = [1]} : vector<16xi32> to vector<1xi32>
      %squeeze3A_471 = vector.extract %slice3A_470[0] : i32 from vector<1xi32>
      %add3A_472 = arith.constant 13 : i32
      %add3A_473 = arith.addi %mul3A_138, %add3A_472 : i32
      %dma_start3A_474 = arith.constant 0 : i32
      %dma_start3A_475 = tpu.memref_slice %arg12[%add3A_473, %dma_start3A_474] : memref<128x64xf32, #tpu.memory_space<vmem>> -> memref<1x64xf32, #tpu.memory_space<vmem>>
      %dma_start3A_476 = arith.constant 0 : i32
      %dma_start3A_477 = tpu.memref_slice %arg5[%squeeze3A_471, %dma_start3A_476] : memref<1000000x64xf32, #tpu.memory_space<hbm>> -> memref<1x64xf32, #tpu.memory_space<hbm>>
      %dma_start3A_478 = arith.constant 0 : i32
      %dma_start3A_479 = tpu.memref_slice %arg12[%add3A_473, %dma_start3A_478] : memref<128x64xf32, #tpu.memory_space<vmem>> -> memref<1x64xf32, #tpu.memory_space<vmem>>
      %dma_start3A_480 = arith.constant 0 : i32
      %dma_start3A_481 = tpu.memref_slice %arg5[%squeeze3A_471, %dma_start3A_480] : memref<1000000x64xf32, #tpu.memory_space<hbm>> -> memref<1x64xf32, #tpu.memory_space<hbm>>
      tpu.enqueue_dma source(%dma_start3A_481 : memref<1x64xf32, #tpu.memory_space<hbm>>) target(%dma_start3A_479 : memref<1x64xf32, #tpu.memory_space<vmem>>) target_semaphore(%arg16 : memref<!tpu.dma_semaphore, #tpu.memory_space<semaphore_mem>>)
      %slice3A_482 = vector.extract_strided_slice %get3A_142 {offsets = [14], sizes = [1], strides = [1]} : vector<16xi32> to vector<1xi32>
      %squeeze3A_483 = vector.extract %slice3A_482[0] : i32 from vector<1xi32>
      %add3A_484 = arith.constant 14 : i32
      %add3A_485 = arith.addi %mul3A_138, %add3A_484 : i32
      %dma_start3A_486 = arith.constant 0 : i32
      %dma_start3A_487 = tpu.memref_slice %arg10[%add3A_485, %dma_start3A_486] : memref<128x64xf32, #tpu.memory_space<vmem>> -> memref<1x64xf32, #tpu.memory_space<vmem>>
      %dma_start3A_488 = arith.constant 0 : i32
      %dma_start3A_489 = tpu.memref_slice %arg4[%squeeze3A_483, %dma_start3A_488] : memref<1000000x64xf32, #tpu.memory_space<hbm>> -> memref<1x64xf32, #tpu.memory_space<hbm>>
      %dma_start3A_490 = arith.constant 0 : i32
      %dma_start3A_491 = tpu.memref_slice %arg10[%add3A_485, %dma_start3A_490] : memref<128x64xf32, #tpu.memory_space<vmem>> -> memref<1x64xf32, #tpu.memory_space<vmem>>
      %dma_start3A_492 = arith.constant 0 : i32
      %dma_start3A_493 = tpu.memref_slice %arg4[%squeeze3A_483, %dma_start3A_492] : memref<1000000x64xf32, #tpu.memory_space<hbm>> -> memref<1x64xf32, #tpu.memory_space<hbm>>
      tpu.enqueue_dma source(%dma_start3A_493 : memref<1x64xf32, #tpu.memory_space<hbm>>) target(%dma_start3A_491 : memref<1x64xf32, #tpu.memory_space<vmem>>) target_semaphore(%arg14 : memref<!tpu.dma_semaphore, #tpu.memory_space<semaphore_mem>>)
      %slice3A_494 = vector.extract_strided_slice %get3A_147 {offsets = [14], sizes = [1], strides = [1]} : vector<16xi32> to vector<1xi32>
      %squeeze3A_495 = vector.extract %slice3A_494[0] : i32 from vector<1xi32>
      %add3A_496 = arith.constant 14 : i32
      %add3A_497 = arith.addi %mul3A_138, %add3A_496 : i32
      %dma_start3A_498 = arith.constant 0 : i32
      %dma_start3A_499 = tpu.memref_slice %arg12[%add3A_497, %dma_start3A_498] : memref<128x64xf32, #tpu.memory_space<vmem>> -> memref<1x64xf32, #tpu.memory_space<vmem>>
      %dma_start3A_500 = arith.constant 0 : i32
      %dma_start3A_501 = tpu.memref_slice %arg5[%squeeze3A_495, %dma_start3A_500] : memref<1000000x64xf32, #tpu.memory_space<hbm>> -> memref<1x64xf32, #tpu.memory_space<hbm>>
      %dma_start3A_502 = arith.constant 0 : i32
      %dma_start3A_503 = tpu.memref_slice %arg12[%add3A_497, %dma_start3A_502] : memref<128x64xf32, #tpu.memory_space<vmem>> -> memref<1x64xf32, #tpu.memory_space<vmem>>
      %dma_start3A_504 = arith.constant 0 : i32
      %dma_start3A_505 = tpu.memref_slice %arg5[%squeeze3A_495, %dma_start3A_504] : memref<1000000x64xf32, #tpu.memory_space<hbm>> -> memref<1x64xf32, #tpu.memory_space<hbm>>
      tpu.enqueue_dma source(%dma_start3A_505 : memref<1x64xf32, #tpu.memory_space<hbm>>) target(%dma_start3A_503 : memref<1x64xf32, #tpu.memory_space<vmem>>) target_semaphore(%arg16 : memref<!tpu.dma_semaphore, #tpu.memory_space<semaphore_mem>>)
      %slice3A_506 = vector.extract_strided_slice %get3A_142 {offsets = [15], sizes = [1], strides = [1]} : vector<16xi32> to vector<1xi32>
      %squeeze3A_507 = vector.extract %slice3A_506[0] : i32 from vector<1xi32>
      %add3A_508 = arith.constant 15 : i32
      %add3A_509 = arith.addi %mul3A_138, %add3A_508 : i32
      %dma_start3A_510 = arith.constant 0 : i32
      %dma_start3A_511 = tpu.memref_slice %arg10[%add3A_509, %dma_start3A_510] : memref<128x64xf32, #tpu.memory_space<vmem>> -> memref<1x64xf32, #tpu.memory_space<vmem>>
      %dma_start3A_512 = arith.constant 0 : i32
      %dma_start3A_513 = tpu.memref_slice %arg4[%squeeze3A_507, %dma_start3A_512] : memref<1000000x64xf32, #tpu.memory_space<hbm>> -> memref<1x64xf32, #tpu.memory_space<hbm>>
      %dma_start3A_514 = arith.constant 0 : i32
      %dma_start3A_515 = tpu.memref_slice %arg10[%add3A_509, %dma_start3A_514] : memref<128x64xf32, #tpu.memory_space<vmem>> -> memref<1x64xf32, #tpu.memory_space<vmem>>
      %dma_start3A_516 = arith.constant 0 : i32
      %dma_start3A_517 = tpu.memref_slice %arg4[%squeeze3A_507, %dma_start3A_516] : memref<1000000x64xf32, #tpu.memory_space<hbm>> -> memref<1x64xf32, #tpu.memory_space<hbm>>
      tpu.enqueue_dma source(%dma_start3A_517 : memref<1x64xf32, #tpu.memory_space<hbm>>) target(%dma_start3A_515 : memref<1x64xf32, #tpu.memory_space<vmem>>) target_semaphore(%arg14 : memref<!tpu.dma_semaphore, #tpu.memory_space<semaphore_mem>>)
      %slice3A_518 = vector.extract_strided_slice %get3A_147 {offsets = [15], sizes = [1], strides = [1]} : vector<16xi32> to vector<1xi32>
      %squeeze3A_519 = vector.extract %slice3A_518[0] : i32 from vector<1xi32>
      %add3A_520 = arith.constant 15 : i32
      %add3A_521 = arith.addi %mul3A_138, %add3A_520 : i32
      %dma_start3A_522 = arith.constant 0 : i32
      %dma_start3A_523 = tpu.memref_slice %arg12[%add3A_521, %dma_start3A_522] : memref<128x64xf32, #tpu.memory_space<vmem>> -> memref<1x64xf32, #tpu.memory_space<vmem>>
      %dma_start3A_524 = arith.constant 0 : i32
      %dma_start3A_525 = tpu.memref_slice %arg5[%squeeze3A_519, %dma_start3A_524] : memref<1000000x64xf32, #tpu.memory_space<hbm>> -> memref<1x64xf32, #tpu.memory_space<hbm>>
      %dma_start3A_526 = arith.constant 0 : i32
      %dma_start3A_527 = tpu.memref_slice %arg12[%add3A_521, %dma_start3A_526] : memref<128x64xf32, #tpu.memory_space<vmem>> -> memref<1x64xf32, #tpu.memory_space<vmem>>
      %dma_start3A_528 = arith.constant 0 : i32
      %dma_start3A_529 = tpu.memref_slice %arg5[%squeeze3A_519, %dma_start3A_528] : memref<1000000x64xf32, #tpu.memory_space<hbm>> -> memref<1x64xf32, #tpu.memory_space<hbm>>
      tpu.enqueue_dma source(%dma_start3A_529 : memref<1x64xf32, #tpu.memory_space<hbm>>) target(%dma_start3A_527 : memref<1x64xf32, #tpu.memory_space<vmem>>) target_semaphore(%arg16 : memref<!tpu.dma_semaphore, #tpu.memory_space<semaphore_mem>>)
    }
    %scan3A_24 = arith.constant 8 : i32
    %scan3A_25 = arith.constant 0 : i32
    %scan3A_26 = arith.constant 0 : i32
    %scan3A_27 = arith.constant 128 : i32
    %scan3A_28 = arith.addi %scan3A_26, %scan3A_27 : i32
    %scan3A_29 = arith.constant 1 : i32
    scf.for %scan3A_136 = %scan3A_26 to %scan3A_28 step %scan3A_29  : i32 {
      %get3A = arith.index_cast %scan3A_136 : i32 to index
      %get3A_137 = arith.constant 0 : index
      %get3A_138 = tpu.vector_load %arg9[%get3A, %get3A_137] {strides = array<i32>} : memref<128x64xf32, #tpu.memory_space<vmem>>, vector<1x16xf32>,
      %get3A_139 = vector.shape_cast %get3A_138 : vector<1x16xf32> to vector<16xf32>
      %get3A_140 = arith.index_cast %scan3A_136 : i32 to index
      %get3A_141 = arith.constant 0 : index
      %get3A_142 = tpu.vector_load %arg11[%get3A_140, %get3A_141] {strides = array<i32>} : memref<128x64xf32, #tpu.memory_space<vmem>>, vector<1x16xf32>,
      %get3A_143 = vector.shape_cast %get3A_142 : vector<1x16xf32> to vector<16xf32>
      %mul3A_144 = arith.mulf %get3A_139, %get3A_143 : vector<16xf32>
      %abs3A = math.absf %mul3A_144 : vector<16xf32>
      %div3A = arith.divf %mul3A_144, %abs3A : vector<16xf32>
      %swap3A = arith.index_cast %scan3A_136 : i32 to index
      %swap3A_145 = arith.constant 0 : index
      %swap3A_146 = tpu.vector_load %arg9[%swap3A, %swap3A_145] {strides = array<i32>} : memref<128x64xf32, #tpu.memory_space<vmem>>, vector<1x16xf32>,
      %swap3A_147 = vector.shape_cast %swap3A_146 : vector<1x16xf32> to vector<16xf32>
      %swap3A_148 = vector.shape_cast %div3A : vector<16xf32> to vector<1x16xf32>
      tpu.vector_store %arg9[%swap3A, %swap3A_145], %swap3A_148 {strides = array<i32>} : memref<128x64xf32, #tpu.memory_space<vmem>>, vector<1x16xf32>,
      %get3A_149 = arith.index_cast %scan3A_136 : i32 to index
      %get3A_150 = arith.constant 16 : index
      %get3A_151 = tpu.vector_load %arg9[%get3A_149, %get3A_150] {strides = array<i32>} : memref<128x64xf32, #tpu.memory_space<vmem>>, vector<1x16xf32>,
      %get3A_152 = vector.shape_cast %get3A_151 : vector<1x16xf32> to vector<16xf32>
      %get3A_153 = arith.index_cast %scan3A_136 : i32 to index
      %get3A_154 = arith.constant 16 : index
      %get3A_155 = tpu.vector_load %arg11[%get3A_153, %get3A_154] {strides = array<i32>} : memref<128x64xf32, #tpu.memory_space<vmem>>, vector<1x16xf32>,
      %get3A_156 = vector.shape_cast %get3A_155 : vector<1x16xf32> to vector<16xf32>
      %mul3A_157 = arith.mulf %get3A_152, %get3A_156 : vector<16xf32>
      %abs3A_158 = math.absf %mul3A_157 : vector<16xf32>
      %div3A_159 = arith.divf %mul3A_157, %abs3A_158 : vector<16xf32>
      %swap3A_160 = arith.index_cast %scan3A_136 : i32 to index
      %swap3A_161 = arith.constant 16 : index
      %swap3A_162 = tpu.vector_load %arg9[%swap3A_160, %swap3A_161] {strides = array<i32>} : memref<128x64xf32, #tpu.memory_space<vmem>>, vector<1x16xf32>,
      %swap3A_163 = vector.shape_cast %swap3A_162 : vector<1x16xf32> to vector<16xf32>
      %swap3A_164 = vector.shape_cast %div3A_159 : vector<16xf32> to vector<1x16xf32>
      tpu.vector_store %arg9[%swap3A_160, %swap3A_161], %swap3A_164 {strides = array<i32>} : memref<128x64xf32, #tpu.memory_space<vmem>>, vector<1x16xf32>,
      %get3A_165 = arith.index_cast %scan3A_136 : i32 to index
      %get3A_166 = arith.constant 32 : index
      %get3A_167 = tpu.vector_load %arg9[%get3A_165, %get3A_166] {strides = array<i32>} : memref<128x64xf32, #tpu.memory_space<vmem>>, vector<1x16xf32>,
      %get3A_168 = vector.shape_cast %get3A_167 : vector<1x16xf32> to vector<16xf32>
      %get3A_169 = arith.index_cast %scan3A_136 : i32 to index
      %get3A_170 = arith.constant 32 : index
      %get3A_171 = tpu.vector_load %arg11[%get3A_169, %get3A_170] {strides = array<i32>} : memref<128x64xf32, #tpu.memory_space<vmem>>, vector<1x16xf32>,
      %get3A_172 = vector.shape_cast %get3A_171 : vector<1x16xf32> to vector<16xf32>
      %mul3A_173 = arith.mulf %get3A_168, %get3A_172 : vector<16xf32>
      %abs3A_174 = math.absf %mul3A_173 : vector<16xf32>
      %div3A_175 = arith.divf %mul3A_173, %abs3A_174 : vector<16xf32>
      %swap3A_176 = arith.index_cast %scan3A_136 : i32 to index
      %swap3A_177 = arith.constant 32 : index
      %swap3A_178 = tpu.vector_load %arg9[%swap3A_176, %swap3A_177] {strides = array<i32>} : memref<128x64xf32, #tpu.memory_space<vmem>>, vector<1x16xf32>,
      %swap3A_179 = vector.shape_cast %swap3A_178 : vector<1x16xf32> to vector<16xf32>
      %swap3A_180 = vector.shape_cast %div3A_175 : vector<16xf32> to vector<1x16xf32>
      tpu.vector_store %arg9[%swap3A_176, %swap3A_177], %swap3A_180 {strides = array<i32>} : memref<128x64xf32, #tpu.memory_space<vmem>>, vector<1x16xf32>,
      %get3A_181 = arith.index_cast %scan3A_136 : i32 to index
      %get3A_182 = arith.constant 48 : index
      %get3A_183 = tpu.vector_load %arg9[%get3A_181, %get3A_182] {strides = array<i32>} : memref<128x64xf32, #tpu.memory_space<vmem>>, vector<1x16xf32>,
      %get3A_184 = vector.shape_cast %get3A_183 : vector<1x16xf32> to vector<16xf32>
      %get3A_185 = arith.index_cast %scan3A_136 : i32 to index
      %get3A_186 = arith.constant 48 : index
      %get3A_187 = tpu.vector_load %arg11[%get3A_185, %get3A_186] {strides = array<i32>} : memref<128x64xf32, #tpu.memory_space<vmem>>, vector<1x16xf32>,
      %get3A_188 = vector.shape_cast %get3A_187 : vector<1x16xf32> to vector<16xf32>
      %mul3A_189 = arith.mulf %get3A_184, %get3A_188 : vector<16xf32>
      %abs3A_190 = math.absf %mul3A_189 : vector<16xf32>
      %div3A_191 = arith.divf %mul3A_189, %abs3A_190 : vector<16xf32>
      %swap3A_192 = arith.index_cast %scan3A_136 : i32 to index
      %swap3A_193 = arith.constant 48 : index
      %swap3A_194 = tpu.vector_load %arg9[%swap3A_192, %swap3A_193] {strides = array<i32>} : memref<128x64xf32, #tpu.memory_space<vmem>>, vector<1x16xf32>,
      %swap3A_195 = vector.shape_cast %swap3A_194 : vector<1x16xf32> to vector<16xf32>
      %swap3A_196 = vector.shape_cast %div3A_191 : vector<16xf32> to vector<1x16xf32>
      tpu.vector_store %arg9[%swap3A_192, %swap3A_193], %swap3A_196 {strides = array<i32>} : memref<128x64xf32, #tpu.memory_space<vmem>>, vector<1x16xf32>,
    }
    %scan3A_30 = arith.constant 128 : i32
    %add3A_31 = arith.constant 0 : i32
    %add3A_32 = arith.addi %mul3A_2, %add3A_31 : i32
    %dma_start3A = arith.constant 0 : i32
    %dma_start3A_33 = tpu.memref_slice %arg6[%add3A_32, %dma_start3A] : memref<16384x64xf32, #tpu.memory_space<hbm>> -> memref<128x64xf32, #tpu.memory_space<hbm>>
    %dma_start3A_34 = arith.constant 0 : i32
    %dma_start3A_35 = tpu.memref_slice %arg6[%add3A_32, %dma_start3A_34] : memref<16384x64xf32, #tpu.memory_space<hbm>> -> memref<128x64xf32, #tpu.memory_space<hbm>>
    tpu.enqueue_dma source(%arg9 : memref<128x64xf32, #tpu.memory_space<vmem>>) target(%dma_start3A_35 : memref<128x64xf32, #tpu.memory_space<hbm>>) target_semaphore(%arg17 : memref<!tpu.dma_semaphore, #tpu.memory_space<semaphore_mem>>)
    %dma_wait3A_36 = arith.constant 0 : i32
    %dma_wait3A_37 = tpu.memref_slice %arg6[%add3A_32, %dma_wait3A_36] : memref<16384x64xf32, #tpu.memory_space<hbm>> -> memref<128x64xf32, #tpu.memory_space<hbm>>
    %dma_wait3A_38 = arith.constant 0 : i32
    %dma_wait3A_39 = tpu.memref_slice %arg6[%add3A_32, %dma_wait3A_38] : memref<16384x64xf32, #tpu.memory_space<hbm>> -> memref<128x64xf32, #tpu.memory_space<hbm>>
    tpu.wait_dma2 semaphore(%arg17 : memref<!tpu.dma_semaphore, #tpu.memory_space<semaphore_mem>>) src(%arg9 : memref<128x64xf32, #tpu.memory_space<vmem>>) dst(%dma_wait3A_39 : memref<128x64xf32, #tpu.memory_space<hbm>>)
    %dma_wait3A_40 = arith.constant 0 : i32
    %dma_wait3A_41 = arith.constant 0 : i32
    %dma_wait3A_42 = tpu.memref_slice %arg4[%dma_wait3A_40, %dma_wait3A_41] : memref<1000000x64xf32, #tpu.memory_space<hbm>> -> memref<128x64xf32, #tpu.memory_space<hbm>>
    %dma_wait3A_43 = arith.constant 0 : i32
    %dma_wait3A_44 = arith.constant 0 : i32
    %dma_wait3A_45 = tpu.memref_slice %arg4[%dma_wait3A_43, %dma_wait3A_44] : memref<1000000x64xf32, #tpu.memory_space<hbm>> -> memref<128x64xf32, #tpu.memory_space<hbm>>
    tpu.wait_dma2 semaphore(%arg14 : memref<!tpu.dma_semaphore, #tpu.memory_space<semaphore_mem>>) src(%dma_wait3A_45 : memref<128x64xf32, #tpu.memory_space<hbm>>) dst(%arg10 : memref<128x64xf32, #tpu.memory_space<vmem>>)
    %dma_wait3A_46 = arith.constant 0 : i32
    %dma_wait3A_47 = arith.constant 0 : i32
    %dma_wait3A_48 = tpu.memref_slice %arg5[%dma_wait3A_46, %dma_wait3A_47] : memref<1000000x64xf32, #tpu.memory_space<hbm>> -> memref<128x64xf32, #tpu.memory_space<hbm>>
    %dma_wait3A_49 = arith.constant 0 : i32
    %dma_wait3A_50 = arith.constant 0 : i32
    %dma_wait3A_51 = tpu.memref_slice %arg5[%dma_wait3A_49, %dma_wait3A_50] : memref<1000000x64xf32, #tpu.memory_space<hbm>> -> memref<128x64xf32, #tpu.memory_space<hbm>>
    tpu.wait_dma2 semaphore(%arg16 : memref<!tpu.dma_semaphore, #tpu.memory_space<semaphore_mem>>) src(%dma_wait3A_51 : memref<128x64xf32, #tpu.memory_space<hbm>>) dst(%arg12 : memref<128x64xf32, #tpu.memory_space<vmem>>)
    %scan3A_52 = arith.constant 0 : i32
    %scan3A_53 = arith.constant 0 : i32
    %scan3A_54 = arith.constant 8 : i32
    %scan3A_55 = arith.addi %scan3A_53, %scan3A_54 : i32
    %scan3A_56 = arith.constant 1 : i32
    scf.for %scan3A_136 = %scan3A_53 to %scan3A_55 step %scan3A_56  : i32 {
      %mul3A_137 = arith.constant 16 : i32
      %mul3A_138 = arith.muli %scan3A_136, %mul3A_137 : i32
      %add3A_139 = arith.constant 256 : i32
      %add3A_140 = arith.addi %add3A_139, %mul3A_138 : i32
      %get3A = arith.index_cast %add3A_140 : i32 to index
      %get3A_141 = tpu.vector_load %arg7[%get3A] {strides = array<i32>} : memref<512xi32, #tpu.memory_space<vmem>>, vector<16xi32>,
      %get3A_142 = vector.shape_cast %get3A_141 : vector<16xi32> to vector<16xi32>
      %add3A_143 = arith.constant 256 : i32
      %add3A_144 = arith.addi %add3A_143, %mul3A_138 : i32
      %get3A_145 = arith.index_cast %add3A_144 : i32 to index
      %get3A_146 = tpu.vector_load %arg8[%get3A_145] {strides = array<i32>} : memref<512xi32, #tpu.memory_space<vmem>>, vector<16xi32>,
      %get3A_147 = vector.shape_cast %get3A_146 : vector<16xi32> to vector<16xi32>
      %slice3A = vector.extract_strided_slice %get3A_142 {offsets = [0], sizes = [1], strides = [1]} : vector<16xi32> to vector<1xi32>
      %squeeze3A = vector.extract %slice3A[0] : i32 from vector<1xi32>
      %add3A_148 = arith.constant 0 : i32
      %add3A_149 = arith.addi %mul3A_138, %add3A_148 : i32
      %dma_start3A_150 = arith.constant 0 : i32
      %dma_start3A_151 = tpu.memref_slice %arg9[%add3A_149, %dma_start3A_150] : memref<128x64xf32, #tpu.memory_space<vmem>> -> memref<1x64xf32, #tpu.memory_space<vmem>>
      %dma_start3A_152 = arith.constant 0 : i32
      %dma_start3A_153 = tpu.memref_slice %arg4[%squeeze3A, %dma_start3A_152] : memref<1000000x64xf32, #tpu.memory_space<hbm>> -> memref<1x64xf32, #tpu.memory_space<hbm>>
      %dma_start3A_154 = arith.constant 0 : i32
      %dma_start3A_155 = tpu.memref_slice %arg9[%add3A_149, %dma_start3A_154] : memref<128x64xf32, #tpu.memory_space<vmem>> -> memref<1x64xf32, #tpu.memory_space<vmem>>
      %dma_start3A_156 = arith.constant 0 : i32
      %dma_start3A_157 = tpu.memref_slice %arg4[%squeeze3A, %dma_start3A_156] : memref<1000000x64xf32, #tpu.memory_space<hbm>> -> memref<1x64xf32, #tpu.memory_space<hbm>>
      tpu.enqueue_dma source(%dma_start3A_157 : memref<1x64xf32, #tpu.memory_space<hbm>>) target(%dma_start3A_155 : memref<1x64xf32, #tpu.memory_space<vmem>>) target_semaphore(%arg13 : memref<!tpu.dma_semaphore, #tpu.memory_space<semaphore_mem>>)
      %slice3A_158 = vector.extract_strided_slice %get3A_147 {offsets = [0], sizes = [1], strides = [1]} : vector<16xi32> to vector<1xi32>
      %squeeze3A_159 = vector.extract %slice3A_158[0] : i32 from vector<1xi32>
      %add3A_160 = arith.constant 0 : i32
      %add3A_161 = arith.addi %mul3A_138, %add3A_160 : i32
      %dma_start3A_162 = arith.constant 0 : i32
      %dma_start3A_163 = tpu.memref_slice %arg11[%add3A_161, %dma_start3A_162] : memref<128x64xf32, #tpu.memory_space<vmem>> -> memref<1x64xf32, #tpu.memory_space<vmem>>
      %dma_start3A_164 = arith.constant 0 : i32
      %dma_start3A_165 = tpu.memref_slice %arg5[%squeeze3A_159, %dma_start3A_164] : memref<1000000x64xf32, #tpu.memory_space<hbm>> -> memref<1x64xf32, #tpu.memory_space<hbm>>
      %dma_start3A_166 = arith.constant 0 : i32
      %dma_start3A_167 = tpu.memref_slice %arg11[%add3A_161, %dma_start3A_166] : memref<128x64xf32, #tpu.memory_space<vmem>> -> memref<1x64xf32, #tpu.memory_space<vmem>>
      %dma_start3A_168 = arith.constant 0 : i32
      %dma_start3A_169 = tpu.memref_slice %arg5[%squeeze3A_159, %dma_start3A_168] : memref<1000000x64xf32, #tpu.memory_space<hbm>> -> memref<1x64xf32, #tpu.memory_space<hbm>>
      tpu.enqueue_dma source(%dma_start3A_169 : memref<1x64xf32, #tpu.memory_space<hbm>>) target(%dma_start3A_167 : memref<1x64xf32, #tpu.memory_space<vmem>>) target_semaphore(%arg15 : memref<!tpu.dma_semaphore, #tpu.memory_space<semaphore_mem>>)
      %slice3A_170 = vector.extract_strided_slice %get3A_142 {offsets = [1], sizes = [1], strides = [1]} : vector<16xi32> to vector<1xi32>
      %squeeze3A_171 = vector.extract %slice3A_170[0] : i32 from vector<1xi32>
      %add3A_172 = arith.constant 1 : i32
      %add3A_173 = arith.addi %mul3A_138, %add3A_172 : i32
      %dma_start3A_174 = arith.constant 0 : i32
      %dma_start3A_175 = tpu.memref_slice %arg9[%add3A_173, %dma_start3A_174] : memref<128x64xf32, #tpu.memory_space<vmem>> -> memref<1x64xf32, #tpu.memory_space<vmem>>
      %dma_start3A_176 = arith.constant 0 : i32
      %dma_start3A_177 = tpu.memref_slice %arg4[%squeeze3A_171, %dma_start3A_176] : memref<1000000x64xf32, #tpu.memory_space<hbm>> -> memref<1x64xf32, #tpu.memory_space<hbm>>
      %dma_start3A_178 = arith.constant 0 : i32
      %dma_start3A_179 = tpu.memref_slice %arg9[%add3A_173, %dma_start3A_178] : memref<128x64xf32, #tpu.memory_space<vmem>> -> memref<1x64xf32, #tpu.memory_space<vmem>>
      %dma_start3A_180 = arith.constant 0 : i32
      %dma_start3A_181 = tpu.memref_slice %arg4[%squeeze3A_171, %dma_start3A_180] : memref<1000000x64xf32, #tpu.memory_space<hbm>> -> memref<1x64xf32, #tpu.memory_space<hbm>>
      tpu.enqueue_dma source(%dma_start3A_181 : memref<1x64xf32, #tpu.memory_space<hbm>>) target(%dma_start3A_179 : memref<1x64xf32, #tpu.memory_space<vmem>>) target_semaphore(%arg13 : memref<!tpu.dma_semaphore, #tpu.memory_space<semaphore_mem>>)
      %slice3A_182 = vector.extract_strided_slice %get3A_147 {offsets = [1], sizes = [1], strides = [1]} : vector<16xi32> to vector<1xi32>
      %squeeze3A_183 = vector.extract %slice3A_182[0] : i32 from vector<1xi32>
      %add3A_184 = arith.constant 1 : i32
      %add3A_185 = arith.addi %mul3A_138, %add3A_184 : i32
      %dma_start3A_186 = arith.constant 0 : i32
      %dma_start3A_187 = tpu.memref_slice %arg11[%add3A_185, %dma_start3A_186] : memref<128x64xf32, #tpu.memory_space<vmem>> -> memref<1x64xf32, #tpu.memory_space<vmem>>
      %dma_start3A_188 = arith.constant 0 : i32
      %dma_start3A_189 = tpu.memref_slice %arg5[%squeeze3A_183, %dma_start3A_188] : memref<1000000x64xf32, #tpu.memory_space<hbm>> -> memref<1x64xf32, #tpu.memory_space<hbm>>
      %dma_start3A_190 = arith.constant 0 : i32
      %dma_start3A_191 = tpu.memref_slice %arg11[%add3A_185, %dma_start3A_190] : memref<128x64xf32, #tpu.memory_space<vmem>> -> memref<1x64xf32, #tpu.memory_space<vmem>>
      %dma_start3A_192 = arith.constant 0 : i32
      %dma_start3A_193 = tpu.memref_slice %arg5[%squeeze3A_183, %dma_start3A_192] : memref<1000000x64xf32, #tpu.memory_space<hbm>> -> memref<1x64xf32, #tpu.memory_space<hbm>>
      tpu.enqueue_dma source(%dma_start3A_193 : memref<1x64xf32, #tpu.memory_space<hbm>>) target(%dma_start3A_191 : memref<1x64xf32, #tpu.memory_space<vmem>>) target_semaphore(%arg15 : memref<!tpu.dma_semaphore, #tpu.memory_space<semaphore_mem>>)
      %slice3A_194 = vector.extract_strided_slice %get3A_142 {offsets = [2], sizes = [1], strides = [1]} : vector<16xi32> to vector<1xi32>
      %squeeze3A_195 = vector.extract %slice3A_194[0] : i32 from vector<1xi32>
      %add3A_196 = arith.constant 2 : i32
      %add3A_197 = arith.addi %mul3A_138, %add3A_196 : i32
      %dma_start3A_198 = arith.constant 0 : i32
      %dma_start3A_199 = tpu.memref_slice %arg9[%add3A_197, %dma_start3A_198] : memref<128x64xf32, #tpu.memory_space<vmem>> -> memref<1x64xf32, #tpu.memory_space<vmem>>
      %dma_start3A_200 = arith.constant 0 : i32
      %dma_start3A_201 = tpu.memref_slice %arg4[%squeeze3A_195, %dma_start3A_200] : memref<1000000x64xf32, #tpu.memory_space<hbm>> -> memref<1x64xf32, #tpu.memory_space<hbm>>
      %dma_start3A_202 = arith.constant 0 : i32
      %dma_start3A_203 = tpu.memref_slice %arg9[%add3A_197, %dma_start3A_202] : memref<128x64xf32, #tpu.memory_space<vmem>> -> memref<1x64xf32, #tpu.memory_space<vmem>>
      %dma_start3A_204 = arith.constant 0 : i32
      %dma_start3A_205 = tpu.memref_slice %arg4[%squeeze3A_195, %dma_start3A_204] : memref<1000000x64xf32, #tpu.memory_space<hbm>> -> memref<1x64xf32, #tpu.memory_space<hbm>>
      tpu.enqueue_dma source(%dma_start3A_205 : memref<1x64xf32, #tpu.memory_space<hbm>>) target(%dma_start3A_203 : memref<1x64xf32, #tpu.memory_space<vmem>>) target_semaphore(%arg13 : memref<!tpu.dma_semaphore, #tpu.memory_space<semaphore_mem>>)
      %slice3A_206 = vector.extract_strided_slice %get3A_147 {offsets = [2], sizes = [1], strides = [1]} : vector<16xi32> to vector<1xi32>
      %squeeze3A_207 = vector.extract %slice3A_206[0] : i32 from vector<1xi32>
      %add3A_208 = arith.constant 2 : i32
      %add3A_209 = arith.addi %mul3A_138, %add3A_208 : i32
      %dma_start3A_210 = arith.constant 0 : i32
      %dma_start3A_211 = tpu.memref_slice %arg11[%add3A_209, %dma_start3A_210] : memref<128x64xf32, #tpu.memory_space<vmem>> -> memref<1x64xf32, #tpu.memory_space<vmem>>
      %dma_start3A_212 = arith.constant 0 : i32
      %dma_start3A_213 = tpu.memref_slice %arg5[%squeeze3A_207, %dma_start3A_212] : memref<1000000x64xf32, #tpu.memory_space<hbm>> -> memref<1x64xf32, #tpu.memory_space<hbm>>
      %dma_start3A_214 = arith.constant 0 : i32
      %dma_start3A_215 = tpu.memref_slice %arg11[%add3A_209, %dma_start3A_214] : memref<128x64xf32, #tpu.memory_space<vmem>> -> memref<1x64xf32, #tpu.memory_space<vmem>>
      %dma_start3A_216 = arith.constant 0 : i32
      %dma_start3A_217 = tpu.memref_slice %arg5[%squeeze3A_207, %dma_start3A_216] : memref<1000000x64xf32, #tpu.memory_space<hbm>> -> memref<1x64xf32, #tpu.memory_space<hbm>>
      tpu.enqueue_dma source(%dma_start3A_217 : memref<1x64xf32, #tpu.memory_space<hbm>>) target(%dma_start3A_215 : memref<1x64xf32, #tpu.memory_space<vmem>>) target_semaphore(%arg15 : memref<!tpu.dma_semaphore, #tpu.memory_space<semaphore_mem>>)
      %slice3A_218 = vector.extract_strided_slice %get3A_142 {offsets = [3], sizes = [1], strides = [1]} : vector<16xi32> to vector<1xi32>
      %squeeze3A_219 = vector.extract %slice3A_218[0] : i32 from vector<1xi32>
      %add3A_220 = arith.constant 3 : i32
      %add3A_221 = arith.addi %mul3A_138, %add3A_220 : i32
      %dma_start3A_222 = arith.constant 0 : i32
      %dma_start3A_223 = tpu.memref_slice %arg9[%add3A_221, %dma_start3A_222] : memref<128x64xf32, #tpu.memory_space<vmem>> -> memref<1x64xf32, #tpu.memory_space<vmem>>
      %dma_start3A_224 = arith.constant 0 : i32
      %dma_start3A_225 = tpu.memref_slice %arg4[%squeeze3A_219, %dma_start3A_224] : memref<1000000x64xf32, #tpu.memory_space<hbm>> -> memref<1x64xf32, #tpu.memory_space<hbm>>
      %dma_start3A_226 = arith.constant 0 : i32
      %dma_start3A_227 = tpu.memref_slice %arg9[%add3A_221, %dma_start3A_226] : memref<128x64xf32, #tpu.memory_space<vmem>> -> memref<1x64xf32, #tpu.memory_space<vmem>>
      %dma_start3A_228 = arith.constant 0 : i32
      %dma_start3A_229 = tpu.memref_slice %arg4[%squeeze3A_219, %dma_start3A_228] : memref<1000000x64xf32, #tpu.memory_space<hbm>> -> memref<1x64xf32, #tpu.memory_space<hbm>>
      tpu.enqueue_dma source(%dma_start3A_229 : memref<1x64xf32, #tpu.memory_space<hbm>>) target(%dma_start3A_227 : memref<1x64xf32, #tpu.memory_space<vmem>>) target_semaphore(%arg13 : memref<!tpu.dma_semaphore, #tpu.memory_space<semaphore_mem>>)
      %slice3A_230 = vector.extract_strided_slice %get3A_147 {offsets = [3], sizes = [1], strides = [1]} : vector<16xi32> to vector<1xi32>
      %squeeze3A_231 = vector.extract %slice3A_230[0] : i32 from vector<1xi32>
      %add3A_232 = arith.constant 3 : i32
      %add3A_233 = arith.addi %mul3A_138, %add3A_232 : i32
      %dma_start3A_234 = arith.constant 0 : i32
      %dma_start3A_235 = tpu.memref_slice %arg11[%add3A_233, %dma_start3A_234] : memref<128x64xf32, #tpu.memory_space<vmem>> -> memref<1x64xf32, #tpu.memory_space<vmem>>
      %dma_start3A_236 = arith.constant 0 : i32
      %dma_start3A_237 = tpu.memref_slice %arg5[%squeeze3A_231, %dma_start3A_236] : memref<1000000x64xf32, #tpu.memory_space<hbm>> -> memref<1x64xf32, #tpu.memory_space<hbm>>
      %dma_start3A_238 = arith.constant 0 : i32
      %dma_start3A_239 = tpu.memref_slice %arg11[%add3A_233, %dma_start3A_238] : memref<128x64xf32, #tpu.memory_space<vmem>> -> memref<1x64xf32, #tpu.memory_space<vmem>>
      %dma_start3A_240 = arith.constant 0 : i32
      %dma_start3A_241 = tpu.memref_slice %arg5[%squeeze3A_231, %dma_start3A_240] : memref<1000000x64xf32, #tpu.memory_space<hbm>> -> memref<1x64xf32, #tpu.memory_space<hbm>>
      tpu.enqueue_dma source(%dma_start3A_241 : memref<1x64xf32, #tpu.memory_space<hbm>>) target(%dma_start3A_239 : memref<1x64xf32, #tpu.memory_space<vmem>>) target_semaphore(%arg15 : memref<!tpu.dma_semaphore, #tpu.memory_space<semaphore_mem>>)
      %slice3A_242 = vector.extract_strided_slice %get3A_142 {offsets = [4], sizes = [1], strides = [1]} : vector<16xi32> to vector<1xi32>
      %squeeze3A_243 = vector.extract %slice3A_242[0] : i32 from vector<1xi32>
      %add3A_244 = arith.constant 4 : i32
      %add3A_245 = arith.addi %mul3A_138, %add3A_244 : i32
      %dma_start3A_246 = arith.constant 0 : i32
      %dma_start3A_247 = tpu.memref_slice %arg9[%add3A_245, %dma_start3A_246] : memref<128x64xf32, #tpu.memory_space<vmem>> -> memref<1x64xf32, #tpu.memory_space<vmem>>
      %dma_start3A_248 = arith.constant 0 : i32
      %dma_start3A_249 = tpu.memref_slice %arg4[%squeeze3A_243, %dma_start3A_248] : memref<1000000x64xf32, #tpu.memory_space<hbm>> -> memref<1x64xf32, #tpu.memory_space<hbm>>
      %dma_start3A_250 = arith.constant 0 : i32
      %dma_start3A_251 = tpu.memref_slice %arg9[%add3A_245, %dma_start3A_250] : memref<128x64xf32, #tpu.memory_space<vmem>> -> memref<1x64xf32, #tpu.memory_space<vmem>>
      %dma_start3A_252 = arith.constant 0 : i32
      %dma_start3A_253 = tpu.memref_slice %arg4[%squeeze3A_243, %dma_start3A_252] : memref<1000000x64xf32, #tpu.memory_space<hbm>> -> memref<1x64xf32, #tpu.memory_space<hbm>>
      tpu.enqueue_dma source(%dma_start3A_253 : memref<1x64xf32, #tpu.memory_space<hbm>>) target(%dma_start3A_251 : memref<1x64xf32, #tpu.memory_space<vmem>>) target_semaphore(%arg13 : memref<!tpu.dma_semaphore, #tpu.memory_space<semaphore_mem>>)
      %slice3A_254 = vector.extract_strided_slice %get3A_147 {offsets = [4], sizes = [1], strides = [1]} : vector<16xi32> to vector<1xi32>
      %squeeze3A_255 = vector.extract %slice3A_254[0] : i32 from vector<1xi32>
      %add3A_256 = arith.constant 4 : i32
      %add3A_257 = arith.addi %mul3A_138, %add3A_256 : i32
      %dma_start3A_258 = arith.constant 0 : i32
      %dma_start3A_259 = tpu.memref_slice %arg11[%add3A_257, %dma_start3A_258] : memref<128x64xf32, #tpu.memory_space<vmem>> -> memref<1x64xf32, #tpu.memory_space<vmem>>
      %dma_start3A_260 = arith.constant 0 : i32
      %dma_start3A_261 = tpu.memref_slice %arg5[%squeeze3A_255, %dma_start3A_260] : memref<1000000x64xf32, #tpu.memory_space<hbm>> -> memref<1x64xf32, #tpu.memory_space<hbm>>
      %dma_start3A_262 = arith.constant 0 : i32
      %dma_start3A_263 = tpu.memref_slice %arg11[%add3A_257, %dma_start3A_262] : memref<128x64xf32, #tpu.memory_space<vmem>> -> memref<1x64xf32, #tpu.memory_space<vmem>>
      %dma_start3A_264 = arith.constant 0 : i32
      %dma_start3A_265 = tpu.memref_slice %arg5[%squeeze3A_255, %dma_start3A_264] : memref<1000000x64xf32, #tpu.memory_space<hbm>> -> memref<1x64xf32, #tpu.memory_space<hbm>>
      tpu.enqueue_dma source(%dma_start3A_265 : memref<1x64xf32, #tpu.memory_space<hbm>>) target(%dma_start3A_263 : memref<1x64xf32, #tpu.memory_space<vmem>>) target_semaphore(%arg15 : memref<!tpu.dma_semaphore, #tpu.memory_space<semaphore_mem>>)
      %slice3A_266 = vector.extract_strided_slice %get3A_142 {offsets = [5], sizes = [1], strides = [1]} : vector<16xi32> to vector<1xi32>
      %squeeze3A_267 = vector.extract %slice3A_266[0] : i32 from vector<1xi32>
      %add3A_268 = arith.constant 5 : i32
      %add3A_269 = arith.addi %mul3A_138, %add3A_268 : i32
      %dma_start3A_270 = arith.constant 0 : i32
      %dma_start3A_271 = tpu.memref_slice %arg9[%add3A_269, %dma_start3A_270] : memref<128x64xf32, #tpu.memory_space<vmem>> -> memref<1x64xf32, #tpu.memory_space<vmem>>
      %dma_start3A_272 = arith.constant 0 : i32
      %dma_start3A_273 = tpu.memref_slice %arg4[%squeeze3A_267, %dma_start3A_272] : memref<1000000x64xf32, #tpu.memory_space<hbm>> -> memref<1x64xf32, #tpu.memory_space<hbm>>
      %dma_start3A_274 = arith.constant 0 : i32
      %dma_start3A_275 = tpu.memref_slice %arg9[%add3A_269, %dma_start3A_274] : memref<128x64xf32, #tpu.memory_space<vmem>> -> memref<1x64xf32, #tpu.memory_space<vmem>>
      %dma_start3A_276 = arith.constant 0 : i32
      %dma_start3A_277 = tpu.memref_slice %arg4[%squeeze3A_267, %dma_start3A_276] : memref<1000000x64xf32, #tpu.memory_space<hbm>> -> memref<1x64xf32, #tpu.memory_space<hbm>>
      tpu.enqueue_dma source(%dma_start3A_277 : memref<1x64xf32, #tpu.memory_space<hbm>>) target(%dma_start3A_275 : memref<1x64xf32, #tpu.memory_space<vmem>>) target_semaphore(%arg13 : memref<!tpu.dma_semaphore, #tpu.memory_space<semaphore_mem>>)
      %slice3A_278 = vector.extract_strided_slice %get3A_147 {offsets = [5], sizes = [1], strides = [1]} : vector<16xi32> to vector<1xi32>
      %squeeze3A_279 = vector.extract %slice3A_278[0] : i32 from vector<1xi32>
      %add3A_280 = arith.constant 5 : i32
      %add3A_281 = arith.addi %mul3A_138, %add3A_280 : i32
      %dma_start3A_282 = arith.constant 0 : i32
      %dma_start3A_283 = tpu.memref_slice %arg11[%add3A_281, %dma_start3A_282] : memref<128x64xf32, #tpu.memory_space<vmem>> -> memref<1x64xf32, #tpu.memory_space<vmem>>
      %dma_start3A_284 = arith.constant 0 : i32
      %dma_start3A_285 = tpu.memref_slice %arg5[%squeeze3A_279, %dma_start3A_284] : memref<1000000x64xf32, #tpu.memory_space<hbm>> -> memref<1x64xf32, #tpu.memory_space<hbm>>
      %dma_start3A_286 = arith.constant 0 : i32
      %dma_start3A_287 = tpu.memref_slice %arg11[%add3A_281, %dma_start3A_286] : memref<128x64xf32, #tpu.memory_space<vmem>> -> memref<1x64xf32, #tpu.memory_space<vmem>>
      %dma_start3A_288 = arith.constant 0 : i32
      %dma_start3A_289 = tpu.memref_slice %arg5[%squeeze3A_279, %dma_start3A_288] : memref<1000000x64xf32, #tpu.memory_space<hbm>> -> memref<1x64xf32, #tpu.memory_space<hbm>>
      tpu.enqueue_dma source(%dma_start3A_289 : memref<1x64xf32, #tpu.memory_space<hbm>>) target(%dma_start3A_287 : memref<1x64xf32, #tpu.memory_space<vmem>>) target_semaphore(%arg15 : memref<!tpu.dma_semaphore, #tpu.memory_space<semaphore_mem>>)
      %slice3A_290 = vector.extract_strided_slice %get3A_142 {offsets = [6], sizes = [1], strides = [1]} : vector<16xi32> to vector<1xi32>
      %squeeze3A_291 = vector.extract %slice3A_290[0] : i32 from vector<1xi32>
      %add3A_292 = arith.constant 6 : i32
      %add3A_293 = arith.addi %mul3A_138, %add3A_292 : i32
      %dma_start3A_294 = arith.constant 0 : i32
      %dma_start3A_295 = tpu.memref_slice %arg9[%add3A_293, %dma_start3A_294] : memref<128x64xf32, #tpu.memory_space<vmem>> -> memref<1x64xf32, #tpu.memory_space<vmem>>
      %dma_start3A_296 = arith.constant 0 : i32
      %dma_start3A_297 = tpu.memref_slice %arg4[%squeeze3A_291, %dma_start3A_296] : memref<1000000x64xf32, #tpu.memory_space<hbm>> -> memref<1x64xf32, #tpu.memory_space<hbm>>
      %dma_start3A_298 = arith.constant 0 : i32
      %dma_start3A_299 = tpu.memref_slice %arg9[%add3A_293, %dma_start3A_298] : memref<128x64xf32, #tpu.memory_space<vmem>> -> memref<1x64xf32, #tpu.memory_space<vmem>>
      %dma_start3A_300 = arith.constant 0 : i32
      %dma_start3A_301 = tpu.memref_slice %arg4[%squeeze3A_291, %dma_start3A_300] : memref<1000000x64xf32, #tpu.memory_space<hbm>> -> memref<1x64xf32, #tpu.memory_space<hbm>>
      tpu.enqueue_dma source(%dma_start3A_301 : memref<1x64xf32, #tpu.memory_space<hbm>>) target(%dma_start3A_299 : memref<1x64xf32, #tpu.memory_space<vmem>>) target_semaphore(%arg13 : memref<!tpu.dma_semaphore, #tpu.memory_space<semaphore_mem>>)
      %slice3A_302 = vector.extract_strided_slice %get3A_147 {offsets = [6], sizes = [1], strides = [1]} : vector<16xi32> to vector<1xi32>
      %squeeze3A_303 = vector.extract %slice3A_302[0] : i32 from vector<1xi32>
      %add3A_304 = arith.constant 6 : i32
      %add3A_305 = arith.addi %mul3A_138, %add3A_304 : i32
      %dma_start3A_306 = arith.constant 0 : i32
      %dma_start3A_307 = tpu.memref_slice %arg11[%add3A_305, %dma_start3A_306] : memref<128x64xf32, #tpu.memory_space<vmem>> -> memref<1x64xf32, #tpu.memory_space<vmem>>
      %dma_start3A_308 = arith.constant 0 : i32
      %dma_start3A_309 = tpu.memref_slice %arg5[%squeeze3A_303, %dma_start3A_308] : memref<1000000x64xf32, #tpu.memory_space<hbm>> -> memref<1x64xf32, #tpu.memory_space<hbm>>
      %dma_start3A_310 = arith.constant 0 : i32
      %dma_start3A_311 = tpu.memref_slice %arg11[%add3A_305, %dma_start3A_310] : memref<128x64xf32, #tpu.memory_space<vmem>> -> memref<1x64xf32, #tpu.memory_space<vmem>>
      %dma_start3A_312 = arith.constant 0 : i32
      %dma_start3A_313 = tpu.memref_slice %arg5[%squeeze3A_303, %dma_start3A_312] : memref<1000000x64xf32, #tpu.memory_space<hbm>> -> memref<1x64xf32, #tpu.memory_space<hbm>>
      tpu.enqueue_dma source(%dma_start3A_313 : memref<1x64xf32, #tpu.memory_space<hbm>>) target(%dma_start3A_311 : memref<1x64xf32, #tpu.memory_space<vmem>>) target_semaphore(%arg15 : memref<!tpu.dma_semaphore, #tpu.memory_space<semaphore_mem>>)
      %slice3A_314 = vector.extract_strided_slice %get3A_142 {offsets = [7], sizes = [1], strides = [1]} : vector<16xi32> to vector<1xi32>
      %squeeze3A_315 = vector.extract %slice3A_314[0] : i32 from vector<1xi32>
      %add3A_316 = arith.constant 7 : i32
      %add3A_317 = arith.addi %mul3A_138, %add3A_316 : i32
      %dma_start3A_318 = arith.constant 0 : i32
      %dma_start3A_319 = tpu.memref_slice %arg9[%add3A_317, %dma_start3A_318] : memref<128x64xf32, #tpu.memory_space<vmem>> -> memref<1x64xf32, #tpu.memory_space<vmem>>
      %dma_start3A_320 = arith.constant 0 : i32
      %dma_start3A_321 = tpu.memref_slice %arg4[%squeeze3A_315, %dma_start3A_320] : memref<1000000x64xf32, #tpu.memory_space<hbm>> -> memref<1x64xf32, #tpu.memory_space<hbm>>
      %dma_start3A_322 = arith.constant 0 : i32
      %dma_start3A_323 = tpu.memref_slice %arg9[%add3A_317, %dma_start3A_322] : memref<128x64xf32, #tpu.memory_space<vmem>> -> memref<1x64xf32, #tpu.memory_space<vmem>>
      %dma_start3A_324 = arith.constant 0 : i32
      %dma_start3A_325 = tpu.memref_slice %arg4[%squeeze3A_315, %dma_start3A_324] : memref<1000000x64xf32, #tpu.memory_space<hbm>> -> memref<1x64xf32, #tpu.memory_space<hbm>>
      tpu.enqueue_dma source(%dma_start3A_325 : memref<1x64xf32, #tpu.memory_space<hbm>>) target(%dma_start3A_323 : memref<1x64xf32, #tpu.memory_space<vmem>>) target_semaphore(%arg13 : memref<!tpu.dma_semaphore, #tpu.memory_space<semaphore_mem>>)
      %slice3A_326 = vector.extract_strided_slice %get3A_147 {offsets = [7], sizes = [1], strides = [1]} : vector<16xi32> to vector<1xi32>
      %squeeze3A_327 = vector.extract %slice3A_326[0] : i32 from vector<1xi32>
      %add3A_328 = arith.constant 7 : i32
      %add3A_329 = arith.addi %mul3A_138, %add3A_328 : i32
      %dma_start3A_330 = arith.constant 0 : i32
      %dma_start3A_331 = tpu.memref_slice %arg11[%add3A_329, %dma_start3A_330] : memref<128x64xf32, #tpu.memory_space<vmem>> -> memref<1x64xf32, #tpu.memory_space<vmem>>
      %dma_start3A_332 = arith.constant 0 : i32
      %dma_start3A_333 = tpu.memref_slice %arg5[%squeeze3A_327, %dma_start3A_332] : memref<1000000x64xf32, #tpu.memory_space<hbm>> -> memref<1x64xf32, #tpu.memory_space<hbm>>
      %dma_start3A_334 = arith.constant 0 : i32
      %dma_start3A_335 = tpu.memref_slice %arg11[%add3A_329, %dma_start3A_334] : memref<128x64xf32, #tpu.memory_space<vmem>> -> memref<1x64xf32, #tpu.memory_space<vmem>>
      %dma_start3A_336 = arith.constant 0 : i32
      %dma_start3A_337 = tpu.memref_slice %arg5[%squeeze3A_327, %dma_start3A_336] : memref<1000000x64xf32, #tpu.memory_space<hbm>> -> memref<1x64xf32, #tpu.memory_space<hbm>>
      tpu.enqueue_dma source(%dma_start3A_337 : memref<1x64xf32, #tpu.memory_space<hbm>>) target(%dma_start3A_335 : memref<1x64xf32, #tpu.memory_space<vmem>>) target_semaphore(%arg15 : memref<!tpu.dma_semaphore, #tpu.memory_space<semaphore_mem>>)
      %slice3A_338 = vector.extract_strided_slice %get3A_142 {offsets = [8], sizes = [1], strides = [1]} : vector<16xi32> to vector<1xi32>
      %squeeze3A_339 = vector.extract %slice3A_338[0] : i32 from vector<1xi32>
      %add3A_340 = arith.constant 8 : i32
      %add3A_341 = arith.addi %mul3A_138, %add3A_340 : i32
      %dma_start3A_342 = arith.constant 0 : i32
      %dma_start3A_343 = tpu.memref_slice %arg9[%add3A_341, %dma_start3A_342] : memref<128x64xf32, #tpu.memory_space<vmem>> -> memref<1x64xf32, #tpu.memory_space<vmem>>
      %dma_start3A_344 = arith.constant 0 : i32
      %dma_start3A_345 = tpu.memref_slice %arg4[%squeeze3A_339, %dma_start3A_344] : memref<1000000x64xf32, #tpu.memory_space<hbm>> -> memref<1x64xf32, #tpu.memory_space<hbm>>
      %dma_start3A_346 = arith.constant 0 : i32
      %dma_start3A_347 = tpu.memref_slice %arg9[%add3A_341, %dma_start3A_346] : memref<128x64xf32, #tpu.memory_space<vmem>> -> memref<1x64xf32, #tpu.memory_space<vmem>>
      %dma_start3A_348 = arith.constant 0 : i32
      %dma_start3A_349 = tpu.memref_slice %arg4[%squeeze3A_339, %dma_start3A_348] : memref<1000000x64xf32, #tpu.memory_space<hbm>> -> memref<1x64xf32, #tpu.memory_space<hbm>>
      tpu.enqueue_dma source(%dma_start3A_349 : memref<1x64xf32, #tpu.memory_space<hbm>>) target(%dma_start3A_347 : memref<1x64xf32, #tpu.memory_space<vmem>>) target_semaphore(%arg13 : memref<!tpu.dma_semaphore, #tpu.memory_space<semaphore_mem>>)
      %slice3A_350 = vector.extract_strided_slice %get3A_147 {offsets = [8], sizes = [1], strides = [1]} : vector<16xi32> to vector<1xi32>
      %squeeze3A_351 = vector.extract %slice3A_350[0] : i32 from vector<1xi32>
      %add3A_352 = arith.constant 8 : i32
      %add3A_353 = arith.addi %mul3A_138, %add3A_352 : i32
      %dma_start3A_354 = arith.constant 0 : i32
      %dma_start3A_355 = tpu.memref_slice %arg11[%add3A_353, %dma_start3A_354] : memref<128x64xf32, #tpu.memory_space<vmem>> -> memref<1x64xf32, #tpu.memory_space<vmem>>
      %dma_start3A_356 = arith.constant 0 : i32
      %dma_start3A_357 = tpu.memref_slice %arg5[%squeeze3A_351, %dma_start3A_356] : memref<1000000x64xf32, #tpu.memory_space<hbm>> -> memref<1x64xf32, #tpu.memory_space<hbm>>
      %dma_start3A_358 = arith.constant 0 : i32
      %dma_start3A_359 = tpu.memref_slice %arg11[%add3A_353, %dma_start3A_358] : memref<128x64xf32, #tpu.memory_space<vmem>> -> memref<1x64xf32, #tpu.memory_space<vmem>>
      %dma_start3A_360 = arith.constant 0 : i32
      %dma_start3A_361 = tpu.memref_slice %arg5[%squeeze3A_351, %dma_start3A_360] : memref<1000000x64xf32, #tpu.memory_space<hbm>> -> memref<1x64xf32, #tpu.memory_space<hbm>>
      tpu.enqueue_dma source(%dma_start3A_361 : memref<1x64xf32, #tpu.memory_space<hbm>>) target(%dma_start3A_359 : memref<1x64xf32, #tpu.memory_space<vmem>>) target_semaphore(%arg15 : memref<!tpu.dma_semaphore, #tpu.memory_space<semaphore_mem>>)
      %slice3A_362 = vector.extract_strided_slice %get3A_142 {offsets = [9], sizes = [1], strides = [1]} : vector<16xi32> to vector<1xi32>
      %squeeze3A_363 = vector.extract %slice3A_362[0] : i32 from vector<1xi32>
      %add3A_364 = arith.constant 9 : i32
      %add3A_365 = arith.addi %mul3A_138, %add3A_364 : i32
      %dma_start3A_366 = arith.constant 0 : i32
      %dma_start3A_367 = tpu.memref_slice %arg9[%add3A_365, %dma_start3A_366] : memref<128x64xf32, #tpu.memory_space<vmem>> -> memref<1x64xf32, #tpu.memory_space<vmem>>
      %dma_start3A_368 = arith.constant 0 : i32
      %dma_start3A_369 = tpu.memref_slice %arg4[%squeeze3A_363, %dma_start3A_368] : memref<1000000x64xf32, #tpu.memory_space<hbm>> -> memref<1x64xf32, #tpu.memory_space<hbm>>
      %dma_start3A_370 = arith.constant 0 : i32
      %dma_start3A_371 = tpu.memref_slice %arg9[%add3A_365, %dma_start3A_370] : memref<128x64xf32, #tpu.memory_space<vmem>> -> memref<1x64xf32, #tpu.memory_space<vmem>>
      %dma_start3A_372 = arith.constant 0 : i32
      %dma_start3A_373 = tpu.memref_slice %arg4[%squeeze3A_363, %dma_start3A_372] : memref<1000000x64xf32, #tpu.memory_space<hbm>> -> memref<1x64xf32, #tpu.memory_space<hbm>>
      tpu.enqueue_dma source(%dma_start3A_373 : memref<1x64xf32, #tpu.memory_space<hbm>>) target(%dma_start3A_371 : memref<1x64xf32, #tpu.memory_space<vmem>>) target_semaphore(%arg13 : memref<!tpu.dma_semaphore, #tpu.memory_space<semaphore_mem>>)
      %slice3A_374 = vector.extract_strided_slice %get3A_147 {offsets = [9], sizes = [1], strides = [1]} : vector<16xi32> to vector<1xi32>
      %squeeze3A_375 = vector.extract %slice3A_374[0] : i32 from vector<1xi32>
      %add3A_376 = arith.constant 9 : i32
      %add3A_377 = arith.addi %mul3A_138, %add3A_376 : i32
      %dma_start3A_378 = arith.constant 0 : i32
      %dma_start3A_379 = tpu.memref_slice %arg11[%add3A_377, %dma_start3A_378] : memref<128x64xf32, #tpu.memory_space<vmem>> -> memref<1x64xf32, #tpu.memory_space<vmem>>
      %dma_start3A_380 = arith.constant 0 : i32
      %dma_start3A_381 = tpu.memref_slice %arg5[%squeeze3A_375, %dma_start3A_380] : memref<1000000x64xf32, #tpu.memory_space<hbm>> -> memref<1x64xf32, #tpu.memory_space<hbm>>
      %dma_start3A_382 = arith.constant 0 : i32
      %dma_start3A_383 = tpu.memref_slice %arg11[%add3A_377, %dma_start3A_382] : memref<128x64xf32, #tpu.memory_space<vmem>> -> memref<1x64xf32, #tpu.memory_space<vmem>>
      %dma_start3A_384 = arith.constant 0 : i32
      %dma_start3A_385 = tpu.memref_slice %arg5[%squeeze3A_375, %dma_start3A_384] : memref<1000000x64xf32, #tpu.memory_space<hbm>> -> memref<1x64xf32, #tpu.memory_space<hbm>>
      tpu.enqueue_dma source(%dma_start3A_385 : memref<1x64xf32, #tpu.memory_space<hbm>>) target(%dma_start3A_383 : memref<1x64xf32, #tpu.memory_space<vmem>>) target_semaphore(%arg15 : memref<!tpu.dma_semaphore, #tpu.memory_space<semaphore_mem>>)
      %slice3A_386 = vector.extract_strided_slice %get3A_142 {offsets = [10], sizes = [1], strides = [1]} : vector<16xi32> to vector<1xi32>
      %squeeze3A_387 = vector.extract %slice3A_386[0] : i32 from vector<1xi32>
      %add3A_388 = arith.constant 10 : i32
      %add3A_389 = arith.addi %mul3A_138, %add3A_388 : i32
      %dma_start3A_390 = arith.constant 0 : i32
      %dma_start3A_391 = tpu.memref_slice %arg9[%add3A_389, %dma_start3A_390] : memref<128x64xf32, #tpu.memory_space<vmem>> -> memref<1x64xf32, #tpu.memory_space<vmem>>
      %dma_start3A_392 = arith.constant 0 : i32
      %dma_start3A_393 = tpu.memref_slice %arg4[%squeeze3A_387, %dma_start3A_392] : memref<1000000x64xf32, #tpu.memory_space<hbm>> -> memref<1x64xf32, #tpu.memory_space<hbm>>
      %dma_start3A_394 = arith.constant 0 : i32
      %dma_start3A_395 = tpu.memref_slice %arg9[%add3A_389, %dma_start3A_394] : memref<128x64xf32, #tpu.memory_space<vmem>> -> memref<1x64xf32, #tpu.memory_space<vmem>>
      %dma_start3A_396 = arith.constant 0 : i32
      %dma_start3A_397 = tpu.memref_slice %arg4[%squeeze3A_387, %dma_start3A_396] : memref<1000000x64xf32, #tpu.memory_space<hbm>> -> memref<1x64xf32, #tpu.memory_space<hbm>>
      tpu.enqueue_dma source(%dma_start3A_397 : memref<1x64xf32, #tpu.memory_space<hbm>>) target(%dma_start3A_395 : memref<1x64xf32, #tpu.memory_space<vmem>>) target_semaphore(%arg13 : memref<!tpu.dma_semaphore, #tpu.memory_space<semaphore_mem>>)
      %slice3A_398 = vector.extract_strided_slice %get3A_147 {offsets = [10], sizes = [1], strides = [1]} : vector<16xi32> to vector<1xi32>
      %squeeze3A_399 = vector.extract %slice3A_398[0] : i32 from vector<1xi32>
      %add3A_400 = arith.constant 10 : i32
      %add3A_401 = arith.addi %mul3A_138, %add3A_400 : i32
      %dma_start3A_402 = arith.constant 0 : i32
      %dma_start3A_403 = tpu.memref_slice %arg11[%add3A_401, %dma_start3A_402] : memref<128x64xf32, #tpu.memory_space<vmem>> -> memref<1x64xf32, #tpu.memory_space<vmem>>
      %dma_start3A_404 = arith.constant 0 : i32
      %dma_start3A_405 = tpu.memref_slice %arg5[%squeeze3A_399, %dma_start3A_404] : memref<1000000x64xf32, #tpu.memory_space<hbm>> -> memref<1x64xf32, #tpu.memory_space<hbm>>
      %dma_start3A_406 = arith.constant 0 : i32
      %dma_start3A_407 = tpu.memref_slice %arg11[%add3A_401, %dma_start3A_406] : memref<128x64xf32, #tpu.memory_space<vmem>> -> memref<1x64xf32, #tpu.memory_space<vmem>>
      %dma_start3A_408 = arith.constant 0 : i32
      %dma_start3A_409 = tpu.memref_slice %arg5[%squeeze3A_399, %dma_start3A_408] : memref<1000000x64xf32, #tpu.memory_space<hbm>> -> memref<1x64xf32, #tpu.memory_space<hbm>>
      tpu.enqueue_dma source(%dma_start3A_409 : memref<1x64xf32, #tpu.memory_space<hbm>>) target(%dma_start3A_407 : memref<1x64xf32, #tpu.memory_space<vmem>>) target_semaphore(%arg15 : memref<!tpu.dma_semaphore, #tpu.memory_space<semaphore_mem>>)
      %slice3A_410 = vector.extract_strided_slice %get3A_142 {offsets = [11], sizes = [1], strides = [1]} : vector<16xi32> to vector<1xi32>
      %squeeze3A_411 = vector.extract %slice3A_410[0] : i32 from vector<1xi32>
      %add3A_412 = arith.constant 11 : i32
      %add3A_413 = arith.addi %mul3A_138, %add3A_412 : i32
      %dma_start3A_414 = arith.constant 0 : i32
      %dma_start3A_415 = tpu.memref_slice %arg9[%add3A_413, %dma_start3A_414] : memref<128x64xf32, #tpu.memory_space<vmem>> -> memref<1x64xf32, #tpu.memory_space<vmem>>
      %dma_start3A_416 = arith.constant 0 : i32
      %dma_start3A_417 = tpu.memref_slice %arg4[%squeeze3A_411, %dma_start3A_416] : memref<1000000x64xf32, #tpu.memory_space<hbm>> -> memref<1x64xf32, #tpu.memory_space<hbm>>
      %dma_start3A_418 = arith.constant 0 : i32
      %dma_start3A_419 = tpu.memref_slice %arg9[%add3A_413, %dma_start3A_418] : memref<128x64xf32, #tpu.memory_space<vmem>> -> memref<1x64xf32, #tpu.memory_space<vmem>>
      %dma_start3A_420 = arith.constant 0 : i32
      %dma_start3A_421 = tpu.memref_slice %arg4[%squeeze3A_411, %dma_start3A_420] : memref<1000000x64xf32, #tpu.memory_space<hbm>> -> memref<1x64xf32, #tpu.memory_space<hbm>>
      tpu.enqueue_dma source(%dma_start3A_421 : memref<1x64xf32, #tpu.memory_space<hbm>>) target(%dma_start3A_419 : memref<1x64xf32, #tpu.memory_space<vmem>>) target_semaphore(%arg13 : memref<!tpu.dma_semaphore, #tpu.memory_space<semaphore_mem>>)
      %slice3A_422 = vector.extract_strided_slice %get3A_147 {offsets = [11], sizes = [1], strides = [1]} : vector<16xi32> to vector<1xi32>
      %squeeze3A_423 = vector.extract %slice3A_422[0] : i32 from vector<1xi32>
      %add3A_424 = arith.constant 11 : i32
      %add3A_425 = arith.addi %mul3A_138, %add3A_424 : i32
      %dma_start3A_426 = arith.constant 0 : i32
      %dma_start3A_427 = tpu.memref_slice %arg11[%add3A_425, %dma_start3A_426] : memref<128x64xf32, #tpu.memory_space<vmem>> -> memref<1x64xf32, #tpu.memory_space<vmem>>
      %dma_start3A_428 = arith.constant 0 : i32
      %dma_start3A_429 = tpu.memref_slice %arg5[%squeeze3A_423, %dma_start3A_428] : memref<1000000x64xf32, #tpu.memory_space<hbm>> -> memref<1x64xf32, #tpu.memory_space<hbm>>
      %dma_start3A_430 = arith.constant 0 : i32
      %dma_start3A_431 = tpu.memref_slice %arg11[%add3A_425, %dma_start3A_430] : memref<128x64xf32, #tpu.memory_space<vmem>> -> memref<1x64xf32, #tpu.memory_space<vmem>>
      %dma_start3A_432 = arith.constant 0 : i32
      %dma_start3A_433 = tpu.memref_slice %arg5[%squeeze3A_423, %dma_start3A_432] : memref<1000000x64xf32, #tpu.memory_space<hbm>> -> memref<1x64xf32, #tpu.memory_space<hbm>>
      tpu.enqueue_dma source(%dma_start3A_433 : memref<1x64xf32, #tpu.memory_space<hbm>>) target(%dma_start3A_431 : memref<1x64xf32, #tpu.memory_space<vmem>>) target_semaphore(%arg15 : memref<!tpu.dma_semaphore, #tpu.memory_space<semaphore_mem>>)
      %slice3A_434 = vector.extract_strided_slice %get3A_142 {offsets = [12], sizes = [1], strides = [1]} : vector<16xi32> to vector<1xi32>
      %squeeze3A_435 = vector.extract %slice3A_434[0] : i32 from vector<1xi32>
      %add3A_436 = arith.constant 12 : i32
      %add3A_437 = arith.addi %mul3A_138, %add3A_436 : i32
      %dma_start3A_438 = arith.constant 0 : i32
      %dma_start3A_439 = tpu.memref_slice %arg9[%add3A_437, %dma_start3A_438] : memref<128x64xf32, #tpu.memory_space<vmem>> -> memref<1x64xf32, #tpu.memory_space<vmem>>
      %dma_start3A_440 = arith.constant 0 : i32
      %dma_start3A_441 = tpu.memref_slice %arg4[%squeeze3A_435, %dma_start3A_440] : memref<1000000x64xf32, #tpu.memory_space<hbm>> -> memref<1x64xf32, #tpu.memory_space<hbm>>
      %dma_start3A_442 = arith.constant 0 : i32
      %dma_start3A_443 = tpu.memref_slice %arg9[%add3A_437, %dma_start3A_442] : memref<128x64xf32, #tpu.memory_space<vmem>> -> memref<1x64xf32, #tpu.memory_space<vmem>>
      %dma_start3A_444 = arith.constant 0 : i32
      %dma_start3A_445 = tpu.memref_slice %arg4[%squeeze3A_435, %dma_start3A_444] : memref<1000000x64xf32, #tpu.memory_space<hbm>> -> memref<1x64xf32, #tpu.memory_space<hbm>>
      tpu.enqueue_dma source(%dma_start3A_445 : memref<1x64xf32, #tpu.memory_space<hbm>>) target(%dma_start3A_443 : memref<1x64xf32, #tpu.memory_space<vmem>>) target_semaphore(%arg13 : memref<!tpu.dma_semaphore, #tpu.memory_space<semaphore_mem>>)
      %slice3A_446 = vector.extract_strided_slice %get3A_147 {offsets = [12], sizes = [1], strides = [1]} : vector<16xi32> to vector<1xi32>
      %squeeze3A_447 = vector.extract %slice3A_446[0] : i32 from vector<1xi32>
      %add3A_448 = arith.constant 12 : i32
      %add3A_449 = arith.addi %mul3A_138, %add3A_448 : i32
      %dma_start3A_450 = arith.constant 0 : i32
      %dma_start3A_451 = tpu.memref_slice %arg11[%add3A_449, %dma_start3A_450] : memref<128x64xf32, #tpu.memory_space<vmem>> -> memref<1x64xf32, #tpu.memory_space<vmem>>
      %dma_start3A_452 = arith.constant 0 : i32
      %dma_start3A_453 = tpu.memref_slice %arg5[%squeeze3A_447, %dma_start3A_452] : memref<1000000x64xf32, #tpu.memory_space<hbm>> -> memref<1x64xf32, #tpu.memory_space<hbm>>
      %dma_start3A_454 = arith.constant 0 : i32
      %dma_start3A_455 = tpu.memref_slice %arg11[%add3A_449, %dma_start3A_454] : memref<128x64xf32, #tpu.memory_space<vmem>> -> memref<1x64xf32, #tpu.memory_space<vmem>>
      %dma_start3A_456 = arith.constant 0 : i32
      %dma_start3A_457 = tpu.memref_slice %arg5[%squeeze3A_447, %dma_start3A_456] : memref<1000000x64xf32, #tpu.memory_space<hbm>> -> memref<1x64xf32, #tpu.memory_space<hbm>>
      tpu.enqueue_dma source(%dma_start3A_457 : memref<1x64xf32, #tpu.memory_space<hbm>>) target(%dma_start3A_455 : memref<1x64xf32, #tpu.memory_space<vmem>>) target_semaphore(%arg15 : memref<!tpu.dma_semaphore, #tpu.memory_space<semaphore_mem>>)
      %slice3A_458 = vector.extract_strided_slice %get3A_142 {offsets = [13], sizes = [1], strides = [1]} : vector<16xi32> to vector<1xi32>
      %squeeze3A_459 = vector.extract %slice3A_458[0] : i32 from vector<1xi32>
      %add3A_460 = arith.constant 13 : i32
      %add3A_461 = arith.addi %mul3A_138, %add3A_460 : i32
      %dma_start3A_462 = arith.constant 0 : i32
      %dma_start3A_463 = tpu.memref_slice %arg9[%add3A_461, %dma_start3A_462] : memref<128x64xf32, #tpu.memory_space<vmem>> -> memref<1x64xf32, #tpu.memory_space<vmem>>
      %dma_start3A_464 = arith.constant 0 : i32
      %dma_start3A_465 = tpu.memref_slice %arg4[%squeeze3A_459, %dma_start3A_464] : memref<1000000x64xf32, #tpu.memory_space<hbm>> -> memref<1x64xf32, #tpu.memory_space<hbm>>
      %dma_start3A_466 = arith.constant 0 : i32
      %dma_start3A_467 = tpu.memref_slice %arg9[%add3A_461, %dma_start3A_466] : memref<128x64xf32, #tpu.memory_space<vmem>> -> memref<1x64xf32, #tpu.memory_space<vmem>>
      %dma_start3A_468 = arith.constant 0 : i32
      %dma_start3A_469 = tpu.memref_slice %arg4[%squeeze3A_459, %dma_start3A_468] : memref<1000000x64xf32, #tpu.memory_space<hbm>> -> memref<1x64xf32, #tpu.memory_space<hbm>>
      tpu.enqueue_dma source(%dma_start3A_469 : memref<1x64xf32, #tpu.memory_space<hbm>>) target(%dma_start3A_467 : memref<1x64xf32, #tpu.memory_space<vmem>>) target_semaphore(%arg13 : memref<!tpu.dma_semaphore, #tpu.memory_space<semaphore_mem>>)
      %slice3A_470 = vector.extract_strided_slice %get3A_147 {offsets = [13], sizes = [1], strides = [1]} : vector<16xi32> to vector<1xi32>
      %squeeze3A_471 = vector.extract %slice3A_470[0] : i32 from vector<1xi32>
      %add3A_472 = arith.constant 13 : i32
      %add3A_473 = arith.addi %mul3A_138, %add3A_472 : i32
      %dma_start3A_474 = arith.constant 0 : i32
      %dma_start3A_475 = tpu.memref_slice %arg11[%add3A_473, %dma_start3A_474] : memref<128x64xf32, #tpu.memory_space<vmem>> -> memref<1x64xf32, #tpu.memory_space<vmem>>
      %dma_start3A_476 = arith.constant 0 : i32
      %dma_start3A_477 = tpu.memref_slice %arg5[%squeeze3A_471, %dma_start3A_476] : memref<1000000x64xf32, #tpu.memory_space<hbm>> -> memref<1x64xf32, #tpu.memory_space<hbm>>
      %dma_start3A_478 = arith.constant 0 : i32
      %dma_start3A_479 = tpu.memref_slice %arg11[%add3A_473, %dma_start3A_478] : memref<128x64xf32, #tpu.memory_space<vmem>> -> memref<1x64xf32, #tpu.memory_space<vmem>>
      %dma_start3A_480 = arith.constant 0 : i32
      %dma_start3A_481 = tpu.memref_slice %arg5[%squeeze3A_471, %dma_start3A_480] : memref<1000000x64xf32, #tpu.memory_space<hbm>> -> memref<1x64xf32, #tpu.memory_space<hbm>>
      tpu.enqueue_dma source(%dma_start3A_481 : memref<1x64xf32, #tpu.memory_space<hbm>>) target(%dma_start3A_479 : memref<1x64xf32, #tpu.memory_space<vmem>>) target_semaphore(%arg15 : memref<!tpu.dma_semaphore, #tpu.memory_space<semaphore_mem>>)
      %slice3A_482 = vector.extract_strided_slice %get3A_142 {offsets = [14], sizes = [1], strides = [1]} : vector<16xi32> to vector<1xi32>
      %squeeze3A_483 = vector.extract %slice3A_482[0] : i32 from vector<1xi32>
      %add3A_484 = arith.constant 14 : i32
      %add3A_485 = arith.addi %mul3A_138, %add3A_484 : i32
      %dma_start3A_486 = arith.constant 0 : i32
      %dma_start3A_487 = tpu.memref_slice %arg9[%add3A_485, %dma_start3A_486] : memref<128x64xf32, #tpu.memory_space<vmem>> -> memref<1x64xf32, #tpu.memory_space<vmem>>
      %dma_start3A_488 = arith.constant 0 : i32
      %dma_start3A_489 = tpu.memref_slice %arg4[%squeeze3A_483, %dma_start3A_488] : memref<1000000x64xf32, #tpu.memory_space<hbm>> -> memref<1x64xf32, #tpu.memory_space<hbm>>
      %dma_start3A_490 = arith.constant 0 : i32
      %dma_start3A_491 = tpu.memref_slice %arg9[%add3A_485, %dma_start3A_490] : memref<128x64xf32, #tpu.memory_space<vmem>> -> memref<1x64xf32, #tpu.memory_space<vmem>>
      %dma_start3A_492 = arith.constant 0 : i32
      %dma_start3A_493 = tpu.memref_slice %arg4[%squeeze3A_483, %dma_start3A_492] : memref<1000000x64xf32, #tpu.memory_space<hbm>> -> memref<1x64xf32, #tpu.memory_space<hbm>>
      tpu.enqueue_dma source(%dma_start3A_493 : memref<1x64xf32, #tpu.memory_space<hbm>>) target(%dma_start3A_491 : memref<1x64xf32, #tpu.memory_space<vmem>>) target_semaphore(%arg13 : memref<!tpu.dma_semaphore, #tpu.memory_space<semaphore_mem>>)
      %slice3A_494 = vector.extract_strided_slice %get3A_147 {offsets = [14], sizes = [1], strides = [1]} : vector<16xi32> to vector<1xi32>
      %squeeze3A_495 = vector.extract %slice3A_494[0] : i32 from vector<1xi32>
      %add3A_496 = arith.constant 14 : i32
      %add3A_497 = arith.addi %mul3A_138, %add3A_496 : i32
      %dma_start3A_498 = arith.constant 0 : i32
      %dma_start3A_499 = tpu.memref_slice %arg11[%add3A_497, %dma_start3A_498] : memref<128x64xf32, #tpu.memory_space<vmem>> -> memref<1x64xf32, #tpu.memory_space<vmem>>
      %dma_start3A_500 = arith.constant 0 : i32
      %dma_start3A_501 = tpu.memref_slice %arg5[%squeeze3A_495, %dma_start3A_500] : memref<1000000x64xf32, #tpu.memory_space<hbm>> -> memref<1x64xf32, #tpu.memory_space<hbm>>
      %dma_start3A_502 = arith.constant 0 : i32
      %dma_start3A_503 = tpu.memref_slice %arg11[%add3A_497, %dma_start3A_502] : memref<128x64xf32, #tpu.memory_space<vmem>> -> memref<1x64xf32, #tpu.memory_space<vmem>>
      %dma_start3A_504 = arith.constant 0 : i32
      %dma_start3A_505 = tpu.memref_slice %arg5[%squeeze3A_495, %dma_start3A_504] : memref<1000000x64xf32, #tpu.memory_space<hbm>> -> memref<1x64xf32, #tpu.memory_space<hbm>>
      tpu.enqueue_dma source(%dma_start3A_505 : memref<1x64xf32, #tpu.memory_space<hbm>>) target(%dma_start3A_503 : memref<1x64xf32, #tpu.memory_space<vmem>>) target_semaphore(%arg15 : memref<!tpu.dma_semaphore, #tpu.memory_space<semaphore_mem>>)
      %slice3A_506 = vector.extract_strided_slice %get3A_142 {offsets = [15], sizes = [1], strides = [1]} : vector<16xi32> to vector<1xi32>
      %squeeze3A_507 = vector.extract %slice3A_506[0] : i32 from vector<1xi32>
      %add3A_508 = arith.constant 15 : i32
      %add3A_509 = arith.addi %mul3A_138, %add3A_508 : i32
      %dma_start3A_510 = arith.constant 0 : i32
      %dma_start3A_511 = tpu.memref_slice %arg9[%add3A_509, %dma_start3A_510] : memref<128x64xf32, #tpu.memory_space<vmem>> -> memref<1x64xf32, #tpu.memory_space<vmem>>
      %dma_start3A_512 = arith.constant 0 : i32
      %dma_start3A_513 = tpu.memref_slice %arg4[%squeeze3A_507, %dma_start3A_512] : memref<1000000x64xf32, #tpu.memory_space<hbm>> -> memref<1x64xf32, #tpu.memory_space<hbm>>
      %dma_start3A_514 = arith.constant 0 : i32
      %dma_start3A_515 = tpu.memref_slice %arg9[%add3A_509, %dma_start3A_514] : memref<128x64xf32, #tpu.memory_space<vmem>> -> memref<1x64xf32, #tpu.memory_space<vmem>>
      %dma_start3A_516 = arith.constant 0 : i32
      %dma_start3A_517 = tpu.memref_slice %arg4[%squeeze3A_507, %dma_start3A_516] : memref<1000000x64xf32, #tpu.memory_space<hbm>> -> memref<1x64xf32, #tpu.memory_space<hbm>>
      tpu.enqueue_dma source(%dma_start3A_517 : memref<1x64xf32, #tpu.memory_space<hbm>>) target(%dma_start3A_515 : memref<1x64xf32, #tpu.memory_space<vmem>>) target_semaphore(%arg13 : memref<!tpu.dma_semaphore, #tpu.memory_space<semaphore_mem>>)
      %slice3A_518 = vector.extract_strided_slice %get3A_147 {offsets = [15], sizes = [1], strides = [1]} : vector<16xi32> to vector<1xi32>
      %squeeze3A_519 = vector.extract %slice3A_518[0] : i32 from vector<1xi32>
      %add3A_520 = arith.constant 15 : i32
      %add3A_521 = arith.addi %mul3A_138, %add3A_520 : i32
      %dma_start3A_522 = arith.constant 0 : i32
      %dma_start3A_523 = tpu.memref_slice %arg11[%add3A_521, %dma_start3A_522] : memref<128x64xf32, #tpu.memory_space<vmem>> -> memref<1x64xf32, #tpu.memory_space<vmem>>
      %dma_start3A_524 = arith.constant 0 : i32
      %dma_start3A_525 = tpu.memref_slice %arg5[%squeeze3A_519, %dma_start3A_524] : memref<1000000x64xf32, #tpu.memory_space<hbm>> -> memref<1x64xf32, #tpu.memory_space<hbm>>
      %dma_start3A_526 = arith.constant 0 : i32
      %dma_start3A_527 = tpu.memref_slice %arg11[%add3A_521, %dma_start3A_526] : memref<128x64xf32, #tpu.memory_space<vmem>> -> memref<1x64xf32, #tpu.memory_space<vmem>>
      %dma_start3A_528 = arith.constant 0 : i32
      %dma_start3A_529 = tpu.memref_slice %arg5[%squeeze3A_519, %dma_start3A_528] : memref<1000000x64xf32, #tpu.memory_space<hbm>> -> memref<1x64xf32, #tpu.memory_space<hbm>>
      tpu.enqueue_dma source(%dma_start3A_529 : memref<1x64xf32, #tpu.memory_space<hbm>>) target(%dma_start3A_527 : memref<1x64xf32, #tpu.memory_space<vmem>>) target_semaphore(%arg15 : memref<!tpu.dma_semaphore, #tpu.memory_space<semaphore_mem>>)
    }
    %scan3A_57 = arith.constant 8 : i32
    %scan3A_58 = arith.constant 0 : i32
    %scan3A_59 = arith.constant 0 : i32
    %scan3A_60 = arith.constant 128 : i32
    %scan3A_61 = arith.addi %scan3A_59, %scan3A_60 : i32
    %scan3A_62 = arith.constant 1 : i32
    scf.for %scan3A_136 = %scan3A_59 to %scan3A_61 step %scan3A_62  : i32 {
      %get3A = arith.index_cast %scan3A_136 : i32 to index
      %get3A_137 = arith.constant 0 : index
      %get3A_138 = tpu.vector_load %arg10[%get3A, %get3A_137] {strides = array<i32>} : memref<128x64xf32, #tpu.memory_space<vmem>>, vector<1x16xf32>,
      %get3A_139 = vector.shape_cast %get3A_138 : vector<1x16xf32> to vector<16xf32>
      %get3A_140 = arith.index_cast %scan3A_136 : i32 to index
      %get3A_141 = arith.constant 0 : index
      %get3A_142 = tpu.vector_load %arg12[%get3A_140, %get3A_141] {strides = array<i32>} : memref<128x64xf32, #tpu.memory_space<vmem>>, vector<1x16xf32>,
      %get3A_143 = vector.shape_cast %get3A_142 : vector<1x16xf32> to vector<16xf32>
      %mul3A_144 = arith.mulf %get3A_139, %get3A_143 : vector<16xf32>
      %abs3A = math.absf %mul3A_144 : vector<16xf32>
      %div3A = arith.divf %mul3A_144, %abs3A : vector<16xf32>
      %swap3A = arith.index_cast %scan3A_136 : i32 to index
      %swap3A_145 = arith.constant 0 : index
      %swap3A_146 = tpu.vector_load %arg10[%swap3A, %swap3A_145] {strides = array<i32>} : memref<128x64xf32, #tpu.memory_space<vmem>>, vector<1x16xf32>,
      %swap3A_147 = vector.shape_cast %swap3A_146 : vector<1x16xf32> to vector<16xf32>
      %swap3A_148 = vector.shape_cast %div3A : vector<16xf32> to vector<1x16xf32>
      tpu.vector_store %arg10[%swap3A, %swap3A_145], %swap3A_148 {strides = array<i32>} : memref<128x64xf32, #tpu.memory_space<vmem>>, vector<1x16xf32>,
      %get3A_149 = arith.index_cast %scan3A_136 : i32 to index
      %get3A_150 = arith.constant 16 : index
      %get3A_151 = tpu.vector_load %arg10[%get3A_149, %get3A_150] {strides = array<i32>} : memref<128x64xf32, #tpu.memory_space<vmem>>, vector<1x16xf32>,
      %get3A_152 = vector.shape_cast %get3A_151 : vector<1x16xf32> to vector<16xf32>
      %get3A_153 = arith.index_cast %scan3A_136 : i32 to index
      %get3A_154 = arith.constant 16 : index
      %get3A_155 = tpu.vector_load %arg12[%get3A_153, %get3A_154] {strides = array<i32>} : memref<128x64xf32, #tpu.memory_space<vmem>>, vector<1x16xf32>,
      %get3A_156 = vector.shape_cast %get3A_155 : vector<1x16xf32> to vector<16xf32>
      %mul3A_157 = arith.mulf %get3A_152, %get3A_156 : vector<16xf32>
      %abs3A_158 = math.absf %mul3A_157 : vector<16xf32>
      %div3A_159 = arith.divf %mul3A_157, %abs3A_158 : vector<16xf32>
      %swap3A_160 = arith.index_cast %scan3A_136 : i32 to index
      %swap3A_161 = arith.constant 16 : index
      %swap3A_162 = tpu.vector_load %arg10[%swap3A_160, %swap3A_161] {strides = array<i32>} : memref<128x64xf32, #tpu.memory_space<vmem>>, vector<1x16xf32>,
      %swap3A_163 = vector.shape_cast %swap3A_162 : vector<1x16xf32> to vector<16xf32>
      %swap3A_164 = vector.shape_cast %div3A_159 : vector<16xf32> to vector<1x16xf32>
      tpu.vector_store %arg10[%swap3A_160, %swap3A_161], %swap3A_164 {strides = array<i32>} : memref<128x64xf32, #tpu.memory_space<vmem>>, vector<1x16xf32>,
      %get3A_165 = arith.index_cast %scan3A_136 : i32 to index
      %get3A_166 = arith.constant 32 : index
      %get3A_167 = tpu.vector_load %arg10[%get3A_165, %get3A_166] {strides = array<i32>} : memref<128x64xf32, #tpu.memory_space<vmem>>, vector<1x16xf32>,
      %get3A_168 = vector.shape_cast %get3A_167 : vector<1x16xf32> to vector<16xf32>
      %get3A_169 = arith.index_cast %scan3A_136 : i32 to index
      %get3A_170 = arith.constant 32 : index
      %get3A_171 = tpu.vector_load %arg12[%get3A_169, %get3A_170] {strides = array<i32>} : memref<128x64xf32, #tpu.memory_space<vmem>>, vector<1x16xf32>,
      %get3A_172 = vector.shape_cast %get3A_171 : vector<1x16xf32> to vector<16xf32>
      %mul3A_173 = arith.mulf %get3A_168, %get3A_172 : vector<16xf32>
      %abs3A_174 = math.absf %mul3A_173 : vector<16xf32>
      %div3A_175 = arith.divf %mul3A_173, %abs3A_174 : vector<16xf32>
      %swap3A_176 = arith.index_cast %scan3A_136 : i32 to index
      %swap3A_177 = arith.constant 32 : index
      %swap3A_178 = tpu.vector_load %arg10[%swap3A_176, %swap3A_177] {strides = array<i32>} : memref<128x64xf32, #tpu.memory_space<vmem>>, vector<1x16xf32>,
      %swap3A_179 = vector.shape_cast %swap3A_178 : vector<1x16xf32> to vector<16xf32>
      %swap3A_180 = vector.shape_cast %div3A_175 : vector<16xf32> to vector<1x16xf32>
      tpu.vector_store %arg10[%swap3A_176, %swap3A_177], %swap3A_180 {strides = array<i32>} : memref<128x64xf32, #tpu.memory_space<vmem>>, vector<1x16xf32>,
      %get3A_181 = arith.index_cast %scan3A_136 : i32 to index
      %get3A_182 = arith.constant 48 : index
      %get3A_183 = tpu.vector_load %arg10[%get3A_181, %get3A_182] {strides = array<i32>} : memref<128x64xf32, #tpu.memory_space<vmem>>, vector<1x16xf32>,
      %get3A_184 = vector.shape_cast %get3A_183 : vector<1x16xf32> to vector<16xf32>
      %get3A_185 = arith.index_cast %scan3A_136 : i32 to index
      %get3A_186 = arith.constant 48 : index
      %get3A_187 = tpu.vector_load %arg12[%get3A_185, %get3A_186] {strides = array<i32>} : memref<128x64xf32, #tpu.memory_space<vmem>>, vector<1x16xf32>,
      %get3A_188 = vector.shape_cast %get3A_187 : vector<1x16xf32> to vector<16xf32>
      %mul3A_189 = arith.mulf %get3A_184, %get3A_188 : vector<16xf32>
      %abs3A_190 = math.absf %mul3A_189 : vector<16xf32>
      %div3A_191 = arith.divf %mul3A_189, %abs3A_190 : vector<16xf32>
      %swap3A_192 = arith.index_cast %scan3A_136 : i32 to index
      %swap3A_193 = arith.constant 48 : index
      %swap3A_194 = tpu.vector_load %arg10[%swap3A_192, %swap3A_193] {strides = array<i32>} : memref<128x64xf32, #tpu.memory_space<vmem>>, vector<1x16xf32>,
      %swap3A_195 = vector.shape_cast %swap3A_194 : vector<1x16xf32> to vector<16xf32>
      %swap3A_196 = vector.shape_cast %div3A_191 : vector<16xf32> to vector<1x16xf32>
      tpu.vector_store %arg10[%swap3A_192, %swap3A_193], %swap3A_196 {strides = array<i32>} : memref<128x64xf32, #tpu.memory_space<vmem>>, vector<1x16xf32>,
    }
    %scan3A_63 = arith.constant 128 : i32
    %add3A_64 = arith.constant 128 : i32
    %add3A_65 = arith.addi %mul3A_2, %add3A_64 : i32
    %dma_start3A_66 = arith.constant 0 : i32
    %dma_start3A_67 = tpu.memref_slice %arg6[%add3A_65, %dma_start3A_66] : memref<16384x64xf32, #tpu.memory_space<hbm>> -> memref<128x64xf32, #tpu.memory_space<hbm>>
    %dma_start3A_68 = arith.constant 0 : i32
    %dma_start3A_69 = tpu.memref_slice %arg6[%add3A_65, %dma_start3A_68] : memref<16384x64xf32, #tpu.memory_space<hbm>> -> memref<128x64xf32, #tpu.memory_space<hbm>>
    tpu.enqueue_dma source(%arg10 : memref<128x64xf32, #tpu.memory_space<vmem>>) target(%dma_start3A_69 : memref<128x64xf32, #tpu.memory_space<hbm>>) target_semaphore(%arg17 : memref<!tpu.dma_semaphore, #tpu.memory_space<semaphore_mem>>)
    %dma_wait3A_70 = arith.constant 0 : i32
    %dma_wait3A_71 = tpu.memref_slice %arg6[%add3A_65, %dma_wait3A_70] : memref<16384x64xf32, #tpu.memory_space<hbm>> -> memref<128x64xf32, #tpu.memory_space<hbm>>
    %dma_wait3A_72 = arith.constant 0 : i32
    %dma_wait3A_73 = tpu.memref_slice %arg6[%add3A_65, %dma_wait3A_72] : memref<16384x64xf32, #tpu.memory_space<hbm>> -> memref<128x64xf32, #tpu.memory_space<hbm>>
    tpu.wait_dma2 semaphore(%arg17 : memref<!tpu.dma_semaphore, #tpu.memory_space<semaphore_mem>>) src(%arg10 : memref<128x64xf32, #tpu.memory_space<vmem>>) dst(%dma_wait3A_73 : memref<128x64xf32, #tpu.memory_space<hbm>>)
    %dma_wait3A_74 = arith.constant 0 : i32
    %dma_wait3A_75 = arith.constant 0 : i32
    %dma_wait3A_76 = tpu.memref_slice %arg4[%dma_wait3A_74, %dma_wait3A_75] : memref<1000000x64xf32, #tpu.memory_space<hbm>> -> memref<128x64xf32, #tpu.memory_space<hbm>>
    %dma_wait3A_77 = arith.constant 0 : i32
    %dma_wait3A_78 = arith.constant 0 : i32
    %dma_wait3A_79 = tpu.memref_slice %arg4[%dma_wait3A_77, %dma_wait3A_78] : memref<1000000x64xf32, #tpu.memory_space<hbm>> -> memref<128x64xf32, #tpu.memory_space<hbm>>
    tpu.wait_dma2 semaphore(%arg13 : memref<!tpu.dma_semaphore, #tpu.memory_space<semaphore_mem>>) src(%dma_wait3A_79 : memref<128x64xf32, #tpu.memory_space<hbm>>) dst(%arg9 : memref<128x64xf32, #tpu.memory_space<vmem>>)
    %dma_wait3A_80 = arith.constant 0 : i32
    %dma_wait3A_81 = arith.constant 0 : i32
    %dma_wait3A_82 = tpu.memref_slice %arg5[%dma_wait3A_80, %dma_wait3A_81] : memref<1000000x64xf32, #tpu.memory_space<hbm>> -> memref<128x64xf32, #tpu.memory_space<hbm>>
    %dma_wait3A_83 = arith.constant 0 : i32
    %dma_wait3A_84 = arith.constant 0 : i32
    %dma_wait3A_85 = tpu.memref_slice %arg5[%dma_wait3A_83, %dma_wait3A_84] : memref<1000000x64xf32, #tpu.memory_space<hbm>> -> memref<128x64xf32, #tpu.memory_space<hbm>>
    tpu.wait_dma2 semaphore(%arg15 : memref<!tpu.dma_semaphore, #tpu.memory_space<semaphore_mem>>) src(%dma_wait3A_85 : memref<128x64xf32, #tpu.memory_space<hbm>>) dst(%arg11 : memref<128x64xf32, #tpu.memory_space<vmem>>)
    %scan3A_86 = arith.constant 0 : i32
    %scan3A_87 = arith.constant 0 : i32
    %scan3A_88 = arith.constant 8 : i32
    %scan3A_89 = arith.addi %scan3A_87, %scan3A_88 : i32
    %scan3A_90 = arith.constant 1 : i32
    scf.for %scan3A_136 = %scan3A_87 to %scan3A_89 step %scan3A_90  : i32 {
      %mul3A_137 = arith.constant 16 : i32
      %mul3A_138 = arith.muli %scan3A_136, %mul3A_137 : i32
      %add3A_139 = arith.constant 384 : i32
      %add3A_140 = arith.addi %add3A_139, %mul3A_138 : i32
      %get3A = arith.index_cast %add3A_140 : i32 to index
      %get3A_141 = tpu.vector_load %arg7[%get3A] {strides = array<i32>} : memref<512xi32, #tpu.memory_space<vmem>>, vector<16xi32>,
      %get3A_142 = vector.shape_cast %get3A_141 : vector<16xi32> to vector<16xi32>
      %add3A_143 = arith.constant 384 : i32
      %add3A_144 = arith.addi %add3A_143, %mul3A_138 : i32
      %get3A_145 = arith.index_cast %add3A_144 : i32 to index
      %get3A_146 = tpu.vector_load %arg8[%get3A_145] {strides = array<i32>} : memref<512xi32, #tpu.memory_space<vmem>>, vector<16xi32>,
      %get3A_147 = vector.shape_cast %get3A_146 : vector<16xi32> to vector<16xi32>
      %slice3A = vector.extract_strided_slice %get3A_142 {offsets = [0], sizes = [1], strides = [1]} : vector<16xi32> to vector<1xi32>
      %squeeze3A = vector.extract %slice3A[0] : i32 from vector<1xi32>
      %add3A_148 = arith.constant 0 : i32
      %add3A_149 = arith.addi %mul3A_138, %add3A_148 : i32
      %dma_start3A_150 = arith.constant 0 : i32
      %dma_start3A_151 = tpu.memref_slice %arg10[%add3A_149, %dma_start3A_150] : memref<128x64xf32, #tpu.memory_space<vmem>> -> memref<1x64xf32, #tpu.memory_space<vmem>>
      %dma_start3A_152 = arith.constant 0 : i32
      %dma_start3A_153 = tpu.memref_slice %arg4[%squeeze3A, %dma_start3A_152] : memref<1000000x64xf32, #tpu.memory_space<hbm>> -> memref<1x64xf32, #tpu.memory_space<hbm>>
      %dma_start3A_154 = arith.constant 0 : i32
      %dma_start3A_155 = tpu.memref_slice %arg10[%add3A_149, %dma_start3A_154] : memref<128x64xf32, #tpu.memory_space<vmem>> -> memref<1x64xf32, #tpu.memory_space<vmem>>
      %dma_start3A_156 = arith.constant 0 : i32
      %dma_start3A_157 = tpu.memref_slice %arg4[%squeeze3A, %dma_start3A_156] : memref<1000000x64xf32, #tpu.memory_space<hbm>> -> memref<1x64xf32, #tpu.memory_space<hbm>>
      tpu.enqueue_dma source(%dma_start3A_157 : memref<1x64xf32, #tpu.memory_space<hbm>>) target(%dma_start3A_155 : memref<1x64xf32, #tpu.memory_space<vmem>>) target_semaphore(%arg14 : memref<!tpu.dma_semaphore, #tpu.memory_space<semaphore_mem>>)
      %slice3A_158 = vector.extract_strided_slice %get3A_147 {offsets = [0], sizes = [1], strides = [1]} : vector<16xi32> to vector<1xi32>
      %squeeze3A_159 = vector.extract %slice3A_158[0] : i32 from vector<1xi32>
      %add3A_160 = arith.constant 0 : i32
      %add3A_161 = arith.addi %mul3A_138, %add3A_160 : i32
      %dma_start3A_162 = arith.constant 0 : i32
      %dma_start3A_163 = tpu.memref_slice %arg12[%add3A_161, %dma_start3A_162] : memref<128x64xf32, #tpu.memory_space<vmem>> -> memref<1x64xf32, #tpu.memory_space<vmem>>
      %dma_start3A_164 = arith.constant 0 : i32
      %dma_start3A_165 = tpu.memref_slice %arg5[%squeeze3A_159, %dma_start3A_164] : memref<1000000x64xf32, #tpu.memory_space<hbm>> -> memref<1x64xf32, #tpu.memory_space<hbm>>
      %dma_start3A_166 = arith.constant 0 : i32
      %dma_start3A_167 = tpu.memref_slice %arg12[%add3A_161, %dma_start3A_166] : memref<128x64xf32, #tpu.memory_space<vmem>> -> memref<1x64xf32, #tpu.memory_space<vmem>>
      %dma_start3A_168 = arith.constant 0 : i32
      %dma_start3A_169 = tpu.memref_slice %arg5[%squeeze3A_159, %dma_start3A_168] : memref<1000000x64xf32, #tpu.memory_space<hbm>> -> memref<1x64xf32, #tpu.memory_space<hbm>>
      tpu.enqueue_dma source(%dma_start3A_169 : memref<1x64xf32, #tpu.memory_space<hbm>>) target(%dma_start3A_167 : memref<1x64xf32, #tpu.memory_space<vmem>>) target_semaphore(%arg16 : memref<!tpu.dma_semaphore, #tpu.memory_space<semaphore_mem>>)
      %slice3A_170 = vector.extract_strided_slice %get3A_142 {offsets = [1], sizes = [1], strides = [1]} : vector<16xi32> to vector<1xi32>
      %squeeze3A_171 = vector.extract %slice3A_170[0] : i32 from vector<1xi32>
      %add3A_172 = arith.constant 1 : i32
      %add3A_173 = arith.addi %mul3A_138, %add3A_172 : i32
      %dma_start3A_174 = arith.constant 0 : i32
      %dma_start3A_175 = tpu.memref_slice %arg10[%add3A_173, %dma_start3A_174] : memref<128x64xf32, #tpu.memory_space<vmem>> -> memref<1x64xf32, #tpu.memory_space<vmem>>
      %dma_start3A_176 = arith.constant 0 : i32
      %dma_start3A_177 = tpu.memref_slice %arg4[%squeeze3A_171, %dma_start3A_176] : memref<1000000x64xf32, #tpu.memory_space<hbm>> -> memref<1x64xf32, #tpu.memory_space<hbm>>
      %dma_start3A_178 = arith.constant 0 : i32
      %dma_start3A_179 = tpu.memref_slice %arg10[%add3A_173, %dma_start3A_178] : memref<128x64xf32, #tpu.memory_space<vmem>> -> memref<1x64xf32, #tpu.memory_space<vmem>>
      %dma_start3A_180 = arith.constant 0 : i32
      %dma_start3A_181 = tpu.memref_slice %arg4[%squeeze3A_171, %dma_start3A_180] : memref<1000000x64xf32, #tpu.memory_space<hbm>> -> memref<1x64xf32, #tpu.memory_space<hbm>>
      tpu.enqueue_dma source(%dma_start3A_181 : memref<1x64xf32, #tpu.memory_space<hbm>>) target(%dma_start3A_179 : memref<1x64xf32, #tpu.memory_space<vmem>>) target_semaphore(%arg14 : memref<!tpu.dma_semaphore, #tpu.memory_space<semaphore_mem>>)
      %slice3A_182 = vector.extract_strided_slice %get3A_147 {offsets = [1], sizes = [1], strides = [1]} : vector<16xi32> to vector<1xi32>
      %squeeze3A_183 = vector.extract %slice3A_182[0] : i32 from vector<1xi32>
      %add3A_184 = arith.constant 1 : i32
      %add3A_185 = arith.addi %mul3A_138, %add3A_184 : i32
      %dma_start3A_186 = arith.constant 0 : i32
      %dma_start3A_187 = tpu.memref_slice %arg12[%add3A_185, %dma_start3A_186] : memref<128x64xf32, #tpu.memory_space<vmem>> -> memref<1x64xf32, #tpu.memory_space<vmem>>
      %dma_start3A_188 = arith.constant 0 : i32
      %dma_start3A_189 = tpu.memref_slice %arg5[%squeeze3A_183, %dma_start3A_188] : memref<1000000x64xf32, #tpu.memory_space<hbm>> -> memref<1x64xf32, #tpu.memory_space<hbm>>
      %dma_start3A_190 = arith.constant 0 : i32
      %dma_start3A_191 = tpu.memref_slice %arg12[%add3A_185, %dma_start3A_190] : memref<128x64xf32, #tpu.memory_space<vmem>> -> memref<1x64xf32, #tpu.memory_space<vmem>>
      %dma_start3A_192 = arith.constant 0 : i32
      %dma_start3A_193 = tpu.memref_slice %arg5[%squeeze3A_183, %dma_start3A_192] : memref<1000000x64xf32, #tpu.memory_space<hbm>> -> memref<1x64xf32, #tpu.memory_space<hbm>>
      tpu.enqueue_dma source(%dma_start3A_193 : memref<1x64xf32, #tpu.memory_space<hbm>>) target(%dma_start3A_191 : memref<1x64xf32, #tpu.memory_space<vmem>>) target_semaphore(%arg16 : memref<!tpu.dma_semaphore, #tpu.memory_space<semaphore_mem>>)
      %slice3A_194 = vector.extract_strided_slice %get3A_142 {offsets = [2], sizes = [1], strides = [1]} : vector<16xi32> to vector<1xi32>
      %squeeze3A_195 = vector.extract %slice3A_194[0] : i32 from vector<1xi32>
      %add3A_196 = arith.constant 2 : i32
      %add3A_197 = arith.addi %mul3A_138, %add3A_196 : i32
      %dma_start3A_198 = arith.constant 0 : i32
      %dma_start3A_199 = tpu.memref_slice %arg10[%add3A_197, %dma_start3A_198] : memref<128x64xf32, #tpu.memory_space<vmem>> -> memref<1x64xf32, #tpu.memory_space<vmem>>
      %dma_start3A_200 = arith.constant 0 : i32
      %dma_start3A_201 = tpu.memref_slice %arg4[%squeeze3A_195, %dma_start3A_200] : memref<1000000x64xf32, #tpu.memory_space<hbm>> -> memref<1x64xf32, #tpu.memory_space<hbm>>
      %dma_start3A_202 = arith.constant 0 : i32
      %dma_start3A_203 = tpu.memref_slice %arg10[%add3A_197, %dma_start3A_202] : memref<128x64xf32, #tpu.memory_space<vmem>> -> memref<1x64xf32, #tpu.memory_space<vmem>>
      %dma_start3A_204 = arith.constant 0 : i32
      %dma_start3A_205 = tpu.memref_slice %arg4[%squeeze3A_195, %dma_start3A_204] : memref<1000000x64xf32, #tpu.memory_space<hbm>> -> memref<1x64xf32, #tpu.memory_space<hbm>>
      tpu.enqueue_dma source(%dma_start3A_205 : memref<1x64xf32, #tpu.memory_space<hbm>>) target(%dma_start3A_203 : memref<1x64xf32, #tpu.memory_space<vmem>>) target_semaphore(%arg14 : memref<!tpu.dma_semaphore, #tpu.memory_space<semaphore_mem>>)
      %slice3A_206 = vector.extract_strided_slice %get3A_147 {offsets = [2], sizes = [1], strides = [1]} : vector<16xi32> to vector<1xi32>
      %squeeze3A_207 = vector.extract %slice3A_206[0] : i32 from vector<1xi32>
      %add3A_208 = arith.constant 2 : i32
      %add3A_209 = arith.addi %mul3A_138, %add3A_208 : i32
      %dma_start3A_210 = arith.constant 0 : i32
      %dma_start3A_211 = tpu.memref_slice %arg12[%add3A_209, %dma_start3A_210] : memref<128x64xf32, #tpu.memory_space<vmem>> -> memref<1x64xf32, #tpu.memory_space<vmem>>
      %dma_start3A_212 = arith.constant 0 : i32
      %dma_start3A_213 = tpu.memref_slice %arg5[%squeeze3A_207, %dma_start3A_212] : memref<1000000x64xf32, #tpu.memory_space<hbm>> -> memref<1x64xf32, #tpu.memory_space<hbm>>
      %dma_start3A_214 = arith.constant 0 : i32
      %dma_start3A_215 = tpu.memref_slice %arg12[%add3A_209, %dma_start3A_214] : memref<128x64xf32, #tpu.memory_space<vmem>> -> memref<1x64xf32, #tpu.memory_space<vmem>>
      %dma_start3A_216 = arith.constant 0 : i32
      %dma_start3A_217 = tpu.memref_slice %arg5[%squeeze3A_207, %dma_start3A_216] : memref<1000000x64xf32, #tpu.memory_space<hbm>> -> memref<1x64xf32, #tpu.memory_space<hbm>>
      tpu.enqueue_dma source(%dma_start3A_217 : memref<1x64xf32, #tpu.memory_space<hbm>>) target(%dma_start3A_215 : memref<1x64xf32, #tpu.memory_space<vmem>>) target_semaphore(%arg16 : memref<!tpu.dma_semaphore, #tpu.memory_space<semaphore_mem>>)
      %slice3A_218 = vector.extract_strided_slice %get3A_142 {offsets = [3], sizes = [1], strides = [1]} : vector<16xi32> to vector<1xi32>
      %squeeze3A_219 = vector.extract %slice3A_218[0] : i32 from vector<1xi32>
      %add3A_220 = arith.constant 3 : i32
      %add3A_221 = arith.addi %mul3A_138, %add3A_220 : i32
      %dma_start3A_222 = arith.constant 0 : i32
      %dma_start3A_223 = tpu.memref_slice %arg10[%add3A_221, %dma_start3A_222] : memref<128x64xf32, #tpu.memory_space<vmem>> -> memref<1x64xf32, #tpu.memory_space<vmem>>
      %dma_start3A_224 = arith.constant 0 : i32
      %dma_start3A_225 = tpu.memref_slice %arg4[%squeeze3A_219, %dma_start3A_224] : memref<1000000x64xf32, #tpu.memory_space<hbm>> -> memref<1x64xf32, #tpu.memory_space<hbm>>
      %dma_start3A_226 = arith.constant 0 : i32
      %dma_start3A_227 = tpu.memref_slice %arg10[%add3A_221, %dma_start3A_226] : memref<128x64xf32, #tpu.memory_space<vmem>> -> memref<1x64xf32, #tpu.memory_space<vmem>>
      %dma_start3A_228 = arith.constant 0 : i32
      %dma_start3A_229 = tpu.memref_slice %arg4[%squeeze3A_219, %dma_start3A_228] : memref<1000000x64xf32, #tpu.memory_space<hbm>> -> memref<1x64xf32, #tpu.memory_space<hbm>>
      tpu.enqueue_dma source(%dma_start3A_229 : memref<1x64xf32, #tpu.memory_space<hbm>>) target(%dma_start3A_227 : memref<1x64xf32, #tpu.memory_space<vmem>>) target_semaphore(%arg14 : memref<!tpu.dma_semaphore, #tpu.memory_space<semaphore_mem>>)
      %slice3A_230 = vector.extract_strided_slice %get3A_147 {offsets = [3], sizes = [1], strides = [1]} : vector<16xi32> to vector<1xi32>
      %squeeze3A_231 = vector.extract %slice3A_230[0] : i32 from vector<1xi32>
      %add3A_232 = arith.constant 3 : i32
      %add3A_233 = arith.addi %mul3A_138, %add3A_232 : i32
      %dma_start3A_234 = arith.constant 0 : i32
      %dma_start3A_235 = tpu.memref_slice %arg12[%add3A_233, %dma_start3A_234] : memref<128x64xf32, #tpu.memory_space<vmem>> -> memref<1x64xf32, #tpu.memory_space<vmem>>
      %dma_start3A_236 = arith.constant 0 : i32
      %dma_start3A_237 = tpu.memref_slice %arg5[%squeeze3A_231, %dma_start3A_236] : memref<1000000x64xf32, #tpu.memory_space<hbm>> -> memref<1x64xf32, #tpu.memory_space<hbm>>
      %dma_start3A_238 = arith.constant 0 : i32
      %dma_start3A_239 = tpu.memref_slice %arg12[%add3A_233, %dma_start3A_238] : memref<128x64xf32, #tpu.memory_space<vmem>> -> memref<1x64xf32, #tpu.memory_space<vmem>>
      %dma_start3A_240 = arith.constant 0 : i32
      %dma_start3A_241 = tpu.memref_slice %arg5[%squeeze3A_231, %dma_start3A_240] : memref<1000000x64xf32, #tpu.memory_space<hbm>> -> memref<1x64xf32, #tpu.memory_space<hbm>>
      tpu.enqueue_dma source(%dma_start3A_241 : memref<1x64xf32, #tpu.memory_space<hbm>>) target(%dma_start3A_239 : memref<1x64xf32, #tpu.memory_space<vmem>>) target_semaphore(%arg16 : memref<!tpu.dma_semaphore, #tpu.memory_space<semaphore_mem>>)
      %slice3A_242 = vector.extract_strided_slice %get3A_142 {offsets = [4], sizes = [1], strides = [1]} : vector<16xi32> to vector<1xi32>
      %squeeze3A_243 = vector.extract %slice3A_242[0] : i32 from vector<1xi32>
      %add3A_244 = arith.constant 4 : i32
      %add3A_245 = arith.addi %mul3A_138, %add3A_244 : i32
      %dma_start3A_246 = arith.constant 0 : i32
      %dma_start3A_247 = tpu.memref_slice %arg10[%add3A_245, %dma_start3A_246] : memref<128x64xf32, #tpu.memory_space<vmem>> -> memref<1x64xf32, #tpu.memory_space<vmem>>
      %dma_start3A_248 = arith.constant 0 : i32
      %dma_start3A_249 = tpu.memref_slice %arg4[%squeeze3A_243, %dma_start3A_248] : memref<1000000x64xf32, #tpu.memory_space<hbm>> -> memref<1x64xf32, #tpu.memory_space<hbm>>
      %dma_start3A_250 = arith.constant 0 : i32
      %dma_start3A_251 = tpu.memref_slice %arg10[%add3A_245, %dma_start3A_250] : memref<128x64xf32, #tpu.memory_space<vmem>> -> memref<1x64xf32, #tpu.memory_space<vmem>>
      %dma_start3A_252 = arith.constant 0 : i32
      %dma_start3A_253 = tpu.memref_slice %arg4[%squeeze3A_243, %dma_start3A_252] : memref<1000000x64xf32, #tpu.memory_space<hbm>> -> memref<1x64xf32, #tpu.memory_space<hbm>>
      tpu.enqueue_dma source(%dma_start3A_253 : memref<1x64xf32, #tpu.memory_space<hbm>>) target(%dma_start3A_251 : memref<1x64xf32, #tpu.memory_space<vmem>>) target_semaphore(%arg14 : memref<!tpu.dma_semaphore, #tpu.memory_space<semaphore_mem>>)
      %slice3A_254 = vector.extract_strided_slice %get3A_147 {offsets = [4], sizes = [1], strides = [1]} : vector<16xi32> to vector<1xi32>
      %squeeze3A_255 = vector.extract %slice3A_254[0] : i32 from vector<1xi32>
      %add3A_256 = arith.constant 4 : i32
      %add3A_257 = arith.addi %mul3A_138, %add3A_256 : i32
      %dma_start3A_258 = arith.constant 0 : i32
      %dma_start3A_259 = tpu.memref_slice %arg12[%add3A_257, %dma_start3A_258] : memref<128x64xf32, #tpu.memory_space<vmem>> -> memref<1x64xf32, #tpu.memory_space<vmem>>
      %dma_start3A_260 = arith.constant 0 : i32
      %dma_start3A_261 = tpu.memref_slice %arg5[%squeeze3A_255, %dma_start3A_260] : memref<1000000x64xf32, #tpu.memory_space<hbm>> -> memref<1x64xf32, #tpu.memory_space<hbm>>
      %dma_start3A_262 = arith.constant 0 : i32
      %dma_start3A_263 = tpu.memref_slice %arg12[%add3A_257, %dma_start3A_262] : memref<128x64xf32, #tpu.memory_space<vmem>> -> memref<1x64xf32, #tpu.memory_space<vmem>>
      %dma_start3A_264 = arith.constant 0 : i32
      %dma_start3A_265 = tpu.memref_slice %arg5[%squeeze3A_255, %dma_start3A_264] : memref<1000000x64xf32, #tpu.memory_space<hbm>> -> memref<1x64xf32, #tpu.memory_space<hbm>>
      tpu.enqueue_dma source(%dma_start3A_265 : memref<1x64xf32, #tpu.memory_space<hbm>>) target(%dma_start3A_263 : memref<1x64xf32, #tpu.memory_space<vmem>>) target_semaphore(%arg16 : memref<!tpu.dma_semaphore, #tpu.memory_space<semaphore_mem>>)
      %slice3A_266 = vector.extract_strided_slice %get3A_142 {offsets = [5], sizes = [1], strides = [1]} : vector<16xi32> to vector<1xi32>
      %squeeze3A_267 = vector.extract %slice3A_266[0] : i32 from vector<1xi32>
      %add3A_268 = arith.constant 5 : i32
      %add3A_269 = arith.addi %mul3A_138, %add3A_268 : i32
      %dma_start3A_270 = arith.constant 0 : i32
      %dma_start3A_271 = tpu.memref_slice %arg10[%add3A_269, %dma_start3A_270] : memref<128x64xf32, #tpu.memory_space<vmem>> -> memref<1x64xf32, #tpu.memory_space<vmem>>
      %dma_start3A_272 = arith.constant 0 : i32
      %dma_start3A_273 = tpu.memref_slice %arg4[%squeeze3A_267, %dma_start3A_272] : memref<1000000x64xf32, #tpu.memory_space<hbm>> -> memref<1x64xf32, #tpu.memory_space<hbm>>
      %dma_start3A_274 = arith.constant 0 : i32
      %dma_start3A_275 = tpu.memref_slice %arg10[%add3A_269, %dma_start3A_274] : memref<128x64xf32, #tpu.memory_space<vmem>> -> memref<1x64xf32, #tpu.memory_space<vmem>>
      %dma_start3A_276 = arith.constant 0 : i32
      %dma_start3A_277 = tpu.memref_slice %arg4[%squeeze3A_267, %dma_start3A_276] : memref<1000000x64xf32, #tpu.memory_space<hbm>> -> memref<1x64xf32, #tpu.memory_space<hbm>>
      tpu.enqueue_dma source(%dma_start3A_277 : memref<1x64xf32, #tpu.memory_space<hbm>>) target(%dma_start3A_275 : memref<1x64xf32, #tpu.memory_space<vmem>>) target_semaphore(%arg14 : memref<!tpu.dma_semaphore, #tpu.memory_space<semaphore_mem>>)
      %slice3A_278 = vector.extract_strided_slice %get3A_147 {offsets = [5], sizes = [1], strides = [1]} : vector<16xi32> to vector<1xi32>
      %squeeze3A_279 = vector.extract %slice3A_278[0] : i32 from vector<1xi32>
      %add3A_280 = arith.constant 5 : i32
      %add3A_281 = arith.addi %mul3A_138, %add3A_280 : i32
      %dma_start3A_282 = arith.constant 0 : i32
      %dma_start3A_283 = tpu.memref_slice %arg12[%add3A_281, %dma_start3A_282] : memref<128x64xf32, #tpu.memory_space<vmem>> -> memref<1x64xf32, #tpu.memory_space<vmem>>
      %dma_start3A_284 = arith.constant 0 : i32
      %dma_start3A_285 = tpu.memref_slice %arg5[%squeeze3A_279, %dma_start3A_284] : memref<1000000x64xf32, #tpu.memory_space<hbm>> -> memref<1x64xf32, #tpu.memory_space<hbm>>
      %dma_start3A_286 = arith.constant 0 : i32
      %dma_start3A_287 = tpu.memref_slice %arg12[%add3A_281, %dma_start3A_286] : memref<128x64xf32, #tpu.memory_space<vmem>> -> memref<1x64xf32, #tpu.memory_space<vmem>>
      %dma_start3A_288 = arith.constant 0 : i32
      %dma_start3A_289 = tpu.memref_slice %arg5[%squeeze3A_279, %dma_start3A_288] : memref<1000000x64xf32, #tpu.memory_space<hbm>> -> memref<1x64xf32, #tpu.memory_space<hbm>>
      tpu.enqueue_dma source(%dma_start3A_289 : memref<1x64xf32, #tpu.memory_space<hbm>>) target(%dma_start3A_287 : memref<1x64xf32, #tpu.memory_space<vmem>>) target_semaphore(%arg16 : memref<!tpu.dma_semaphore, #tpu.memory_space<semaphore_mem>>)
      %slice3A_290 = vector.extract_strided_slice %get3A_142 {offsets = [6], sizes = [1], strides = [1]} : vector<16xi32> to vector<1xi32>
      %squeeze3A_291 = vector.extract %slice3A_290[0] : i32 from vector<1xi32>
      %add3A_292 = arith.constant 6 : i32
      %add3A_293 = arith.addi %mul3A_138, %add3A_292 : i32
      %dma_start3A_294 = arith.constant 0 : i32
      %dma_start3A_295 = tpu.memref_slice %arg10[%add3A_293, %dma_start3A_294] : memref<128x64xf32, #tpu.memory_space<vmem>> -> memref<1x64xf32, #tpu.memory_space<vmem>>
      %dma_start3A_296 = arith.constant 0 : i32
      %dma_start3A_297 = tpu.memref_slice %arg4[%squeeze3A_291, %dma_start3A_296] : memref<1000000x64xf32, #tpu.memory_space<hbm>> -> memref<1x64xf32, #tpu.memory_space<hbm>>
      %dma_start3A_298 = arith.constant 0 : i32
      %dma_start3A_299 = tpu.memref_slice %arg10[%add3A_293, %dma_start3A_298] : memref<128x64xf32, #tpu.memory_space<vmem>> -> memref<1x64xf32, #tpu.memory_space<vmem>>
      %dma_start3A_300 = arith.constant 0 : i32
      %dma_start3A_301 = tpu.memref_slice %arg4[%squeeze3A_291, %dma_start3A_300] : memref<1000000x64xf32, #tpu.memory_space<hbm>> -> memref<1x64xf32, #tpu.memory_space<hbm>>
      tpu.enqueue_dma source(%dma_start3A_301 : memref<1x64xf32, #tpu.memory_space<hbm>>) target(%dma_start3A_299 : memref<1x64xf32, #tpu.memory_space<vmem>>) target_semaphore(%arg14 : memref<!tpu.dma_semaphore, #tpu.memory_space<semaphore_mem>>)
      %slice3A_302 = vector.extract_strided_slice %get3A_147 {offsets = [6], sizes = [1], strides = [1]} : vector<16xi32> to vector<1xi32>
      %squeeze3A_303 = vector.extract %slice3A_302[0] : i32 from vector<1xi32>
      %add3A_304 = arith.constant 6 : i32
      %add3A_305 = arith.addi %mul3A_138, %add3A_304 : i32
      %dma_start3A_306 = arith.constant 0 : i32
      %dma_start3A_307 = tpu.memref_slice %arg12[%add3A_305, %dma_start3A_306] : memref<128x64xf32, #tpu.memory_space<vmem>> -> memref<1x64xf32, #tpu.memory_space<vmem>>
      %dma_start3A_308 = arith.constant 0 : i32
      %dma_start3A_309 = tpu.memref_slice %arg5[%squeeze3A_303, %dma_start3A_308] : memref<1000000x64xf32, #tpu.memory_space<hbm>> -> memref<1x64xf32, #tpu.memory_space<hbm>>
      %dma_start3A_310 = arith.constant 0 : i32
      %dma_start3A_311 = tpu.memref_slice %arg12[%add3A_305, %dma_start3A_310] : memref<128x64xf32, #tpu.memory_space<vmem>> -> memref<1x64xf32, #tpu.memory_space<vmem>>
      %dma_start3A_312 = arith.constant 0 : i32
      %dma_start3A_313 = tpu.memref_slice %arg5[%squeeze3A_303, %dma_start3A_312] : memref<1000000x64xf32, #tpu.memory_space<hbm>> -> memref<1x64xf32, #tpu.memory_space<hbm>>
      tpu.enqueue_dma source(%dma_start3A_313 : memref<1x64xf32, #tpu.memory_space<hbm>>) target(%dma_start3A_311 : memref<1x64xf32, #tpu.memory_space<vmem>>) target_semaphore(%arg16 : memref<!tpu.dma_semaphore, #tpu.memory_space<semaphore_mem>>)
      %slice3A_314 = vector.extract_strided_slice %get3A_142 {offsets = [7], sizes = [1], strides = [1]} : vector<16xi32> to vector<1xi32>
      %squeeze3A_315 = vector.extract %slice3A_314[0] : i32 from vector<1xi32>
      %add3A_316 = arith.constant 7 : i32
      %add3A_317 = arith.addi %mul3A_138, %add3A_316 : i32
      %dma_start3A_318 = arith.constant 0 : i32
      %dma_start3A_319 = tpu.memref_slice %arg10[%add3A_317, %dma_start3A_318] : memref<128x64xf32, #tpu.memory_space<vmem>> -> memref<1x64xf32, #tpu.memory_space<vmem>>
      %dma_start3A_320 = arith.constant 0 : i32
      %dma_start3A_321 = tpu.memref_slice %arg4[%squeeze3A_315, %dma_start3A_320] : memref<1000000x64xf32, #tpu.memory_space<hbm>> -> memref<1x64xf32, #tpu.memory_space<hbm>>
      %dma_start3A_322 = arith.constant 0 : i32
      %dma_start3A_323 = tpu.memref_slice %arg10[%add3A_317, %dma_start3A_322] : memref<128x64xf32, #tpu.memory_space<vmem>> -> memref<1x64xf32, #tpu.memory_space<vmem>>
      %dma_start3A_324 = arith.constant 0 : i32
      %dma_start3A_325 = tpu.memref_slice %arg4[%squeeze3A_315, %dma_start3A_324] : memref<1000000x64xf32, #tpu.memory_space<hbm>> -> memref<1x64xf32, #tpu.memory_space<hbm>>
      tpu.enqueue_dma source(%dma_start3A_325 : memref<1x64xf32, #tpu.memory_space<hbm>>) target(%dma_start3A_323 : memref<1x64xf32, #tpu.memory_space<vmem>>) target_semaphore(%arg14 : memref<!tpu.dma_semaphore, #tpu.memory_space<semaphore_mem>>)
      %slice3A_326 = vector.extract_strided_slice %get3A_147 {offsets = [7], sizes = [1], strides = [1]} : vector<16xi32> to vector<1xi32>
      %squeeze3A_327 = vector.extract %slice3A_326[0] : i32 from vector<1xi32>
      %add3A_328 = arith.constant 7 : i32
      %add3A_329 = arith.addi %mul3A_138, %add3A_328 : i32
      %dma_start3A_330 = arith.constant 0 : i32
      %dma_start3A_331 = tpu.memref_slice %arg12[%add3A_329, %dma_start3A_330] : memref<128x64xf32, #tpu.memory_space<vmem>> -> memref<1x64xf32, #tpu.memory_space<vmem>>
      %dma_start3A_332 = arith.constant 0 : i32
      %dma_start3A_333 = tpu.memref_slice %arg5[%squeeze3A_327, %dma_start3A_332] : memref<1000000x64xf32, #tpu.memory_space<hbm>> -> memref<1x64xf32, #tpu.memory_space<hbm>>
      %dma_start3A_334 = arith.constant 0 : i32
      %dma_start3A_335 = tpu.memref_slice %arg12[%add3A_329, %dma_start3A_334] : memref<128x64xf32, #tpu.memory_space<vmem>> -> memref<1x64xf32, #tpu.memory_space<vmem>>
      %dma_start3A_336 = arith.constant 0 : i32
      %dma_start3A_337 = tpu.memref_slice %arg5[%squeeze3A_327, %dma_start3A_336] : memref<1000000x64xf32, #tpu.memory_space<hbm>> -> memref<1x64xf32, #tpu.memory_space<hbm>>
      tpu.enqueue_dma source(%dma_start3A_337 : memref<1x64xf32, #tpu.memory_space<hbm>>) target(%dma_start3A_335 : memref<1x64xf32, #tpu.memory_space<vmem>>) target_semaphore(%arg16 : memref<!tpu.dma_semaphore, #tpu.memory_space<semaphore_mem>>)
      %slice3A_338 = vector.extract_strided_slice %get3A_142 {offsets = [8], sizes = [1], strides = [1]} : vector<16xi32> to vector<1xi32>
      %squeeze3A_339 = vector.extract %slice3A_338[0] : i32 from vector<1xi32>
      %add3A_340 = arith.constant 8 : i32
      %add3A_341 = arith.addi %mul3A_138, %add3A_340 : i32
      %dma_start3A_342 = arith.constant 0 : i32
      %dma_start3A_343 = tpu.memref_slice %arg10[%add3A_341, %dma_start3A_342] : memref<128x64xf32, #tpu.memory_space<vmem>> -> memref<1x64xf32, #tpu.memory_space<vmem>>
      %dma_start3A_344 = arith.constant 0 : i32
      %dma_start3A_345 = tpu.memref_slice %arg4[%squeeze3A_339, %dma_start3A_344] : memref<1000000x64xf32, #tpu.memory_space<hbm>> -> memref<1x64xf32, #tpu.memory_space<hbm>>
      %dma_start3A_346 = arith.constant 0 : i32
      %dma_start3A_347 = tpu.memref_slice %arg10[%add3A_341, %dma_start3A_346] : memref<128x64xf32, #tpu.memory_space<vmem>> -> memref<1x64xf32, #tpu.memory_space<vmem>>
      %dma_start3A_348 = arith.constant 0 : i32
      %dma_start3A_349 = tpu.memref_slice %arg4[%squeeze3A_339, %dma_start3A_348] : memref<1000000x64xf32, #tpu.memory_space<hbm>> -> memref<1x64xf32, #tpu.memory_space<hbm>>
      tpu.enqueue_dma source(%dma_start3A_349 : memref<1x64xf32, #tpu.memory_space<hbm>>) target(%dma_start3A_347 : memref<1x64xf32, #tpu.memory_space<vmem>>) target_semaphore(%arg14 : memref<!tpu.dma_semaphore, #tpu.memory_space<semaphore_mem>>)
      %slice3A_350 = vector.extract_strided_slice %get3A_147 {offsets = [8], sizes = [1], strides = [1]} : vector<16xi32> to vector<1xi32>
      %squeeze3A_351 = vector.extract %slice3A_350[0] : i32 from vector<1xi32>
      %add3A_352 = arith.constant 8 : i32
      %add3A_353 = arith.addi %mul3A_138, %add3A_352 : i32
      %dma_start3A_354 = arith.constant 0 : i32
      %dma_start3A_355 = tpu.memref_slice %arg12[%add3A_353, %dma_start3A_354] : memref<128x64xf32, #tpu.memory_space<vmem>> -> memref<1x64xf32, #tpu.memory_space<vmem>>
      %dma_start3A_356 = arith.constant 0 : i32
      %dma_start3A_357 = tpu.memref_slice %arg5[%squeeze3A_351, %dma_start3A_356] : memref<1000000x64xf32, #tpu.memory_space<hbm>> -> memref<1x64xf32, #tpu.memory_space<hbm>>
      %dma_start3A_358 = arith.constant 0 : i32
      %dma_start3A_359 = tpu.memref_slice %arg12[%add3A_353, %dma_start3A_358] : memref<128x64xf32, #tpu.memory_space<vmem>> -> memref<1x64xf32, #tpu.memory_space<vmem>>
      %dma_start3A_360 = arith.constant 0 : i32
      %dma_start3A_361 = tpu.memref_slice %arg5[%squeeze3A_351, %dma_start3A_360] : memref<1000000x64xf32, #tpu.memory_space<hbm>> -> memref<1x64xf32, #tpu.memory_space<hbm>>
      tpu.enqueue_dma source(%dma_start3A_361 : memref<1x64xf32, #tpu.memory_space<hbm>>) target(%dma_start3A_359 : memref<1x64xf32, #tpu.memory_space<vmem>>) target_semaphore(%arg16 : memref<!tpu.dma_semaphore, #tpu.memory_space<semaphore_mem>>)
      %slice3A_362 = vector.extract_strided_slice %get3A_142 {offsets = [9], sizes = [1], strides = [1]} : vector<16xi32> to vector<1xi32>
      %squeeze3A_363 = vector.extract %slice3A_362[0] : i32 from vector<1xi32>
      %add3A_364 = arith.constant 9 : i32
      %add3A_365 = arith.addi %mul3A_138, %add3A_364 : i32
      %dma_start3A_366 = arith.constant 0 : i32
      %dma_start3A_367 = tpu.memref_slice %arg10[%add3A_365, %dma_start3A_366] : memref<128x64xf32, #tpu.memory_space<vmem>> -> memref<1x64xf32, #tpu.memory_space<vmem>>
      %dma_start3A_368 = arith.constant 0 : i32
      %dma_start3A_369 = tpu.memref_slice %arg4[%squeeze3A_363, %dma_start3A_368] : memref<1000000x64xf32, #tpu.memory_space<hbm>> -> memref<1x64xf32, #tpu.memory_space<hbm>>
      %dma_start3A_370 = arith.constant 0 : i32
      %dma_start3A_371 = tpu.memref_slice %arg10[%add3A_365, %dma_start3A_370] : memref<128x64xf32, #tpu.memory_space<vmem>> -> memref<1x64xf32, #tpu.memory_space<vmem>>
      %dma_start3A_372 = arith.constant 0 : i32
      %dma_start3A_373 = tpu.memref_slice %arg4[%squeeze3A_363, %dma_start3A_372] : memref<1000000x64xf32, #tpu.memory_space<hbm>> -> memref<1x64xf32, #tpu.memory_space<hbm>>
      tpu.enqueue_dma source(%dma_start3A_373 : memref<1x64xf32, #tpu.memory_space<hbm>>) target(%dma_start3A_371 : memref<1x64xf32, #tpu.memory_space<vmem>>) target_semaphore(%arg14 : memref<!tpu.dma_semaphore, #tpu.memory_space<semaphore_mem>>)
      %slice3A_374 = vector.extract_strided_slice %get3A_147 {offsets = [9], sizes = [1], strides = [1]} : vector<16xi32> to vector<1xi32>
      %squeeze3A_375 = vector.extract %slice3A_374[0] : i32 from vector<1xi32>
      %add3A_376 = arith.constant 9 : i32
      %add3A_377 = arith.addi %mul3A_138, %add3A_376 : i32
      %dma_start3A_378 = arith.constant 0 : i32
      %dma_start3A_379 = tpu.memref_slice %arg12[%add3A_377, %dma_start3A_378] : memref<128x64xf32, #tpu.memory_space<vmem>> -> memref<1x64xf32, #tpu.memory_space<vmem>>
      %dma_start3A_380 = arith.constant 0 : i32
      %dma_start3A_381 = tpu.memref_slice %arg5[%squeeze3A_375, %dma_start3A_380] : memref<1000000x64xf32, #tpu.memory_space<hbm>> -> memref<1x64xf32, #tpu.memory_space<hbm>>
      %dma_start3A_382 = arith.constant 0 : i32
      %dma_start3A_383 = tpu.memref_slice %arg12[%add3A_377, %dma_start3A_382] : memref<128x64xf32, #tpu.memory_space<vmem>> -> memref<1x64xf32, #tpu.memory_space<vmem>>
      %dma_start3A_384 = arith.constant 0 : i32
      %dma_start3A_385 = tpu.memref_slice %arg5[%squeeze3A_375, %dma_start3A_384] : memref<1000000x64xf32, #tpu.memory_space<hbm>> -> memref<1x64xf32, #tpu.memory_space<hbm>>
      tpu.enqueue_dma source(%dma_start3A_385 : memref<1x64xf32, #tpu.memory_space<hbm>>) target(%dma_start3A_383 : memref<1x64xf32, #tpu.memory_space<vmem>>) target_semaphore(%arg16 : memref<!tpu.dma_semaphore, #tpu.memory_space<semaphore_mem>>)
      %slice3A_386 = vector.extract_strided_slice %get3A_142 {offsets = [10], sizes = [1], strides = [1]} : vector<16xi32> to vector<1xi32>
      %squeeze3A_387 = vector.extract %slice3A_386[0] : i32 from vector<1xi32>
      %add3A_388 = arith.constant 10 : i32
      %add3A_389 = arith.addi %mul3A_138, %add3A_388 : i32
      %dma_start3A_390 = arith.constant 0 : i32
      %dma_start3A_391 = tpu.memref_slice %arg10[%add3A_389, %dma_start3A_390] : memref<128x64xf32, #tpu.memory_space<vmem>> -> memref<1x64xf32, #tpu.memory_space<vmem>>
      %dma_start3A_392 = arith.constant 0 : i32
      %dma_start3A_393 = tpu.memref_slice %arg4[%squeeze3A_387, %dma_start3A_392] : memref<1000000x64xf32, #tpu.memory_space<hbm>> -> memref<1x64xf32, #tpu.memory_space<hbm>>
      %dma_start3A_394 = arith.constant 0 : i32
      %dma_start3A_395 = tpu.memref_slice %arg10[%add3A_389, %dma_start3A_394] : memref<128x64xf32, #tpu.memory_space<vmem>> -> memref<1x64xf32, #tpu.memory_space<vmem>>
      %dma_start3A_396 = arith.constant 0 : i32
      %dma_start3A_397 = tpu.memref_slice %arg4[%squeeze3A_387, %dma_start3A_396] : memref<1000000x64xf32, #tpu.memory_space<hbm>> -> memref<1x64xf32, #tpu.memory_space<hbm>>
      tpu.enqueue_dma source(%dma_start3A_397 : memref<1x64xf32, #tpu.memory_space<hbm>>) target(%dma_start3A_395 : memref<1x64xf32, #tpu.memory_space<vmem>>) target_semaphore(%arg14 : memref<!tpu.dma_semaphore, #tpu.memory_space<semaphore_mem>>)
      %slice3A_398 = vector.extract_strided_slice %get3A_147 {offsets = [10], sizes = [1], strides = [1]} : vector<16xi32> to vector<1xi32>
      %squeeze3A_399 = vector.extract %slice3A_398[0] : i32 from vector<1xi32>
      %add3A_400 = arith.constant 10 : i32
      %add3A_401 = arith.addi %mul3A_138, %add3A_400 : i32
      %dma_start3A_402 = arith.constant 0 : i32
      %dma_start3A_403 = tpu.memref_slice %arg12[%add3A_401, %dma_start3A_402] : memref<128x64xf32, #tpu.memory_space<vmem>> -> memref<1x64xf32, #tpu.memory_space<vmem>>
      %dma_start3A_404 = arith.constant 0 : i32
      %dma_start3A_405 = tpu.memref_slice %arg5[%squeeze3A_399, %dma_start3A_404] : memref<1000000x64xf32, #tpu.memory_space<hbm>> -> memref<1x64xf32, #tpu.memory_space<hbm>>
      %dma_start3A_406 = arith.constant 0 : i32
      %dma_start3A_407 = tpu.memref_slice %arg12[%add3A_401, %dma_start3A_406] : memref<128x64xf32, #tpu.memory_space<vmem>> -> memref<1x64xf32, #tpu.memory_space<vmem>>
      %dma_start3A_408 = arith.constant 0 : i32
      %dma_start3A_409 = tpu.memref_slice %arg5[%squeeze3A_399, %dma_start3A_408] : memref<1000000x64xf32, #tpu.memory_space<hbm>> -> memref<1x64xf32, #tpu.memory_space<hbm>>
      tpu.enqueue_dma source(%dma_start3A_409 : memref<1x64xf32, #tpu.memory_space<hbm>>) target(%dma_start3A_407 : memref<1x64xf32, #tpu.memory_space<vmem>>) target_semaphore(%arg16 : memref<!tpu.dma_semaphore, #tpu.memory_space<semaphore_mem>>)
      %slice3A_410 = vector.extract_strided_slice %get3A_142 {offsets = [11], sizes = [1], strides = [1]} : vector<16xi32> to vector<1xi32>
      %squeeze3A_411 = vector.extract %slice3A_410[0] : i32 from vector<1xi32>
      %add3A_412 = arith.constant 11 : i32
      %add3A_413 = arith.addi %mul3A_138, %add3A_412 : i32
      %dma_start3A_414 = arith.constant 0 : i32
      %dma_start3A_415 = tpu.memref_slice %arg10[%add3A_413, %dma_start3A_414] : memref<128x64xf32, #tpu.memory_space<vmem>> -> memref<1x64xf32, #tpu.memory_space<vmem>>
      %dma_start3A_416 = arith.constant 0 : i32
      %dma_start3A_417 = tpu.memref_slice %arg4[%squeeze3A_411, %dma_start3A_416] : memref<1000000x64xf32, #tpu.memory_space<hbm>> -> memref<1x64xf32, #tpu.memory_space<hbm>>
      %dma_start3A_418 = arith.constant 0 : i32
      %dma_start3A_419 = tpu.memref_slice %arg10[%add3A_413, %dma_start3A_418] : memref<128x64xf32, #tpu.memory_space<vmem>> -> memref<1x64xf32, #tpu.memory_space<vmem>>
      %dma_start3A_420 = arith.constant 0 : i32
      %dma_start3A_421 = tpu.memref_slice %arg4[%squeeze3A_411, %dma_start3A_420] : memref<1000000x64xf32, #tpu.memory_space<hbm>> -> memref<1x64xf32, #tpu.memory_space<hbm>>
      tpu.enqueue_dma source(%dma_start3A_421 : memref<1x64xf32, #tpu.memory_space<hbm>>) target(%dma_start3A_419 : memref<1x64xf32, #tpu.memory_space<vmem>>) target_semaphore(%arg14 : memref<!tpu.dma_semaphore, #tpu.memory_space<semaphore_mem>>)
      %slice3A_422 = vector.extract_strided_slice %get3A_147 {offsets = [11], sizes = [1], strides = [1]} : vector<16xi32> to vector<1xi32>
      %squeeze3A_423 = vector.extract %slice3A_422[0] : i32 from vector<1xi32>
      %add3A_424 = arith.constant 11 : i32
      %add3A_425 = arith.addi %mul3A_138, %add3A_424 : i32
      %dma_start3A_426 = arith.constant 0 : i32
      %dma_start3A_427 = tpu.memref_slice %arg12[%add3A_425, %dma_start3A_426] : memref<128x64xf32, #tpu.memory_space<vmem>> -> memref<1x64xf32, #tpu.memory_space<vmem>>
      %dma_start3A_428 = arith.constant 0 : i32
      %dma_start3A_429 = tpu.memref_slice %arg5[%squeeze3A_423, %dma_start3A_428] : memref<1000000x64xf32, #tpu.memory_space<hbm>> -> memref<1x64xf32, #tpu.memory_space<hbm>>
      %dma_start3A_430 = arith.constant 0 : i32
      %dma_start3A_431 = tpu.memref_slice %arg12[%add3A_425, %dma_start3A_430] : memref<128x64xf32, #tpu.memory_space<vmem>> -> memref<1x64xf32, #tpu.memory_space<vmem>>
      %dma_start3A_432 = arith.constant 0 : i32
      %dma_start3A_433 = tpu.memref_slice %arg5[%squeeze3A_423, %dma_start3A_432] : memref<1000000x64xf32, #tpu.memory_space<hbm>> -> memref<1x64xf32, #tpu.memory_space<hbm>>
      tpu.enqueue_dma source(%dma_start3A_433 : memref<1x64xf32, #tpu.memory_space<hbm>>) target(%dma_start3A_431 : memref<1x64xf32, #tpu.memory_space<vmem>>) target_semaphore(%arg16 : memref<!tpu.dma_semaphore, #tpu.memory_space<semaphore_mem>>)
      %slice3A_434 = vector.extract_strided_slice %get3A_142 {offsets = [12], sizes = [1], strides = [1]} : vector<16xi32> to vector<1xi32>
      %squeeze3A_435 = vector.extract %slice3A_434[0] : i32 from vector<1xi32>
      %add3A_436 = arith.constant 12 : i32
      %add3A_437 = arith.addi %mul3A_138, %add3A_436 : i32
      %dma_start3A_438 = arith.constant 0 : i32
      %dma_start3A_439 = tpu.memref_slice %arg10[%add3A_437, %dma_start3A_438] : memref<128x64xf32, #tpu.memory_space<vmem>> -> memref<1x64xf32, #tpu.memory_space<vmem>>
      %dma_start3A_440 = arith.constant 0 : i32
      %dma_start3A_441 = tpu.memref_slice %arg4[%squeeze3A_435, %dma_start3A_440] : memref<1000000x64xf32, #tpu.memory_space<hbm>> -> memref<1x64xf32, #tpu.memory_space<hbm>>
      %dma_start3A_442 = arith.constant 0 : i32
      %dma_start3A_443 = tpu.memref_slice %arg10[%add3A_437, %dma_start3A_442] : memref<128x64xf32, #tpu.memory_space<vmem>> -> memref<1x64xf32, #tpu.memory_space<vmem>>
      %dma_start3A_444 = arith.constant 0 : i32
      %dma_start3A_445 = tpu.memref_slice %arg4[%squeeze3A_435, %dma_start3A_444] : memref<1000000x64xf32, #tpu.memory_space<hbm>> -> memref<1x64xf32, #tpu.memory_space<hbm>>
      tpu.enqueue_dma source(%dma_start3A_445 : memref<1x64xf32, #tpu.memory_space<hbm>>) target(%dma_start3A_443 : memref<1x64xf32, #tpu.memory_space<vmem>>) target_semaphore(%arg14 : memref<!tpu.dma_semaphore, #tpu.memory_space<semaphore_mem>>)
      %slice3A_446 = vector.extract_strided_slice %get3A_147 {offsets = [12], sizes = [1], strides = [1]} : vector<16xi32> to vector<1xi32>
      %squeeze3A_447 = vector.extract %slice3A_446[0] : i32 from vector<1xi32>
      %add3A_448 = arith.constant 12 : i32
      %add3A_449 = arith.addi %mul3A_138, %add3A_448 : i32
      %dma_start3A_450 = arith.constant 0 : i32
      %dma_start3A_451 = tpu.memref_slice %arg12[%add3A_449, %dma_start3A_450] : memref<128x64xf32, #tpu.memory_space<vmem>> -> memref<1x64xf32, #tpu.memory_space<vmem>>
      %dma_start3A_452 = arith.constant 0 : i32
      %dma_start3A_453 = tpu.memref_slice %arg5[%squeeze3A_447, %dma_start3A_452] : memref<1000000x64xf32, #tpu.memory_space<hbm>> -> memref<1x64xf32, #tpu.memory_space<hbm>>
      %dma_start3A_454 = arith.constant 0 : i32
      %dma_start3A_455 = tpu.memref_slice %arg12[%add3A_449, %dma_start3A_454] : memref<128x64xf32, #tpu.memory_space<vmem>> -> memref<1x64xf32, #tpu.memory_space<vmem>>
      %dma_start3A_456 = arith.constant 0 : i32
      %dma_start3A_457 = tpu.memref_slice %arg5[%squeeze3A_447, %dma_start3A_456] : memref<1000000x64xf32, #tpu.memory_space<hbm>> -> memref<1x64xf32, #tpu.memory_space<hbm>>
      tpu.enqueue_dma source(%dma_start3A_457 : memref<1x64xf32, #tpu.memory_space<hbm>>) target(%dma_start3A_455 : memref<1x64xf32, #tpu.memory_space<vmem>>) target_semaphore(%arg16 : memref<!tpu.dma_semaphore, #tpu.memory_space<semaphore_mem>>)
      %slice3A_458 = vector.extract_strided_slice %get3A_142 {offsets = [13], sizes = [1], strides = [1]} : vector<16xi32> to vector<1xi32>
      %squeeze3A_459 = vector.extract %slice3A_458[0] : i32 from vector<1xi32>
      %add3A_460 = arith.constant 13 : i32
      %add3A_461 = arith.addi %mul3A_138, %add3A_460 : i32
      %dma_start3A_462 = arith.constant 0 : i32
      %dma_start3A_463 = tpu.memref_slice %arg10[%add3A_461, %dma_start3A_462] : memref<128x64xf32, #tpu.memory_space<vmem>> -> memref<1x64xf32, #tpu.memory_space<vmem>>
      %dma_start3A_464 = arith.constant 0 : i32
      %dma_start3A_465 = tpu.memref_slice %arg4[%squeeze3A_459, %dma_start3A_464] : memref<1000000x64xf32, #tpu.memory_space<hbm>> -> memref<1x64xf32, #tpu.memory_space<hbm>>
      %dma_start3A_466 = arith.constant 0 : i32
      %dma_start3A_467 = tpu.memref_slice %arg10[%add3A_461, %dma_start3A_466] : memref<128x64xf32, #tpu.memory_space<vmem>> -> memref<1x64xf32, #tpu.memory_space<vmem>>
      %dma_start3A_468 = arith.constant 0 : i32
      %dma_start3A_469 = tpu.memref_slice %arg4[%squeeze3A_459, %dma_start3A_468] : memref<1000000x64xf32, #tpu.memory_space<hbm>> -> memref<1x64xf32, #tpu.memory_space<hbm>>
      tpu.enqueue_dma source(%dma_start3A_469 : memref<1x64xf32, #tpu.memory_space<hbm>>) target(%dma_start3A_467 : memref<1x64xf32, #tpu.memory_space<vmem>>) target_semaphore(%arg14 : memref<!tpu.dma_semaphore, #tpu.memory_space<semaphore_mem>>)
      %slice3A_470 = vector.extract_strided_slice %get3A_147 {offsets = [13], sizes = [1], strides = [1]} : vector<16xi32> to vector<1xi32>
      %squeeze3A_471 = vector.extract %slice3A_470[0] : i32 from vector<1xi32>
      %add3A_472 = arith.constant 13 : i32
      %add3A_473 = arith.addi %mul3A_138, %add3A_472 : i32
      %dma_start3A_474 = arith.constant 0 : i32
      %dma_start3A_475 = tpu.memref_slice %arg12[%add3A_473, %dma_start3A_474] : memref<128x64xf32, #tpu.memory_space<vmem>> -> memref<1x64xf32, #tpu.memory_space<vmem>>
      %dma_start3A_476 = arith.constant 0 : i32
      %dma_start3A_477 = tpu.memref_slice %arg5[%squeeze3A_471, %dma_start3A_476] : memref<1000000x64xf32, #tpu.memory_space<hbm>> -> memref<1x64xf32, #tpu.memory_space<hbm>>
      %dma_start3A_478 = arith.constant 0 : i32
      %dma_start3A_479 = tpu.memref_slice %arg12[%add3A_473, %dma_start3A_478] : memref<128x64xf32, #tpu.memory_space<vmem>> -> memref<1x64xf32, #tpu.memory_space<vmem>>
      %dma_start3A_480 = arith.constant 0 : i32
      %dma_start3A_481 = tpu.memref_slice %arg5[%squeeze3A_471, %dma_start3A_480] : memref<1000000x64xf32, #tpu.memory_space<hbm>> -> memref<1x64xf32, #tpu.memory_space<hbm>>
      tpu.enqueue_dma source(%dma_start3A_481 : memref<1x64xf32, #tpu.memory_space<hbm>>) target(%dma_start3A_479 : memref<1x64xf32, #tpu.memory_space<vmem>>) target_semaphore(%arg16 : memref<!tpu.dma_semaphore, #tpu.memory_space<semaphore_mem>>)
      %slice3A_482 = vector.extract_strided_slice %get3A_142 {offsets = [14], sizes = [1], strides = [1]} : vector<16xi32> to vector<1xi32>
      %squeeze3A_483 = vector.extract %slice3A_482[0] : i32 from vector<1xi32>
      %add3A_484 = arith.constant 14 : i32
      %add3A_485 = arith.addi %mul3A_138, %add3A_484 : i32
      %dma_start3A_486 = arith.constant 0 : i32
      %dma_start3A_487 = tpu.memref_slice %arg10[%add3A_485, %dma_start3A_486] : memref<128x64xf32, #tpu.memory_space<vmem>> -> memref<1x64xf32, #tpu.memory_space<vmem>>
      %dma_start3A_488 = arith.constant 0 : i32
      %dma_start3A_489 = tpu.memref_slice %arg4[%squeeze3A_483, %dma_start3A_488] : memref<1000000x64xf32, #tpu.memory_space<hbm>> -> memref<1x64xf32, #tpu.memory_space<hbm>>
      %dma_start3A_490 = arith.constant 0 : i32
      %dma_start3A_491 = tpu.memref_slice %arg10[%add3A_485, %dma_start3A_490] : memref<128x64xf32, #tpu.memory_space<vmem>> -> memref<1x64xf32, #tpu.memory_space<vmem>>
      %dma_start3A_492 = arith.constant 0 : i32
      %dma_start3A_493 = tpu.memref_slice %arg4[%squeeze3A_483, %dma_start3A_492] : memref<1000000x64xf32, #tpu.memory_space<hbm>> -> memref<1x64xf32, #tpu.memory_space<hbm>>
      tpu.enqueue_dma source(%dma_start3A_493 : memref<1x64xf32, #tpu.memory_space<hbm>>) target(%dma_start3A_491 : memref<1x64xf32, #tpu.memory_space<vmem>>) target_semaphore(%arg14 : memref<!tpu.dma_semaphore, #tpu.memory_space<semaphore_mem>>)
      %slice3A_494 = vector.extract_strided_slice %get3A_147 {offsets = [14], sizes = [1], strides = [1]} : vector<16xi32> to vector<1xi32>
      %squeeze3A_495 = vector.extract %slice3A_494[0] : i32 from vector<1xi32>
      %add3A_496 = arith.constant 14 : i32
      %add3A_497 = arith.addi %mul3A_138, %add3A_496 : i32
      %dma_start3A_498 = arith.constant 0 : i32
      %dma_start3A_499 = tpu.memref_slice %arg12[%add3A_497, %dma_start3A_498] : memref<128x64xf32, #tpu.memory_space<vmem>> -> memref<1x64xf32, #tpu.memory_space<vmem>>
      %dma_start3A_500 = arith.constant 0 : i32
      %dma_start3A_501 = tpu.memref_slice %arg5[%squeeze3A_495, %dma_start3A_500] : memref<1000000x64xf32, #tpu.memory_space<hbm>> -> memref<1x64xf32, #tpu.memory_space<hbm>>
      %dma_start3A_502 = arith.constant 0 : i32
      %dma_start3A_503 = tpu.memref_slice %arg12[%add3A_497, %dma_start3A_502] : memref<128x64xf32, #tpu.memory_space<vmem>> -> memref<1x64xf32, #tpu.memory_space<vmem>>
      %dma_start3A_504 = arith.constant 0 : i32
      %dma_start3A_505 = tpu.memref_slice %arg5[%squeeze3A_495, %dma_start3A_504] : memref<1000000x64xf32, #tpu.memory_space<hbm>> -> memref<1x64xf32, #tpu.memory_space<hbm>>
      tpu.enqueue_dma source(%dma_start3A_505 : memref<1x64xf32, #tpu.memory_space<hbm>>) target(%dma_start3A_503 : memref<1x64xf32, #tpu.memory_space<vmem>>) target_semaphore(%arg16 : memref<!tpu.dma_semaphore, #tpu.memory_space<semaphore_mem>>)
      %slice3A_506 = vector.extract_strided_slice %get3A_142 {offsets = [15], sizes = [1], strides = [1]} : vector<16xi32> to vector<1xi32>
      %squeeze3A_507 = vector.extract %slice3A_506[0] : i32 from vector<1xi32>
      %add3A_508 = arith.constant 15 : i32
      %add3A_509 = arith.addi %mul3A_138, %add3A_508 : i32
      %dma_start3A_510 = arith.constant 0 : i32
      %dma_start3A_511 = tpu.memref_slice %arg10[%add3A_509, %dma_start3A_510] : memref<128x64xf32, #tpu.memory_space<vmem>> -> memref<1x64xf32, #tpu.memory_space<vmem>>
      %dma_start3A_512 = arith.constant 0 : i32
      %dma_start3A_513 = tpu.memref_slice %arg4[%squeeze3A_507, %dma_start3A_512] : memref<1000000x64xf32, #tpu.memory_space<hbm>> -> memref<1x64xf32, #tpu.memory_space<hbm>>
      %dma_start3A_514 = arith.constant 0 : i32
      %dma_start3A_515 = tpu.memref_slice %arg10[%add3A_509, %dma_start3A_514] : memref<128x64xf32, #tpu.memory_space<vmem>> -> memref<1x64xf32, #tpu.memory_space<vmem>>
      %dma_start3A_516 = arith.constant 0 : i32
      %dma_start3A_517 = tpu.memref_slice %arg4[%squeeze3A_507, %dma_start3A_516] : memref<1000000x64xf32, #tpu.memory_space<hbm>> -> memref<1x64xf32, #tpu.memory_space<hbm>>
      tpu.enqueue_dma source(%dma_start3A_517 : memref<1x64xf32, #tpu.memory_space<hbm>>) target(%dma_start3A_515 : memref<1x64xf32, #tpu.memory_space<vmem>>) target_semaphore(%arg14 : memref<!tpu.dma_semaphore, #tpu.memory_space<semaphore_mem>>)
      %slice3A_518 = vector.extract_strided_slice %get3A_147 {offsets = [15], sizes = [1], strides = [1]} : vector<16xi32> to vector<1xi32>
      %squeeze3A_519 = vector.extract %slice3A_518[0] : i32 from vector<1xi32>
      %add3A_520 = arith.constant 15 : i32
      %add3A_521 = arith.addi %mul3A_138, %add3A_520 : i32
      %dma_start3A_522 = arith.constant 0 : i32
      %dma_start3A_523 = tpu.memref_slice %arg12[%add3A_521, %dma_start3A_522] : memref<128x64xf32, #tpu.memory_space<vmem>> -> memref<1x64xf32, #tpu.memory_space<vmem>>
      %dma_start3A_524 = arith.constant 0 : i32
      %dma_start3A_525 = tpu.memref_slice %arg5[%squeeze3A_519, %dma_start3A_524] : memref<1000000x64xf32, #tpu.memory_space<hbm>> -> memref<1x64xf32, #tpu.memory_space<hbm>>
      %dma_start3A_526 = arith.constant 0 : i32
      %dma_start3A_527 = tpu.memref_slice %arg12[%add3A_521, %dma_start3A_526] : memref<128x64xf32, #tpu.memory_space<vmem>> -> memref<1x64xf32, #tpu.memory_space<vmem>>
      %dma_start3A_528 = arith.constant 0 : i32
      %dma_start3A_529 = tpu.memref_slice %arg5[%squeeze3A_519, %dma_start3A_528] : memref<1000000x64xf32, #tpu.memory_space<hbm>> -> memref<1x64xf32, #tpu.memory_space<hbm>>
      tpu.enqueue_dma source(%dma_start3A_529 : memref<1x64xf32, #tpu.memory_space<hbm>>) target(%dma_start3A_527 : memref<1x64xf32, #tpu.memory_space<vmem>>) target_semaphore(%arg16 : memref<!tpu.dma_semaphore, #tpu.memory_space<semaphore_mem>>)
    }
    %scan3A_91 = arith.constant 8 : i32
    %scan3A_92 = arith.constant 0 : i32
    %scan3A_93 = arith.constant 0 : i32
    %scan3A_94 = arith.constant 128 : i32
    %scan3A_95 = arith.addi %scan3A_93, %scan3A_94 : i32
    %scan3A_96 = arith.constant 1 : i32
    scf.for %scan3A_136 = %scan3A_93 to %scan3A_95 step %scan3A_96  : i32 {
      %get3A = arith.index_cast %scan3A_136 : i32 to index
      %get3A_137 = arith.constant 0 : index
      %get3A_138 = tpu.vector_load %arg9[%get3A, %get3A_137] {strides = array<i32>} : memref<128x64xf32, #tpu.memory_space<vmem>>, vector<1x16xf32>,
      %get3A_139 = vector.shape_cast %get3A_138 : vector<1x16xf32> to vector<16xf32>
      %get3A_140 = arith.index_cast %scan3A_136 : i32 to index
      %get3A_141 = arith.constant 0 : index
      %get3A_142 = tpu.vector_load %arg11[%get3A_140, %get3A_141] {strides = array<i32>} : memref<128x64xf32, #tpu.memory_space<vmem>>, vector<1x16xf32>,
      %get3A_143 = vector.shape_cast %get3A_142 : vector<1x16xf32> to vector<16xf32>
      %mul3A_144 = arith.mulf %get3A_139, %get3A_143 : vector<16xf32>
      %abs3A = math.absf %mul3A_144 : vector<16xf32>
      %div3A = arith.divf %mul3A_144, %abs3A : vector<16xf32>
      %swap3A = arith.index_cast %scan3A_136 : i32 to index
      %swap3A_145 = arith.constant 0 : index
      %swap3A_146 = tpu.vector_load %arg9[%swap3A, %swap3A_145] {strides = array<i32>} : memref<128x64xf32, #tpu.memory_space<vmem>>, vector<1x16xf32>,
      %swap3A_147 = vector.shape_cast %swap3A_146 : vector<1x16xf32> to vector<16xf32>
      %swap3A_148 = vector.shape_cast %div3A : vector<16xf32> to vector<1x16xf32>
      tpu.vector_store %arg9[%swap3A, %swap3A_145], %swap3A_148 {strides = array<i32>} : memref<128x64xf32, #tpu.memory_space<vmem>>, vector<1x16xf32>,
      %get3A_149 = arith.index_cast %scan3A_136 : i32 to index
      %get3A_150 = arith.constant 16 : index
      %get3A_151 = tpu.vector_load %arg9[%get3A_149, %get3A_150] {strides = array<i32>} : memref<128x64xf32, #tpu.memory_space<vmem>>, vector<1x16xf32>,
      %get3A_152 = vector.shape_cast %get3A_151 : vector<1x16xf32> to vector<16xf32>
      %get3A_153 = arith.index_cast %scan3A_136 : i32 to index
      %get3A_154 = arith.constant 16 : index
      %get3A_155 = tpu.vector_load %arg11[%get3A_153, %get3A_154] {strides = array<i32>} : memref<128x64xf32, #tpu.memory_space<vmem>>, vector<1x16xf32>,
      %get3A_156 = vector.shape_cast %get3A_155 : vector<1x16xf32> to vector<16xf32>
      %mul3A_157 = arith.mulf %get3A_152, %get3A_156 : vector<16xf32>
      %abs3A_158 = math.absf %mul3A_157 : vector<16xf32>
      %div3A_159 = arith.divf %mul3A_157, %abs3A_158 : vector<16xf32>
      %swap3A_160 = arith.index_cast %scan3A_136 : i32 to index
      %swap3A_161 = arith.constant 16 : index
      %swap3A_162 = tpu.vector_load %arg9[%swap3A_160, %swap3A_161] {strides = array<i32>} : memref<128x64xf32, #tpu.memory_space<vmem>>, vector<1x16xf32>,
      %swap3A_163 = vector.shape_cast %swap3A_162 : vector<1x16xf32> to vector<16xf32>
      %swap3A_164 = vector.shape_cast %div3A_159 : vector<16xf32> to vector<1x16xf32>
      tpu.vector_store %arg9[%swap3A_160, %swap3A_161], %swap3A_164 {strides = array<i32>} : memref<128x64xf32, #tpu.memory_space<vmem>>, vector<1x16xf32>,
      %get3A_165 = arith.index_cast %scan3A_136 : i32 to index
      %get3A_166 = arith.constant 32 : index
      %get3A_167 = tpu.vector_load %arg9[%get3A_165, %get3A_166] {strides = array<i32>} : memref<128x64xf32, #tpu.memory_space<vmem>>, vector<1x16xf32>,
      %get3A_168 = vector.shape_cast %get3A_167 : vector<1x16xf32> to vector<16xf32>
      %get3A_169 = arith.index_cast %scan3A_136 : i32 to index
      %get3A_170 = arith.constant 32 : index
      %get3A_171 = tpu.vector_load %arg11[%get3A_169, %get3A_170] {strides = array<i32>} : memref<128x64xf32, #tpu.memory_space<vmem>>, vector<1x16xf32>,
      %get3A_172 = vector.shape_cast %get3A_171 : vector<1x16xf32> to vector<16xf32>
      %mul3A_173 = arith.mulf %get3A_168, %get3A_172 : vector<16xf32>
      %abs3A_174 = math.absf %mul3A_173 : vector<16xf32>
      %div3A_175 = arith.divf %mul3A_173, %abs3A_174 : vector<16xf32>
      %swap3A_176 = arith.index_cast %scan3A_136 : i32 to index
      %swap3A_177 = arith.constant 32 : index
      %swap3A_178 = tpu.vector_load %arg9[%swap3A_176, %swap3A_177] {strides = array<i32>} : memref<128x64xf32, #tpu.memory_space<vmem>>, vector<1x16xf32>,
      %swap3A_179 = vector.shape_cast %swap3A_178 : vector<1x16xf32> to vector<16xf32>
      %swap3A_180 = vector.shape_cast %div3A_175 : vector<16xf32> to vector<1x16xf32>
      tpu.vector_store %arg9[%swap3A_176, %swap3A_177], %swap3A_180 {strides = array<i32>} : memref<128x64xf32, #tpu.memory_space<vmem>>, vector<1x16xf32>,
      %get3A_181 = arith.index_cast %scan3A_136 : i32 to index
      %get3A_182 = arith.constant 48 : index
      %get3A_183 = tpu.vector_load %arg9[%get3A_181, %get3A_182] {strides = array<i32>} : memref<128x64xf32, #tpu.memory_space<vmem>>, vector<1x16xf32>,
      %get3A_184 = vector.shape_cast %get3A_183 : vector<1x16xf32> to vector<16xf32>
      %get3A_185 = arith.index_cast %scan3A_136 : i32 to index
      %get3A_186 = arith.constant 48 : index
      %get3A_187 = tpu.vector_load %arg11[%get3A_185, %get3A_186] {strides = array<i32>} : memref<128x64xf32, #tpu.memory_space<vmem>>, vector<1x16xf32>,
      %get3A_188 = vector.shape_cast %get3A_187 : vector<1x16xf32> to vector<16xf32>
      %mul3A_189 = arith.mulf %get3A_184, %get3A_188 : vector<16xf32>
      %abs3A_190 = math.absf %mul3A_189 : vector<16xf32>
      %div3A_191 = arith.divf %mul3A_189, %abs3A_190 : vector<16xf32>
      %swap3A_192 = arith.index_cast %scan3A_136 : i32 to index
      %swap3A_193 = arith.constant 48 : index
      %swap3A_194 = tpu.vector_load %arg9[%swap3A_192, %swap3A_193] {strides = array<i32>} : memref<128x64xf32, #tpu.memory_space<vmem>>, vector<1x16xf32>,
      %swap3A_195 = vector.shape_cast %swap3A_194 : vector<1x16xf32> to vector<16xf32>
      %swap3A_196 = vector.shape_cast %div3A_191 : vector<16xf32> to vector<1x16xf32>
      tpu.vector_store %arg9[%swap3A_192, %swap3A_193], %swap3A_196 {strides = array<i32>} : memref<128x64xf32, #tpu.memory_space<vmem>>, vector<1x16xf32>,
    }
    %scan3A_97 = arith.constant 128 : i32
    %add3A_98 = arith.constant 256 : i32
    %add3A_99 = arith.addi %mul3A_2, %add3A_98 : i32
    %dma_start3A_100 = arith.constant 0 : i32
    %dma_start3A_101 = tpu.memref_slice %arg6[%add3A_99, %dma_start3A_100] : memref<16384x64xf32, #tpu.memory_space<hbm>> -> memref<128x64xf32, #tpu.memory_space<hbm>>
    %dma_start3A_102 = arith.constant 0 : i32
    %dma_start3A_103 = tpu.memref_slice %arg6[%add3A_99, %dma_start3A_102] : memref<16384x64xf32, #tpu.memory_space<hbm>> -> memref<128x64xf32, #tpu.memory_space<hbm>>
    tpu.enqueue_dma source(%arg9 : memref<128x64xf32, #tpu.memory_space<vmem>>) target(%dma_start3A_103 : memref<128x64xf32, #tpu.memory_space<hbm>>) target_semaphore(%arg17 : memref<!tpu.dma_semaphore, #tpu.memory_space<semaphore_mem>>)
    %dma_wait3A_104 = arith.constant 0 : i32
    %dma_wait3A_105 = tpu.memref_slice %arg6[%add3A_99, %dma_wait3A_104] : memref<16384x64xf32, #tpu.memory_space<hbm>> -> memref<128x64xf32, #tpu.memory_space<hbm>>
    %dma_wait3A_106 = arith.constant 0 : i32
    %dma_wait3A_107 = tpu.memref_slice %arg6[%add3A_99, %dma_wait3A_106] : memref<16384x64xf32, #tpu.memory_space<hbm>> -> memref<128x64xf32, #tpu.memory_space<hbm>>
    tpu.wait_dma2 semaphore(%arg17 : memref<!tpu.dma_semaphore, #tpu.memory_space<semaphore_mem>>) src(%arg9 : memref<128x64xf32, #tpu.memory_space<vmem>>) dst(%dma_wait3A_107 : memref<128x64xf32, #tpu.memory_space<hbm>>)
    %dma_wait3A_108 = arith.constant 0 : i32
    %dma_wait3A_109 = arith.constant 0 : i32
    %dma_wait3A_110 = tpu.memref_slice %arg4[%dma_wait3A_108, %dma_wait3A_109] : memref<1000000x64xf32, #tpu.memory_space<hbm>> -> memref<128x64xf32, #tpu.memory_space<hbm>>
    %dma_wait3A_111 = arith.constant 0 : i32
    %dma_wait3A_112 = arith.constant 0 : i32
    %dma_wait3A_113 = tpu.memref_slice %arg4[%dma_wait3A_111, %dma_wait3A_112] : memref<1000000x64xf32, #tpu.memory_space<hbm>> -> memref<128x64xf32, #tpu.memory_space<hbm>>
    tpu.wait_dma2 semaphore(%arg14 : memref<!tpu.dma_semaphore, #tpu.memory_space<semaphore_mem>>) src(%dma_wait3A_113 : memref<128x64xf32, #tpu.memory_space<hbm>>) dst(%arg10 : memref<128x64xf32, #tpu.memory_space<vmem>>)
    %dma_wait3A_114 = arith.constant 0 : i32
    %dma_wait3A_115 = arith.constant 0 : i32
    %dma_wait3A_116 = tpu.memref_slice %arg5[%dma_wait3A_114, %dma_wait3A_115] : memref<1000000x64xf32, #tpu.memory_space<hbm>> -> memref<128x64xf32, #tpu.memory_space<hbm>>
    %dma_wait3A_117 = arith.constant 0 : i32
    %dma_wait3A_118 = arith.constant 0 : i32
    %dma_wait3A_119 = tpu.memref_slice %arg5[%dma_wait3A_117, %dma_wait3A_118] : memref<1000000x64xf32, #tpu.memory_space<hbm>> -> memref<128x64xf32, #tpu.memory_space<hbm>>
    tpu.wait_dma2 semaphore(%arg16 : memref<!tpu.dma_semaphore, #tpu.memory_space<semaphore_mem>>) src(%dma_wait3A_119 : memref<128x64xf32, #tpu.memory_space<hbm>>) dst(%arg12 : memref<128x64xf32, #tpu.memory_space<vmem>>)
    %scan3A_120 = arith.constant 0 : i32
    %scan3A_121 = arith.constant 0 : i32
    %scan3A_122 = arith.constant 128 : i32
    %scan3A_123 = arith.addi %scan3A_121, %scan3A_122 : i32
    %scan3A_124 = arith.constant 1 : i32
    scf.for %scan3A_136 = %scan3A_121 to %scan3A_123 step %scan3A_124  : i32 {
      %get3A = arith.index_cast %scan3A_136 : i32 to index
      %get3A_137 = arith.constant 0 : index
      %get3A_138 = tpu.vector_load %arg10[%get3A, %get3A_137] {strides = array<i32>} : memref<128x64xf32, #tpu.memory_space<vmem>>, vector<1x16xf32>,
      %get3A_139 = vector.shape_cast %get3A_138 : vector<1x16xf32> to vector<16xf32>
      %get3A_140 = arith.index_cast %scan3A_136 : i32 to index
      %get3A_141 = arith.constant 0 : index
      %get3A_142 = tpu.vector_load %arg12[%get3A_140, %get3A_141] {strides = array<i32>} : memref<128x64xf32, #tpu.memory_space<vmem>>, vector<1x16xf32>,
      %get3A_143 = vector.shape_cast %get3A_142 : vector<1x16xf32> to vector<16xf32>
      %mul3A_144 = arith.mulf %get3A_139, %get3A_143 : vector<16xf32>
      %abs3A = math.absf %mul3A_144 : vector<16xf32>
      %div3A = arith.divf %mul3A_144, %abs3A : vector<16xf32>
      %swap3A = arith.index_cast %scan3A_136 : i32 to index
      %swap3A_145 = arith.constant 0 : index
      %swap3A_146 = tpu.vector_load %arg10[%swap3A, %swap3A_145] {strides = array<i32>} : memref<128x64xf32, #tpu.memory_space<vmem>>, vector<1x16xf32>,
      %swap3A_147 = vector.shape_cast %swap3A_146 : vector<1x16xf32> to vector<16xf32>
      %swap3A_148 = vector.shape_cast %div3A : vector<16xf32> to vector<1x16xf32>
      tpu.vector_store %arg10[%swap3A, %swap3A_145], %swap3A_148 {strides = array<i32>} : memref<128x64xf32, #tpu.memory_space<vmem>>, vector<1x16xf32>,
      %get3A_149 = arith.index_cast %scan3A_136 : i32 to index
      %get3A_150 = arith.constant 16 : index
      %get3A_151 = tpu.vector_load %arg10[%get3A_149, %get3A_150] {strides = array<i32>} : memref<128x64xf32, #tpu.memory_space<vmem>>, vector<1x16xf32>,
      %get3A_152 = vector.shape_cast %get3A_151 : vector<1x16xf32> to vector<16xf32>
      %get3A_153 = arith.index_cast %scan3A_136 : i32 to index
      %get3A_154 = arith.constant 16 : index
      %get3A_155 = tpu.vector_load %arg12[%get3A_153, %get3A_154] {strides = array<i32>} : memref<128x64xf32, #tpu.memory_space<vmem>>, vector<1x16xf32>,
      %get3A_156 = vector.shape_cast %get3A_155 : vector<1x16xf32> to vector<16xf32>
      %mul3A_157 = arith.mulf %get3A_152, %get3A_156 : vector<16xf32>
      %abs3A_158 = math.absf %mul3A_157 : vector<16xf32>
      %div3A_159 = arith.divf %mul3A_157, %abs3A_158 : vector<16xf32>
      %swap3A_160 = arith.index_cast %scan3A_136 : i32 to index
      %swap3A_161 = arith.constant 16 : index
      %swap3A_162 = tpu.vector_load %arg10[%swap3A_160, %swap3A_161] {strides = array<i32>} : memref<128x64xf32, #tpu.memory_space<vmem>>, vector<1x16xf32>,
      %swap3A_163 = vector.shape_cast %swap3A_162 : vector<1x16xf32> to vector<16xf32>
      %swap3A_164 = vector.shape_cast %div3A_159 : vector<16xf32> to vector<1x16xf32>
      tpu.vector_store %arg10[%swap3A_160, %swap3A_161], %swap3A_164 {strides = array<i32>} : memref<128x64xf32, #tpu.memory_space<vmem>>, vector<1x16xf32>,
      %get3A_165 = arith.index_cast %scan3A_136 : i32 to index
      %get3A_166 = arith.constant 32 : index
      %get3A_167 = tpu.vector_load %arg10[%get3A_165, %get3A_166] {strides = array<i32>} : memref<128x64xf32, #tpu.memory_space<vmem>>, vector<1x16xf32>,
      %get3A_168 = vector.shape_cast %get3A_167 : vector<1x16xf32> to vector<16xf32>
      %get3A_169 = arith.index_cast %scan3A_136 : i32 to index
      %get3A_170 = arith.constant 32 : index
      %get3A_171 = tpu.vector_load %arg12[%get3A_169, %get3A_170] {strides = array<i32>} : memref<128x64xf32, #tpu.memory_space<vmem>>, vector<1x16xf32>,
      %get3A_172 = vector.shape_cast %get3A_171 : vector<1x16xf32> to vector<16xf32>
      %mul3A_173 = arith.mulf %get3A_168, %get3A_172 : vector<16xf32>
      %abs3A_174 = math.absf %mul3A_173 : vector<16xf32>
      %div3A_175 = arith.divf %mul3A_173, %abs3A_174 : vector<16xf32>
      %swap3A_176 = arith.index_cast %scan3A_136 : i32 to index
      %swap3A_177 = arith.constant 32 : index
      %swap3A_178 = tpu.vector_load %arg10[%swap3A_176, %swap3A_177] {strides = array<i32>} : memref<128x64xf32, #tpu.memory_space<vmem>>, vector<1x16xf32>,
      %swap3A_179 = vector.shape_cast %swap3A_178 : vector<1x16xf32> to vector<16xf32>
      %swap3A_180 = vector.shape_cast %div3A_175 : vector<16xf32> to vector<1x16xf32>
      tpu.vector_store %arg10[%swap3A_176, %swap3A_177], %swap3A_180 {strides = array<i32>} : memref<128x64xf32, #tpu.memory_space<vmem>>, vector<1x16xf32>,
      %get3A_181 = arith.index_cast %scan3A_136 : i32 to index
      %get3A_182 = arith.constant 48 : index
      %get3A_183 = tpu.vector_load %arg10[%get3A_181, %get3A_182] {strides = array<i32>} : memref<128x64xf32, #tpu.memory_space<vmem>>, vector<1x16xf32>,
      %get3A_184 = vector.shape_cast %get3A_183 : vector<1x16xf32> to vector<16xf32>
      %get3A_185 = arith.index_cast %scan3A_136 : i32 to index
      %get3A_186 = arith.constant 48 : index
      %get3A_187 = tpu.vector_load %arg12[%get3A_185, %get3A_186] {strides = array<i32>} : memref<128x64xf32, #tpu.memory_space<vmem>>, vector<1x16xf32>,
      %get3A_188 = vector.shape_cast %get3A_187 : vector<1x16xf32> to vector<16xf32>
      %mul3A_189 = arith.mulf %get3A_184, %get3A_188 : vector<16xf32>
      %abs3A_190 = math.absf %mul3A_189 : vector<16xf32>
      %div3A_191 = arith.divf %mul3A_189, %abs3A_190 : vector<16xf32>
      %swap3A_192 = arith.index_cast %scan3A_136 : i32 to index
      %swap3A_193 = arith.constant 48 : index
      %swap3A_194 = tpu.vector_load %arg10[%swap3A_192, %swap3A_193] {strides = array<i32>} : memref<128x64xf32, #tpu.memory_space<vmem>>, vector<1x16xf32>,
      %swap3A_195 = vector.shape_cast %swap3A_194 : vector<1x16xf32> to vector<16xf32>
      %swap3A_196 = vector.shape_cast %div3A_191 : vector<16xf32> to vector<1x16xf32>
      tpu.vector_store %arg10[%swap3A_192, %swap3A_193], %swap3A_196 {strides = array<i32>} : memref<128x64xf32, #tpu.memory_space<vmem>>, vector<1x16xf32>,
    }
    %scan3A_125 = arith.constant 128 : i32
    %add3A_126 = arith.constant 384 : i32
    %add3A_127 = arith.addi %mul3A_2, %add3A_126 : i32
    %dma_start3A_128 = arith.constant 0 : i32
    %dma_start3A_129 = tpu.memref_slice %arg6[%add3A_127, %dma_start3A_128] : memref<16384x64xf32, #tpu.memory_space<hbm>> -> memref<128x64xf32, #tpu.memory_space<hbm>>
    %dma_start3A_130 = arith.constant 0 : i32
    %dma_start3A_131 = tpu.memref_slice %arg6[%add3A_127, %dma_start3A_130] : memref<16384x64xf32, #tpu.memory_space<hbm>> -> memref<128x64xf32, #tpu.memory_space<hbm>>
    tpu.enqueue_dma source(%arg10 : memref<128x64xf32, #tpu.memory_space<vmem>>) target(%dma_start3A_131 : memref<128x64xf32, #tpu.memory_space<hbm>>) target_semaphore(%arg17 : memref<!tpu.dma_semaphore, #tpu.memory_space<semaphore_mem>>)
    %dma_wait3A_132 = arith.constant 0 : i32
    %dma_wait3A_133 = tpu.memref_slice %arg6[%add3A_127, %dma_wait3A_132] : memref<16384x64xf32, #tpu.memory_space<hbm>> -> memref<128x64xf32, #tpu.memory_space<hbm>>
    %dma_wait3A_134 = arith.constant 0 : i32
    %dma_wait3A_135 = tpu.memref_slice %arg6[%add3A_127, %dma_wait3A_134] : memref<16384x64xf32, #tpu.memory_space<hbm>> -> memref<128x64xf32, #tpu.memory_space<hbm>>
    tpu.wait_dma2 semaphore(%arg17 : memref<!tpu.dma_semaphore, #tpu.memory_space<semaphore_mem>>) src(%arg10 : memref<128x64xf32, #tpu.memory_space<vmem>>) dst(%dma_wait3A_135 : memref<128x64xf32, #tpu.memory_space<hbm>>)
    return
  }
}

</mosaic_0001>

<sc_bundles>
// kernel: kernel.3.cloned.1.call-start
scs
__scs_entry_jumppad:
0x0: {  	(pc) =	sbr.rel $0x88, $3  }
0x1: {  	(tag) =	ssettag $0x0;
	lr =	simm.s32 $0x1  }
0x2: {  	[smem:$0x3F9D] =	sst lr;
	_ =	strace $0xD0000000  }
0x3: {  	_ = 	snop  }
0x4: {  	_ = 	snop  }
0x5: {  	_ = 	snop  }
0x6: {  	_ = 	snop  }
0x7: {  	_ = 	snop  }
__scs_overlays_trampoline_lowered:
0x8: {  	[smem:$0x3FAC] =	sst s0  }
0x9: {  	[smem:$0x3FAD] =	sst s1  }
0xa: {  	[smem:$0x3FAE] =	sst s2  }
0xb: {  	[smem:$0x3FAF] =	sst s3  }
0xc: {  	[smem:$0x3FB0] =	sst s4  }
0xd: {  	[smem:$0x3FB1] =	sst s5  }
0xe: {  	[smem:$0x3FB2] =	sst s6  }
0xf: {  	[smem:$0x3FB3] =	sst s7  }
0x10: {  	[smem:$0x3FB4] =	sst s8  }
0x11: {  	[smem:$0x3FB5] =	sst s9;
	s0 =	simm.s32 @!p0 $0x0  }
0x12: {  	s1 =	sld [smem:$0x3F9B];
	s0 =	simm.s32 @p0 $0x1  }
0x13: {  	[smem:$0x3FB6] =	sst s0;
	s0 =	simm.s32 @!p1 $0x0  }
0x14: {  	s2 =	sld [smem:$0x3F9A];
	s0 =	simm.s32 @p1 $0x1  }
0x15: {  	[smem:$0x3FB7] =	sst s0;
	s0 =	simm.s32 @!p2 $0x0  }
0x16: {  	s3 =	sld [smem:$0x3FDB];
	s0 =	simm.s32 @p2 $0x1  }
0x17: {  	s4 =	simm.s32 $0x1BF5;
	[smem:$0x3FB9] =	sst s0  }
0x18: {  	s0 =	sld [smem:$0x3F9C];
	_ =	swait.ge [sflag:s4], $0x0  }
0x19: {  	s7 =	sld [smem:$0x3F9D]  }
0x1a: {  	s8 =	sadd.s32 $0xFFFFE003, lr  }
0x1b: {  	s9 =	sadd.s32 $0xFFFFFEF7, lr;
	s5 =	simm.s32 $0xFFFFFFFF;
	p2 =	slt.u32 s8, $0xFFFFF086  }
0x1c: {  	p1 =	slt.u32 s9, $0xF7A;
	s5 =	simm.s32 @!p2 $0x0  }
0x1d: {  	s5 =	simm.s32 @p1 $0x1;
	p0 =	seq.s32 s7, s2  }
0x1e: {  	s7 =	smul.u32 @!p0 $0xF7A, s2;
	p2 =	seq.s32 @!p0 s5, $0x0  }
0x1f: {  	s9 =	smul.u32 $0xF7A, s1;
	s8 =	simm.s32 @!p0 $0x1BF5;
	p2 =	por !p2, p0  }
0x20: {  	[sflag:s8] =	ssyncset.s32 @!p0 $0xFFFFF086;
	s6 =	sadd.s32 @!p0 s3, s7;
	s7 =	simm.s32 @!p0 $0x108  }
0x21: {  	s3 =	sadd.s32 s3, s9;
	s6 =	sadd.s32 @!p0 $0x88, s6;
	s7 =	simm.s32 @p2 $0x1082  }
0x22: {  	[simem:s7], [sflag:s8] =	dma.local @!p0 [hbm:s6], $0xF7A  }
0x23: {  	s9 =	sor.u32 $0xD0000000, s2;
	s6 =	simm.s32 $0x108;
	_ =	swait.ge @!p0 [sflag:s8], $0x0  }
0x24: {  	s3 =	sadd.s32 $0x88, s3;
	s6 =	simm.s32 @!p1 $0x1082;
	[sflag:s4] =	ssyncset.s32 $0xFFFFF086  }
0x25: {  	[simem:s6], [sflag:s4] =	dma.local [hbm:s3], $0xF7A  }
0x26: {  	[smem:$0x3F9D] =	sst s1;
	(tag) =	ssettag s2;
	_ =	strace s9  }
0x27: {  	s1 =	sld [smem:$0x3FAD]  }
0x28: {  	s2 =	sld [smem:$0x3FAE]  }
0x29: {  	s4 =	sld [smem:$0x3FB0]  }
0x2a: {  	p0 =	seq.s32 s5, $0x0;
	s5 =	sld [smem:$0x3FB1]  }
0x2b: {  	s6 =	sld [smem:$0x3FB2]  }
0x2c: {  	s7 =	sld [smem:$0x3FB3]  }
0x2d: {  	s3 =	simm.s32 $0x108;
	s8 =	sld [smem:$0x3FB4]  }
0x2e: {  	s3 =	simm.s32 @!p0 $0x1082;
	s9 =	sld [smem:$0x3FB5]  }
0x2f: {  	lr =	sadd.s32 s0, s3;
	s0 =	sld [smem:$0x3FAC]  }
0x30: {  	s3 =	sld [smem:$0x3FAF]  }
0x31: {  	[smem:$0x3FB8] =	sst s10  }
0x32: {  	s10 =	sld [smem:$0x3FB6];
	_ =	sdelay $0x3  }
0x33: {  	p0 =	seq.s32 s10, $0x1;
	s10 =	sld [smem:$0x3FB8];
	_ =	sdelay $0x3  }
0x34: {  	[smem:$0x3FB8] =	sst s10  }
0x35: {  	s10 =	sld [smem:$0x3FB7];
	_ =	sdelay $0x3  }
0x36: {  	p1 =	seq.s32 s10, $0x1;
	s10 =	sld [smem:$0x3FB8];
	_ =	sdelay $0x3  }
0x37: {  	[smem:$0x3FB8] =	sst s10  }
0x38: {  	s10 =	sld [smem:$0x3FB9]  }
0x39: {  	_ = 	snop;
	(pc) =	sbr.ind lr, $3  }
0x3a: {  	_ = 	snop  }
0x3b: {  	_ = 	snop  }
0x3c: {  	p2 =	seq.s32 s10, $0x1;
	s10 =	sld [smem:$0x3FB8]  }
0x3d: {  	_ =	shalt  }
0x3e: {  	_ =	shalt  }
0x3f: {  	_ =	shalt  }
0x40: {  	_ =	shalt  }
0x41: {  	_ =	shalt  }
0x42: {  	_ =	shalt  }
0x43: {  	_ =	shalt  }
0x44: {  	_ =	shalt  }
0x45: {  	_ =	shalt  }
0x46: {  	_ =	shalt  }
0x47: {  	_ =	shalt  }
0x48: {  	_ =	shalt  }
0x49: {  	_ =	shalt  }
0x4a: {  	_ =	shalt  }
0x4b: {  	_ =	shalt  }
0x4c: {  	_ =	shalt  }
0x4d: {  	_ =	shalt  }
0x4e: {  	_ =	shalt  }
0x4f: {  	_ =	shalt  }
0x50: {  	_ =	shalt  }
0x51: {  	_ =	shalt  }
0x52: {  	_ =	shalt  }
0x53: {  	_ =	shalt  }
0x54: {  	_ =	shalt  }
0x55: {  	_ =	shalt  }
0x56: {  	_ =	shalt  }
0x57: {  	_ =	shalt  }
0x58: {  	_ =	shalt  }
0x59: {  	_ =	shalt  }
0x5a: {  	_ =	shalt  }
0x5b: {  	_ =	shalt  }
0x5c: {  	_ =	shalt  }
0x5d: {  	_ =	shalt  }
0x5e: {  	_ =	shalt  }
0x5f: {  	_ =	shalt  }
0x60: {  	_ =	shalt  }
0x61: {  	_ =	shalt  }
0x62: {  	_ =	shalt  }
0x63: {  	_ =	shalt  }
0x64: {  	_ =	shalt  }
0x65: {  	_ =	shalt  }
0x66: {  	_ =	shalt  }
0x67: {  	_ =	shalt  }
0x68: {  	_ =	shalt  }
0x69: {  	_ =	shalt  }
0x6a: {  	_ =	shalt  }
0x6b: {  	_ =	shalt  }
0x6c: {  	_ =	shalt  }
0x6d: {  	_ =	shalt  }
0x6e: {  	_ =	shalt  }
0x6f: {  	_ =	shalt  }
0x70: {  	_ =	shalt  }
0x71: {  	_ =	shalt  }
0x72: {  	_ =	shalt  }
0x73: {  	_ =	shalt  }
0x74: {  	_ =	shalt  }
0x75: {  	_ =	shalt  }
0x76: {  	_ =	shalt  }
0x77: {  	_ =	shalt  }
0x78: {  	_ =	shalt  }
0x79: {  	_ =	shalt  }
0x7a: {  	_ =	shalt  }
0x7b: {  	_ =	shalt  }
0x7c: {  	_ =	shalt  }
0x7d: {  	_ =	shalt  }
0x7e: {  	_ =	shalt  }
0x7f: {  	_ =	shalt  }
0x80: {  	_ =	shalt  }
0x81: {  	_ =	shalt  }
0x82: {  	_ =	shalt  }
0x83: {  	_ =	shalt  }
0x84: {  	_ =	shalt  }
0x85: {  	_ =	shalt  }
0x86: {  	_ =	shalt  }
0x87: {  	_ =	shalt  }
.Lfunc_end0:
.L_simem_size_0:
called_computation_lowered:
.L_overlay_start_0:
0x88: {  	s2 =	sld [smem:$0x3FD9]  }
0x89: {  	s3 =	sld [smem:$0x3FFE];
	_ =	sdelay $0x1  }
0x8a: {  	s1 =	srdreg.scid  }
0x8b: {  	s0 =	sand.u32 $0x1, s1  }
0x8c: {  	s17 =	sshll.u32 s0, $0xA;
	s2 =	sadd.s32 s3, s2  }
0x8d: {  	s2 =	sadd.s32 s2, s17  }
0x8e: {  	[smem:$0x3FC4] =	sst s2  }
0x8f: {  	_ = 	snop  }
0x90: {  	s2 =	sld [smem:$0x3FC9]  }
0x91: {  	s18 =	sld [smem:$0x3FC8];
	(tm) =	ssettm $0x1  }
0x92: {  	s4 =	sld [smem:$0x3FFB];
	_ =	sdelay $0x3  }
0x93: {  	_ =	strace s4  }
0x94: {  	s4 =	sld [smem:$0x3FFC];
	_ =	sdelay $0x3  }
0x95: {  	_ =	strace s4  }
0x96: {  	s4 =	sld [smem:$0x3FFD];
	_ =	sdelay $0x3  }
0x97: {  	_ =	strace s4  }
0x98: {  	_ =	strace $0x8FFFFFFF  }
0x99: {  	s19 =	sld [smem:$0x3FDB];
	_ =	sdelay $0x1  }
0x9a: {  	s5 =	simm.s32 $_scs_section_size  }
0x9b: {  	s6 =	simm.s32 $_size__tile_overlayer_lowered;
	s7 =	simm.s32 $_tile_overlayer_lowered  }
0x9c: {  	s22 =	simm.s32 $0x1BFF;
	s21 =	sshll.u32 s7, $0x1;
	s4 =	sadd.s32 s5, s19  }
0x9d: {  	s8 =	simm.s32 $0x0;
	s20 =	sshll.u32 s6, $0x1;
	s6 =	sadd.s32 s21, s4  }
0x9e: {  	[timem:s8], [sflag:s22] =	dma.local [hbm:s6], s20  }
0x9f: {  	_ =	swait.ge [sflag:s22], s20  }
0xa0: {  	s5 =	ssub.s32 $0x0, s20;
	[sflag:s22] =	ssyncset.done $0x0  }
0xa1: {  	[sflag:s22] =	ssyncadd.s32 s5;
	_ =	sdelay $0x1  }
0xa2: {  	s23 =	simm.s32 $0x1B8B  }
0xa3: {  	_ =	swait.ge [sflag:s23], $0x1  }
0xa4: {  	[sflag:s23] =	ssyncset.done $0x0  }
0xa5: {  	s25 =	simm.s32 $0x1B8E;
	s24 =	sld [smem:$0x3FFE];
	[sflag:s23] =	ssyncadd.s32 $0xFFFFFFFF  }
0xa6: {  	s26 =	simm.s32 $execute0_lowered;
	[smem:$0x3FD2] =	sst s25  }
0xa7: {  	s6 =	sshll.u32 s26, $0x1;
	_ =	strace $0x80000046;
	[dreg:$0x1] =	wrdreg $0xFFFFFFFF  }
0xa8: {  	s28 =	simm.s32 $_size_execute0_lowered;
	s4 =	sadd.s32 s4, s6;
	[dreg:$0x0] =	wrdreg $0x0  }
0xa9: {  	s6 =	sshll.u32 s28, $0x1;
	[dreg:$0x2] =	wrdreg s4  }
0xaa: {  	[dreg:$0x3] =	wrdreg s6  }
0xab: {  	[dreg:$0x4] =	wrdreg $0xC0  }
0xac: {  	_ =	task [dreg:s8], $0x5FFFF  }
0xad: {  	[dreg:$0x1] =	wrdreg $0xFFFFFFFF  }
0xae: {  	[dreg:$0x0] =	wrdreg $0x60  }
0xaf: {  	[dreg:$0x2] =	wrdreg s2  }
0xb0: {  	[dreg:$0x3] =	wrdreg s18  }
0xb1: {  	[dreg:$0x4] =	wrdreg s24  }
0xb2: {  	[dreg:$0x5] =	wrdreg $0x9  }
0xb3: {  	_ =	task.clear_ibuf [dreg:s8], $0x6FFFF;
	_ =	strace $0x90000046  }
0xb4: {  	s29 =	simm.s32 $0x9;
	_ =	strace $0x80000048  }
0xb5: {  	_ =	swait.ge [sflag:s29], $0x1  }
0xb6: {  	[sflag:s29] =	ssyncadd.s32 $0xFFFFFFFF  }
0xb7: {  	_ =	strace $0x90000048  }
0xb8: {  	_ =	sfence  }
0xb9: {  	s30 =	sld [smem:$0x0];
	_ =	sdelay $0x2  }
0xba: {  	s31 =	sshll.u32 s1, $0xD;
	s1 =	sshrl.u32 s1, $0x2  }
0xbb: {  	s3 =	sand.u32 $0x4000, s31;
	s1 =	sadd.s32 s1, s30  }
0xbc: {  	s0 =	sor.u32 s3, s0;
	s1 =	sshll.u32 s1, $0x11  }
0xbd: {  	s0 =	sor.u32 s1, s0  }
0xbe: {  	s0 =	sadd.s32 $0x8F2B, s0  }
0xbf: {  	[sflag:s0] =	ssyncadd.remote.s32 $0x1  }
0xc0: {  	_ =	sfence.sel $0xFFFF  }
0xc1: {  	[dreg:$0x0] =	wrdreg $0xFFFFFFFF;
	(pc) =	sbr.abs _section_cstart, $3  }
0xc2: {  	[dreg:$0x1] =	wrdreg $0xFFFFFFFF  }
0xc3: {  	_ =	task.clear_ibuf [dreg:s8], $0x2FFFF;
	_ =	strace $0x9FFFFFFF  }
0xc4: {  	(tm) =	ssettm $0x7FFFFFFF  }
0xc5: {  	_ =	shalt  }
tec
execute0_lowered:
.L_overlay_start_1:
0x0: {  	(tag) =	ssettag $0x1  }
0x1: {  	s0 =	rddreg [dreg:$0x0]  }
0x2: {  	s1 =	rddreg [dreg:$0x1]  }
0x3: {  	s2 =	rddreg [dreg:$0x2];
	s3 =	srdreg.scid  }
0x4: {  	s13 =	simm.s32 $0x0;
	s4 =	stileid.u32;
	s5 =	sand.u32 $0x1, s3  }
0x5: {  	[smem:$0x7FF] =	sst s13;
	s6 =	sshll.u32 s4, $0xA;
	s7 =	sshll.u32 s5, $0x9  }
0x6: {  	s3 =	sadd.s32 $0x400, s2;
	s4 =	sadd.s32 $0xF42800, s2;
	s6 =	sor.u32 s7, s6  }
0x7: {  	s5 =	ssub.s32 $0x2, s5;
	s7 =	sshll.u32 s6, $0x4;
	s6 =	sshrl.u32 s6, $0x3  }
0x8: {  	_ =	strace $0x80000047;
	s8 =	sshrl.u32 s5, $0x1;
	s0 =	sadd.s32 s0, s6  }
0x9: {  	s5 =	ssub.s32 s5, s8;
	s25 =	sadd.s32 s1, s6;
	[smem:$0x7F7] =	sst s0  }
0xa: {  	s2 =	sadd.s32 s7, s2;
	s31 =	smax.u32 s5, $0x1;
	[smem:$0x7F8] =	sst s25  }
0xb: {  	s26 =	sadd.s32 $0x1E84C00, s2;
	[smem:$0x7FD] =	sst s31  }
0xc: {  	s28 =	sadd.s32 $0x1E85400, s2;
	[smem:$0x7F9] =	sst s26  }
0xd: {  	s29 =	sadd.s32 $0x1E85C00, s2;
	[smem:$0x7FA] =	sst s28  }
0xe: {  	s30 =	sadd.s32 $0x1E86400, s2;
	[smem:$0x7FB] =	sst s29  }
0xf: {  	s2 =	simm.s32 $0x0;
	[smem:$0x7FC] =	sst s30  }
.LBB2_1:
0x10: {  	s0 =	sld [smem:$0x7F7];
	_ =	sdelay $0x1  }
0x11: {  	[smem:$0x7F6] =	sst s2;
	s21 =	simm.s32 $0x6  }
0x12: {  	[tilespmem:s13], [sflag:$0x6] =	stream.linear.gather [hbm4b:s0+s13], $0x200, $0x38;
	[tilespmem:$0x10400] =	vst v63  }
0x13: {  	_ =	swait.ge [sflag:s21], $0x200  }
0x14: {  	s1 =	sld [smem:$0x7F8]  }
0x15: {  	[sflag:s21] =	ssyncset.done $0x0  }
0x16: {  	s22 =	simm.s32 $0x200;
	[sflag:s21] =	ssyncadd.s32 $0xFFFFFE00  }
0x17: {  	[tilespmem:s22], [sflag:$0x6] =	stream.linear.gather [hbm4b:s1+s13], $0x200, $0x38;
	[tilespmem:$0x10400] =	vst v63  }
0x18: {  	_ =	swait.ge [sflag:s21], $0x200  }
0x19: {  	[sflag:s21] =	ssyncset.done $0x0  }
0x1a: {  	[sflag:s21] =	ssyncadd.s32 $0xFFFFFE00  }
0x1b: {  	v0 =	vld [tilespmem:s13+$0x0];
	_ =	sdelay $0x1  }
0x1c: {  	v2 =	vld [tilespmem:s22+$0x0];
	_ =	sdelay $0x2  }
0x1d: {  	v1 =	vshll.u32 v0, $0x4  }
0x1e: {  	(v2sf) =	vpush v1, $0x0  }
0x1f: {  	v63 =	vshll.u32 v2, $0x4  }
0x20: {  	(v2sf) =	vpush v63, $0x0;
	_ =	sdelay $0x1  }
0x21: {  	(v2sf) =	vpush v1, $0x1  }
0x22: {  	(v2sf) =	vpush v63, $0x1  }
0x23: {  	(v2sf) =	vpush v1, $0x2;
	_ =	sdelay $0x1  }
0x24: {  	(v2sf) =	vpush v63, $0x2;
	_ =	sdelay $0x1  }
0x25: {  	(v2sf) =	vpush v1, $0x3  }
0x26: {  	s23 =	simm.s32 $0x8400  }
0x27: {  	s2 =	simm.s32 $0x680;
	s12 =	simm.s32 $0x880;
	s6 =	simm.s32 $0x400  }
0x28: {  	s8 =	simm.s32 $0x600;
	s9 =	simm.s32 $0x580;
	s26 =	simm.s32 $0x480  }
0x29: {  	s15 =	simm.s32 $0x500;
	s18 =	simm.s32 $0x8500;
	s31 =	simm.s32 $0xA00  }
0x2a: {  	s28 =	simm.s32 $0x210;
	s30 =	simm.s32 $0xB00;
	s7 =	spop (v2sf)  }
0x2b: {  	s0 =	simm.s32 $0x8900;
	s21 =	simm.s32 $0x0;
	(v2sf) =	vpush v63, $0x3;
	s7 =	sand.u32 $0x1FFFFFF0, s7  }
0x2c: {  	s22 =	simm.s32 $0x2000;
	s10 =	spop (v2sf);
	s7 =	sadd.s32 s3, s7  }
0x2d: {  	(v2sf) =	vpush v1, $0x4;
	[tilespmem:s6], [sflag:$0x1] =	stream.linear.gather [hbm4b:s7+s13], $0x80, $0x38;
	[tilespmem:$0x10400] =	vst v63  }
0x2e: {  	(v2sf) =	vpush v63, $0x4;
	s24 =	sand.u32 $0x1FFFFFF0, s10;
	s25 =	spop (v2sf);
	s6 =	simm.s32 $0x8580  }
0x2f: {  	s7 =	sadd.s32 s4, s24;
	s10 =	sand.u32 $0x1FFFFFF0, s25;
	s11 =	spop (v2sf)  }
0x30: {  	(v2sf) =	vpush v1, $0x5;
	s25 =	simm.s32 $0x8600;
	s29 =	sadd.s32 s3, s10;
	s14 =	spop (v2sf)  }
0x31: {  	[tilespmem:s23], [sflag:$0x3] =	stream.linear.gather [hbm4b:s7+s13], $0x80, $0x38;
	[tilespmem:$0x10400] =	vst v63  }
0x32: {  	s5 =	sand.u32 $0x1FFFFFF0, s11;
	s11 =	simm.s32 $0x8480;
	s16 =	spop (v2sf)  }
0x33: {  	(v2sf) =	vpush v63, $0x5;
	[tilespmem:s26], [sflag:$0x1] =	stream.linear.gather [hbm4b:s29+s13], $0x80, $0x38;
	[tilespmem:$0x10400] =	vst v63  }
0x34: {  	s10 =	sadd.s32 s4, s5;
	s7 =	sand.u32 $0x1FFFFFF0, s14;
	s17 =	spop (v2sf)  }
0x35: {  	(v2sf) =	vpush v1, $0x6;
	[tilespmem:s11], [sflag:$0x3] =	stream.linear.gather [hbm4b:s10+s13], $0x80, $0x38;
	[tilespmem:$0x10400] =	vst v63  }
0x36: {  	s7 =	sadd.s32 s3, s7;
	s20 =	sand.u32 $0x1FFFFFF0, s17;
	s10 =	sand.u32 $0x1FFFFFF0, s16  }
0x37: {  	(v2sf) =	vpush v63, $0x6;
	[tilespmem:s15], [sflag:$0x1] =	stream.linear.gather [hbm4b:s7+s13], $0x80, $0x38;
	[tilespmem:$0x10400] =	vst v63  }
0x38: {  	s5 =	simm.s32 $0x8A00;
	s24 =	sadd.s32 s3, s20;
	s19 =	sadd.s32 s4, s10  }
0x39: {  	[tilespmem:s18], [sflag:$0x3] =	stream.linear.gather [hbm4b:s19+s13], $0x80, $0x38;
	[tilespmem:$0x10400] =	vst v63  }
0x3a: {  	s11 =	simm.s32 $0xA80;
	s16 =	simm.s32 $0x8680;
	s23 =	spop (v2sf)  }
0x3b: {  	(v2sf) =	vpush v1, $0x7;
	[tilespmem:s9], [sflag:$0x1] =	stream.linear.gather [hbm4b:s24+s13], $0x80, $0x38;
	[tilespmem:$0x10400] =	vst v63  }
0x3c: {  	s10 =	simm.s32 $0x8A80;
	s1 =	sand.u32 $0x1FFFFFF0, s23;
	s26 =	spop (v2sf)  }
0x3d: {  	s18 =	simm.s32 $0x700;
	(v2sf) =	vpush v63, $0x7;
	s1 =	sadd.s32 s4, s1;
	s29 =	spop (v2sf)  }
0x3e: {  	(v2sf) =	vpush v1, $0x8;
	[tilespmem:s6], [sflag:$0x3] =	stream.linear.gather [hbm4b:s1+s13], $0x80, $0x38;
	[tilespmem:$0x10400] =	vst v63  }
0x3f: {  	s9 =	sand.u32 $0x1FFFFFF0, s26;
	s15 =	sand.u32 $0x1FFFFFF0, s29;
	s17 =	spop (v2sf)  }
0x40: {  	s14 =	sadd.s32 s3, s9;
	(v2sf) =	vpush v63, $0x8;
	s6 =	sadd.s32 s4, s15;
	s19 =	sand.u32 $0x1FFFFFF0, s17  }
0x41: {  	(v2sf) =	vpush v1, $0x9;
	[tilespmem:s8], [sflag:$0x1] =	stream.linear.gather [hbm4b:s14+s13], $0x80, $0x38;
	[tilespmem:$0x10400] =	vst v63  }
0x42: {  	s20 =	spop (v2sf);
	s15 =	simm.s32 $0x780;
	s7 =	sadd.s32 s3, s19  }
0x43: {  	(v2sf) =	vpush v63, $0x9;
	[tilespmem:s25], [sflag:$0x3] =	stream.linear.gather [hbm4b:s6+s13], $0x80, $0x38;
	[tilespmem:$0x10400] =	vst v63  }
0x44: {  	s8 =	sand.u32 $0x1FFFFFF0, s20;
	s23 =	spop (v2sf);
	s20 =	simm.s32 $0x800  }
0x45: {  	(v2sf) =	vpush v1, $0xA;
	[tilespmem:s2], [sflag:$0x1] =	stream.linear.gather [hbm4b:s7+s13], $0x80, $0x38;
	[tilespmem:$0x10400] =	vst v63  }
0x46: {  	s24 =	sadd.s32 s4, s8;
	s26 =	spop (v2sf);
	s25 =	sand.u32 $0x1FFFFFF0, s23  }
0x47: {  	(v2sf) =	vpush v63, $0xA;
	[tilespmem:s16], [sflag:$0x3] =	stream.linear.gather [hbm4b:s24+s13], $0x80, $0x38;
	[tilespmem:$0x10400] =	vst v63  }
0x48: {  	s8 =	simm.s32 $0x8700;
	s1 =	sand.u32 $0x1FFFFFF0, s26;
	s29 =	sadd.s32 s3, s25  }
0x49: {  	[tilespmem:s18], [sflag:$0x1] =	stream.linear.gather [hbm4b:s29+s13], $0x80, $0x38;
	[tilespmem:$0x10400] =	vst v63  }
0x4a: {  	s1 =	sadd.s32 s4, s1;
	s25 =	simm.s32 $0x8800;
	s9 =	spop (v2sf)  }
0x4b: {  	(v2sf) =	vpush v1, $0xB;
	[tilespmem:s8], [sflag:$0x3] =	stream.linear.gather [hbm4b:s1+s13], $0x80, $0x38;
	[tilespmem:$0x10400] =	vst v63  }
0x4c: {  	s2 =	simm.s32 $0x8980;
	s7 =	sand.u32 $0x1FFFFFF0, s9;
	s14 =	spop (v2sf)  }
0x4d: {  	s18 =	simm.s32 $0x8780;
	s16 =	sadd.s32 s3, s7;
	s19 =	spop (v2sf)  }
0x4e: {  	[tilespmem:s15], [sflag:$0x1] =	stream.linear.gather [hbm4b:s16+s13], $0x80, $0x38;
	[tilespmem:$0x10400] =	vst v63  }
0x4f: {  	s8 =	simm.s32 $0x8880;
	(v2sf) =	vpush v63, $0xB;
	s17 =	sand.u32 $0x1FFFFFF0, s14;
	s23 =	spop (v2sf)  }
0x50: {  	s7 =	sadd.s32 s4, s17;
	s6 =	sand.u32 $0x1FFFFFF0, s19;
	(v2sf) =	vpush v1, $0xC;
	s24 =	spop (v2sf)  }
0x51: {  	[tilespmem:s18], [sflag:$0x3] =	stream.linear.gather [hbm4b:s7+s13], $0x80, $0x38;
	[tilespmem:$0x10400] =	vst v63  }
0x52: {  	s6 =	sadd.s32 s3, s6;
	(v2sf) =	vpush v63, $0xC;
	s7 =	sand.u32 $0x1FFFFFF0, s23;
	s9 =	spop (v2sf)  }
0x53: {  	[tilespmem:s20], [sflag:$0x1] =	stream.linear.gather [hbm4b:s6+s13], $0x80, $0x38;
	[tilespmem:$0x10400] =	vst v63  }
0x54: {  	s29 =	sand.u32 $0x1FFFFFF0, s24;
	s26 =	sadd.s32 s4, s7;
	s14 =	spop (v2sf)  }
0x55: {  	[tilespmem:s25], [sflag:$0x3] =	stream.linear.gather [hbm4b:s26+s13], $0x80, $0x38;
	[tilespmem:$0x10400] =	vst v63  }
0x56: {  	s7 =	sadd.s32 s3, s29;
	s6 =	sand.u32 $0x1FFFFFF0, s9;
	s15 =	spop (v2sf)  }
0x57: {  	[tilespmem:s12], [sflag:$0x1] =	stream.linear.gather [hbm4b:s7+s13], $0x80, $0x38;
	[tilespmem:$0x10400] =	vst v63  }
0x58: {  	s6 =	sadd.s32 s4, s6;
	s17 =	sand.u32 $0x1FFFFFF0, s15;
	s7 =	sand.u32 $0x1FFFFFF0, s14  }
0x59: {  	[tilespmem:s8], [sflag:$0x3] =	stream.linear.gather [hbm4b:s6+s13], $0x80, $0x38;
	[tilespmem:$0x10400] =	vst v63  }
0x5a: {  	s12 =	simm.s32 $0x900;
	s16 =	sadd.s32 s3, s7;
	s18 =	spop (v2sf)  }
0x5b: {  	[tilespmem:s12], [sflag:$0x1] =	stream.linear.gather [hbm4b:s16+s13], $0x80, $0x38;
	[tilespmem:$0x10400] =	vst v63  }
0x5c: {  	s23 =	simm.s32 $0x980;
	s19 =	sadd.s32 s4, s17;
	s7 =	sand.u32 $0x1FFFFFF0, s18  }
0x5d: {  	(v2sf) =	vpush v1, $0xD;
	[tilespmem:s0], [sflag:$0x3] =	stream.linear.gather [hbm4b:s19+s13], $0x80, $0x38;
	[tilespmem:$0x10400] =	vst v63  }
0x5e: {  	s26 =	simm.s32 $0x10;
	s20 =	spop (v2sf);
	(v2sf) =	vpush v63, $0xD;
	s24 =	sadd.s32 s3, s7  }
0x5f: {  	s6 =	sand.u32 $0x1FFFFFF0, s20;
	(v2sf) =	vpush v1, $0xE;
	s7 =	simm.s32 $0x8B00;
	s29 =	spop (v2sf)  }
0x60: {  	(v2sf) =	vpush v63, $0xE;
	[tilespmem:s23], [sflag:$0x1] =	stream.linear.gather [hbm4b:s24+s13], $0x80, $0x38;
	[tilespmem:$0x10400] =	vst v63  }
0x61: {  	s25 =	sadd.s32 s4, s6;
	(v2sf) =	vpush v1, $0xF;
	s0 =	sand.u32 $0x1FFFFFF0, s29;
	s1 =	spop (v2sf)  }
0x62: {  	(v2sf) =	vpush v63, $0xF;
	[tilespmem:s2], [sflag:$0x3] =	stream.linear.gather [hbm4b:s25+s13], $0x80, $0x38;
	[tilespmem:$0x10400] =	vst v63  }
.LBB2_2:
0x63: {  	_ =	sdelay $0x4  }
0x64: {  	s0 =	sadd.s32 s3, s0;
	s1 =	sand.u32 $0x1FFFFFF0, s1  }
0x65: {  	[tilespmem:s31], [sflag:$0x1] =	stream.linear.gather [hbm4b:s0+s13], $0x80, $0x38;
	[tilespmem:$0x10400] =	vst v63  }
0x66: {  	s24 =	sadd.s32 s4, s1  }
0x67: {  	[tilespmem:s5], [sflag:$0x3] =	stream.linear.gather [hbm4b:s24+s13], $0x80, $0x38;
	[tilespmem:$0x10400] =	vst v63  }
0x68: {  	s2 =	spop (v2sf)  }
0x69: {  	s25 =	sand.u32 $0x1FFFFFF0, s2;
	s29 =	spop (v2sf)  }
0x6a: {  	s6 =	sadd.s32 s3, s25;
	s8 =	sand.u32 $0x1FFFFFF0, s29;
	s9 =	spop (v2sf)  }
0x6b: {  	[tilespmem:s11], [sflag:$0x1] =	stream.linear.gather [hbm4b:s6+s13], $0x80, $0x38;
	[tilespmem:$0x10400] =	vst v63  }
0x6c: {  	s12 =	sadd.s32 s4, s8;
	s14 =	sand.u32 $0x1FFFFFF0, s9;
	s15 =	spop (v2sf)  }
0x6d: {  	[tilespmem:s10], [sflag:$0x3] =	stream.linear.gather [hbm4b:s12+s13], $0x80, $0x38;
	[tilespmem:$0x10400] =	vst v63  }
0x6e: {  	s16 =	sadd.s32 s3, s14;
	s17 =	sand.u32 $0x1FFFFFF0, s15;
	s18 =	spop (v2sf)  }
0x6f: {  	[tilespmem:s30], [sflag:$0x1] =	stream.linear.gather [hbm4b:s16+s13], $0x80, $0x38;
	[tilespmem:$0x10400] =	vst v63  }
0x70: {  	s19 =	sadd.s32 s4, s17;
	s20 =	sand.u32 $0x1FFFFFF0, s18;
	s23 =	spop (v2sf)  }
0x71: {  	[tilespmem:s7], [sflag:$0x3] =	stream.linear.gather [hbm4b:s19+s13], $0x80, $0x38;
	[tilespmem:$0x10400] =	vst v63  }
0x72: {  	s24 =	sadd.s32 $0xB80, s21;
	s1 =	sadd.s32 s3, s20;
	s2 =	sand.u32 $0x1FFFFFF0, s23  }
0x73: {  	[tilespmem:s24], [sflag:$0x1] =	stream.linear.gather [hbm4b:s1+s13], $0x80, $0x38;
	[tilespmem:$0x10400] =	vst v63  }
0x74: {  	s25 =	sadd.s32 $0x8B80, s21;
	s29 =	sadd.s32 s4, s2  }
0x75: {  	[tilespmem:s25], [sflag:$0x3] =	stream.linear.gather [hbm4b:s29+s13], $0x80, $0x38;
	[tilespmem:$0x10400] =	vst v63  }
0x76: {  	v0 =	vld [tilespmem:s26+$0x0]  }
0x77: {  	v2 =	vld [tilespmem:s28+$0x0];
	_ =	sdelay $0x3  }
0x78: {  	v1 =	vshll.u32 v0, $0x4  }
0x79: {  	s2 =	smov.u32 s22;
	v63 =	vshll.u32 v2, $0x4;
	(v2sf) =	vpush v1, $0x0  }
0x7a: {  	p0 =	sne.s32 s22, $0xE000;
	s21 =	sshra.s32 s2, $0x2;
	(v2sf) =	vpush v63, $0x0  }
0x7b: {  	s22 =	sadd.s32 $0x2000, s22;
	s23 =	sadd.s32 $0x8400, s21;
	s9 =	sadd.s32 $0x680, s21;
	(v2sf) =	vpush v1, $0x1  }
0x7c: {  	s0 =	sadd.s32 $0x880, s21;
	s15 =	sadd.s32 $0x400, s21;
	s17 =	sadd.s32 $0x600, s21  }
0x7d: {  	s5 =	sadd.s32 $0x8900, s21;
	s20 =	sadd.s32 $0x580, s21;
	[dreg:$0xd] =	wrdreg s0;
	(v2sf) =	vpush v63, $0x1  }
0x7e: {  	s16 =	sadd.s32 $0x8580, s21;
	s6 =	sadd.s32 $0x8A00, s21;
	[dreg:$0x5] =	wrdreg s5  }
0x7f: {  	s18 =	sadd.s32 $0x8600, s21;
	s7 =	sadd.s32 $0xA80, s21;
	[dreg:$0x4] =	wrdreg s6;
	(v2sf) =	vpush v1, $0x2  }
0x80: {  	s2 =	sadd.s32 $0x8500, s21;
	s8 =	sadd.s32 $0x8980, s21;
	[smem:$0x7F4] =	sst s7  }
0x81: {  	s14 =	sadd.s32 $0x8680, s21;
	s10 =	sadd.s32 $0x8A80, s21;
	[dreg:$0x9] =	wrdreg s8;
	(v2sf) =	vpush v63, $0x2  }
0x82: {  	s12 =	sadd.s32 $0x8700, s21;
	s11 =	sadd.s32 $0x8880, s21;
	[smem:$0x7F5] =	sst s10  }
0x83: {  	s19 =	sadd.s32 $0x900, s21;
	s31 =	sadd.s32 $0xA00, s21;
	[dreg:$0x15] =	wrdreg s11;
	(v2sf) =	vpush v1, $0x3  }
0x84: {  	s30 =	sadd.s32 $0xB00, s21;
	s0 =	sadd.s32 $0x500, s21;
	[dreg:$0x11] =	wrdreg s19  }
0x85: {  	s11 =	sadd.s32 $0x780, s21;
	s19 =	sadd.s32 $0x480, s21;
	s10 =	sadd.s32 $0x8780, s21;
	(v2sf) =	vpush v63, $0x3  }
0x86: {  	s8 =	sadd.s32 $0x800, s21;
	s7 =	sadd.s32 $0x8B00, s21;
	s24 =	sadd.s32 $0x8800, s21  }
0x87: {  	s1 =	sadd.s32 $0x8480, s21;
	[dreg:$0x1c] =	wrdreg s24;
	s29 =	simm.s32 $0x0;
	(v2sf) =	vpush v1, $0x4  }
0x88: {  	s13 =	sadd.s32 $0x700, s21;
	s26 =	sadd.s32 $0x10, s26;
	s6 =	spop (v2sf)  }
0x89: {  	s28 =	sadd.s32 $0x10, s28;
	s25 =	sand.u32 $0x1FFFFFF0, s6;
	s24 =	spop (v2sf);
	(v2sf) =	vpush v63, $0x4  }
0x8a: {  	s5 =	sadd.s32 s3, s25;
	s24 =	sand.u32 $0x1FFFFFF0, s24;
	s25 =	spop (v2sf)  }
0x8b: {  	(v2sf) =	vpush v1, $0x5;
	[tilespmem:s15], [sflag:$0x1] =	stream.linear.gather [hbm4b:s5+s29], $0x80, $0x38;
	[tilespmem:$0x10400] =	vst v63  }
0x8c: {  	s15 =	sadd.s32 s4, s24;
	s24 =	sand.u32 $0x1FFFFFF0, s25;
	s25 =	spop (v2sf);
	(v2sf) =	vpush v63, $0x5  }
0x8d: {  	[tilespmem:s23], [sflag:$0x3] =	stream.linear.gather [hbm4b:s15+s29], $0x80, $0x38;
	[tilespmem:$0x10400] =	vst v63  }
0x8e: {  	s23 =	sadd.s32 s3, s24;
	s24 =	sand.u32 $0x1FFFFFF0, s25;
	s25 =	spop (v2sf);
	(v2sf) =	vpush v1, $0x6  }
0x8f: {  	[tilespmem:s19], [sflag:$0x1] =	stream.linear.gather [hbm4b:s23+s29], $0x80, $0x38;
	[tilespmem:$0x10400] =	vst v63  }
0x90: {  	s19 =	sadd.s32 s4, s24;
	s24 =	sand.u32 $0x1FFFFFF0, s25;
	s25 =	spop (v2sf);
	(v2sf) =	vpush v63, $0x6  }
0x91: {  	[tilespmem:s1], [sflag:$0x3] =	stream.linear.gather [hbm4b:s19+s29], $0x80, $0x38;
	[tilespmem:$0x10400] =	vst v63  }
0x92: {  	s5 =	sadd.s32 s3, s24;
	s15 =	sand.u32 $0x1FFFFFF0, s25;
	s19 =	spop (v2sf);
	(v2sf) =	vpush v1, $0x7  }
0x93: {  	[tilespmem:s0], [sflag:$0x1] =	stream.linear.gather [hbm4b:s5+s29], $0x80, $0x38;
	[tilespmem:$0x10400] =	vst v63  }
0x94: {  	s23 =	sadd.s32 s4, s15;
	s24 =	sand.u32 $0x1FFFFFF0, s19;
	s25 =	spop (v2sf);
	(v2sf) =	vpush v63, $0x7  }
0x95: {  	[tilespmem:s2], [sflag:$0x3] =	stream.linear.gather [hbm4b:s23+s29], $0x80, $0x38;
	[tilespmem:$0x10400] =	vst v63  }
0x96: {  	s15 =	sand.u32 $0x1FFFFFF0, s25;
	s19 =	spop (v2sf);
	s2 =	sadd.s32 s3, s24  }
0x97: {  	(v2sf) =	vpush v1, $0x8;
	[tilespmem:s20], [sflag:$0x1] =	stream.linear.gather [hbm4b:s2+s29], $0x80, $0x38;
	[tilespmem:$0x10400] =	vst v63  }
0x98: {  	s23 =	sadd.s32 s4, s15;
	s24 =	sand.u32 $0x1FFFFFF0, s19;
	s25 =	spop (v2sf)  }
0x99: {  	[tilespmem:s16], [sflag:$0x3] =	stream.linear.gather [hbm4b:s23+s29], $0x80, $0x38;
	[tilespmem:$0x10400] =	vst v63  }
0x9a: {  	s6 =	sadd.s32 $0x980, s21;
	s5 =	sadd.s32 s3, s24;
	s16 =	spop (v2sf)  }
0x9b: {  	(v2sf) =	vpush v63, $0x8;
	s15 =	sand.u32 $0x1FFFFFF0, s25;
	s19 =	sand.u32 $0x1FFFFFF0, s16;
	s20 =	spop (v2sf)  }
0x9c: {  	[tilespmem:s17], [sflag:$0x1] =	stream.linear.gather [hbm4b:s5+s29], $0x80, $0x38;
	[tilespmem:$0x10400] =	vst v63  }
0x9d: {  	(v2sf) =	vpush v1, $0x9;
	s17 =	sadd.s32 s4, s15;
	s23 =	sadd.s32 s3, s19;
	s25 =	spop (v2sf)  }
0x9e: {  	(v2sf) =	vpush v63, $0x9;
	[tilespmem:s18], [sflag:$0x3] =	stream.linear.gather [hbm4b:s17+s29], $0x80, $0x38;
	[tilespmem:$0x10400] =	vst v63  }
0x9f: {  	s24 =	sand.u32 $0x1FFFFFF0, s20;
	s2 =	sand.u32 $0x1FFFFFF0, s25;
	s5 =	spop (v2sf)  }
0xa0: {  	[tilespmem:s9], [sflag:$0x1] =	stream.linear.gather [hbm4b:s23+s29], $0x80, $0x38;
	[tilespmem:$0x10400] =	vst v63  }
0xa1: {  	s1 =	sadd.s32 s4, s24;
	s9 =	sadd.s32 s3, s2;
	s15 =	spop (v2sf)  }
0xa2: {  	(v2sf) =	vpush v1, $0xA;
	[tilespmem:s14], [sflag:$0x3] =	stream.linear.gather [hbm4b:s1+s29], $0x80, $0x38;
	[tilespmem:$0x10400] =	vst v63  }
0xa3: {  	s14 =	sand.u32 $0x1FFFFFF0, s5;
	s17 =	sand.u32 $0x1FFFFFF0, s15;
	s18 =	spop (v2sf)  }
0xa4: {  	(v2sf) =	vpush v63, $0xA;
	s16 =	sadd.s32 s4, s14;
	s19 =	sadd.s32 s3, s17;
	s20 =	sand.u32 $0x1FFFFFF0, s18  }
0xa5: {  	[tilespmem:s13], [sflag:$0x1] =	stream.linear.gather [hbm4b:s9+s29], $0x80, $0x38;
	[tilespmem:$0x10400] =	vst v63  }
0xa6: {  	s23 =	spop (v2sf);
	s17 =	rddreg [dreg:$0x1c];
	s13 =	simm.s32 $0x0  }
0xa7: {  	[tilespmem:s12], [sflag:$0x3] =	stream.linear.gather [hbm4b:s16+s13], $0x80, $0x38;
	[tilespmem:$0x10400] =	vst v63  }
0xa8: {  	(v2sf) =	vpush v1, $0xB;
	s24 =	sadd.s32 s4, s20;
	s25 =	sand.u32 $0x1FFFFFF0, s23;
	s23 =	rddreg [dreg:$0xd]  }
0xa9: {  	[tilespmem:s11], [sflag:$0x1] =	stream.linear.gather [hbm4b:s19+s13], $0x80, $0x38;
	[tilespmem:$0x10400] =	vst v63  }
0xaa: {  	(v2sf) =	vpush v63, $0xB;
	s5 =	sadd.s32 s3, s25;
	s11 =	sld [smem:$0x7F4];
	s29 =	spop (v2sf)  }
0xab: {  	(v2sf) =	vpush v1, $0xC;
	[tilespmem:s10], [sflag:$0x3] =	stream.linear.gather [hbm4b:s24+s13], $0x80, $0x38;
	[tilespmem:$0x10400] =	vst v63  }
0xac: {  	s9 =	sand.u32 $0x1FFFFFF0, s29;
	s12 =	spop (v2sf);
	s10 =	sld [smem:$0x7F5]  }
0xad: {  	(v2sf) =	vpush v63, $0xC;
	s14 =	sadd.s32 s4, s9;
	s15 =	sand.u32 $0x1FFFFFF0, s12;
	s16 =	spop (v2sf)  }
0xae: {  	[tilespmem:s8], [sflag:$0x1] =	stream.linear.gather [hbm4b:s5+s13], $0x80, $0x38;
	[tilespmem:$0x10400] =	vst v63  }
0xaf: {  	s18 =	sadd.s32 s3, s15;
	s19 =	sand.u32 $0x1FFFFFF0, s16;
	s15 =	rddreg [dreg:$0x11]  }
0xb0: {  	[tilespmem:s17], [sflag:$0x3] =	stream.linear.gather [hbm4b:s14+s13], $0x80, $0x38;
	[tilespmem:$0x10400] =	vst v63  }
0xb1: {  	s20 =	spop (v2sf);
	s24 =	sadd.s32 s4, s19;
	s8 =	rddreg [dreg:$0x15]  }
0xb2: {  	[tilespmem:s23], [sflag:$0x1] =	stream.linear.gather [hbm4b:s18+s13], $0x80, $0x38;
	[tilespmem:$0x10400] =	vst v63  }
0xb3: {  	s19 =	rddreg [dreg:$0x5];
	s25 =	sand.u32 $0x1FFFFFF0, s20;
	s29 =	spop (v2sf)  }
0xb4: {  	[tilespmem:s8], [sflag:$0x3] =	stream.linear.gather [hbm4b:s24+s13], $0x80, $0x38;
	[tilespmem:$0x10400] =	vst v63  }
0xb5: {  	s5 =	rddreg [dreg:$0x4];
	s9 =	sadd.s32 s3, s25;
	s12 =	sand.u32 $0x1FFFFFF0, s29  }
0xb6: {  	[tilespmem:s15], [sflag:$0x1] =	stream.linear.gather [hbm4b:s9+s13], $0x80, $0x38;
	[tilespmem:$0x10400] =	vst v63  }
0xb7: {  	s29 =	rddreg [dreg:$0x9];
	s14 =	spop (v2sf);
	s16 =	sadd.s32 s4, s12  }
0xb8: {  	(v2sf) =	vpush v1, $0xD;
	[tilespmem:s19], [sflag:$0x3] =	stream.linear.gather [hbm4b:s16+s13], $0x80, $0x38;
	[tilespmem:$0x10400] =	vst v63  }
.Ltmp0:
0xb9: {  	(v2sf) =	vpush v63, $0xD;
	s17 =	sand.u32 $0x1FFFFFF0, s14;
	s18 =	spop (v2sf);
	(pc) =	sbr.rel @p0 .LBB2_2-.Ltmp0, $4  }
0xba: {  	(v2sf) =	vpush v1, $0xE;
	s20 =	sadd.s32 s3, s17;
	s23 =	sand.u32 $0x1FFFFFF0, s18;
	s24 =	spop (v2sf)  }
0xbb: {  	(v2sf) =	vpush v63, $0xE;
	[tilespmem:s6], [sflag:$0x1] =	stream.linear.gather [hbm4b:s20+s13], $0x80, $0x38;
	[tilespmem:$0x10400] =	vst v63  }
0xbc: {  	(v2sf) =	vpush v1, $0xF;
	s25 =	sadd.s32 s4, s23;
	s0 =	sand.u32 $0x1FFFFFF0, s24;
	s1 =	spop (v2sf)  }
0xbd: {  	(v2sf) =	vpush v63, $0xF;
	[tilespmem:s29], [sflag:$0x3] =	stream.linear.gather [hbm4b:s25+s13], $0x80, $0x38;
	[tilespmem:$0x10400] =	vst v63  }
0xbe: {  	_ =	sdelay $0x4  }
0xbf: {  	s0 =	sadd.s32 s3, s0;
	s1 =	sand.u32 $0x1FFFFFF0, s1  }
0xc0: {  	[tilespmem:s31], [sflag:$0x1] =	stream.linear.gather [hbm4b:s0+s13], $0x80, $0x38;
	[tilespmem:$0x10400] =	vst v63  }
0xc1: {  	s17 =	sadd.s32 s4, s1  }
0xc2: {  	[tilespmem:s5], [sflag:$0x3] =	stream.linear.gather [hbm4b:s17+s13], $0x80, $0x38;
	[tilespmem:$0x10400] =	vst v63  }
0xc3: {  	s2 =	spop (v2sf)  }
0xc4: {  	s18 =	sand.u32 $0x1FFFFFF0, s2;
	s19 =	spop (v2sf)  }
0xc5: {  	s20 =	sadd.s32 s3, s18;
	s22 =	sand.u32 $0x1FFFFFF0, s19;
	s23 =	spop (v2sf)  }
0xc6: {  	[tilespmem:s11], [sflag:$0x1] =	stream.linear.gather [hbm4b:s20+s13], $0x80, $0x38;
	[tilespmem:$0x10400] =	vst v63  }
0xc7: {  	s24 =	sadd.s32 s4, s22;
	s25 =	sand.u32 $0x1FFFFFF0, s23;
	s26 =	spop (v2sf)  }
0xc8: {  	[tilespmem:s10], [sflag:$0x3] =	stream.linear.gather [hbm4b:s24+s13], $0x80, $0x38;
	[tilespmem:$0x10400] =	vst v63  }
0xc9: {  	s1 =	sadd.s32 s3, s25;
	s5 =	sand.u32 $0x1FFFFFF0, s26;
	s6 =	spop (v2sf)  }
0xca: {  	[tilespmem:s30], [sflag:$0x1] =	stream.linear.gather [hbm4b:s1+s13], $0x80, $0x38;
	[tilespmem:$0x10400] =	vst v63  }
0xcb: {  	s8 =	sadd.s32 s4, s5;
	s9 =	sand.u32 $0x1FFFFFF0, s6;
	s10 =	spop (v2sf)  }
0xcc: {  	[tilespmem:s7], [sflag:$0x3] =	stream.linear.gather [hbm4b:s8+s13], $0x80, $0x38;
	[tilespmem:$0x10400] =	vst v63  }
0xcd: {  	s11 =	sadd.s32 $0xB80, s21;
	s2 =	sand.u32 $0x1FFFFFF0, s10;
	s1 =	sadd.s32 s3, s9  }
0xce: {  	[tilespmem:s11], [sflag:$0x1] =	stream.linear.gather [hbm4b:s1+s13], $0x80, $0x38;
	[tilespmem:$0x10400] =	vst v63  }
0xcf: {  	s12 =	sadd.s32 $0x8B80, s21;
	s15 =	simm.s32 $0x1;
	s14 =	sadd.s32 s4, s2  }
0xd0: {  	[tilespmem:s12], [sflag:$0x3] =	stream.linear.gather [hbm4b:s14+s13], $0x80, $0x38;
	[tilespmem:$0x10400] =	vst v63  }
0xd1: {  	_ =	swait.ge [sflag:s15], $0x4000  }
0xd2: {  	[sflag:s15] =	ssyncset.done $0x0  }
0xd3: {  	s16 =	simm.s32 $0x3;
	[sflag:s15] =	ssyncadd.s32 $0xFFFFC000  }
0xd4: {  	_ =	swait.ge [sflag:s16], $0x4000  }
0xd5: {  	[sflag:s16] =	ssyncset.done $0x0  }
0xd6: {  	s17 =	simm.s32 $0x80;
	[sflag:s16] =	ssyncadd.s32 $0xFFFFC000  }
0xd7: {  	s18 =	simm.s32 $0x280;
	v0 =	vld [tilespmem:s17+$0x0]  }
0xd8: {  	v2 =	vld [tilespmem:s18+$0x0];
	_ =	sdelay $0x3  }
0xd9: {  	v1 =	vshll.u32 v0, $0x4  }
0xda: {  	v63 =	vshll.u32 v2, $0x4;
	(v2sf) =	vpush v1, $0x0  }
0xdb: {  	(v2sf) =	vpush v63, $0x0;
	_ =	sdelay $0x2  }
0xdc: {  	(v2sf) =	vpush v1, $0x1  }
0xdd: {  	(v2sf) =	vpush v63, $0x1  }
0xde: {  	(v2sf) =	vpush v1, $0x2;
	_ =	sdelay $0x1  }
0xdf: {  	(v2sf) =	vpush v63, $0x2;
	_ =	sdelay $0x2  }
0xe0: {  	s28 =	simm.s32 $0x290;
	s29 =	simm.s32 $0x90  }
0xe1: {  	s0 =	simm.s32 $0xC900;
	s31 =	simm.s32 $0x4B00;
	s19 =	simm.s32 $0xC400;
	(v2sf) =	vpush v1, $0x3  }
0xe2: {  	s21 =	simm.s32 $0x0;
	s23 =	simm.s32 $0x2000;
	s22 =	simm.s32 $0x0  }
0xe3: {  	s6 =	simm.s32 $0x4400;
	s2 =	simm.s32 $0x4880;
	s9 =	simm.s32 $0x4580;
	(v2sf) =	vpush v63, $0x3  }
0xe4: {  	s8 =	simm.s32 $0x4600;
	s1 =	simm.s32 $0x4680;
	s20 =	spop (v2sf)  }
0xe5: {  	s14 =	simm.s32 $0xC480;
	s7 =	sand.u32 $0x1FFFFFF0, s20;
	s24 =	spop (v2sf)  }
0xe6: {  	s16 =	simm.s32 $0x4500;
	s7 =	sadd.s32 s3, s7;
	s25 =	sand.u32 $0x1FFFFFF0, s24  }
0xe7: {  	(v2sf) =	vpush v1, $0x4;
	[tilespmem:s6], [sflag:$0x2] =	stream.linear.gather [hbm4b:s7+s21], $0x80, $0x38;
	[tilespmem:$0x10400] =	vst v63  }
0xe8: {  	(v2sf) =	vpush v63, $0x4;
	s26 =	spop (v2sf);
	s6 =	simm.s32 $0xC580;
	s7 =	sadd.s32 s4, s25  }
0xe9: {  	s10 =	sand.u32 $0x1FFFFFF0, s26;
	s30 =	spop (v2sf);
	s26 =	simm.s32 $0xC600  }
0xea: {  	(v2sf) =	vpush v1, $0x5;
	s12 =	sadd.s32 s3, s10;
	s13 =	sand.u32 $0x1FFFFFF0, s30;
	s15 =	spop (v2sf)  }
0xeb: {  	[tilespmem:s19], [sflag:$0x4] =	stream.linear.gather [hbm4b:s7+s21], $0x80, $0x38;
	[tilespmem:$0x10400] =	vst v63  }
0xec: {  	(v2sf) =	vpush v63, $0x5;
	s7 =	simm.s32 $0x4480;
	s10 =	sadd.s32 s4, s13;
	s17 =	spop (v2sf)  }
0xed: {  	[tilespmem:s7], [sflag:$0x2] =	stream.linear.gather [hbm4b:s12+s21], $0x80, $0x38;
	[tilespmem:$0x10400] =	vst v63  }
0xee: {  	(v2sf) =	vpush v1, $0x6;
	s19 =	simm.s32 $0xC500;
	s13 =	simm.s32 $0x4A80;
	s7 =	sand.u32 $0x1FFFFFF0, s15  }
0xef: {  	[tilespmem:s14], [sflag:$0x4] =	stream.linear.gather [hbm4b:s10+s21], $0x80, $0x38;
	[tilespmem:$0x10400] =	vst v63  }
0xf0: {  	s18 =	spop (v2sf);
	(v2sf) =	vpush v63, $0x6;
	s7 =	sadd.s32 s3, s7;
	s10 =	sand.u32 $0x1FFFFFF0, s17  }
0xf1: {  	[tilespmem:s16], [sflag:$0x2] =	stream.linear.gather [hbm4b:s7+s21], $0x80, $0x38;
	[tilespmem:$0x10400] =	vst v63  }
0xf2: {  	s24 =	sand.u32 $0x1FFFFFF0, s18;
	s25 =	spop (v2sf);
	s20 =	sadd.s32 s4, s10  }
0xf3: {  	(v2sf) =	vpush v1, $0x7;
	[tilespmem:s19], [sflag:$0x4] =	stream.linear.gather [hbm4b:s20+s21], $0x80, $0x38;
	[tilespmem:$0x10400] =	vst v63  }
0xf4: {  	s12 =	simm.s32 $0xCA00;
	s14 =	simm.s32 $0xC680;
	s10 =	sadd.s32 s3, s24  }
0xf5: {  	(v2sf) =	vpush v63, $0x7;
	[tilespmem:s9], [sflag:$0x2] =	stream.linear.gather [hbm4b:s10+s21], $0x80, $0x38;
	[tilespmem:$0x10400] =	vst v63  }
0xf6: {  	s7 =	sand.u32 $0x1FFFFFF0, s25;
	s16 =	simm.s32 $0x4700;
	s30 =	spop (v2sf)  }
0xf7: {  	s7 =	sadd.s32 s4, s7;
	s10 =	sand.u32 $0x1FFFFFF0, s30;
	s5 =	spop (v2sf)  }
0xf8: {  	[tilespmem:s6], [sflag:$0x4] =	stream.linear.gather [hbm4b:s7+s21], $0x80, $0x38;
	[tilespmem:$0x10400] =	vst v63  }
0xf9: {  	(v2sf) =	vpush v1, $0x8;
	s10 =	sadd.s32 s3, s10;
	s11 =	sand.u32 $0x1FFFFFF0, s5;
	s15 =	spop (v2sf)  }
0xfa: {  	[tilespmem:s8], [sflag:$0x2] =	stream.linear.gather [hbm4b:s10+s21], $0x80, $0x38;
	[tilespmem:$0x10400] =	vst v63  }
0xfb: {  	(v2sf) =	vpush v63, $0x8;
	s7 =	sadd.s32 s4, s11;
	s8 =	sand.u32 $0x1FFFFFF0, s15;
	s17 =	spop (v2sf)  }
0xfc: {  	s10 =	simm.s32 $0xCA80;
	s15 =	simm.s32 $0xC780;
	s8 =	sadd.s32 s3, s8  }
0xfd: {  	(v2sf) =	vpush v1, $0x9;
	s9 =	sand.u32 $0x1FFFFFF0, s17;
	s18 =	spop (v2sf);
	s17 =	simm.s32 $0x4800  }
0xfe: {  	[tilespmem:s26], [sflag:$0x4] =	stream.linear.gather [hbm4b:s7+s21], $0x80, $0x38;
	[tilespmem:$0x10400] =	vst v63  }
0xff: {  	(v2sf) =	vpush v63, $0x9;
	s19 =	sadd.s32 s4, s9;
	s20 =	sand.u32 $0x1FFFFFF0, s18;
	s24 =	spop (v2sf)  }
0x100: {  	s26 =	simm.s32 $0xC700;
	s7 =	simm.s32 $0x4780;
	s25 =	sadd.s32 s3, s20  }
0x101: {  	(v2sf) =	vpush v1, $0xA;
	[tilespmem:s1], [sflag:$0x2] =	stream.linear.gather [hbm4b:s8+s21], $0x80, $0x38;
	[tilespmem:$0x10400] =	vst v63  }
0x102: {  	s6 =	sand.u32 $0x1FFFFFF0, s24;
	s30 =	spop (v2sf);
	s20 =	simm.s32 $0xC800  }
0x103: {  	(v2sf) =	vpush v63, $0xA;
	[tilespmem:s14], [sflag:$0x4] =	stream.linear.gather [hbm4b:s19+s21], $0x80, $0x38;
	[tilespmem:$0x10400] =	vst v63  }
0x104: {  	s1 =	simm.s32 $0xC980;
	s8 =	sand.u32 $0x1FFFFFF0, s30;
	s5 =	spop (v2sf)  }
0x105: {  	(v2sf) =	vpush v1, $0xB;
	[tilespmem:s16], [sflag:$0x2] =	stream.linear.gather [hbm4b:s25+s21], $0x80, $0x38;
	[tilespmem:$0x10400] =	vst v63  }
0x106: {  	s6 =	sadd.s32 s4, s6;
	s11 =	sadd.s32 s3, s8;
	s14 =	sand.u32 $0x1FFFFFF0, s5  }
0x107: {  	(v2sf) =	vpush v63, $0xB;
	[tilespmem:s26], [sflag:$0x4] =	stream.linear.gather [hbm4b:s6+s21], $0x80, $0x38;
	[tilespmem:$0x10400] =	vst v63  }
0x108: {  	s5 =	simm.s32 $0x4900;
	s8 =	sadd.s32 s4, s14;
	s16 =	spop (v2sf)  }
0x109: {  	[tilespmem:s7], [sflag:$0x2] =	stream.linear.gather [hbm4b:s11+s21], $0x80, $0x38;
	[tilespmem:$0x10400] =	vst v63  }
0x10a: {  	s26 =	simm.s32 $0xC880;
	s7 =	sand.u32 $0x1FFFFFF0, s16;
	s18 =	spop (v2sf)  }
0x10b: {  	(v2sf) =	vpush v1, $0xC;
	[tilespmem:s15], [sflag:$0x4] =	stream.linear.gather [hbm4b:s8+s21], $0x80, $0x38;
	[tilespmem:$0x10400] =	vst v63  }
0x10c: {  	s7 =	sadd.s32 s3, s7;
	s8 =	sand.u32 $0x1FFFFFF0, s18;
	s19 =	spop (v2sf)  }
0x10d: {  	(v2sf) =	vpush v63, $0xC;
	[tilespmem:s17], [sflag:$0x2] =	stream.linear.gather [hbm4b:s7+s21], $0x80, $0x38;
	[tilespmem:$0x10400] =	vst v63  }
0x10e: {  	s24 =	sadd.s32 s4, s8;
	s25 =	sand.u32 $0x1FFFFFF0, s19;
	s30 =	spop (v2sf)  }
0x10f: {  	[tilespmem:s20], [sflag:$0x4] =	stream.linear.gather [hbm4b:s24+s21], $0x80, $0x38;
	[tilespmem:$0x10400] =	vst v63  }
0x110: {  	s8 =	sadd.s32 s3, s25;
	s7 =	sand.u32 $0x1FFFFFF0, s30;
	s9 =	spop (v2sf)  }
0x111: {  	[tilespmem:s2], [sflag:$0x2] =	stream.linear.gather [hbm4b:s8+s21], $0x80, $0x38;
	[tilespmem:$0x10400] =	vst v63  }
0x112: {  	s7 =	sadd.s32 s4, s7;
	s11 =	spop (v2sf);
	s8 =	sand.u32 $0x1FFFFFF0, s9  }
0x113: {  	[tilespmem:s26], [sflag:$0x4] =	stream.linear.gather [hbm4b:s7+s21], $0x80, $0x38;
	[tilespmem:$0x10400] =	vst v63  }
0x114: {  	s15 =	sand.u32 $0x1FFFFFF0, s11;
	s16 =	spop (v2sf);
	s14 =	sadd.s32 s3, s8  }
0x115: {  	[tilespmem:s5], [sflag:$0x2] =	stream.linear.gather [hbm4b:s14+s21], $0x80, $0x38;
	[tilespmem:$0x10400] =	vst v63  }
0x116: {  	s17 =	sadd.s32 s4, s15;
	s18 =	sand.u32 $0x1FFFFFF0, s16;
	s19 =	spop (v2sf)  }
0x117: {  	(v2sf) =	vpush v1, $0xD;
	[tilespmem:s0], [sflag:$0x4] =	stream.linear.gather [hbm4b:s17+s21], $0x80, $0x38;
	[tilespmem:$0x10400] =	vst v63  }
0x118: {  	s20 =	simm.s32 $0x4980;
	(v2sf) =	vpush v63, $0xD;
	s24 =	sadd.s32 s3, s18;
	s25 =	sand.u32 $0x1FFFFFF0, s19  }
0x119: {  	(v2sf) =	vpush v1, $0xE;
	[tilespmem:s20], [sflag:$0x2] =	stream.linear.gather [hbm4b:s24+s21], $0x80, $0x38;
	[tilespmem:$0x10400] =	vst v63  }
0x11a: {  	s9 =	simm.s32 $0xCB00;
	(v2sf) =	vpush v63, $0xE;
	s26 =	sadd.s32 s4, s25;
	s30 =	spop (v2sf)  }
0x11b: {  	(v2sf) =	vpush v1, $0xF;
	[tilespmem:s1], [sflag:$0x4] =	stream.linear.gather [hbm4b:s26+s21], $0x80, $0x38;
	[tilespmem:$0x10400] =	vst v63  }
0x11c: {  	(v2sf) =	vpush v63, $0xF;
	s0 =	simm.s32 $0x4A00;
	s2 =	spop (v2sf);
	s1 =	sand.u32 $0x1FFFFFF0, s30  }
.LBB2_4:
0x11d: {  	_ =	sdelay $0x4  }
0x11e: {  	s1 =	sadd.s32 s3, s1;
	s2 =	sand.u32 $0x1FFFFFF0, s2  }
0x11f: {  	[tilespmem:s0], [sflag:$0x2] =	stream.linear.gather [hbm4b:s1+s21], $0x80, $0x38;
	[tilespmem:$0x10400] =	vst v63  }
0x120: {  	s19 =	sadd.s32 s4, s2  }
0x121: {  	[tilespmem:s12], [sflag:$0x4] =	stream.linear.gather [hbm4b:s19+s21], $0x80, $0x38;
	[tilespmem:$0x10400] =	vst v63  }
0x122: {  	s6 =	spop (v2sf)  }
0x123: {  	s20 =	sand.u32 $0x1FFFFFF0, s6;
	s24 =	spop (v2sf)  }
0x124: {  	s25 =	sadd.s32 s3, s20;
	s26 =	sand.u32 $0x1FFFFFF0, s24;
	s30 =	spop (v2sf)  }
0x125: {  	[tilespmem:s13], [sflag:$0x2] =	stream.linear.gather [hbm4b:s25+s21], $0x80, $0x38;
	[tilespmem:$0x10400] =	vst v63  }
0x126: {  	s1 =	sadd.s32 s4, s26;
	s2 =	sand.u32 $0x1FFFFFF0, s30;
	s5 =	spop (v2sf)  }
0x127: {  	[tilespmem:s10], [sflag:$0x4] =	stream.linear.gather [hbm4b:s1+s21], $0x80, $0x38;
	[tilespmem:$0x10400] =	vst v63  }
0x128: {  	s6 =	sadd.s32 s3, s2;
	s7 =	sand.u32 $0x1FFFFFF0, s5;
	s8 =	spop (v2sf)  }
0x129: {  	[tilespmem:s31], [sflag:$0x2] =	stream.linear.gather [hbm4b:s6+s21], $0x80, $0x38;
	[tilespmem:$0x10400] =	vst v63  }
0x12a: {  	s10 =	sadd.s32 s4, s7;
	s11 =	sand.u32 $0x1FFFFFF0, s8;
	s12 =	spop (v2sf)  }
0x12b: {  	[tilespmem:s9], [sflag:$0x4] =	stream.linear.gather [hbm4b:s10+s21], $0x80, $0x38;
	[tilespmem:$0x10400] =	vst v63  }
0x12c: {  	s13 =	sadd.s32 $0x4B80, s22;
	s1 =	sadd.s32 s3, s11;
	s2 =	sand.u32 $0x1FFFFFF0, s12  }
0x12d: {  	[tilespmem:s13], [sflag:$0x2] =	stream.linear.gather [hbm4b:s1+s21], $0x80, $0x38;
	[tilespmem:$0x10400] =	vst v63  }
0x12e: {  	s14 =	sadd.s32 $0xCB80, s22;
	s15 =	sadd.s32 s4, s2  }
0x12f: {  	[tilespmem:s14], [sflag:$0x4] =	stream.linear.gather [hbm4b:s15+s21], $0x80, $0x38;
	[tilespmem:$0x10400] =	vst v63  }
0x130: {  	v0 =	vld [tilespmem:s29+$0x0]  }
0x131: {  	v2 =	vld [tilespmem:s28+$0x0];
	_ =	sdelay $0x3  }
0x132: {  	v1 =	vshll.u32 v0, $0x4  }
0x133: {  	v63 =	vshll.u32 v2, $0x4;
	(v2sf) =	vpush v1, $0x0  }
0x134: {  	(v2sf) =	vpush v63, $0x0  }
0x135: {  	s16 =	smov.u32 s23;
	(v2sf) =	vpush v1, $0x1  }
0x136: {  	s22 =	sshra.s32 s16, $0x2  }
0x137: {  	p0 =	sne.s32 s23, $0xE000;
	s0 =	sadd.s32 $0x4880, s22;
	(v2sf) =	vpush v63, $0x1  }
0x138: {  	s23 =	sadd.s32 $0x2000, s23;
	s17 =	sadd.s32 $0xC900, s22;
	[dreg:$0xe] =	wrdreg s0  }
0x139: {  	s5 =	sadd.s32 $0x4400, s22;
	s19 =	sadd.s32 $0xCA00, s22;
	[dreg:$0x6] =	wrdreg s17;
	(v2sf) =	vpush v1, $0x2  }
0x13a: {  	s18 =	sadd.s32 $0x4600, s22;
	s24 =	sadd.s32 $0x4A80, s22;
	[dreg:$0x19] =	wrdreg s19  }
0x13b: {  	s20 =	sadd.s32 $0xC580, s22;
	s25 =	sadd.s32 $0xC980, s22;
	[smem:$0x7F2] =	sst s24;
	(v2sf) =	vpush v63, $0x2  }
0x13c: {  	s16 =	sadd.s32 $0xC600, s22;
	s26 =	sadd.s32 $0xC880, s22;
	[dreg:$0xa] =	wrdreg s25  }
0x13d: {  	s30 =	sadd.s32 $0x4900, s22;
	s19 =	sadd.s32 $0xC480, s22;
	[dreg:$0x16] =	wrdreg s26;
	(v2sf) =	vpush v1, $0x3  }
0x13e: {  	s24 =	sadd.s32 $0xC500, s22;
	s17 =	sadd.s32 $0xC680, s22;
	[dreg:$0x12] =	wrdreg s30;
	(v2sf) =	vpush v63, $0x3  }
0x13f: {  	s7 =	sadd.s32 $0xC800, s22;
	s0 =	sadd.s32 $0x4A00, s22;
	s25 =	sadd.s32 $0x4480, s22  }
0x140: {  	s12 =	sadd.s32 $0x4780, s22;
	[dreg:$0x1d] =	wrdreg s7;
	s11 =	sadd.s32 $0xC780, s22;
	(v2sf) =	vpush v1, $0x4  }
0x141: {  	s7 =	sadd.s32 $0x4800, s22;
	s6 =	sadd.s32 $0x4680, s22;
	s2 =	sadd.s32 $0x4580, s22  }
0x142: {  	[smem:$0x7F3] =	sst s7;
	s31 =	sadd.s32 $0x4B00, s22;
	s8 =	spop (v2sf)  }
0x143: {  	s15 =	sadd.s32 $0xC400, s22;
	s26 =	sand.u32 $0x1FFFFFF0, s8;
	s30 =	spop (v2sf)  }
0x144: {  	(v2sf) =	vpush v63, $0x4;
	s26 =	sadd.s32 s3, s26;
	s30 =	sand.u32 $0x1FFFFFF0, s30;
	s8 =	spop (v2sf)  }
0x145: {  	[tilespmem:s5], [sflag:$0x2] =	stream.linear.gather [hbm4b:s26+s21], $0x80, $0x38;
	[tilespmem:$0x10400] =	vst v63  }
0x146: {  	(v2sf) =	vpush v1, $0x5;
	s26 =	sadd.s32 s4, s30;
	s8 =	sand.u32 $0x1FFFFFF0, s8;
	s30 =	spop (v2sf)  }
0x147: {  	[tilespmem:s15], [sflag:$0x4] =	stream.linear.gather [hbm4b:s26+s21], $0x80, $0x38;
	[tilespmem:$0x10400] =	vst v63  }
0x148: {  	(v2sf) =	vpush v63, $0x5;
	s15 =	sadd.s32 s3, s8;
	s26 =	sand.u32 $0x1FFFFFF0, s30;
	s30 =	spop (v2sf)  }
0x149: {  	(v2sf) =	vpush v1, $0x6;
	[tilespmem:s25], [sflag:$0x2] =	stream.linear.gather [hbm4b:s15+s21], $0x80, $0x38;
	[tilespmem:$0x10400] =	vst v63  }
0x14a: {  	s25 =	sadd.s32 s4, s26;
	s26 =	sand.u32 $0x1FFFFFF0, s30;
	s30 =	spop (v2sf)  }
0x14b: {  	(v2sf) =	vpush v63, $0x6;
	[tilespmem:s19], [sflag:$0x4] =	stream.linear.gather [hbm4b:s25+s21], $0x80, $0x38;
	[tilespmem:$0x10400] =	vst v63  }
0x14c: {  	s25 =	sadd.s32 s3, s26;
	s26 =	sand.u32 $0x1FFFFFF0, s30;
	s30 =	spop (v2sf)  }
0x14d: {  	s7 =	sadd.s32 $0x4980, s22;
	s1 =	sadd.s32 $0x4500, s22;
	(v2sf) =	vpush v1, $0x7;
	s19 =	spop (v2sf)  }
0x14e: {  	[tilespmem:s1], [sflag:$0x2] =	stream.linear.gather [hbm4b:s25+s21], $0x80, $0x38;
	[tilespmem:$0x10400] =	vst v63  }
0x14f: {  	s8 =	sadd.s32 s4, s26;
	s15 =	sand.u32 $0x1FFFFFF0, s30;
	(v2sf) =	vpush v63, $0x7;
	s30 =	spop (v2sf)  }
0x150: {  	(v2sf) =	vpush v1, $0x8;
	[tilespmem:s24], [sflag:$0x4] =	stream.linear.gather [hbm4b:s8+s21], $0x80, $0x38;
	[tilespmem:$0x10400] =	vst v63  }
0x151: {  	s10 =	sadd.s32 $0xCA80, s22;
	s25 =	sadd.s32 s3, s15;
	s26 =	sand.u32 $0x1FFFFFF0, s19  }
0x152: {  	[tilespmem:s2], [sflag:$0x2] =	stream.linear.gather [hbm4b:s25+s21], $0x80, $0x38;
	[tilespmem:$0x10400] =	vst v63  }
0x153: {  	s15 =	sadd.s32 s4, s26;
	s19 =	sand.u32 $0x1FFFFFF0, s30;
	s24 =	spop (v2sf)  }
0x154: {  	[tilespmem:s20], [sflag:$0x4] =	stream.linear.gather [hbm4b:s15+s21], $0x80, $0x38;
	[tilespmem:$0x10400] =	vst v63  }
0x155: {  	s9 =	sadd.s32 $0xCB00, s22;
	s25 =	sadd.s32 s3, s19;
	s30 =	spop (v2sf)  }
0x156: {  	[tilespmem:s18], [sflag:$0x2] =	stream.linear.gather [hbm4b:s25+s21], $0x80, $0x38;
	[tilespmem:$0x10400] =	vst v63  }
0x157: {  	s13 =	sadd.s32 $0xC700, s22;
	(v2sf) =	vpush v63, $0x8;
	s26 =	sand.u32 $0x1FFFFFF0, s24;
	s18 =	spop (v2sf)  }
0x158: {  	(v2sf) =	vpush v1, $0x9;
	s8 =	sadd.s32 s4, s26;
	s15 =	sand.u32 $0x1FFFFFF0, s30;
	s24 =	spop (v2sf)  }
0x159: {  	[tilespmem:s16], [sflag:$0x4] =	stream.linear.gather [hbm4b:s8+s21], $0x80, $0x38;
	[tilespmem:$0x10400] =	vst v63  }
0x15a: {  	s19 =	sadd.s32 s3, s15;
	s20 =	sand.u32 $0x1FFFFFF0, s18;
	s30 =	spop (v2sf)  }
0x15b: {  	[tilespmem:s6], [sflag:$0x2] =	stream.linear.gather [hbm4b:s19+s21], $0x80, $0x38;
	[tilespmem:$0x10400] =	vst v63  }
0x15c: {  	s14 =	sadd.s32 $0x4700, s22;
	(v2sf) =	vpush v63, $0x9;
	s25 =	sadd.s32 s4, s20;
	s6 =	spop (v2sf)  }
0x15d: {  	[tilespmem:s17], [sflag:$0x4] =	stream.linear.gather [hbm4b:s25+s21], $0x80, $0x38;
	[tilespmem:$0x10400] =	vst v63  }
0x15e: {  	s28 =	sadd.s32 $0x10, s28;
	(v2sf) =	vpush v1, $0xA;
	s26 =	sand.u32 $0x1FFFFFF0, s24;
	s15 =	spop (v2sf)  }
0x15f: {  	s2 =	sadd.s32 s3, s26;
	s5 =	sand.u32 $0x1FFFFFF0, s30;
	s18 =	spop (v2sf)  }
0x160: {  	(v2sf) =	vpush v63, $0xA;
	[tilespmem:s14], [sflag:$0x2] =	stream.linear.gather [hbm4b:s2+s21], $0x80, $0x38;
	[tilespmem:$0x10400] =	vst v63  }
0x161: {  	s29 =	sadd.s32 $0x10, s29;
	s8 =	sadd.s32 s4, s5;
	s20 =	sand.u32 $0x1FFFFFF0, s18  }
0x162: {  	(v2sf) =	vpush v1, $0xB;
	s14 =	sand.u32 $0x1FFFFFF0, s6;
	s25 =	sadd.s32 s3, s20;
	s20 =	rddreg [dreg:$0xe]  }
0x163: {  	[tilespmem:s13], [sflag:$0x4] =	stream.linear.gather [hbm4b:s8+s21], $0x80, $0x38;
	[tilespmem:$0x10400] =	vst v63  }
0x164: {  	s17 =	sand.u32 $0x1FFFFFF0, s15;
	s16 =	sadd.s32 s3, s14;
	s13 =	sld [smem:$0x7F2]  }
0x165: {  	[tilespmem:s12], [sflag:$0x2] =	stream.linear.gather [hbm4b:s16+s21], $0x80, $0x38;
	[tilespmem:$0x10400] =	vst v63  }
0x166: {  	(v2sf) =	vpush v63, $0xB;
	s19 =	sadd.s32 s4, s17;
	s8 =	sld [smem:$0x7F3];
	s24 =	spop (v2sf)  }
0x167: {  	(v2sf) =	vpush v1, $0xC;
	s12 =	rddreg [dreg:$0x19];
	s26 =	sand.u32 $0x1FFFFFF0, s24;
	s30 =	spop (v2sf)  }
0x168: {  	[tilespmem:s11], [sflag:$0x4] =	stream.linear.gather [hbm4b:s19+s21], $0x80, $0x38;
	[tilespmem:$0x10400] =	vst v63  }
0x169: {  	(v2sf) =	vpush v63, $0xC;
	s16 =	rddreg [dreg:$0x1d];
	s11 =	sadd.s32 s4, s26;
	s14 =	sand.u32 $0x1FFFFFF0, s30  }
0x16a: {  	[tilespmem:s8], [sflag:$0x2] =	stream.linear.gather [hbm4b:s25+s21], $0x80, $0x38;
	[tilespmem:$0x10400] =	vst v63  }
0x16b: {  	s30 =	rddreg [dreg:$0x16];
	s15 =	spop (v2sf);
	s17 =	sadd.s32 s3, s14  }
0x16c: {  	[tilespmem:s16], [sflag:$0x4] =	stream.linear.gather [hbm4b:s11+s21], $0x80, $0x38;
	[tilespmem:$0x10400] =	vst v63  }
0x16d: {  	s18 =	sand.u32 $0x1FFFFFF0, s15;
	s19 =	spop (v2sf);
	s15 =	rddreg [dreg:$0x12]  }
0x16e: {  	[tilespmem:s20], [sflag:$0x2] =	stream.linear.gather [hbm4b:s17+s21], $0x80, $0x38;
	[tilespmem:$0x10400] =	vst v63  }
0x16f: {  	s24 =	sadd.s32 s4, s18;
	s25 =	sand.u32 $0x1FFFFFF0, s19;
	s26 =	spop (v2sf)  }
0x170: {  	[tilespmem:s30], [sflag:$0x4] =	stream.linear.gather [hbm4b:s24+s21], $0x80, $0x38;
	[tilespmem:$0x10400] =	vst v63  }
0x171: {  	s8 =	sadd.s32 s3, s25;
	s11 =	sand.u32 $0x1FFFFFF0, s26;
	s14 =	spop (v2sf)  }
0x172: {  	[tilespmem:s15], [sflag:$0x2] =	stream.linear.gather [hbm4b:s8+s21], $0x80, $0x38;
	[tilespmem:$0x10400] =	vst v63  }
0x173: {  	s19 =	rddreg [dreg:$0x6];
	s16 =	sadd.s32 s4, s11;
	s17 =	sand.u32 $0x1FFFFFF0, s14  }
0x174: {  	(v2sf) =	vpush v1, $0xD;
	[tilespmem:s19], [sflag:$0x4] =	stream.linear.gather [hbm4b:s16+s21], $0x80, $0x38;
	[tilespmem:$0x10400] =	vst v63  }
.Ltmp1:
0x175: {  	(v2sf) =	vpush v63, $0xD;
	s18 =	spop (v2sf);
	s20 =	sadd.s32 s3, s17;
	(pc) =	sbr.rel @p0 .LBB2_4-.Ltmp1, $4  }
0x176: {  	(v2sf) =	vpush v1, $0xE;
	s24 =	sand.u32 $0x1FFFFFF0, s18;
	s25 =	spop (v2sf);
	s30 =	rddreg [dreg:$0xa]  }
0x177: {  	(v2sf) =	vpush v63, $0xE;
	[tilespmem:s7], [sflag:$0x2] =	stream.linear.gather [hbm4b:s20+s21], $0x80, $0x38;
	[tilespmem:$0x10400] =	vst v63  }
0x178: {  	(v2sf) =	vpush v1, $0xF;
	s26 =	sadd.s32 s4, s24;
	s1 =	sand.u32 $0x1FFFFFF0, s25;
	s2 =	spop (v2sf)  }
0x179: {  	(v2sf) =	vpush v63, $0xF;
	[tilespmem:s30], [sflag:$0x4] =	stream.linear.gather [hbm4b:s26+s21], $0x80, $0x38;
	[tilespmem:$0x10400] =	vst v63  }
0x17a: {  	_ =	sdelay $0x4  }
0x17b: {  	s1 =	sadd.s32 s3, s1;
	s2 =	sand.u32 $0x1FFFFFF0, s2  }
0x17c: {  	[tilespmem:s0], [sflag:$0x2] =	stream.linear.gather [hbm4b:s1+s21], $0x80, $0x38;
	[tilespmem:$0x10400] =	vst v63  }
0x17d: {  	s7 =	sadd.s32 s4, s2  }
0x17e: {  	[tilespmem:s12], [sflag:$0x4] =	stream.linear.gather [hbm4b:s7+s21], $0x80, $0x38;
	[tilespmem:$0x10400] =	vst v63  }
0x17f: {  	s5 =	spop (v2sf)  }
0x180: {  	s8 =	sand.u32 $0x1FFFFFF0, s5;
	s11 =	spop (v2sf)  }
0x181: {  	s14 =	sadd.s32 s3, s8;
	s15 =	sand.u32 $0x1FFFFFF0, s11;
	s16 =	spop (v2sf)  }
0x182: {  	[tilespmem:s13], [sflag:$0x2] =	stream.linear.gather [hbm4b:s14+s21], $0x80, $0x38;
	[tilespmem:$0x10400] =	vst v63  }
0x183: {  	s17 =	sadd.s32 s4, s15;
	s18 =	sand.u32 $0x1FFFFFF0, s16;
	s19 =	spop (v2sf)  }
0x184: {  	[tilespmem:s10], [sflag:$0x4] =	stream.linear.gather [hbm4b:s17+s21], $0x80, $0x38;
	[tilespmem:$0x10400] =	vst v63  }
0x185: {  	s20 =	sadd.s32 s3, s18;
	s23 =	sand.u32 $0x1FFFFFF0, s19;
	s24 =	spop (v2sf)  }
0x186: {  	[tilespmem:s31], [sflag:$0x2] =	stream.linear.gather [hbm4b:s20+s21], $0x80, $0x38;
	[tilespmem:$0x10400] =	vst v63  }
0x187: {  	s25 =	sadd.s32 s4, s23;
	s26 =	sand.u32 $0x1FFFFFF0, s24;
	s28 =	spop (v2sf)  }
0x188: {  	[tilespmem:s9], [sflag:$0x4] =	stream.linear.gather [hbm4b:s25+s21], $0x80, $0x38;
	[tilespmem:$0x10400] =	vst v63  }
0x189: {  	s29 =	sadd.s32 $0x4B80, s22;
	s1 =	sadd.s32 s3, s26;
	s2 =	sand.u32 $0x1FFFFFF0, s28  }
0x18a: {  	[tilespmem:s29], [sflag:$0x2] =	stream.linear.gather [hbm4b:s1+s21], $0x80, $0x38;
	[tilespmem:$0x10400] =	vst v63  }
0x18b: {  	s30 =	sadd.s32 $0xCB80, s22;
	s0 =	simm.s32 $0x0;
	s31 =	sadd.s32 s4, s2  }
0x18c: {  	[tilespmem:s30], [sflag:$0x4] =	stream.linear.gather [hbm4b:s31+s21], $0x80, $0x38;
	[tilespmem:$0x10400] =	vst v63  }
0x18d: {  	v0 =	vld [tilespmem:s0+$0x8400]  }
0x18e: {  	v1 =	vld [tilespmem:s0+$0x8410]  }
0x18f: {  	v2 =	vld [tilespmem:s0+$0x8420]  }
0x190: {  	v3 =	vld [tilespmem:s0+$0x8430]  }
0x191: {  	v4 =	vld [tilespmem:s0+$0x400]  }
0x192: {  	v6 =	vld [tilespmem:s0+$0x410]  }
0x193: {  	s1 =	simm.s32 $0x200;
	v5 =	vld [tilespmem:s0+$0x420]  }
.LBB2_6:
0x194: {  	p0 =	sne.s32 s1, $0xFE00;
	v7 =	vld [tilespmem:s0+$0x430];
	_ =	sdelay $0x1  }
0x195: {  	v4 =	vmul.f32 v0, v4  }
0x196: {  	v6 =	vmul.f32 v1, v6  }
0x197: {  	v0 =	vand.u32 $0x7FFFFFFF, v4;
	v5 =	vmul.f32 v2, v5  }
0x198: {  	v1 =	vand.u32 $0x7FFFFFFF, v6;
	v7 =	vmul.f32 v3, v7;
	(erf) = vrcp.f32 v0  }
0x199: {  	v0 =	vand.u32 $0x7FFFFFFF, v5;
	(erf) = vrcp.f32 v1  }
0x19a: {  	v1 =	vand.u32 $0x7FFFFFFF, v7;
	(erf) = vrcp.f32 v0  }
0x19b: {  	(erf) = vrcp.f32 v1;
	_ =	sdelay $0x4  }
0x19c: {  	s2 =	sshra.s32 s1, $0x2  }
0x19d: {  	v0 =	vld [tilespmem:s2+$0x8400];
	v2 =	vpop (erf)  }
0x19e: {  	v1 =	vld [tilespmem:s2+$0x8410];
	v4 =	vmul.f32 v2, v4;
	v3 =	vpop (erf)  }
.Ltmp2:
0x19f: {  	v2 =	vld [tilespmem:s2+$0x8420];
	v6 =	vmul.f32 v3, v6;
	v8 =	vpop (erf);
	(pc) =	sbr.rel @p0 .LBB2_6-.Ltmp2, $4  }
0x1a0: {  	v3 =	vld [tilespmem:s2+$0x8430];
	[tilespmem:s0+$0x400] =	vst v4;
	v5 =	vmul.f32 v8, v5;
	v8 =	vpop (erf)  }
0x1a1: {  	v4 =	vld [tilespmem:s2+$0x400];
	[tilespmem:s0+$0x410] =	vst v6;
	v7 =	vmul.f32 v8, v7  }
0x1a2: {  	v6 =	vld [tilespmem:s2+$0x410];
	[tilespmem:s0+$0x420] =	vst v5  }
0x1a3: {  	s1 =	sadd.s32 $0x200, s1;
	v5 =	vld [tilespmem:s2+$0x420];
	[tilespmem:s0+$0x430] =	vst v7;
	s0 =	smov.u32 s2  }
0x1a4: {  	v7 =	vld [tilespmem:s0+$0x430];
	_ =	sdelay $0x1  }
0x1a5: {  	v0 =	vmul.f32 v0, v4  }
0x1a6: {  	v1 =	vmul.f32 v1, v6  }
0x1a7: {  	v4 =	vand.u32 $0x7FFFFFFF, v0;
	v2 =	vmul.f32 v2, v5  }
0x1a8: {  	v51 =	vand.u32 $0x7FFFFFFF, v1;
	v3 =	vmul.f32 v3, v7;
	(erf) = vrcp.f32 v4  }
0x1a9: {  	v52 =	vand.u32 $0x7FFFFFFF, v2;
	(erf) = vrcp.f32 v51  }
0x1aa: {  	v53 =	vand.u32 $0x7FFFFFFF, v3;
	(erf) = vrcp.f32 v52  }
0x1ab: {  	(erf) = vrcp.f32 v53;
	_ =	sdelay $0x5  }
0x1ac: {  	v54 =	vpop (erf)  }
0x1ad: {  	v0 =	vmul.f32 v54, v0;
	v55 =	vpop (erf)  }
0x1ae: {  	v1 =	vmul.f32 v55, v1;
	v56 =	vpop (erf)  }
0x1af: {  	[tilespmem:s0+$0x400] =	vst v0;
	v57 =	vmul.f32 v56, v2;
	v58 =	vpop (erf)  }
0x1b0: {  	s19 =	sld [smem:$0x7F9];
	[tilespmem:s0+$0x410] =	vst v1;
	v59 =	vmul.f32 v58, v3  }
0x1b1: {  	[tilespmem:s0+$0x420] =	vst v57  }
0x1b2: {  	s21 =	simm.s32 $0x0;
	s1 =	simm.s32 $0x400;
	s20 =	simm.s32 $0x5;
	[tilespmem:s0+$0x430] =	vst v59  }
0x1b3: {  	[hbm4b:s19+s21] =	stream.linear.scatter [tilespmem:s1], [sflag:$0x5], $0x4000, $0x38;
	[tilespmem:$0x10400] =	vst v63  }
0x1b4: {  	_ =	swait.ge [sflag:s20], $0x4000  }
0x1b5: {  	[sflag:s20] =	ssyncset.done $0x0  }
0x1b6: {  	s22 =	simm.s32 $0x2;
	[sflag:s20] =	ssyncadd.s32 $0xFFFFC000  }
0x1b7: {  	_ =	swait.ge [sflag:s22], $0x4000  }
0x1b8: {  	[sflag:s22] =	ssyncset.done $0x0  }
0x1b9: {  	s23 =	simm.s32 $0x4;
	[sflag:s22] =	ssyncadd.s32 $0xFFFFC000  }
0x1ba: {  	_ =	swait.ge [sflag:s23], $0x4000  }
0x1bb: {  	[sflag:s23] =	ssyncset.done $0x0  }
0x1bc: {  	s24 =	simm.s32 $0x100;
	[sflag:s23] =	ssyncadd.s32 $0xFFFFC000  }
0x1bd: {  	v60 =	vld [tilespmem:s24+$0x0]  }
0x1be: {  	s25 =	simm.s32 $0x300  }
0x1bf: {  	v61 =	vld [tilespmem:s25+$0x0];
	_ =	sdelay $0x2  }
0x1c0: {  	v62 =	vshll.u32 v60, $0x4  }
0x1c1: {  	(v2sf) =	vpush v62, $0x0  }
0x1c2: {  	v63 =	vshll.u32 v61, $0x4  }
0x1c3: {  	(v2sf) =	vpush v63, $0x0;
	_ =	sdelay $0x1  }
0x1c4: {  	(v2sf) =	vpush v62, $0x1  }
0x1c5: {  	(v2sf) =	vpush v63, $0x1;
	_ =	sdelay $0x2  }
0x1c6: {  	(v2sf) =	vpush v62, $0x2;
	_ =	sdelay $0x1  }
0x1c7: {  	(v2sf) =	vpush v63, $0x2  }
0x1c8: {  	s5 =	simm.s32 $0x8400  }
0x1c9: {  	s2 =	simm.s32 $0x880;
	s6 =	simm.s32 $0x400;
	s8 =	simm.s32 $0x600;
	(v2sf) =	vpush v62, $0x3  }
0x1ca: {  	s9 =	simm.s32 $0x580;
	s14 =	simm.s32 $0x8480;
	s16 =	simm.s32 $0x500  }
0x1cb: {  	s28 =	simm.s32 $0x310;
	s29 =	simm.s32 $0x110;
	s31 =	simm.s32 $0xB00  }
0x1cc: {  	s0 =	simm.s32 $0x8900;
	s1 =	simm.s32 $0x680;
	s7 =	spop (v2sf)  }
0x1cd: {  	s19 =	simm.s32 $0x8500;
	s22 =	simm.s32 $0x0;
	(v2sf) =	vpush v63, $0x3;
	s7 =	sand.u32 $0x1FFFFFF0, s7  }
0x1ce: {  	s23 =	simm.s32 $0x2000;
	s10 =	spop (v2sf);
	s7 =	sadd.s32 s3, s7  }
0x1cf: {  	(v2sf) =	vpush v62, $0x4;
	[tilespmem:s6], [sflag:$0x1] =	stream.linear.gather [hbm4b:s7+s21], $0x80, $0x38;
	[tilespmem:$0x10400] =	vst v63  }
0x1d0: {  	(v2sf) =	vpush v63, $0x4;
	s26 =	sand.u32 $0x1FFFFFF0, s10;
	s30 =	spop (v2sf);
	s6 =	simm.s32 $0x8580  }
0x1d1: {  	s7 =	sadd.s32 s4, s26;
	s10 =	sand.u32 $0x1FFFFFF0, s30;
	s11 =	spop (v2sf)  }
0x1d2: {  	(v2sf) =	vpush v62, $0x5;
	s26 =	simm.s32 $0x8600;
	s12 =	sadd.s32 s3, s10;
	s13 =	sand.u32 $0x1FFFFFF0, s11  }
0x1d3: {  	[tilespmem:s5], [sflag:$0x3] =	stream.linear.gather [hbm4b:s7+s21], $0x80, $0x38;
	[tilespmem:$0x10400] =	vst v63  }
0x1d4: {  	s15 =	spop (v2sf);
	(v2sf) =	vpush v63, $0x5;
	s7 =	simm.s32 $0x480;
	s10 =	sadd.s32 s4, s13  }
0x1d5: {  	(v2sf) =	vpush v62, $0x6;
	[tilespmem:s7], [sflag:$0x1] =	stream.linear.gather [hbm4b:s12+s21], $0x80, $0x38;
	[tilespmem:$0x10400] =	vst v63  }
0x1d6: {  	s17 =	spop (v2sf);
	s13 =	simm.s32 $0xA80;
	s7 =	sand.u32 $0x1FFFFFF0, s15  }
0x1d7: {  	[tilespmem:s14], [sflag:$0x3] =	stream.linear.gather [hbm4b:s10+s21], $0x80, $0x38;
	[tilespmem:$0x10400] =	vst v63  }
0x1d8: {  	s18 =	spop (v2sf);
	s7 =	sadd.s32 s3, s7;
	s10 =	sand.u32 $0x1FFFFFF0, s17  }
0x1d9: {  	(v2sf) =	vpush v63, $0x6;
	[tilespmem:s16], [sflag:$0x1] =	stream.linear.gather [hbm4b:s7+s21], $0x80, $0x38;
	[tilespmem:$0x10400] =	vst v63  }
0x1da: {  	s24 =	sand.u32 $0x1FFFFFF0, s18;
	s12 =	simm.s32 $0x8A00;
	s20 =	sadd.s32 s4, s10  }
0x1db: {  	[tilespmem:s19], [sflag:$0x3] =	stream.linear.gather [hbm4b:s20+s21], $0x80, $0x38;
	[tilespmem:$0x10400] =	vst v63  }
0x1dc: {  	s14 =	simm.s32 $0x8680;
	s10 =	sadd.s32 s3, s24;
	s25 =	spop (v2sf)  }
0x1dd: {  	(v2sf) =	vpush v62, $0x7;
	[tilespmem:s9], [sflag:$0x1] =	stream.linear.gather [hbm4b:s10+s21], $0x80, $0x38;
	[tilespmem:$0x10400] =	vst v63  }
0x1de: {  	s16 =	simm.s32 $0x700;
	s7 =	sand.u32 $0x1FFFFFF0, s25;
	s30 =	spop (v2sf)  }
0x1df: {  	s7 =	sadd.s32 s4, s7;
	s10 =	sand.u32 $0x1FFFFFF0, s30;
	s5 =	spop (v2sf)  }
0x1e0: {  	(v2sf) =	vpush v63, $0x7;
	[tilespmem:s6], [sflag:$0x3] =	stream.linear.gather [hbm4b:s7+s21], $0x80, $0x38;
	[tilespmem:$0x10400] =	vst v63  }
0x1e1: {  	(v2sf) =	vpush v62, $0x8;
	s10 =	sadd.s32 s3, s10;
	s11 =	sand.u32 $0x1FFFFFF0, s5;
	s15 =	spop (v2sf)  }
0x1e2: {  	[tilespmem:s8], [sflag:$0x1] =	stream.linear.gather [hbm4b:s10+s21], $0x80, $0x38;
	[tilespmem:$0x10400] =	vst v63  }
0x1e3: {  	(v2sf) =	vpush v63, $0x8;
	s7 =	sadd.s32 s4, s11;
	s17 =	spop (v2sf);
	s8 =	sand.u32 $0x1FFFFFF0, s15  }
0x1e4: {  	s9 =	sand.u32 $0x1FFFFFF0, s17;
	s18 =	spop (v2sf);
	s10 =	simm.s32 $0x8A80  }
0x1e5: {  	(v2sf) =	vpush v62, $0x9;
	[tilespmem:s26], [sflag:$0x3] =	stream.linear.gather [hbm4b:s7+s21], $0x80, $0x38;
	[tilespmem:$0x10400] =	vst v63  }
0x1e6: {  	s15 =	simm.s32 $0x8780;
	s17 =	simm.s32 $0x800;
	s8 =	sadd.s32 s3, s8  }
0x1e7: {  	(v2sf) =	vpush v63, $0x9;
	[tilespmem:s1], [sflag:$0x1] =	stream.linear.gather [hbm4b:s8+s21], $0x80, $0x38;
	[tilespmem:$0x10400] =	vst v63  }
0x1e8: {  	s19 =	sadd.s32 s4, s9;
	s20 =	sand.u32 $0x1FFFFFF0, s18;
	s24 =	spop (v2sf)  }
0x1e9: {  	(v2sf) =	vpush v62, $0xA;
	[tilespmem:s14], [sflag:$0x3] =	stream.linear.gather [hbm4b:s19+s21], $0x80, $0x38;
	[tilespmem:$0x10400] =	vst v63  }
0x1ea: {  	s25 =	sadd.s32 s3, s20;
	s26 =	simm.s32 $0x8700;
	s6 =	sand.u32 $0x1FFFFFF0, s24  }
0x1eb: {  	(v2sf) =	vpush v63, $0xA;
	[tilespmem:s16], [sflag:$0x1] =	stream.linear.gather [hbm4b:s25+s21], $0x80, $0x38;
	[tilespmem:$0x10400] =	vst v63  }
0x1ec: {  	s7 =	simm.s32 $0x780;
	s6 =	sadd.s32 s4, s6;
	s30 =	spop (v2sf)  }
0x1ed: {  	(v2sf) =	vpush v62, $0xB;
	[tilespmem:s26], [sflag:$0x3] =	stream.linear.gather [hbm4b:s6+s21], $0x80, $0x38;
	[tilespmem:$0x10400] =	vst v63  }
0x1ee: {  	s20 =	simm.s32 $0x8800;
	s1 =	simm.s32 $0x8980;
	s8 =	sand.u32 $0x1FFFFFF0, s30  }
0x1ef: {  	s26 =	simm.s32 $0x8880;
	s5 =	spop (v2sf);
	(v2sf) =	vpush v63, $0xB;
	s11 =	sadd.s32 s3, s8  }
0x1f0: {  	s14 =	sand.u32 $0x1FFFFFF0, s5;
	s16 =	spop (v2sf);
	s5 =	simm.s32 $0x900  }
0x1f1: {  	[tilespmem:s7], [sflag:$0x1] =	stream.linear.gather [hbm4b:s11+s21], $0x80, $0x38;
	[tilespmem:$0x10400] =	vst v63  }
0x1f2: {  	s8 =	sadd.s32 s4, s14;
	s7 =	sand.u32 $0x1FFFFFF0, s16;
	s18 =	spop (v2sf)  }
0x1f3: {  	(v2sf) =	vpush v62, $0xC;
	[tilespmem:s15], [sflag:$0x3] =	stream.linear.gather [hbm4b:s8+s21], $0x80, $0x38;
	[tilespmem:$0x10400] =	vst v63  }
0x1f4: {  	s7 =	sadd.s32 s3, s7;
	s19 =	spop (v2sf);
	s8 =	sand.u32 $0x1FFFFFF0, s18  }
0x1f5: {  	(v2sf) =	vpush v63, $0xC;
	[tilespmem:s17], [sflag:$0x1] =	stream.linear.gather [hbm4b:s7+s21], $0x80, $0x38;
	[tilespmem:$0x10400] =	vst v63  }
0x1f6: {  	s25 =	sand.u32 $0x1FFFFFF0, s19;
	s30 =	spop (v2sf);
	s24 =	sadd.s32 s4, s8  }
0x1f7: {  	[tilespmem:s20], [sflag:$0x3] =	stream.linear.gather [hbm4b:s24+s21], $0x80, $0x38;
	[tilespmem:$0x10400] =	vst v63  }
0x1f8: {  	s8 =	sadd.s32 s3, s25;
	s9 =	spop (v2sf);
	s7 =	sand.u32 $0x1FFFFFF0, s30  }
0x1f9: {  	[tilespmem:s2], [sflag:$0x1] =	stream.linear.gather [hbm4b:s8+s21], $0x80, $0x38;
	[tilespmem:$0x10400] =	vst v63  }
0x1fa: {  	s11 =	spop (v2sf);
	s7 =	sadd.s32 s4, s7;
	s8 =	sand.u32 $0x1FFFFFF0, s9  }
0x1fb: {  	[tilespmem:s26], [sflag:$0x3] =	stream.linear.gather [hbm4b:s7+s21], $0x80, $0x38;
	[tilespmem:$0x10400] =	vst v63  }
0x1fc: {  	s15 =	sand.u32 $0x1FFFFFF0, s11;
	s14 =	sadd.s32 s3, s8;
	s16 =	spop (v2sf)  }
0x1fd: {  	[tilespmem:s5], [sflag:$0x1] =	stream.linear.gather [hbm4b:s14+s21], $0x80, $0x38;
	[tilespmem:$0x10400] =	vst v63  }
0x1fe: {  	s17 =	sadd.s32 s4, s15;
	s18 =	sand.u32 $0x1FFFFFF0, s16;
	s19 =	spop (v2sf)  }
0x1ff: {  	(v2sf) =	vpush v62, $0xD;
	[tilespmem:s0], [sflag:$0x3] =	stream.linear.gather [hbm4b:s17+s21], $0x80, $0x38;
	[tilespmem:$0x10400] =	vst v63  }
0x200: {  	s20 =	simm.s32 $0x980;
	(v2sf) =	vpush v63, $0xD;
	s24 =	sadd.s32 s3, s18;
	s25 =	sand.u32 $0x1FFFFFF0, s19  }
0x201: {  	(v2sf) =	vpush v62, $0xE;
	[tilespmem:s20], [sflag:$0x1] =	stream.linear.gather [hbm4b:s24+s21], $0x80, $0x38;
	[tilespmem:$0x10400] =	vst v63  }
0x202: {  	s9 =	simm.s32 $0x8B00;
	s26 =	sadd.s32 s4, s25;
	(v2sf) =	vpush v63, $0xE;
	s30 =	spop (v2sf)  }
0x203: {  	(v2sf) =	vpush v62, $0xF;
	[tilespmem:s1], [sflag:$0x3] =	stream.linear.gather [hbm4b:s26+s21], $0x80, $0x38;
	[tilespmem:$0x10400] =	vst v63  }
0x204: {  	s0 =	simm.s32 $0xA00;
	s2 =	spop (v2sf);
	(v2sf) =	vpush v63, $0xF;
	s1 =	sand.u32 $0x1FFFFFF0, s30  }
.LBB2_8:
0x205: {  	_ =	sdelay $0x4  }
0x206: {  	s1 =	sadd.s32 s3, s1;
	s2 =	sand.u32 $0x1FFFFFF0, s2  }
0x207: {  	[tilespmem:s0], [sflag:$0x1] =	stream.linear.gather [hbm4b:s1+s21], $0x80, $0x38;
	[tilespmem:$0x10400] =	vst v63  }
0x208: {  	s19 =	sadd.s32 s4, s2  }
0x209: {  	[tilespmem:s12], [sflag:$0x3] =	stream.linear.gather [hbm4b:s19+s21], $0x80, $0x38;
	[tilespmem:$0x10400] =	vst v63  }
0x20a: {  	s6 =	spop (v2sf)  }
0x20b: {  	s20 =	sand.u32 $0x1FFFFFF0, s6;
	s24 =	spop (v2sf)  }
0x20c: {  	s25 =	sadd.s32 s3, s20;
	s26 =	sand.u32 $0x1FFFFFF0, s24;
	s30 =	spop (v2sf)  }
0x20d: {  	[tilespmem:s13], [sflag:$0x1] =	stream.linear.gather [hbm4b:s25+s21], $0x80, $0x38;
	[tilespmem:$0x10400] =	vst v63  }
0x20e: {  	s1 =	sadd.s32 s4, s26;
	s2 =	sand.u32 $0x1FFFFFF0, s30;
	s5 =	spop (v2sf)  }
0x20f: {  	[tilespmem:s10], [sflag:$0x3] =	stream.linear.gather [hbm4b:s1+s21], $0x80, $0x38;
	[tilespmem:$0x10400] =	vst v63  }
0x210: {  	s6 =	sadd.s32 s3, s2;
	s7 =	sand.u32 $0x1FFFFFF0, s5;
	s8 =	spop (v2sf)  }
0x211: {  	[tilespmem:s31], [sflag:$0x1] =	stream.linear.gather [hbm4b:s6+s21], $0x80, $0x38;
	[tilespmem:$0x10400] =	vst v63  }
0x212: {  	s10 =	sadd.s32 s4, s7;
	s11 =	sand.u32 $0x1FFFFFF0, s8;
	s12 =	spop (v2sf)  }
0x213: {  	[tilespmem:s9], [sflag:$0x3] =	stream.linear.gather [hbm4b:s10+s21], $0x80, $0x38;
	[tilespmem:$0x10400] =	vst v63  }
0x214: {  	s13 =	sadd.s32 $0xB80, s22;
	s1 =	sadd.s32 s3, s11;
	s2 =	sand.u32 $0x1FFFFFF0, s12  }
0x215: {  	[tilespmem:s13], [sflag:$0x1] =	stream.linear.gather [hbm4b:s1+s21], $0x80, $0x38;
	[tilespmem:$0x10400] =	vst v63  }
0x216: {  	s14 =	sadd.s32 $0x8B80, s22;
	s15 =	sadd.s32 s4, s2  }
0x217: {  	[tilespmem:s14], [sflag:$0x3] =	stream.linear.gather [hbm4b:s15+s21], $0x80, $0x38;
	[tilespmem:$0x10400] =	vst v63  }
0x218: {  	v0 =	vld [tilespmem:s29+$0x0]  }
0x219: {  	v2 =	vld [tilespmem:s28+$0x0];
	_ =	sdelay $0x3  }
0x21a: {  	v1 =	vshll.u32 v0, $0x4  }
0x21b: {  	v63 =	vshll.u32 v2, $0x4;
	(v2sf) =	vpush v1, $0x0  }
0x21c: {  	(v2sf) =	vpush v63, $0x0  }
0x21d: {  	s16 =	smov.u32 s23;
	(v2sf) =	vpush v1, $0x1  }
0x21e: {  	s22 =	sshra.s32 s16, $0x2  }
0x21f: {  	p0 =	sne.s32 s23, $0xE000;
	s0 =	sadd.s32 $0x880, s22;
	(v2sf) =	vpush v63, $0x1  }
0x220: {  	s23 =	sadd.s32 $0x2000, s23;
	s17 =	sadd.s32 $0x8900, s22;
	[dreg:$0xf] =	wrdreg s0  }
0x221: {  	s5 =	sadd.s32 $0x400, s22;
	s19 =	sadd.s32 $0x8A00, s22;
	[dreg:$0x7] =	wrdreg s17;
	(v2sf) =	vpush v1, $0x2  }
0x222: {  	s18 =	sadd.s32 $0x600, s22;
	s24 =	sadd.s32 $0xA80, s22;
	[dreg:$0x1a] =	wrdreg s19  }
0x223: {  	s20 =	sadd.s32 $0x8580, s22;
	s25 =	sadd.s32 $0x8980, s22;
	[smem:$0x7F0] =	sst s24;
	(v2sf) =	vpush v63, $0x2  }
0x224: {  	s16 =	sadd.s32 $0x8600, s22;
	s26 =	sadd.s32 $0x8880, s22;
	[dreg:$0xb] =	wrdreg s25  }
0x225: {  	s30 =	sadd.s32 $0x900, s22;
	s19 =	sadd.s32 $0x8480, s22;
	[dreg:$0x17] =	wrdreg s26;
	(v2sf) =	vpush v1, $0x3  }
0x226: {  	s24 =	sadd.s32 $0x8500, s22;
	s17 =	sadd.s32 $0x8680, s22;
	[dreg:$0x13] =	wrdreg s30;
	(v2sf) =	vpush v63, $0x3  }
0x227: {  	s7 =	sadd.s32 $0x8800, s22;
	s0 =	sadd.s32 $0xA00, s22;
	s25 =	sadd.s32 $0x480, s22  }
0x228: {  	s12 =	sadd.s32 $0x780, s22;
	[dreg:$0x1e] =	wrdreg s7;
	s11 =	sadd.s32 $0x8780, s22;
	(v2sf) =	vpush v1, $0x4  }
0x229: {  	s7 =	sadd.s32 $0x800, s22;
	s6 =	sadd.s32 $0x680, s22;
	s2 =	sadd.s32 $0x580, s22  }
0x22a: {  	[smem:$0x7F1] =	sst s7;
	s31 =	sadd.s32 $0xB00, s22;
	s8 =	spop (v2sf)  }
0x22b: {  	s15 =	sadd.s32 $0x8400, s22;
	s26 =	sand.u32 $0x1FFFFFF0, s8;
	s30 =	spop (v2sf)  }
0x22c: {  	(v2sf) =	vpush v63, $0x4;
	s26 =	sadd.s32 s3, s26;
	s30 =	sand.u32 $0x1FFFFFF0, s30;
	s8 =	spop (v2sf)  }
0x22d: {  	[tilespmem:s5], [sflag:$0x1] =	stream.linear.gather [hbm4b:s26+s21], $0x80, $0x38;
	[tilespmem:$0x10400] =	vst v63  }
0x22e: {  	(v2sf) =	vpush v1, $0x5;
	s26 =	sadd.s32 s4, s30;
	s8 =	sand.u32 $0x1FFFFFF0, s8;
	s30 =	spop (v2sf)  }
0x22f: {  	[tilespmem:s15], [sflag:$0x3] =	stream.linear.gather [hbm4b:s26+s21], $0x80, $0x38;
	[tilespmem:$0x10400] =	vst v63  }
0x230: {  	(v2sf) =	vpush v63, $0x5;
	s15 =	sadd.s32 s3, s8;
	s26 =	sand.u32 $0x1FFFFFF0, s30;
	s30 =	spop (v2sf)  }
0x231: {  	(v2sf) =	vpush v1, $0x6;
	[tilespmem:s25], [sflag:$0x1] =	stream.linear.gather [hbm4b:s15+s21], $0x80, $0x38;
	[tilespmem:$0x10400] =	vst v63  }
0x232: {  	s25 =	sadd.s32 s4, s26;
	s26 =	sand.u32 $0x1FFFFFF0, s30;
	s30 =	spop (v2sf)  }
0x233: {  	(v2sf) =	vpush v63, $0x6;
	[tilespmem:s19], [sflag:$0x3] =	stream.linear.gather [hbm4b:s25+s21], $0x80, $0x38;
	[tilespmem:$0x10400] =	vst v63  }
0x234: {  	s25 =	sadd.s32 s3, s26;
	s26 =	sand.u32 $0x1FFFFFF0, s30;
	s30 =	spop (v2sf)  }
0x235: {  	s7 =	sadd.s32 $0x980, s22;
	s1 =	sadd.s32 $0x500, s22;
	(v2sf) =	vpush v1, $0x7;
	s19 =	spop (v2sf)  }
0x236: {  	[tilespmem:s1], [sflag:$0x1] =	stream.linear.gather [hbm4b:s25+s21], $0x80, $0x38;
	[tilespmem:$0x10400] =	vst v63  }
0x237: {  	s8 =	sadd.s32 s4, s26;
	s15 =	sand.u32 $0x1FFFFFF0, s30;
	(v2sf) =	vpush v63, $0x7;
	s30 =	spop (v2sf)  }
0x238: {  	(v2sf) =	vpush v1, $0x8;
	[tilespmem:s24], [sflag:$0x3] =	stream.linear.gather [hbm4b:s8+s21], $0x80, $0x38;
	[tilespmem:$0x10400] =	vst v63  }
0x239: {  	s10 =	sadd.s32 $0x8A80, s22;
	s25 =	sadd.s32 s3, s15;
	s26 =	sand.u32 $0x1FFFFFF0, s19  }
0x23a: {  	[tilespmem:s2], [sflag:$0x1] =	stream.linear.gather [hbm4b:s25+s21], $0x80, $0x38;
	[tilespmem:$0x10400] =	vst v63  }
0x23b: {  	s15 =	sadd.s32 s4, s26;
	s19 =	sand.u32 $0x1FFFFFF0, s30;
	s24 =	spop (v2sf)  }
0x23c: {  	[tilespmem:s20], [sflag:$0x3] =	stream.linear.gather [hbm4b:s15+s21], $0x80, $0x38;
	[tilespmem:$0x10400] =	vst v63  }
0x23d: {  	s9 =	sadd.s32 $0x8B00, s22;
	s25 =	sadd.s32 s3, s19;
	s30 =	spop (v2sf)  }
0x23e: {  	[tilespmem:s18], [sflag:$0x1] =	stream.linear.gather [hbm4b:s25+s21], $0x80, $0x38;
	[tilespmem:$0x10400] =	vst v63  }
0x23f: {  	s13 =	sadd.s32 $0x8700, s22;
	(v2sf) =	vpush v63, $0x8;
	s26 =	sand.u32 $0x1FFFFFF0, s24;
	s18 =	spop (v2sf)  }
0x240: {  	(v2sf) =	vpush v1, $0x9;
	s8 =	sadd.s32 s4, s26;
	s15 =	sand.u32 $0x1FFFFFF0, s30;
	s24 =	spop (v2sf)  }
0x241: {  	[tilespmem:s16], [sflag:$0x3] =	stream.linear.gather [hbm4b:s8+s21], $0x80, $0x38;
	[tilespmem:$0x10400] =	vst v63  }
0x242: {  	s19 =	sadd.s32 s3, s15;
	s20 =	sand.u32 $0x1FFFFFF0, s18;
	s30 =	spop (v2sf)  }
0x243: {  	[tilespmem:s6], [sflag:$0x1] =	stream.linear.gather [hbm4b:s19+s21], $0x80, $0x38;
	[tilespmem:$0x10400] =	vst v63  }
0x244: {  	s14 =	sadd.s32 $0x700, s22;
	(v2sf) =	vpush v63, $0x9;
	s25 =	sadd.s32 s4, s20;
	s6 =	spop (v2sf)  }
0x245: {  	[tilespmem:s17], [sflag:$0x3] =	stream.linear.gather [hbm4b:s25+s21], $0x80, $0x38;
	[tilespmem:$0x10400] =	vst v63  }
0x246: {  	s28 =	sadd.s32 $0x10, s28;
	(v2sf) =	vpush v1, $0xA;
	s26 =	sand.u32 $0x1FFFFFF0, s24;
	s15 =	spop (v2sf)  }
0x247: {  	s2 =	sadd.s32 s3, s26;
	s5 =	sand.u32 $0x1FFFFFF0, s30;
	s18 =	spop (v2sf)  }
0x248: {  	(v2sf) =	vpush v63, $0xA;
	[tilespmem:s14], [sflag:$0x1] =	stream.linear.gather [hbm4b:s2+s21], $0x80, $0x38;
	[tilespmem:$0x10400] =	vst v63  }
0x249: {  	s29 =	sadd.s32 $0x10, s29;
	s8 =	sadd.s32 s4, s5;
	s20 =	sand.u32 $0x1FFFFFF0, s18  }
0x24a: {  	(v2sf) =	vpush v1, $0xB;
	s14 =	sand.u32 $0x1FFFFFF0, s6;
	s25 =	sadd.s32 s3, s20;
	s20 =	rddreg [dreg:$0xf]  }
0x24b: {  	[tilespmem:s13], [sflag:$0x3] =	stream.linear.gather [hbm4b:s8+s21], $0x80, $0x38;
	[tilespmem:$0x10400] =	vst v63  }
0x24c: {  	s17 =	sand.u32 $0x1FFFFFF0, s15;
	s16 =	sadd.s32 s3, s14;
	s13 =	sld [smem:$0x7F0]  }
0x24d: {  	[tilespmem:s12], [sflag:$0x1] =	stream.linear.gather [hbm4b:s16+s21], $0x80, $0x38;
	[tilespmem:$0x10400] =	vst v63  }
0x24e: {  	(v2sf) =	vpush v63, $0xB;
	s19 =	sadd.s32 s4, s17;
	s8 =	sld [smem:$0x7F1];
	s24 =	spop (v2sf)  }
0x24f: {  	(v2sf) =	vpush v1, $0xC;
	s12 =	rddreg [dreg:$0x1a];
	s26 =	sand.u32 $0x1FFFFFF0, s24;
	s30 =	spop (v2sf)  }
0x250: {  	[tilespmem:s11], [sflag:$0x3] =	stream.linear.gather [hbm4b:s19+s21], $0x80, $0x38;
	[tilespmem:$0x10400] =	vst v63  }
0x251: {  	(v2sf) =	vpush v63, $0xC;
	s16 =	rddreg [dreg:$0x1e];
	s11 =	sadd.s32 s4, s26;
	s14 =	sand.u32 $0x1FFFFFF0, s30  }
0x252: {  	[tilespmem:s8], [sflag:$0x1] =	stream.linear.gather [hbm4b:s25+s21], $0x80, $0x38;
	[tilespmem:$0x10400] =	vst v63  }
0x253: {  	s30 =	rddreg [dreg:$0x17];
	s15 =	spop (v2sf);
	s17 =	sadd.s32 s3, s14  }
0x254: {  	[tilespmem:s16], [sflag:$0x3] =	stream.linear.gather [hbm4b:s11+s21], $0x80, $0x38;
	[tilespmem:$0x10400] =	vst v63  }
0x255: {  	s18 =	sand.u32 $0x1FFFFFF0, s15;
	s19 =	spop (v2sf);
	s15 =	rddreg [dreg:$0x13]  }
0x256: {  	[tilespmem:s20], [sflag:$0x1] =	stream.linear.gather [hbm4b:s17+s21], $0x80, $0x38;
	[tilespmem:$0x10400] =	vst v63  }
0x257: {  	s24 =	sadd.s32 s4, s18;
	s25 =	sand.u32 $0x1FFFFFF0, s19;
	s26 =	spop (v2sf)  }
0x258: {  	[tilespmem:s30], [sflag:$0x3] =	stream.linear.gather [hbm4b:s24+s21], $0x80, $0x38;
	[tilespmem:$0x10400] =	vst v63  }
0x259: {  	s8 =	sadd.s32 s3, s25;
	s11 =	sand.u32 $0x1FFFFFF0, s26;
	s14 =	spop (v2sf)  }
0x25a: {  	[tilespmem:s15], [sflag:$0x1] =	stream.linear.gather [hbm4b:s8+s21], $0x80, $0x38;
	[tilespmem:$0x10400] =	vst v63  }
0x25b: {  	s19 =	rddreg [dreg:$0x7];
	s16 =	sadd.s32 s4, s11;
	s17 =	sand.u32 $0x1FFFFFF0, s14  }
0x25c: {  	(v2sf) =	vpush v1, $0xD;
	[tilespmem:s19], [sflag:$0x3] =	stream.linear.gather [hbm4b:s16+s21], $0x80, $0x38;
	[tilespmem:$0x10400] =	vst v63  }
.Ltmp3:
0x25d: {  	(v2sf) =	vpush v63, $0xD;
	s18 =	spop (v2sf);
	s20 =	sadd.s32 s3, s17;
	(pc) =	sbr.rel @p0 .LBB2_8-.Ltmp3, $4  }
0x25e: {  	(v2sf) =	vpush v1, $0xE;
	s24 =	sand.u32 $0x1FFFFFF0, s18;
	s25 =	spop (v2sf);
	s30 =	rddreg [dreg:$0xb]  }
0x25f: {  	(v2sf) =	vpush v63, $0xE;
	[tilespmem:s7], [sflag:$0x1] =	stream.linear.gather [hbm4b:s20+s21], $0x80, $0x38;
	[tilespmem:$0x10400] =	vst v63  }
0x260: {  	(v2sf) =	vpush v1, $0xF;
	s26 =	sadd.s32 s4, s24;
	s1 =	sand.u32 $0x1FFFFFF0, s25;
	s2 =	spop (v2sf)  }
0x261: {  	(v2sf) =	vpush v63, $0xF;
	[tilespmem:s30], [sflag:$0x3] =	stream.linear.gather [hbm4b:s26+s21], $0x80, $0x38;
	[tilespmem:$0x10400] =	vst v63  }
0x262: {  	_ =	sdelay $0x4  }
0x263: {  	s1 =	sadd.s32 s3, s1;
	s2 =	sand.u32 $0x1FFFFFF0, s2  }
0x264: {  	[tilespmem:s0], [sflag:$0x1] =	stream.linear.gather [hbm4b:s1+s21], $0x80, $0x38;
	[tilespmem:$0x10400] =	vst v63  }
0x265: {  	s7 =	sadd.s32 s4, s2  }
0x266: {  	[tilespmem:s12], [sflag:$0x3] =	stream.linear.gather [hbm4b:s7+s21], $0x80, $0x38;
	[tilespmem:$0x10400] =	vst v63  }
0x267: {  	s5 =	spop (v2sf)  }
0x268: {  	s8 =	sand.u32 $0x1FFFFFF0, s5;
	s11 =	spop (v2sf)  }
0x269: {  	s14 =	sadd.s32 s3, s8;
	s15 =	sand.u32 $0x1FFFFFF0, s11;
	s16 =	spop (v2sf)  }
0x26a: {  	[tilespmem:s13], [sflag:$0x1] =	stream.linear.gather [hbm4b:s14+s21], $0x80, $0x38;
	[tilespmem:$0x10400] =	vst v63  }
0x26b: {  	s17 =	sadd.s32 s4, s15;
	s18 =	sand.u32 $0x1FFFFFF0, s16;
	s19 =	spop (v2sf)  }
0x26c: {  	[tilespmem:s10], [sflag:$0x3] =	stream.linear.gather [hbm4b:s17+s21], $0x80, $0x38;
	[tilespmem:$0x10400] =	vst v63  }
0x26d: {  	s20 =	sadd.s32 s3, s18;
	s23 =	sand.u32 $0x1FFFFFF0, s19;
	s24 =	spop (v2sf)  }
0x26e: {  	[tilespmem:s31], [sflag:$0x1] =	stream.linear.gather [hbm4b:s20+s21], $0x80, $0x38;
	[tilespmem:$0x10400] =	vst v63  }
0x26f: {  	s25 =	sadd.s32 s4, s23;
	s26 =	sand.u32 $0x1FFFFFF0, s24;
	s28 =	spop (v2sf)  }
0x270: {  	[tilespmem:s9], [sflag:$0x3] =	stream.linear.gather [hbm4b:s25+s21], $0x80, $0x38;
	[tilespmem:$0x10400] =	vst v63  }
0x271: {  	s29 =	sadd.s32 $0xB80, s22;
	s1 =	sadd.s32 s3, s26;
	s2 =	sand.u32 $0x1FFFFFF0, s28  }
0x272: {  	[tilespmem:s29], [sflag:$0x1] =	stream.linear.gather [hbm4b:s1+s21], $0x80, $0x38;
	[tilespmem:$0x10400] =	vst v63  }
0x273: {  	s30 =	sadd.s32 $0x8B80, s22;
	s0 =	simm.s32 $0x0;
	s31 =	sadd.s32 s4, s2  }
0x274: {  	[tilespmem:s30], [sflag:$0x3] =	stream.linear.gather [hbm4b:s31+s21], $0x80, $0x38;
	[tilespmem:$0x10400] =	vst v63  }
0x275: {  	v0 =	vld [tilespmem:s0+$0xC400]  }
0x276: {  	v1 =	vld [tilespmem:s0+$0xC410]  }
0x277: {  	v2 =	vld [tilespmem:s0+$0xC420]  }
0x278: {  	v3 =	vld [tilespmem:s0+$0xC430]  }
0x279: {  	v4 =	vld [tilespmem:s0+$0x4400]  }
0x27a: {  	v6 =	vld [tilespmem:s0+$0x4410]  }
0x27b: {  	s1 =	simm.s32 $0x200;
	v5 =	vld [tilespmem:s0+$0x4420]  }
.LBB2_10:
0x27c: {  	p0 =	sne.s32 s1, $0xFE00;
	v7 =	vld [tilespmem:s0+$0x4430];
	_ =	sdelay $0x1  }
0x27d: {  	v4 =	vmul.f32 v0, v4  }
0x27e: {  	v6 =	vmul.f32 v1, v6  }
0x27f: {  	v0 =	vand.u32 $0x7FFFFFFF, v4;
	v5 =	vmul.f32 v2, v5  }
0x280: {  	v1 =	vand.u32 $0x7FFFFFFF, v6;
	v7 =	vmul.f32 v3, v7;
	(erf) = vrcp.f32 v0  }
0x281: {  	v0 =	vand.u32 $0x7FFFFFFF, v5;
	(erf) = vrcp.f32 v1  }
0x282: {  	v1 =	vand.u32 $0x7FFFFFFF, v7;
	(erf) = vrcp.f32 v0  }
0x283: {  	(erf) = vrcp.f32 v1;
	_ =	sdelay $0x4  }
0x284: {  	s2 =	sshra.s32 s1, $0x2  }
0x285: {  	v0 =	vld [tilespmem:s2+$0xC400];
	v2 =	vpop (erf)  }
0x286: {  	v1 =	vld [tilespmem:s2+$0xC410];
	v4 =	vmul.f32 v2, v4;
	v3 =	vpop (erf)  }
.Ltmp4:
0x287: {  	v2 =	vld [tilespmem:s2+$0xC420];
	v6 =	vmul.f32 v3, v6;
	v8 =	vpop (erf);
	(pc) =	sbr.rel @p0 .LBB2_10-.Ltmp4, $4  }
0x288: {  	v3 =	vld [tilespmem:s2+$0xC430];
	[tilespmem:s0+$0x4400] =	vst v4;
	v5 =	vmul.f32 v8, v5;
	v8 =	vpop (erf)  }
0x289: {  	v4 =	vld [tilespmem:s2+$0x4400];
	[tilespmem:s0+$0x4410] =	vst v6;
	v7 =	vmul.f32 v8, v7  }
0x28a: {  	v6 =	vld [tilespmem:s2+$0x4410];
	[tilespmem:s0+$0x4420] =	vst v5  }
0x28b: {  	s1 =	sadd.s32 $0x200, s1;
	v5 =	vld [tilespmem:s2+$0x4420];
	[tilespmem:s0+$0x4430] =	vst v7;
	s0 =	smov.u32 s2  }
0x28c: {  	v7 =	vld [tilespmem:s0+$0x4430];
	_ =	sdelay $0x1  }
0x28d: {  	v0 =	vmul.f32 v0, v4  }
0x28e: {  	v1 =	vmul.f32 v1, v6  }
0x28f: {  	v4 =	vand.u32 $0x7FFFFFFF, v0;
	v2 =	vmul.f32 v2, v5  }
0x290: {  	v51 =	vand.u32 $0x7FFFFFFF, v1;
	v3 =	vmul.f32 v3, v7;
	(erf) = vrcp.f32 v4  }
0x291: {  	v52 =	vand.u32 $0x7FFFFFFF, v2;
	(erf) = vrcp.f32 v51  }
0x292: {  	v53 =	vand.u32 $0x7FFFFFFF, v3;
	(erf) = vrcp.f32 v52  }
0x293: {  	(erf) = vrcp.f32 v53;
	_ =	sdelay $0x5  }
0x294: {  	v54 =	vpop (erf)  }
0x295: {  	v0 =	vmul.f32 v54, v0;
	v55 =	vpop (erf)  }
0x296: {  	v1 =	vmul.f32 v55, v1;
	v56 =	vpop (erf)  }
0x297: {  	[tilespmem:s0+$0x4400] =	vst v0;
	v57 =	vmul.f32 v56, v2;
	v58 =	vpop (erf)  }
0x298: {  	s19 =	sld [smem:$0x7FA];
	[tilespmem:s0+$0x4410] =	vst v1;
	v59 =	vmul.f32 v58, v3  }
0x299: {  	[tilespmem:s0+$0x4420] =	vst v57  }
0x29a: {  	s21 =	simm.s32 $0x0;
	s1 =	simm.s32 $0x4400;
	s20 =	simm.s32 $0x5;
	[tilespmem:s0+$0x4430] =	vst v59  }
0x29b: {  	[hbm4b:s19+s21] =	stream.linear.scatter [tilespmem:s1], [sflag:$0x5], $0x4000, $0x38;
	[tilespmem:$0x10400] =	vst v63  }
0x29c: {  	_ =	swait.ge [sflag:s20], $0x4000  }
0x29d: {  	[sflag:s20] =	ssyncset.done $0x0  }
0x29e: {  	s22 =	simm.s32 $0x1;
	[sflag:s20] =	ssyncadd.s32 $0xFFFFC000  }
0x29f: {  	_ =	swait.ge [sflag:s22], $0x4000  }
0x2a0: {  	[sflag:s22] =	ssyncset.done $0x0  }
0x2a1: {  	s23 =	simm.s32 $0x3;
	[sflag:s22] =	ssyncadd.s32 $0xFFFFC000  }
0x2a2: {  	_ =	swait.ge [sflag:s23], $0x4000  }
0x2a3: {  	[sflag:s23] =	ssyncset.done $0x0  }
0x2a4: {  	s24 =	simm.s32 $0x180;
	[sflag:s23] =	ssyncadd.s32 $0xFFFFC000  }
0x2a5: {  	v60 =	vld [tilespmem:s24+$0x0]  }
0x2a6: {  	s25 =	simm.s32 $0x380  }
0x2a7: {  	v61 =	vld [tilespmem:s25+$0x0];
	_ =	sdelay $0x2  }
0x2a8: {  	v62 =	vshll.u32 v60, $0x4  }
0x2a9: {  	(v2sf) =	vpush v62, $0x0  }
0x2aa: {  	v63 =	vshll.u32 v61, $0x4  }
0x2ab: {  	(v2sf) =	vpush v63, $0x0;
	_ =	sdelay $0x1  }
0x2ac: {  	(v2sf) =	vpush v62, $0x1  }
0x2ad: {  	(v2sf) =	vpush v63, $0x1;
	_ =	sdelay $0x2  }
0x2ae: {  	(v2sf) =	vpush v62, $0x2;
	_ =	sdelay $0x1  }
0x2af: {  	(v2sf) =	vpush v63, $0x2  }
0x2b0: {  	s5 =	simm.s32 $0xC400  }
0x2b1: {  	s2 =	simm.s32 $0x4880;
	s6 =	simm.s32 $0x4400;
	s8 =	simm.s32 $0x4600;
	(v2sf) =	vpush v62, $0x3  }
0x2b2: {  	s9 =	simm.s32 $0x4580;
	s14 =	simm.s32 $0xC480;
	s16 =	simm.s32 $0x4500  }
0x2b3: {  	s28 =	simm.s32 $0x390;
	s29 =	simm.s32 $0x190;
	s31 =	simm.s32 $0x4B00  }
0x2b4: {  	s0 =	simm.s32 $0xC900;
	s1 =	simm.s32 $0x4680;
	s7 =	spop (v2sf)  }
0x2b5: {  	s19 =	simm.s32 $0xC500;
	s22 =	simm.s32 $0x0;
	(v2sf) =	vpush v63, $0x3;
	s7 =	sand.u32 $0x1FFFFFF0, s7  }
0x2b6: {  	s23 =	simm.s32 $0x2000;
	s10 =	spop (v2sf);
	s7 =	sadd.s32 s3, s7  }
0x2b7: {  	(v2sf) =	vpush v62, $0x4;
	[tilespmem:s6], [sflag:$0x2] =	stream.linear.gather [hbm4b:s7+s21], $0x80, $0x38;
	[tilespmem:$0x10400] =	vst v63  }
0x2b8: {  	(v2sf) =	vpush v63, $0x4;
	s26 =	sand.u32 $0x1FFFFFF0, s10;
	s30 =	spop (v2sf);
	s6 =	simm.s32 $0xC580  }
0x2b9: {  	s7 =	sadd.s32 s4, s26;
	s10 =	sand.u32 $0x1FFFFFF0, s30;
	s11 =	spop (v2sf)  }
0x2ba: {  	(v2sf) =	vpush v62, $0x5;
	s26 =	simm.s32 $0xC600;
	s12 =	sadd.s32 s3, s10;
	s13 =	sand.u32 $0x1FFFFFF0, s11  }
0x2bb: {  	[tilespmem:s5], [sflag:$0x4] =	stream.linear.gather [hbm4b:s7+s21], $0x80, $0x38;
	[tilespmem:$0x10400] =	vst v63  }
0x2bc: {  	s15 =	spop (v2sf);
	(v2sf) =	vpush v63, $0x5;
	s7 =	simm.s32 $0x4480;
	s10 =	sadd.s32 s4, s13  }
0x2bd: {  	(v2sf) =	vpush v62, $0x6;
	[tilespmem:s7], [sflag:$0x2] =	stream.linear.gather [hbm4b:s12+s21], $0x80, $0x38;
	[tilespmem:$0x10400] =	vst v63  }
0x2be: {  	s17 =	spop (v2sf);
	s13 =	simm.s32 $0x4A80;
	s7 =	sand.u32 $0x1FFFFFF0, s15  }
0x2bf: {  	[tilespmem:s14], [sflag:$0x4] =	stream.linear.gather [hbm4b:s10+s21], $0x80, $0x38;
	[tilespmem:$0x10400] =	vst v63  }
0x2c0: {  	s18 =	spop (v2sf);
	s7 =	sadd.s32 s3, s7;
	s10 =	sand.u32 $0x1FFFFFF0, s17  }
0x2c1: {  	(v2sf) =	vpush v63, $0x6;
	[tilespmem:s16], [sflag:$0x2] =	stream.linear.gather [hbm4b:s7+s21], $0x80, $0x38;
	[tilespmem:$0x10400] =	vst v63  }
0x2c2: {  	s24 =	sand.u32 $0x1FFFFFF0, s18;
	s12 =	simm.s32 $0xCA00;
	s20 =	sadd.s32 s4, s10  }
0x2c3: {  	[tilespmem:s19], [sflag:$0x4] =	stream.linear.gather [hbm4b:s20+s21], $0x80, $0x38;
	[tilespmem:$0x10400] =	vst v63  }
0x2c4: {  	s14 =	simm.s32 $0xC680;
	s10 =	sadd.s32 s3, s24;
	s25 =	spop (v2sf)  }
0x2c5: {  	(v2sf) =	vpush v62, $0x7;
	[tilespmem:s9], [sflag:$0x2] =	stream.linear.gather [hbm4b:s10+s21], $0x80, $0x38;
	[tilespmem:$0x10400] =	vst v63  }
0x2c6: {  	s16 =	simm.s32 $0x4700;
	s7 =	sand.u32 $0x1FFFFFF0, s25;
	s30 =	spop (v2sf)  }
0x2c7: {  	s7 =	sadd.s32 s4, s7;
	s10 =	sand.u32 $0x1FFFFFF0, s30;
	s5 =	spop (v2sf)  }
0x2c8: {  	(v2sf) =	vpush v63, $0x7;
	[tilespmem:s6], [sflag:$0x4] =	stream.linear.gather [hbm4b:s7+s21], $0x80, $0x38;
	[tilespmem:$0x10400] =	vst v63  }
0x2c9: {  	(v2sf) =	vpush v62, $0x8;
	s10 =	sadd.s32 s3, s10;
	s11 =	sand.u32 $0x1FFFFFF0, s5;
	s15 =	spop (v2sf)  }
0x2ca: {  	[tilespmem:s8], [sflag:$0x2] =	stream.linear.gather [hbm4b:s10+s21], $0x80, $0x38;
	[tilespmem:$0x10400] =	vst v63  }
0x2cb: {  	(v2sf) =	vpush v63, $0x8;
	s7 =	sadd.s32 s4, s11;
	s17 =	spop (v2sf);
	s8 =	sand.u32 $0x1FFFFFF0, s15  }
0x2cc: {  	s9 =	sand.u32 $0x1FFFFFF0, s17;
	s18 =	spop (v2sf);
	s10 =	simm.s32 $0xCA80  }
0x2cd: {  	(v2sf) =	vpush v62, $0x9;
	[tilespmem:s26], [sflag:$0x4] =	stream.linear.gather [hbm4b:s7+s21], $0x80, $0x38;
	[tilespmem:$0x10400] =	vst v63  }
0x2ce: {  	s15 =	simm.s32 $0xC780;
	s17 =	simm.s32 $0x4800;
	s8 =	sadd.s32 s3, s8  }
0x2cf: {  	(v2sf) =	vpush v63, $0x9;
	[tilespmem:s1], [sflag:$0x2] =	stream.linear.gather [hbm4b:s8+s21], $0x80, $0x38;
	[tilespmem:$0x10400] =	vst v63  }
0x2d0: {  	s19 =	sadd.s32 s4, s9;
	s20 =	sand.u32 $0x1FFFFFF0, s18;
	s24 =	spop (v2sf)  }
0x2d1: {  	(v2sf) =	vpush v62, $0xA;
	[tilespmem:s14], [sflag:$0x4] =	stream.linear.gather [hbm4b:s19+s21], $0x80, $0x38;
	[tilespmem:$0x10400] =	vst v63  }
0x2d2: {  	s25 =	sadd.s32 s3, s20;
	s26 =	simm.s32 $0xC700;
	s6 =	sand.u32 $0x1FFFFFF0, s24  }
0x2d3: {  	(v2sf) =	vpush v63, $0xA;
	[tilespmem:s16], [sflag:$0x2] =	stream.linear.gather [hbm4b:s25+s21], $0x80, $0x38;
	[tilespmem:$0x10400] =	vst v63  }
0x2d4: {  	s7 =	simm.s32 $0x4780;
	s6 =	sadd.s32 s4, s6;
	s30 =	spop (v2sf)  }
0x2d5: {  	(v2sf) =	vpush v62, $0xB;
	[tilespmem:s26], [sflag:$0x4] =	stream.linear.gather [hbm4b:s6+s21], $0x80, $0x38;
	[tilespmem:$0x10400] =	vst v63  }
0x2d6: {  	s20 =	simm.s32 $0xC800;
	s1 =	simm.s32 $0xC980;
	s8 =	sand.u32 $0x1FFFFFF0, s30  }
0x2d7: {  	s26 =	simm.s32 $0xC880;
	s5 =	spop (v2sf);
	(v2sf) =	vpush v63, $0xB;
	s11 =	sadd.s32 s3, s8  }
0x2d8: {  	s14 =	sand.u32 $0x1FFFFFF0, s5;
	s16 =	spop (v2sf);
	s5 =	simm.s32 $0x4900  }
0x2d9: {  	[tilespmem:s7], [sflag:$0x2] =	stream.linear.gather [hbm4b:s11+s21], $0x80, $0x38;
	[tilespmem:$0x10400] =	vst v63  }
0x2da: {  	s8 =	sadd.s32 s4, s14;
	s7 =	sand.u32 $0x1FFFFFF0, s16;
	s18 =	spop (v2sf)  }
0x2db: {  	(v2sf) =	vpush v62, $0xC;
	[tilespmem:s15], [sflag:$0x4] =	stream.linear.gather [hbm4b:s8+s21], $0x80, $0x38;
	[tilespmem:$0x10400] =	vst v63  }
0x2dc: {  	s7 =	sadd.s32 s3, s7;
	s19 =	spop (v2sf);
	s8 =	sand.u32 $0x1FFFFFF0, s18  }
0x2dd: {  	(v2sf) =	vpush v63, $0xC;
	[tilespmem:s17], [sflag:$0x2] =	stream.linear.gather [hbm4b:s7+s21], $0x80, $0x38;
	[tilespmem:$0x10400] =	vst v63  }
0x2de: {  	s25 =	sand.u32 $0x1FFFFFF0, s19;
	s30 =	spop (v2sf);
	s24 =	sadd.s32 s4, s8  }
0x2df: {  	[tilespmem:s20], [sflag:$0x4] =	stream.linear.gather [hbm4b:s24+s21], $0x80, $0x38;
	[tilespmem:$0x10400] =	vst v63  }
0x2e0: {  	s8 =	sadd.s32 s3, s25;
	s9 =	spop (v2sf);
	s7 =	sand.u32 $0x1FFFFFF0, s30  }
0x2e1: {  	[tilespmem:s2], [sflag:$0x2] =	stream.linear.gather [hbm4b:s8+s21], $0x80, $0x38;
	[tilespmem:$0x10400] =	vst v63  }
0x2e2: {  	s11 =	spop (v2sf);
	s7 =	sadd.s32 s4, s7;
	s8 =	sand.u32 $0x1FFFFFF0, s9  }
0x2e3: {  	[tilespmem:s26], [sflag:$0x4] =	stream.linear.gather [hbm4b:s7+s21], $0x80, $0x38;
	[tilespmem:$0x10400] =	vst v63  }
0x2e4: {  	s15 =	sand.u32 $0x1FFFFFF0, s11;
	s14 =	sadd.s32 s3, s8;
	s16 =	spop (v2sf)  }
0x2e5: {  	[tilespmem:s5], [sflag:$0x2] =	stream.linear.gather [hbm4b:s14+s21], $0x80, $0x38;
	[tilespmem:$0x10400] =	vst v63  }
0x2e6: {  	s17 =	sadd.s32 s4, s15;
	s18 =	sand.u32 $0x1FFFFFF0, s16;
	s19 =	spop (v2sf)  }
0x2e7: {  	(v2sf) =	vpush v62, $0xD;
	[tilespmem:s0], [sflag:$0x4] =	stream.linear.gather [hbm4b:s17+s21], $0x80, $0x38;
	[tilespmem:$0x10400] =	vst v63  }
0x2e8: {  	s20 =	simm.s32 $0x4980;
	(v2sf) =	vpush v63, $0xD;
	s24 =	sadd.s32 s3, s18;
	s25 =	sand.u32 $0x1FFFFFF0, s19  }
0x2e9: {  	(v2sf) =	vpush v62, $0xE;
	[tilespmem:s20], [sflag:$0x2] =	stream.linear.gather [hbm4b:s24+s21], $0x80, $0x38;
	[tilespmem:$0x10400] =	vst v63  }
0x2ea: {  	s9 =	simm.s32 $0xCB00;
	s26 =	sadd.s32 s4, s25;
	(v2sf) =	vpush v63, $0xE;
	s30 =	spop (v2sf)  }
0x2eb: {  	(v2sf) =	vpush v62, $0xF;
	[tilespmem:s1], [sflag:$0x4] =	stream.linear.gather [hbm4b:s26+s21], $0x80, $0x38;
	[tilespmem:$0x10400] =	vst v63  }
0x2ec: {  	s0 =	simm.s32 $0x4A00;
	s2 =	spop (v2sf);
	(v2sf) =	vpush v63, $0xF;
	s1 =	sand.u32 $0x1FFFFFF0, s30  }
.LBB2_12:
0x2ed: {  	_ =	sdelay $0x4  }
0x2ee: {  	s1 =	sadd.s32 s3, s1;
	s2 =	sand.u32 $0x1FFFFFF0, s2  }
0x2ef: {  	[tilespmem:s0], [sflag:$0x2] =	stream.linear.gather [hbm4b:s1+s21], $0x80, $0x38;
	[tilespmem:$0x10400] =	vst v63  }
0x2f0: {  	s19 =	sadd.s32 s4, s2  }
0x2f1: {  	[tilespmem:s12], [sflag:$0x4] =	stream.linear.gather [hbm4b:s19+s21], $0x80, $0x38;
	[tilespmem:$0x10400] =	vst v63  }
0x2f2: {  	s6 =	spop (v2sf)  }
0x2f3: {  	s20 =	sand.u32 $0x1FFFFFF0, s6;
	s24 =	spop (v2sf)  }
0x2f4: {  	s25 =	sadd.s32 s3, s20;
	s26 =	sand.u32 $0x1FFFFFF0, s24;
	s30 =	spop (v2sf)  }
0x2f5: {  	[tilespmem:s13], [sflag:$0x2] =	stream.linear.gather [hbm4b:s25+s21], $0x80, $0x38;
	[tilespmem:$0x10400] =	vst v63  }
0x2f6: {  	s1 =	sadd.s32 s4, s26;
	s2 =	sand.u32 $0x1FFFFFF0, s30;
	s5 =	spop (v2sf)  }
0x2f7: {  	[tilespmem:s10], [sflag:$0x4] =	stream.linear.gather [hbm4b:s1+s21], $0x80, $0x38;
	[tilespmem:$0x10400] =	vst v63  }
0x2f8: {  	s6 =	sadd.s32 s3, s2;
	s7 =	sand.u32 $0x1FFFFFF0, s5;
	s8 =	spop (v2sf)  }
0x2f9: {  	[tilespmem:s31], [sflag:$0x2] =	stream.linear.gather [hbm4b:s6+s21], $0x80, $0x38;
	[tilespmem:$0x10400] =	vst v63  }
0x2fa: {  	s10 =	sadd.s32 s4, s7;
	s11 =	sand.u32 $0x1FFFFFF0, s8;
	s12 =	spop (v2sf)  }
0x2fb: {  	[tilespmem:s9], [sflag:$0x4] =	stream.linear.gather [hbm4b:s10+s21], $0x80, $0x38;
	[tilespmem:$0x10400] =	vst v63  }
0x2fc: {  	s13 =	sadd.s32 $0x4B80, s22;
	s1 =	sadd.s32 s3, s11;
	s2 =	sand.u32 $0x1FFFFFF0, s12  }
0x2fd: {  	[tilespmem:s13], [sflag:$0x2] =	stream.linear.gather [hbm4b:s1+s21], $0x80, $0x38;
	[tilespmem:$0x10400] =	vst v63  }
0x2fe: {  	s14 =	sadd.s32 $0xCB80, s22;
	s15 =	sadd.s32 s4, s2  }
0x2ff: {  	[tilespmem:s14], [sflag:$0x4] =	stream.linear.gather [hbm4b:s15+s21], $0x80, $0x38;
	[tilespmem:$0x10400] =	vst v63  }
0x300: {  	v0 =	vld [tilespmem:s29+$0x0]  }
0x301: {  	v2 =	vld [tilespmem:s28+$0x0];
	_ =	sdelay $0x3  }
0x302: {  	v1 =	vshll.u32 v0, $0x4  }
0x303: {  	v63 =	vshll.u32 v2, $0x4;
	(v2sf) =	vpush v1, $0x0  }
0x304: {  	(v2sf) =	vpush v63, $0x0  }
0x305: {  	s16 =	smov.u32 s23;
	(v2sf) =	vpush v1, $0x1  }
0x306: {  	s22 =	sshra.s32 s16, $0x2  }
0x307: {  	p0 =	sne.s32 s23, $0xE000;
	s0 =	sadd.s32 $0x4880, s22;
	(v2sf) =	vpush v63, $0x1  }
0x308: {  	s23 =	sadd.s32 $0x2000, s23;
	s17 =	sadd.s32 $0xC900, s22;
	[dreg:$0x10] =	wrdreg s0  }
0x309: {  	s5 =	sadd.s32 $0x4400, s22;
	s19 =	sadd.s32 $0xCA00, s22;
	[dreg:$0x8] =	wrdreg s17;
	(v2sf) =	vpush v1, $0x2  }
0x30a: {  	s18 =	sadd.s32 $0x4600, s22;
	s24 =	sadd.s32 $0x4A80, s22;
	[dreg:$0x1b] =	wrdreg s19  }
0x30b: {  	s20 =	sadd.s32 $0xC580, s22;
	s25 =	sadd.s32 $0xC980, s22;
	[smem:$0x7EE] =	sst s24;
	(v2sf) =	vpush v63, $0x2  }
0x30c: {  	s16 =	sadd.s32 $0xC600, s22;
	s26 =	sadd.s32 $0xC880, s22;
	[dreg:$0xc] =	wrdreg s25  }
0x30d: {  	s30 =	sadd.s32 $0x4900, s22;
	s19 =	sadd.s32 $0xC480, s22;
	[dreg:$0x18] =	wrdreg s26;
	(v2sf) =	vpush v1, $0x3  }
0x30e: {  	s24 =	sadd.s32 $0xC500, s22;
	s17 =	sadd.s32 $0xC680, s22;
	[dreg:$0x14] =	wrdreg s30;
	(v2sf) =	vpush v63, $0x3  }
0x30f: {  	s7 =	sadd.s32 $0xC800, s22;
	s0 =	sadd.s32 $0x4A00, s22;
	s25 =	sadd.s32 $0x4480, s22  }
0x310: {  	s12 =	sadd.s32 $0x4780, s22;
	[dreg:$0x1f] =	wrdreg s7;
	s11 =	sadd.s32 $0xC780, s22;
	(v2sf) =	vpush v1, $0x4  }
0x311: {  	s7 =	sadd.s32 $0x4800, s22;
	s6 =	sadd.s32 $0x4680, s22;
	s2 =	sadd.s32 $0x4580, s22  }
0x312: {  	[smem:$0x7EF] =	sst s7;
	s31 =	sadd.s32 $0x4B00, s22;
	s8 =	spop (v2sf)  }
0x313: {  	s15 =	sadd.s32 $0xC400, s22;
	s26 =	sand.u32 $0x1FFFFFF0, s8;
	s30 =	spop (v2sf)  }
0x314: {  	(v2sf) =	vpush v63, $0x4;
	s26 =	sadd.s32 s3, s26;
	s30 =	sand.u32 $0x1FFFFFF0, s30;
	s8 =	spop (v2sf)  }
0x315: {  	[tilespmem:s5], [sflag:$0x2] =	stream.linear.gather [hbm4b:s26+s21], $0x80, $0x38;
	[tilespmem:$0x10400] =	vst v63  }
0x316: {  	(v2sf) =	vpush v1, $0x5;
	s26 =	sadd.s32 s4, s30;
	s8 =	sand.u32 $0x1FFFFFF0, s8;
	s30 =	spop (v2sf)  }
0x317: {  	[tilespmem:s15], [sflag:$0x4] =	stream.linear.gather [hbm4b:s26+s21], $0x80, $0x38;
	[tilespmem:$0x10400] =	vst v63  }
0x318: {  	(v2sf) =	vpush v63, $0x5;
	s15 =	sadd.s32 s3, s8;
	s26 =	sand.u32 $0x1FFFFFF0, s30;
	s30 =	spop (v2sf)  }
0x319: {  	(v2sf) =	vpush v1, $0x6;
	[tilespmem:s25], [sflag:$0x2] =	stream.linear.gather [hbm4b:s15+s21], $0x80, $0x38;
	[tilespmem:$0x10400] =	vst v63  }
0x31a: {  	s25 =	sadd.s32 s4, s26;
	s26 =	sand.u32 $0x1FFFFFF0, s30;
	s30 =	spop (v2sf)  }
0x31b: {  	(v2sf) =	vpush v63, $0x6;
	[tilespmem:s19], [sflag:$0x4] =	stream.linear.gather [hbm4b:s25+s21], $0x80, $0x38;
	[tilespmem:$0x10400] =	vst v63  }
0x31c: {  	s25 =	sadd.s32 s3, s26;
	s26 =	sand.u32 $0x1FFFFFF0, s30;
	s30 =	spop (v2sf)  }
0x31d: {  	s7 =	sadd.s32 $0x4980, s22;
	s1 =	sadd.s32 $0x4500, s22;
	(v2sf) =	vpush v1, $0x7;
	s19 =	spop (v2sf)  }
0x31e: {  	[tilespmem:s1], [sflag:$0x2] =	stream.linear.gather [hbm4b:s25+s21], $0x80, $0x38;
	[tilespmem:$0x10400] =	vst v63  }
0x31f: {  	s8 =	sadd.s32 s4, s26;
	s15 =	sand.u32 $0x1FFFFFF0, s30;
	(v2sf) =	vpush v63, $0x7;
	s30 =	spop (v2sf)  }
0x320: {  	(v2sf) =	vpush v1, $0x8;
	[tilespmem:s24], [sflag:$0x4] =	stream.linear.gather [hbm4b:s8+s21], $0x80, $0x38;
	[tilespmem:$0x10400] =	vst v63  }
0x321: {  	s10 =	sadd.s32 $0xCA80, s22;
	s25 =	sadd.s32 s3, s15;
	s26 =	sand.u32 $0x1FFFFFF0, s19  }
0x322: {  	[tilespmem:s2], [sflag:$0x2] =	stream.linear.gather [hbm4b:s25+s21], $0x80, $0x38;
	[tilespmem:$0x10400] =	vst v63  }
0x323: {  	s15 =	sadd.s32 s4, s26;
	s19 =	sand.u32 $0x1FFFFFF0, s30;
	s24 =	spop (v2sf)  }
0x324: {  	[tilespmem:s20], [sflag:$0x4] =	stream.linear.gather [hbm4b:s15+s21], $0x80, $0x38;
	[tilespmem:$0x10400] =	vst v63  }
0x325: {  	s9 =	sadd.s32 $0xCB00, s22;
	s25 =	sadd.s32 s3, s19;
	s30 =	spop (v2sf)  }
0x326: {  	[tilespmem:s18], [sflag:$0x2] =	stream.linear.gather [hbm4b:s25+s21], $0x80, $0x38;
	[tilespmem:$0x10400] =	vst v63  }
0x327: {  	s13 =	sadd.s32 $0xC700, s22;
	(v2sf) =	vpush v63, $0x8;
	s26 =	sand.u32 $0x1FFFFFF0, s24;
	s18 =	spop (v2sf)  }
0x328: {  	(v2sf) =	vpush v1, $0x9;
	s8 =	sadd.s32 s4, s26;
	s15 =	sand.u32 $0x1FFFFFF0, s30;
	s24 =	spop (v2sf)  }
0x329: {  	[tilespmem:s16], [sflag:$0x4] =	stream.linear.gather [hbm4b:s8+s21], $0x80, $0x38;
	[tilespmem:$0x10400] =	vst v63  }
0x32a: {  	s19 =	sadd.s32 s3, s15;
	s20 =	sand.u32 $0x1FFFFFF0, s18;
	s30 =	spop (v2sf)  }
0x32b: {  	[tilespmem:s6], [sflag:$0x2] =	stream.linear.gather [hbm4b:s19+s21], $0x80, $0x38;
	[tilespmem:$0x10400] =	vst v63  }
0x32c: {  	s14 =	sadd.s32 $0x4700, s22;
	(v2sf) =	vpush v63, $0x9;
	s25 =	sadd.s32 s4, s20;
	s6 =	spop (v2sf)  }
0x32d: {  	[tilespmem:s17], [sflag:$0x4] =	stream.linear.gather [hbm4b:s25+s21], $0x80, $0x38;
	[tilespmem:$0x10400] =	vst v63  }
0x32e: {  	s28 =	sadd.s32 $0x10, s28;
	(v2sf) =	vpush v1, $0xA;
	s26 =	sand.u32 $0x1FFFFFF0, s24;
	s15 =	spop (v2sf)  }
0x32f: {  	s2 =	sadd.s32 s3, s26;
	s5 =	sand.u32 $0x1FFFFFF0, s30;
	s18 =	spop (v2sf)  }
0x330: {  	(v2sf) =	vpush v63, $0xA;
	[tilespmem:s14], [sflag:$0x2] =	stream.linear.gather [hbm4b:s2+s21], $0x80, $0x38;
	[tilespmem:$0x10400] =	vst v63  }
0x331: {  	s29 =	sadd.s32 $0x10, s29;
	s8 =	sadd.s32 s4, s5;
	s20 =	sand.u32 $0x1FFFFFF0, s18  }
0x332: {  	(v2sf) =	vpush v1, $0xB;
	s14 =	sand.u32 $0x1FFFFFF0, s6;
	s25 =	sadd.s32 s3, s20;
	s20 =	rddreg [dreg:$0x10]  }
0x333: {  	[tilespmem:s13], [sflag:$0x4] =	stream.linear.gather [hbm4b:s8+s21], $0x80, $0x38;
	[tilespmem:$0x10400] =	vst v63  }
0x334: {  	s17 =	sand.u32 $0x1FFFFFF0, s15;
	s16 =	sadd.s32 s3, s14;
	s13 =	sld [smem:$0x7EE]  }
0x335: {  	[tilespmem:s12], [sflag:$0x2] =	stream.linear.gather [hbm4b:s16+s21], $0x80, $0x38;
	[tilespmem:$0x10400] =	vst v63  }
0x336: {  	(v2sf) =	vpush v63, $0xB;
	s19 =	sadd.s32 s4, s17;
	s8 =	sld [smem:$0x7EF];
	s24 =	spop (v2sf)  }
0x337: {  	(v2sf) =	vpush v1, $0xC;
	s12 =	rddreg [dreg:$0x1b];
	s26 =	sand.u32 $0x1FFFFFF0, s24;
	s30 =	spop (v2sf)  }
0x338: {  	[tilespmem:s11], [sflag:$0x4] =	stream.linear.gather [hbm4b:s19+s21], $0x80, $0x38;
	[tilespmem:$0x10400] =	vst v63  }
0x339: {  	(v2sf) =	vpush v63, $0xC;
	s16 =	rddreg [dreg:$0x1f];
	s11 =	sadd.s32 s4, s26;
	s14 =	sand.u32 $0x1FFFFFF0, s30  }
0x33a: {  	[tilespmem:s8], [sflag:$0x2] =	stream.linear.gather [hbm4b:s25+s21], $0x80, $0x38;
	[tilespmem:$0x10400] =	vst v63  }
0x33b: {  	s30 =	rddreg [dreg:$0x18];
	s15 =	spop (v2sf);
	s17 =	sadd.s32 s3, s14  }
0x33c: {  	[tilespmem:s16], [sflag:$0x4] =	stream.linear.gather [hbm4b:s11+s21], $0x80, $0x38;
	[tilespmem:$0x10400] =	vst v63  }
0x33d: {  	s18 =	sand.u32 $0x1FFFFFF0, s15;
	s19 =	spop (v2sf);
	s15 =	rddreg [dreg:$0x14]  }
0x33e: {  	[tilespmem:s20], [sflag:$0x2] =	stream.linear.gather [hbm4b:s17+s21], $0x80, $0x38;
	[tilespmem:$0x10400] =	vst v63  }
0x33f: {  	s24 =	sadd.s32 s4, s18;
	s25 =	sand.u32 $0x1FFFFFF0, s19;
	s26 =	spop (v2sf)  }
0x340: {  	[tilespmem:s30], [sflag:$0x4] =	stream.linear.gather [hbm4b:s24+s21], $0x80, $0x38;
	[tilespmem:$0x10400] =	vst v63  }
0x341: {  	s8 =	sadd.s32 s3, s25;
	s11 =	sand.u32 $0x1FFFFFF0, s26;
	s14 =	spop (v2sf)  }
0x342: {  	[tilespmem:s15], [sflag:$0x2] =	stream.linear.gather [hbm4b:s8+s21], $0x80, $0x38;
	[tilespmem:$0x10400] =	vst v63  }
0x343: {  	s19 =	rddreg [dreg:$0x8];
	s16 =	sadd.s32 s4, s11;
	s17 =	sand.u32 $0x1FFFFFF0, s14  }
0x344: {  	(v2sf) =	vpush v1, $0xD;
	[tilespmem:s19], [sflag:$0x4] =	stream.linear.gather [hbm4b:s16+s21], $0x80, $0x38;
	[tilespmem:$0x10400] =	vst v63  }
.Ltmp5:
0x345: {  	(v2sf) =	vpush v63, $0xD;
	s18 =	spop (v2sf);
	s20 =	sadd.s32 s3, s17;
	(pc) =	sbr.rel @p0 .LBB2_12-.Ltmp5, $4  }
0x346: {  	(v2sf) =	vpush v1, $0xE;
	s24 =	sand.u32 $0x1FFFFFF0, s18;
	s25 =	spop (v2sf);
	s30 =	rddreg [dreg:$0xc]  }
0x347: {  	(v2sf) =	vpush v63, $0xE;
	[tilespmem:s7], [sflag:$0x2] =	stream.linear.gather [hbm4b:s20+s21], $0x80, $0x38;
	[tilespmem:$0x10400] =	vst v63  }
0x348: {  	(v2sf) =	vpush v1, $0xF;
	s26 =	sadd.s32 s4, s24;
	s1 =	sand.u32 $0x1FFFFFF0, s25;
	s2 =	spop (v2sf)  }
0x349: {  	(v2sf) =	vpush v63, $0xF;
	[tilespmem:s30], [sflag:$0x4] =	stream.linear.gather [hbm4b:s26+s21], $0x80, $0x38;
	[tilespmem:$0x10400] =	vst v63  }
0x34a: {  	_ =	sdelay $0x4  }
0x34b: {  	s1 =	sadd.s32 s3, s1;
	s2 =	sand.u32 $0x1FFFFFF0, s2  }
0x34c: {  	[tilespmem:s0], [sflag:$0x2] =	stream.linear.gather [hbm4b:s1+s21], $0x80, $0x38;
	[tilespmem:$0x10400] =	vst v63  }
0x34d: {  	s7 =	sadd.s32 s4, s2  }
0x34e: {  	[tilespmem:s12], [sflag:$0x4] =	stream.linear.gather [hbm4b:s7+s21], $0x80, $0x38;
	[tilespmem:$0x10400] =	vst v63  }
0x34f: {  	s5 =	spop (v2sf)  }
0x350: {  	s8 =	sand.u32 $0x1FFFFFF0, s5;
	s11 =	spop (v2sf)  }
0x351: {  	s14 =	sadd.s32 s3, s8;
	s15 =	sand.u32 $0x1FFFFFF0, s11;
	s16 =	spop (v2sf)  }
0x352: {  	[tilespmem:s13], [sflag:$0x2] =	stream.linear.gather [hbm4b:s14+s21], $0x80, $0x38;
	[tilespmem:$0x10400] =	vst v63  }
0x353: {  	s17 =	sadd.s32 s4, s15;
	s18 =	sand.u32 $0x1FFFFFF0, s16;
	s19 =	spop (v2sf)  }
0x354: {  	[tilespmem:s10], [sflag:$0x4] =	stream.linear.gather [hbm4b:s17+s21], $0x80, $0x38;
	[tilespmem:$0x10400] =	vst v63  }
0x355: {  	s20 =	sadd.s32 s3, s18;
	s23 =	sand.u32 $0x1FFFFFF0, s19;
	s24 =	spop (v2sf)  }
0x356: {  	[tilespmem:s31], [sflag:$0x2] =	stream.linear.gather [hbm4b:s20+s21], $0x80, $0x38;
	[tilespmem:$0x10400] =	vst v63  }
0x357: {  	s25 =	sadd.s32 s4, s23;
	s26 =	sand.u32 $0x1FFFFFF0, s24;
	s28 =	spop (v2sf)  }
0x358: {  	[tilespmem:s9], [sflag:$0x4] =	stream.linear.gather [hbm4b:s25+s21], $0x80, $0x38;
	[tilespmem:$0x10400] =	vst v63  }
0x359: {  	s29 =	sadd.s32 $0x4B80, s22;
	s1 =	sadd.s32 s3, s26;
	s2 =	sand.u32 $0x1FFFFFF0, s28  }
0x35a: {  	[tilespmem:s29], [sflag:$0x2] =	stream.linear.gather [hbm4b:s1+s21], $0x80, $0x38;
	[tilespmem:$0x10400] =	vst v63  }
0x35b: {  	s30 =	sadd.s32 $0xCB80, s22;
	s0 =	simm.s32 $0x0;
	s31 =	sadd.s32 s4, s2  }
0x35c: {  	[tilespmem:s30], [sflag:$0x4] =	stream.linear.gather [hbm4b:s31+s21], $0x80, $0x38;
	[tilespmem:$0x10400] =	vst v63  }
0x35d: {  	v0 =	vld [tilespmem:s0+$0x8400]  }
0x35e: {  	v1 =	vld [tilespmem:s0+$0x8410]  }
0x35f: {  	v2 =	vld [tilespmem:s0+$0x8420]  }
0x360: {  	v3 =	vld [tilespmem:s0+$0x8430]  }
0x361: {  	v4 =	vld [tilespmem:s0+$0x400]  }
0x362: {  	v6 =	vld [tilespmem:s0+$0x410]  }
0x363: {  	s1 =	simm.s32 $0x200;
	v5 =	vld [tilespmem:s0+$0x420]  }
.LBB2_14:
0x364: {  	p0 =	sne.s32 s1, $0xFE00;
	v7 =	vld [tilespmem:s0+$0x430];
	_ =	sdelay $0x1  }
0x365: {  	v4 =	vmul.f32 v0, v4  }
0x366: {  	v6 =	vmul.f32 v1, v6  }
0x367: {  	v0 =	vand.u32 $0x7FFFFFFF, v4;
	v5 =	vmul.f32 v2, v5  }
0x368: {  	v1 =	vand.u32 $0x7FFFFFFF, v6;
	v7 =	vmul.f32 v3, v7;
	(erf) = vrcp.f32 v0  }
0x369: {  	v0 =	vand.u32 $0x7FFFFFFF, v5;
	(erf) = vrcp.f32 v1  }
0x36a: {  	v1 =	vand.u32 $0x7FFFFFFF, v7;
	(erf) = vrcp.f32 v0  }
0x36b: {  	(erf) = vrcp.f32 v1;
	_ =	sdelay $0x4  }
0x36c: {  	s2 =	sshra.s32 s1, $0x2  }
0x36d: {  	v0 =	vld [tilespmem:s2+$0x8400];
	v2 =	vpop (erf)  }
0x36e: {  	v1 =	vld [tilespmem:s2+$0x8410];
	v4 =	vmul.f32 v2, v4;
	v3 =	vpop (erf)  }
.Ltmp6:
0x36f: {  	v2 =	vld [tilespmem:s2+$0x8420];
	v6 =	vmul.f32 v3, v6;
	v8 =	vpop (erf);
	(pc) =	sbr.rel @p0 .LBB2_14-.Ltmp6, $4  }
0x370: {  	v3 =	vld [tilespmem:s2+$0x8430];
	[tilespmem:s0+$0x400] =	vst v4;
	v5 =	vmul.f32 v8, v5;
	v8 =	vpop (erf)  }
0x371: {  	v4 =	vld [tilespmem:s2+$0x400];
	[tilespmem:s0+$0x410] =	vst v6;
	v7 =	vmul.f32 v8, v7  }
0x372: {  	v6 =	vld [tilespmem:s2+$0x410];
	[tilespmem:s0+$0x420] =	vst v5  }
0x373: {  	s1 =	sadd.s32 $0x200, s1;
	v5 =	vld [tilespmem:s2+$0x420];
	[tilespmem:s0+$0x430] =	vst v7;
	s0 =	smov.u32 s2  }
0x374: {  	v7 =	vld [tilespmem:s0+$0x430];
	_ =	sdelay $0x1  }
0x375: {  	v0 =	vmul.f32 v0, v4  }
0x376: {  	v1 =	vmul.f32 v1, v6  }
0x377: {  	v4 =	vand.u32 $0x7FFFFFFF, v0;
	v2 =	vmul.f32 v2, v5  }
0x378: {  	v5 =	vand.u32 $0x7FFFFFFF, v1;
	v3 =	vmul.f32 v3, v7;
	(erf) = vrcp.f32 v4  }
0x379: {  	v4 =	vand.u32 $0x7FFFFFFF, v2;
	(erf) = vrcp.f32 v5  }
0x37a: {  	v5 =	vand.u32 $0x7FFFFFFF, v3;
	(erf) = vrcp.f32 v4  }
0x37b: {  	(erf) = vrcp.f32 v5;
	_ =	sdelay $0x5  }
0x37c: {  	v4 =	vpop (erf)  }
0x37d: {  	v0 =	vmul.f32 v4, v0;
	v4 =	vpop (erf)  }
0x37e: {  	v1 =	vmul.f32 v4, v1;
	v4 =	vpop (erf)  }
0x37f: {  	[tilespmem:s0+$0x400] =	vst v0;
	v0 =	vmul.f32 v4, v2;
	v2 =	vpop (erf)  }
0x380: {  	s1 =	sld [smem:$0x7FB];
	[tilespmem:s0+$0x410] =	vst v1;
	v1 =	vmul.f32 v2, v3  }
0x381: {  	[tilespmem:s0+$0x420] =	vst v0  }
0x382: {  	s28 =	simm.s32 $0x0;
	s2 =	simm.s32 $0x400;
	s29 =	simm.s32 $0x5;
	[tilespmem:s0+$0x430] =	vst v1  }
0x383: {  	[hbm4b:s1+s28] =	stream.linear.scatter [tilespmem:s2], [sflag:$0x5], $0x4000, $0x38;
	[tilespmem:$0x10400] =	vst v63  }
0x384: {  	_ =	swait.ge [sflag:s29], $0x4000  }
0x385: {  	[sflag:s29] =	ssyncset.done $0x0  }
0x386: {  	s30 =	simm.s32 $0x2;
	[sflag:s29] =	ssyncadd.s32 $0xFFFFC000  }
0x387: {  	_ =	swait.ge [sflag:s30], $0x4000  }
0x388: {  	[sflag:s30] =	ssyncset.done $0x0  }
0x389: {  	s31 =	simm.s32 $0x4;
	[sflag:s30] =	ssyncadd.s32 $0xFFFFC000  }
0x38a: {  	_ =	swait.ge [sflag:s31], $0x4000  }
0x38b: {  	[sflag:s31] =	ssyncset.done $0x0  }
0x38c: {  	s0 =	simm.s32 $0x0;
	[sflag:s31] =	ssyncadd.s32 $0xFFFFC000  }
0x38d: {  	v0 =	vld [tilespmem:s0+$0xC400]  }
0x38e: {  	v1 =	vld [tilespmem:s0+$0xC410]  }
0x38f: {  	v2 =	vld [tilespmem:s0+$0xC420]  }
0x390: {  	v3 =	vld [tilespmem:s0+$0xC430]  }
0x391: {  	v4 =	vld [tilespmem:s0+$0x4400]  }
0x392: {  	v6 =	vld [tilespmem:s0+$0x4410]  }
0x393: {  	s13 =	simm.s32 $0x0;
	s1 =	simm.s32 $0x200;
	v5 =	vld [tilespmem:s0+$0x4420]  }
.LBB2_16:
0x394: {  	p0 =	sne.s32 s1, $0xFE00;
	v7 =	vld [tilespmem:s0+$0x4430];
	_ =	sdelay $0x1  }
0x395: {  	v4 =	vmul.f32 v0, v4  }
0x396: {  	v6 =	vmul.f32 v1, v6  }
0x397: {  	v0 =	vand.u32 $0x7FFFFFFF, v4;
	v5 =	vmul.f32 v2, v5  }
0x398: {  	v1 =	vand.u32 $0x7FFFFFFF, v6;
	v7 =	vmul.f32 v3, v7;
	(erf) = vrcp.f32 v0  }
0x399: {  	v0 =	vand.u32 $0x7FFFFFFF, v5;
	(erf) = vrcp.f32 v1  }
0x39a: {  	v1 =	vand.u32 $0x7FFFFFFF, v7;
	(erf) = vrcp.f32 v0  }
0x39b: {  	(erf) = vrcp.f32 v1;
	_ =	sdelay $0x4  }
0x39c: {  	s2 =	sshra.s32 s1, $0x2  }
0x39d: {  	v0 =	vld [tilespmem:s2+$0xC400];
	v2 =	vpop (erf)  }
0x39e: {  	v1 =	vld [tilespmem:s2+$0xC410];
	v4 =	vmul.f32 v2, v4;
	v3 =	vpop (erf)  }
.Ltmp7:
0x39f: {  	v2 =	vld [tilespmem:s2+$0xC420];
	v6 =	vmul.f32 v3, v6;
	v8 =	vpop (erf);
	(pc) =	sbr.rel @p0 .LBB2_16-.Ltmp7, $4  }
0x3a0: {  	v3 =	vld [tilespmem:s2+$0xC430];
	[tilespmem:s0+$0x4400] =	vst v4;
	v5 =	vmul.f32 v8, v5;
	v8 =	vpop (erf)  }
0x3a1: {  	v4 =	vld [tilespmem:s2+$0x4400];
	[tilespmem:s0+$0x4410] =	vst v6;
	v7 =	vmul.f32 v8, v7  }
0x3a2: {  	v6 =	vld [tilespmem:s2+$0x4410];
	[tilespmem:s0+$0x4420] =	vst v5  }
0x3a3: {  	s1 =	sadd.s32 $0x200, s1;
	v5 =	vld [tilespmem:s2+$0x4420];
	[tilespmem:s0+$0x4430] =	vst v7;
	s0 =	smov.u32 s2  }
0x3a4: {  	v7 =	vld [tilespmem:s0+$0x4430];
	_ =	sdelay $0x1  }
0x3a5: {  	v0 =	vmul.f32 v0, v4  }
0x3a6: {  	v1 =	vmul.f32 v1, v6  }
0x3a7: {  	v4 =	vand.u32 $0x7FFFFFFF, v0;
	v2 =	vmul.f32 v2, v5  }
0x3a8: {  	v55 =	vand.u32 $0x7FFFFFFF, v1;
	v3 =	vmul.f32 v3, v7;
	(erf) = vrcp.f32 v4  }
0x3a9: {  	v56 =	vand.u32 $0x7FFFFFFF, v2;
	(erf) = vrcp.f32 v55  }
0x3aa: {  	v57 =	vand.u32 $0x7FFFFFFF, v3;
	(erf) = vrcp.f32 v56  }
0x3ab: {  	(erf) = vrcp.f32 v57;
	_ =	sdelay $0x5  }
0x3ac: {  	v58 =	vpop (erf)  }
0x3ad: {  	v0 =	vmul.f32 v58, v0;
	v59 =	vpop (erf)  }
0x3ae: {  	v1 =	vmul.f32 v59, v1;
	v60 =	vpop (erf)  }
0x3af: {  	[tilespmem:s0+$0x4400] =	vst v0;
	v61 =	vmul.f32 v60, v2;
	v62 =	vpop (erf)  }
0x3b0: {  	s29 =	sld [smem:$0x7FC];
	[tilespmem:s0+$0x4410] =	vst v1;
	v63 =	vmul.f32 v62, v3  }
0x3b1: {  	[tilespmem:s0+$0x4420] =	vst v61  }
0x3b2: {  	s1 =	simm.s32 $0x4400;
	s30 =	simm.s32 $0x5;
	[tilespmem:s0+$0x4430] =	vst v63  }
0x3b3: {  	[hbm4b:s29+s13] =	stream.linear.scatter [tilespmem:s1], [sflag:$0x5], $0x4000, $0x38;
	[tilespmem:$0x10400] =	vst v63  }
0x3b4: {  	_ =	swait.ge [sflag:s30], $0x4000  }
0x3b5: {  	s2 =	sld [smem:$0x7F6]  }
0x3b6: {  	s31 =	sld [smem:$0x7FD];
	_ =	sdelay $0x1  }
0x3b7: {  	s2 =	sadd.s32 $0x1, s2  }
0x3b8: {  	p0 =	sne.s32 s2, s31  }
.Ltmp8:
0x3b9: {  	_ = 	snop;
	(pc) =	sbr.rel @p0 .LBB2_1-.Ltmp8, $3  }
0x3ba: {  	_ =	sdelay $0x1  }
0x3bb: {  	[sflag:s30] =	ssyncset.done $0x0  }
0x3bc: {  	[sflag:s30] =	ssyncadd.s32 $0xFFFFC000  }
0x3bd: {  	_ =	sfence.sel $0x180000  }
0x3be: {  	[bflag:$0x0] =	sbarrier.arrive $0xFFFF  }
0x3bf: {  	_ =	strace $0x90000047  }
0x3c0: {  	s0 =	stileid.u32;
	[bflag:$0x2] =	sbarrier.arrive $0xFFFF  }
0x3c1: {  	p0 =	sne.s32 s0, $0x0;
	s0 =	rddreg [dreg:$0x3]  }
0x3c2: {  	s0 =	sadd.s32 @!p0 $0x100000, s0  }
0x3c3: {  	[sflag:s0] =	ssyncadd.tile.s32 @!p0 $0x1;
	_ =	shalt  }
.Lfunc_end2:
_tile_overlayer_lowered:
.L_overlay_start_2:
0x3c4: {  	(tag) =	ssettag $0x2  }
0x3c5: {  	s0 =	rddreg [dreg:$0x0];
	s2 =	stileid.u32  }
0x3c6: {  	s1 =	rddreg [dreg:$0x1];
	p0 =	sne.s32 s2, $0x0  }
0x3c7: {  	s3 =	rddreg [dreg:$0x2];
	[bflag:$0x3] =	sbarrier.arrive $0xFFFF;
	s2 =	simm.s32 @!p0 $0x1C06  }
0x3c8: {  	[timem:s3], [sflag:s2] =	dma.local @!p0 [hbm:s0], s1  }
0x3c9: {  	s0 =	simm.s32 @!p0 $0x6  }
0x3ca: {  	_ =	swait.ge @!p0 [sflag:s0], s1  }
0x3cb: {  	s1 =	ssub.s32 @!p0 $0x0, s1;
	[sflag:s0] =	ssyncset.done @!p0 $0x0  }
0x3cc: {  	[sflag:s0] =	ssyncadd.s32 @!p0 s1  }
0x3cd: {  	[bflag:$0x3] =	sbarrier.arrive $0xFFFF  }
0x3ce: {  	_ =	shalt  }

</sc_bundles>
